<compile_context>
chip_gen: v7x
topology: tpu7x:2x2x1
jax: 0.10.2.dev20260603
libtpu: 0.0.44.dev20260713+nightly
codegen_flags: <defaults>
</compile_context>

<pallas_src>
import jax
import jax.numpy as jnp
from jax import lax
from jax.experimental import pallas as pl
from jax.experimental.pallas import tpu as pltpu
from jax.experimental.pallas import tpu_sc as plsc

_TAU = 0.07
_B = 8
_N = 16384
_D = 64
_P = 3
_S = 448
_NQ = 4
_SL = 112


def _monotonic_i32(u):
    b = lax.bitcast_convert_type(u, jnp.int32)
    return b ^ ((b >> 31) & jnp.int32(0x7FFFFFFF))



def _select_kernel(sn_ref, pred_ref, mask_ref, idx_out_ref, cnt_out_ref):
    f32 = jnp.float32

    def _f(x):
        return x * jnp.log(x + 1e-6)

    u = _f(pred_ref[0]) + _f(pred_ref[1]) + _f(pred_ref[2]) + _f(pred_ref[3])
    s = _monotonic_i32(u)
    m = mask_ref[...]
    hardm = m == 0
    easym = jnp.logical_not(hardm)
    nh = jnp.sum(hardm.astype(jnp.int32), axis=1, keepdims=True)
    ne = _N - nh
    sn = sn_ref[0]
    hsn = jnp.minimum(sn // 2, nh)
    esn = jnp.minimum(sn - hsn, ne)

    imin = jnp.iinfo(jnp.int32).min
    imax = jnp.iinfo(jnp.int32).max
    lo0 = jnp.full((_B, 1), imin, jnp.int32)
    hi0 = jnp.full((_B, 1), imax, jnp.int32)

    def bs_body(_, c):
        lo_h, hi_h, lo_e, hi_e = c
        mid_h = (lo_h >> 1) + (hi_h >> 1) + (lo_h & hi_h & 1)
        mid_e = (lo_e >> 1) + (hi_e >> 1) + (lo_e & hi_e & 1)
        mid = jnp.where(hardm, mid_h, mid_e)
        ge = s >= mid
        cnt_h = jnp.sum((hardm & ge).astype(jnp.int32), axis=1, keepdims=True)
        cnt_e = jnp.sum((easym & ge).astype(jnp.int32), axis=1, keepdims=True)
        ph = cnt_h >= hsn
        pe = cnt_e >= esn
        return (jnp.where(ph, mid_h, lo_h), jnp.where(ph, hi_h, mid_h),
                jnp.where(pe, mid_e, lo_e), jnp.where(pe, hi_e, mid_e))

    t_h, _, t_e, _ = lax.fori_loop(0, 32, bs_body, (lo0, hi0, lo0, hi0))

    need_h = (hsn - jnp.sum((hardm & (s > t_h)).astype(jnp.int32), axis=1,
                            keepdims=True)).astype(f32)
    need_e = (esn - jnp.sum((easym & (s > t_e)).astype(jnp.int32), axis=1,
                            keepdims=True)).astype(f32)

    ri = lax.broadcasted_iota(jnp.int32, (128, 128), 0)
    ci = lax.broadcasted_iota(jnp.int32, (128, 128), 1)
    UT = (ri <= ci).astype(f32)
    LT = (ci < ri).astype(f32)
    ONES = jnp.ones((128, 128), f32)
    dnn = (((1,), (0,)), ((), ()))

    def mm(a, b):
        return lax.dot_general(a, b, dnn, preferred_element_type=f32)

    def excl_prefix(x):
        incl = mm(x, UT)
        return (incl - x) + mm(LT, mm(x, ONES))

    cnts = []
    EYE = (ri == ci).astype(f32)
    dT = (((0,), (0,)), ((), ()))
    d32 = (((2,), (0,)), ((), ()))
    iota_r3 = lax.broadcasted_iota(jnp.int32, (1, 1, 128), 2).astype(f32)
    iota_c3 = iota_r3
    sval2 = (lax.broadcasted_iota(jnp.int32, (_NQ, _SL), 0) * _SL
             + lax.broadcasted_iota(jnp.int32, (_NQ, _SL), 1)).astype(f32)

    for b in range(_B):
        s_b = s[b].reshape(128, 128)
        hard_b = m[b].reshape(128, 128) == 0
        easy_b = jnp.logical_not(hard_b)
        t_hb = lax.slice(t_h, (b, 0), (b + 1, 1))
        t_eb = lax.slice(t_e, (b, 0), (b + 1, 1))
        need_hb = lax.slice(need_h, (b, 0), (b + 1, 1))
        need_eb = lax.slice(need_e, (b, 0), (b + 1, 1))

        tie_h = (hard_b & (s_b == t_hb)).astype(f32)
        tie_e = (easy_b & (s_b == t_eb)).astype(f32)
        rank_h = excl_prefix(tie_h)
        rank_e = excl_prefix(tie_e)
        sel_b = ((hard_b & ((s_b > t_hb) |
                            ((s_b == t_hb) & (rank_h < need_hb)))) |
                 (easy_b & ((s_b > t_eb) |
                            ((s_b == t_eb) & (rank_e < need_eb)))))
        self_f = sel_b.astype(f32)
        cnts.append(jnp.sum(self_f.astype(jnp.int32), keepdims=True)
                    .reshape(1, 1))
        posin = mm(self_f, UT)
        rbc = mm(LT, mm(self_f, ONES))
        roffT = lax.dot_general(rbc, EYE, dT,
                                preferred_element_type=f32)
        roff_lanes = lax.slice(roffT, (0, 0), (1, 128)).reshape(1, 1, 128)
        r_s = (jnp.sum((roff_lanes <= sval2[:, :, None]).astype(f32), axis=2)
               - 1.0)
        onehot3 = (r_s[:, :, None] == iota_r3).astype(f32)
        rg = lax.dot_general(onehot3, posin, d32,
                             preferred_element_type=f32)
        sg = lax.dot_general(onehot3, self_f, d32,
                             preferred_element_type=f32)
        ro = lax.dot_general(onehot3, rbc, d32,
                             preferred_element_type=f32)
        kk = sval2[:, :, None] - ro + 1.0
        hit = ((rg == kk).astype(f32) * sg)
        c_s = jnp.sum(hit * iota_c3, axis=2)
        idx_b = (128.0 * r_s + c_s).astype(jnp.int32)
        idx_out_ref[b] = idx_b

    cnt_out_ref[...] = jnp.concatenate(cnts, axis=0).astype(jnp.int32)


def _run_select(pred_t, mask2, sn):
    return pl.pallas_call(
        _select_kernel,
        in_specs=[
            pl.BlockSpec(memory_space=pltpu.SMEM),
            pl.BlockSpec(memory_space=pltpu.VMEM),
            pl.BlockSpec(memory_space=pltpu.VMEM),
        ],
        out_specs=[
            pl.BlockSpec(memory_space=pltpu.VMEM),
            pl.BlockSpec(memory_space=pltpu.VMEM),
        ],
        out_shape=[
            jax.ShapeDtypeStruct((_B, _NQ, _SL), jnp.int32),
            jax.ShapeDtypeStruct((_B, 1), jnp.int32),
        ],
    )(sn, pred_t, mask2)



_NROWS = _P * _D
_NSTREAM = 16
_CHUNK = _NROWS * _SL // _NSTREAM


def _gather_body(proj_hbm, idx_hbm, out_hbm, idx_v, gidx, buf, sem):
    c = lax.axis_index("c")
    sub = lax.axis_index("s")
    wid = sub * 2 + c
    b = wid // _NQ
    q = lax.rem(wid, _NQ)
    pltpu.sync_copy(idx_hbm.at[b, q], idx_v)

    boff = b * (_D * _N)

    def build(rid, carry):
        i = rid // _D
        dd = lax.rem(rid, _D)
        base = (i * (_B * _D) + dd) * _N + boff
        for k in range(_SL // 16):
            gidx[pl.ds(rid * _SL + k * 16, 16)] = (
                idx_v[pl.ds(k * 16, 16)] + base)
        return carry

    lax.fori_loop(0, _NROWS, build, 0)

    copies = []
    for s in range(_NSTREAM):
        cp = pltpu.make_async_copy(
            proj_hbm.at[gidx.at[pl.ds(s * _CHUNK, _CHUNK)]],
            buf.at[pl.ds(s * _CHUNK, _CHUNK)], sem)
        cp.start()
        copies.append(cp)
    for cp in copies:
        cp.wait()

    pltpu.sync_copy(buf, out_hbm.at[b, q])


def _run_gather(proj4, idx_sel):
    mesh = plsc.VectorSubcoreMesh(core_axis_name="c", subcore_axis_name="s")
    fn = pl.kernel(
        _gather_body,
        out_type=jax.ShapeDtypeStruct((_B, _NQ, _P * _D * _SL), jnp.float32),
        mesh=mesh,
        compiler_params=pltpu.CompilerParams(
            needs_layout_passes=False, use_tc_tiling_on_sc=False),
        scratch_types=[
            pltpu.VMEM((_SL,), jnp.int32),
            pltpu.VMEM((_NROWS * _SL,), jnp.int32),
            pltpu.VMEM((_NROWS * _SL,), jnp.float32),
            pltpu.SemaphoreType.DMA,
        ],
    )
    return fn(proj4, idx_sel)



def _loss_kernel(idxp_ref, g_ref, cnt_ref, out_ref):
    f32 = jnp.float32
    oh = [(idxp_ref[0] == p).astype(f32) for p in range(_P)]
    ii = lax.broadcasted_iota(jnp.int32, (_S, _S), 0)
    jj = lax.broadcasted_iota(jnp.int32, (_S, _S), 1)
    eye = (ii == jj).astype(f32)
    iota_row = lax.broadcasted_iota(jnp.int32, (1, _S), 1)
    dnT = (((0,), (0,)), ((), ()))
    acc = jnp.zeros((1, 1), f32)
    for b in range(_B):
        cnt_b = lax.slice(cnt_ref[...], (b, 0), (b + 1, 1))
        vs = []
        for p in range(_P):
            blocks = [g_ref[b, q, p] for q in range(_NQ)]
            cmat = jnp.concatenate(blocks, axis=1)
            n1 = jnp.sqrt(jnp.sum(cmat * cmat, axis=0, keepdims=True))
            v = cmat / jnp.maximum(n1, 1e-12)
            n2 = jnp.sqrt(jnp.sum(v * v, axis=0, keepdims=True))
            vs.append(v / jnp.maximum(n2, 1e-8))
        cur = oh[0] * vs[0] + oh[1] * vs[1] + oh[2] * vs[2]
        possum = (sum(jnp.sum(cur * vs[p], axis=0, keepdims=True)
                      for p in range(_P))
                  - jnp.sum(cur * cur, axis=0, keepdims=True))
        pos_item = jnp.exp(possum / _TAU)
        mat = lax.dot_general(cur, cur, dnT, preferred_element_type=f32)
        me = jnp.exp(mat / _TAU)
        valid_i = (ii < cnt_b).astype(f32)
        negsum = jnp.sum(me * valid_i, axis=0, keepdims=True)
        diag = jnp.sum(me * eye, axis=0, keepdims=True)
        neg = negsum - diag
        per = -jnp.log(pos_item / (pos_item + neg + 1e-8))
        validj = (iota_row < cnt_b).astype(f32)
        acc = acc + (jnp.sum(per * validj, keepdims=True).reshape(1, 1)
                     / cnt_b.astype(f32))
    out_ref[...] = acc / float(_B)


def _run_loss(idxp, gathered, cnt):
    return pl.pallas_call(
        _loss_kernel,
        in_specs=[
            pl.BlockSpec(memory_space=pltpu.SMEM),
            pl.BlockSpec(memory_space=pltpu.VMEM),
            pl.BlockSpec(memory_space=pltpu.VMEM),
        ],
        out_specs=pl.BlockSpec(memory_space=pltpu.VMEM),
        out_shape=jax.ShapeDtypeStruct((1, 1), jnp.float32),
    )(idxp, gathered.reshape(_B, _NQ, _P, _D, _SL), cnt)



def kernel(pred, proj_list, idx, pseudo_label, mask, sample_num):
    del pseudo_label
    pred_t = jnp.transpose(pred.reshape(_B, 4, _N), (1, 0, 2))
    mask2 = mask.reshape(_B, _N).astype(jnp.int32)
    sn = jnp.asarray(sample_num, jnp.int32).reshape(1)
    idxp = jnp.asarray(idx, jnp.int32).reshape(1)
    idx_sel, cnt = _run_select(pred_t, mask2, sn)
    proj4 = proj_list.reshape(_P * _B * _D * _N)
    gathered = _run_gather(proj4, idx_sel)
    out = _run_loss(idxp, gathered, cnt)
    return out.reshape(())

# --- scband reference (transcript-rebuilt; emitter-appended) ---
"""Pipeline reference for scband-contrast3-60292750902016 (READ-ONLY COPY).

The authoritative reference and input builder live on the scoring server;
editing this copy changes nothing except your own understanding.
"""

import jax, jax.numpy as jnp
import numpy as np


def _normalize(x, eps=1e-12):
    n = jnp.linalg.norm(x, axis=-1, keepdims=True)
    return x / jnp.maximum(n, eps)


def _cos_sim(a, b, eps=1e-08):
    na = jnp.maximum(jnp.linalg.norm(a, axis=-1, keepdims=True), eps)
    nb = jnp.maximum(jnp.linalg.norm(b, axis=-1, keepdims=True), eps)
    return jnp.sum((a / na) * (b / nb), axis=-1)


def setup_inputs(seed: int = 0):
    key = jax.random.key(seed)
    k1, k2, k3, k4 = jax.random.split(key, 4)
    pred = jax.random.uniform(k1, (8, 4, 128, 128), dtype=jnp.float32)
    proj_list = jax.random.normal(k2, (3, 8, 64, 128, 128), dtype=jnp.float32)
    pseudo_label = jax.random.randint(k3, (8, 128, 128), 0, 4)
    mask = jax.random.randint(k4, (8, 128, 128), 0, 2)
    return {"pred": pred, "proj_list": proj_list, "idx": 0, "pseudo_label": pseudo_label, "mask": mask, "sample_num": 400}


def reference(pred, proj_list, idx, pseudo_label, mask, sample_num):
    tau = 0.07
    B = mask.shape[0]
    d = proj_list.shape[2]
    P = proj_list.shape[0]
    # uncertainty = sum(p * log(p + 1e-6)) over class dim, flattened per image
    unc = jnp.sum(pred * jnp.log(pred + 1e-06), axis=1, keepdims=True).reshape(B, -1)
    projs = []
    for i in range(P):
        p = jnp.transpose(proj_list[i], (0, 2, 3, 1)).reshape(B, -1, d)
        projs.append(_normalize(p))
    all_projs = jnp.stack(projs, axis=0)
    curr = all_projs[idx]
    others = jnp.sort((idx + jnp.arange(1, P)) % P)
    pos = jnp.transpose(all_projs[others], (1, 0, 2, 3))  # [B, P, N, d]
    mask2 = mask.reshape(B, -1)
    K_H = 400 // 2
    K_E = 400
    loss = 0.0
    for b in range(B):
        m = mask2[b]
        u = unc[b]
        num_easy = jnp.sum(m)
        num_hard = jnp.sum(1 - m)
        hsn = jnp.minimum(sample_num // 2, num_hard)
        esn = jnp.minimum(sample_num - hsn, num_easy)
        _, hi = jax.lax.top_k(jnp.where(m == 0, u, -jnp.inf), K_H)
        _, ei = jax.lax.top_k(jnp.where(m == 1, u, -jnp.inf), K_E)
        ind = jnp.concatenate([hi, ei], axis=0)
        valid = jnp.concatenate([jnp.arange(K_H) < hsn, jnp.arange(K_E) < esn], axis=0)
        c_sel = curr[b][ind]            # [S, d]
        p_sel = pos[b][:, ind]          # [P, S, d]
        pos_item = jnp.exp(jnp.sum(_cos_sim(c_sel, p_sel), axis=0) / tau)
        mat = jnp.exp(_cos_sim(c_sel[:, None, :], c_sel[None, :, :]) / tau)
        neg = jnp.sum(jnp.where(valid[:, None], mat, 0.0), axis=0) - jnp.diagonal(mat)
        per = -jnp.log(pos_item / (pos_item + neg + 1e-08))
        count = (hsn + esn).astype(per.dtype)
        loss = loss + jnp.sum(jnp.where(valid, per, 0.0)) / count
    return loss / B

if __name__ == "__main__":
    import jax
    _d = setup_inputs()
    print(jax.jit(kernel)(*tuple(_d.values())))

</pallas_src>

<mosaic_0001>
#map = affine_map<(d0, d1) -> (0)>
#map1 = affine_map<(d0, d1) -> (0, 0, 0)>
module attributes {stable_mosaic.version = 14 : i64} {
  func.func @_gather_body(%arg0: i32, %arg1: i32, %arg2: memref<25165824xf32, #tpu.memory_space<hbm>>, %arg3: memref<8x4x112xi32, #tpu.memory_space<hbm>>, %arg4: memref<8x4x21504xf32, #tpu.memory_space<hbm>>, %arg5: memref<112xi32, #tpu.memory_space<vmem>>, %arg6: memref<21504xi32, #tpu.memory_space<vmem>>, %arg7: memref<21504xf32, #tpu.memory_space<vmem>>, %arg8: memref<!tpu.dma_semaphore, #tpu.memory_space<semaphore_mem>>) attributes {dimension_semantics = [#tpu.dimension_semantics<core_parallel>, #tpu.dimension_semantics<subcore_parallel>], iteration_bounds = array<i64: 2, 16>, scalar_prefetch = 0 : i64, scratch_operands = 4 : i64, tpu.core_type = #tpu.core_type<sc_vector_subcore>, window_params = [{transform_indices = #map}, {transform_indices = #map1}, {transform_indices = #map1}]} {
    %mul3A = arith.constant 2 : i32
    %mul3A_0 = arith.muli %arg1, %mul3A : i32
    %add3A = arith.addi %mul3A_0, %arg0 : i32
    %jit3A = arith.constant 4 : i32
    %div3A = arith.divsi %add3A, %jit3A : i32
    %sign3A = arith.constant 0 : i32
    %sign3A_1 = arith.cmpi sgt, %add3A, %sign3A : i32
    %sign3A_2 = arith.extui %sign3A_1 : i1 to i32
    %sign3A_3 = arith.constant 0 : i32
    %sign3A_4 = arith.cmpi slt, %add3A, %sign3A_3 : i32
    %sign3A_5 = arith.extui %sign3A_4 : i1 to i32
    %sign3A_6 = arith.subi %sign3A_2, %sign3A_5 : i32
    %sign3A_7 = arith.constant 0 : i32
    %sign3A_8 = arith.cmpi sgt, %jit3A, %sign3A_7 : i32
    %sign3A_9 = arith.extui %sign3A_8 : i1 to i32
    %sign3A_10 = arith.constant 0 : i32
    %sign3A_11 = arith.cmpi slt, %jit3A, %sign3A_10 : i32
    %sign3A_12 = arith.extui %sign3A_11 : i1 to i32
    %sign3A_13 = arith.subi %sign3A_9, %sign3A_12 : i32
    %ne3A = arith.cmpi ne, %sign3A_6, %sign3A_13 : i32
    %rem3A = arith.remsi %add3A, %jit3A : i32
    %ne3A_14 = arith.constant 0 : i32
    %ne3A_15 = arith.cmpi ne, %rem3A, %ne3A_14 : i32
    %and3A = arith.andi %ne3A, %ne3A_15 : i1
    %sub3A = arith.constant 1 : i32
    %sub3A_16 = arith.subi %div3A, %sub3A : i32
    %select_n3A = arith.select %and3A, %sub3A_16, %div3A : i32
    %rem3A_17 = arith.constant 4 : i32
    %rem3A_18 = arith.remsi %add3A, %rem3A_17 : i32
    "tpu.region"() ({
      %run_scoped3A = tpu.sem_alloc : memref<!tpu.dma_semaphore, #tpu.memory_space<semaphore_mem>>
      %dma_start3A_216 = arith.constant 0 : i32
      %dma_start3A_217 = tpu.memref_slice %arg3[%select_n3A, %rem3A_18, %dma_start3A_216] : memref<8x4x112xi32, #tpu.memory_space<hbm>> -> memref<1x1x112xi32, #tpu.memory_space<hbm>>
      %dma_start3A_218 = tpu.memref_squeeze %dma_start3A_217 : memref<1x1x112xi32, #tpu.memory_space<hbm>> -> memref<112xi32, #tpu.memory_space<hbm>>
      %dma_start3A_219 = arith.constant 0 : i32
      %dma_start3A_220 = tpu.memref_slice %arg3[%select_n3A, %rem3A_18, %dma_start3A_219] : memref<8x4x112xi32, #tpu.memory_space<hbm>> -> memref<1x1x112xi32, #tpu.memory_space<hbm>>
      %dma_start3A_221 = tpu.memref_squeeze %dma_start3A_220 : memref<1x1x112xi32, #tpu.memory_space<hbm>> -> memref<112xi32, #tpu.memory_space<hbm>>
      tpu.enqueue_dma source(%dma_start3A_221 : memref<112xi32, #tpu.memory_space<hbm>>) target(%arg5 : memref<112xi32, #tpu.memory_space<vmem>>) target_semaphore(%run_scoped3A : memref<!tpu.dma_semaphore, #tpu.memory_space<semaphore_mem>>)
      %dma_wait3A_222 = arith.constant 0 : i32
      %dma_wait3A_223 = tpu.memref_slice %arg3[%select_n3A, %rem3A_18, %dma_wait3A_222] : memref<8x4x112xi32, #tpu.memory_space<hbm>> -> memref<1x1x112xi32, #tpu.memory_space<hbm>>
      %dma_wait3A_224 = tpu.memref_squeeze %dma_wait3A_223 : memref<1x1x112xi32, #tpu.memory_space<hbm>> -> memref<112xi32, #tpu.memory_space<hbm>>
      %dma_wait3A_225 = arith.constant 0 : i32
      %dma_wait3A_226 = tpu.memref_slice %arg3[%select_n3A, %rem3A_18, %dma_wait3A_225] : memref<8x4x112xi32, #tpu.memory_space<hbm>> -> memref<1x1x112xi32, #tpu.memory_space<hbm>>
      %dma_wait3A_227 = tpu.memref_squeeze %dma_wait3A_226 : memref<1x1x112xi32, #tpu.memory_space<hbm>> -> memref<112xi32, #tpu.memory_space<hbm>>
      tpu.wait_dma2 semaphore(%run_scoped3A : memref<!tpu.dma_semaphore, #tpu.memory_space<semaphore_mem>>) src(%dma_wait3A_227 : memref<112xi32, #tpu.memory_space<hbm>>) dst(%arg5 : memref<112xi32, #tpu.memory_space<vmem>>)
      tpu.yield
    }) : () -> ()
    %mul3A_19 = arith.constant 1048576 : i32
    %mul3A_20 = arith.muli %select_n3A, %mul3A_19 : i32
    %scan3A = arith.constant 0 : i32
    %scan3A_21 = arith.constant 0 : i32
    %scan3A_22 = arith.constant 192 : i32
    %scan3A_23 = arith.addi %scan3A_21, %scan3A_22 : i32
    %scan3A_24 = arith.constant 1 : i32
    scf.for %scan3A_216 = %scan3A_21 to %scan3A_23 step %scan3A_24  : i32 {
      %jit3A_217 = arith.constant 64 : i32
      %div3A_218 = arith.divsi %scan3A_216, %jit3A_217 : i32
      %sign3A_219 = arith.constant 0 : i32
      %sign3A_220 = arith.cmpi sgt, %scan3A_216, %sign3A_219 : i32
      %sign3A_221 = arith.extui %sign3A_220 : i1 to i32
      %sign3A_222 = arith.constant 0 : i32
      %sign3A_223 = arith.cmpi slt, %scan3A_216, %sign3A_222 : i32
      %sign3A_224 = arith.extui %sign3A_223 : i1 to i32
      %sign3A_225 = arith.subi %sign3A_221, %sign3A_224 : i32
      %sign3A_226 = arith.constant 0 : i32
      %sign3A_227 = arith.cmpi sgt, %jit3A_217, %sign3A_226 : i32
      %sign3A_228 = arith.extui %sign3A_227 : i1 to i32
      %sign3A_229 = arith.constant 0 : i32
      %sign3A_230 = arith.cmpi slt, %jit3A_217, %sign3A_229 : i32
      %sign3A_231 = arith.extui %sign3A_230 : i1 to i32
      %sign3A_232 = arith.subi %sign3A_228, %sign3A_231 : i32
      %ne3A_233 = arith.cmpi ne, %sign3A_225, %sign3A_232 : i32
      %rem3A_234 = arith.remsi %scan3A_216, %jit3A_217 : i32
      %ne3A_235 = arith.constant 0 : i32
      %ne3A_236 = arith.cmpi ne, %rem3A_234, %ne3A_235 : i32
      %and3A_237 = arith.andi %ne3A_233, %ne3A_236 : i1
      %sub3A_238 = arith.constant 1 : i32
      %sub3A_239 = arith.subi %div3A_218, %sub3A_238 : i32
      %select_n3A_240 = arith.select %and3A_237, %sub3A_239, %div3A_218 : i32
      %rem3A_241 = arith.constant 64 : i32
      %rem3A_242 = arith.remsi %scan3A_216, %rem3A_241 : i32
      %mul3A_243 = arith.constant 512 : i32
      %mul3A_244 = arith.muli %select_n3A_240, %mul3A_243 : i32
      %add3A_245 = arith.addi %mul3A_244, %rem3A_242 : i32
      %mul3A_246 = arith.constant 16384 : i32
      %mul3A_247 = arith.muli %add3A_245, %mul3A_246 : i32
      %add3A_248 = arith.addi %mul3A_247, %mul3A_20 : i32
      %get3A = arith.constant 0 : index
      %get3A_249 = tpu.vector_load %arg5[%get3A] {strides = array<i32>} : memref<112xi32, #tpu.memory_space<vmem>>, vector<16xi32>,
      %add3A_250 = vector.broadcast %add3A_248 : i32 to vector<16xi32>
      %add3A_251 = arith.addi %get3A_249, %add3A_250 : vector<16xi32>
      %mul3A_252 = arith.constant 112 : i32
      %mul3A_253 = arith.muli %scan3A_216, %mul3A_252 : i32
      %add3A_254 = arith.constant 0 : i32
      %add3A_255 = arith.addi %mul3A_253, %add3A_254 : i32
      %swap3A = arith.index_cast %add3A_255 : i32 to index
      %swap3A_256 = tpu.vector_load %arg6[%swap3A] {strides = array<i32>} : memref<21504xi32, #tpu.memory_space<vmem>>, vector<16xi32>,
      tpu.vector_store %arg6[%swap3A], %add3A_251 {strides = array<i32>} : memref<21504xi32, #tpu.memory_space<vmem>>, vector<16xi32>,
      %get3A_257 = arith.constant 16 : index
      %get3A_258 = tpu.vector_load %arg5[%get3A_257] {strides = array<i32>} : memref<112xi32, #tpu.memory_space<vmem>>, vector<16xi32>,
      %add3A_259 = vector.broadcast %add3A_248 : i32 to vector<16xi32>
      %add3A_260 = arith.addi %get3A_258, %add3A_259 : vector<16xi32>
      %mul3A_261 = arith.constant 112 : i32
      %mul3A_262 = arith.muli %scan3A_216, %mul3A_261 : i32
      %add3A_263 = arith.constant 16 : i32
      %add3A_264 = arith.addi %mul3A_262, %add3A_263 : i32
      %swap3A_265 = arith.index_cast %add3A_264 : i32 to index
      %swap3A_266 = tpu.vector_load %arg6[%swap3A_265] {strides = array<i32>} : memref<21504xi32, #tpu.memory_space<vmem>>, vector<16xi32>,
      tpu.vector_store %arg6[%swap3A_265], %add3A_260 {strides = array<i32>} : memref<21504xi32, #tpu.memory_space<vmem>>, vector<16xi32>,
      %get3A_267 = arith.constant 32 : index
      %get3A_268 = tpu.vector_load %arg5[%get3A_267] {strides = array<i32>} : memref<112xi32, #tpu.memory_space<vmem>>, vector<16xi32>,
      %add3A_269 = vector.broadcast %add3A_248 : i32 to vector<16xi32>
      %add3A_270 = arith.addi %get3A_268, %add3A_269 : vector<16xi32>
      %mul3A_271 = arith.constant 112 : i32
      %mul3A_272 = arith.muli %scan3A_216, %mul3A_271 : i32
      %add3A_273 = arith.constant 32 : i32
      %add3A_274 = arith.addi %mul3A_272, %add3A_273 : i32
      %swap3A_275 = arith.index_cast %add3A_274 : i32 to index
      %swap3A_276 = tpu.vector_load %arg6[%swap3A_275] {strides = array<i32>} : memref<21504xi32, #tpu.memory_space<vmem>>, vector<16xi32>,
      tpu.vector_store %arg6[%swap3A_275], %add3A_270 {strides = array<i32>} : memref<21504xi32, #tpu.memory_space<vmem>>, vector<16xi32>,
      %get3A_277 = arith.constant 48 : index
      %get3A_278 = tpu.vector_load %arg5[%get3A_277] {strides = array<i32>} : memref<112xi32, #tpu.memory_space<vmem>>, vector<16xi32>,
      %add3A_279 = vector.broadcast %add3A_248 : i32 to vector<16xi32>
      %add3A_280 = arith.addi %get3A_278, %add3A_279 : vector<16xi32>
      %mul3A_281 = arith.constant 112 : i32
      %mul3A_282 = arith.muli %scan3A_216, %mul3A_281 : i32
      %add3A_283 = arith.constant 48 : i32
      %add3A_284 = arith.addi %mul3A_282, %add3A_283 : i32
      %swap3A_285 = arith.index_cast %add3A_284 : i32 to index
      %swap3A_286 = tpu.vector_load %arg6[%swap3A_285] {strides = array<i32>} : memref<21504xi32, #tpu.memory_space<vmem>>, vector<16xi32>,
      tpu.vector_store %arg6[%swap3A_285], %add3A_280 {strides = array<i32>} : memref<21504xi32, #tpu.memory_space<vmem>>, vector<16xi32>,
      %get3A_287 = arith.constant 64 : index
      %get3A_288 = tpu.vector_load %arg5[%get3A_287] {strides = array<i32>} : memref<112xi32, #tpu.memory_space<vmem>>, vector<16xi32>,
      %add3A_289 = vector.broadcast %add3A_248 : i32 to vector<16xi32>
      %add3A_290 = arith.addi %get3A_288, %add3A_289 : vector<16xi32>
      %mul3A_291 = arith.constant 112 : i32
      %mul3A_292 = arith.muli %scan3A_216, %mul3A_291 : i32
      %add3A_293 = arith.constant 64 : i32
      %add3A_294 = arith.addi %mul3A_292, %add3A_293 : i32
      %swap3A_295 = arith.index_cast %add3A_294 : i32 to index
      %swap3A_296 = tpu.vector_load %arg6[%swap3A_295] {strides = array<i32>} : memref<21504xi32, #tpu.memory_space<vmem>>, vector<16xi32>,
      tpu.vector_store %arg6[%swap3A_295], %add3A_290 {strides = array<i32>} : memref<21504xi32, #tpu.memory_space<vmem>>, vector<16xi32>,
      %get3A_297 = arith.constant 80 : index
      %get3A_298 = tpu.vector_load %arg5[%get3A_297] {strides = array<i32>} : memref<112xi32, #tpu.memory_space<vmem>>, vector<16xi32>,
      %add3A_299 = vector.broadcast %add3A_248 : i32 to vector<16xi32>
      %add3A_300 = arith.addi %get3A_298, %add3A_299 : vector<16xi32>
      %mul3A_301 = arith.constant 112 : i32
      %mul3A_302 = arith.muli %scan3A_216, %mul3A_301 : i32
      %add3A_303 = arith.constant 80 : i32
      %add3A_304 = arith.addi %mul3A_302, %add3A_303 : i32
      %swap3A_305 = arith.index_cast %add3A_304 : i32 to index
      %swap3A_306 = tpu.vector_load %arg6[%swap3A_305] {strides = array<i32>} : memref<21504xi32, #tpu.memory_space<vmem>>, vector<16xi32>,
      tpu.vector_store %arg6[%swap3A_305], %add3A_300 {strides = array<i32>} : memref<21504xi32, #tpu.memory_space<vmem>>, vector<16xi32>,
      %get3A_307 = arith.constant 96 : index
      %get3A_308 = tpu.vector_load %arg5[%get3A_307] {strides = array<i32>} : memref<112xi32, #tpu.memory_space<vmem>>, vector<16xi32>,
      %add3A_309 = vector.broadcast %add3A_248 : i32 to vector<16xi32>
      %add3A_310 = arith.addi %get3A_308, %add3A_309 : vector<16xi32>
      %mul3A_311 = arith.constant 112 : i32
      %mul3A_312 = arith.muli %scan3A_216, %mul3A_311 : i32
      %add3A_313 = arith.constant 96 : i32
      %add3A_314 = arith.addi %mul3A_312, %add3A_313 : i32
      %swap3A_315 = arith.index_cast %add3A_314 : i32 to index
      %swap3A_316 = tpu.vector_load %arg6[%swap3A_315] {strides = array<i32>} : memref<21504xi32, #tpu.memory_space<vmem>>, vector<16xi32>,
      tpu.vector_store %arg6[%swap3A_315], %add3A_310 {strides = array<i32>} : memref<21504xi32, #tpu.memory_space<vmem>>, vector<16xi32>,
    }
    %scan3A_25 = arith.constant 192 : i32
    %dma_start3A = arith.constant 0 : i32
    %dma_start3A_26 = tpu.memref_slice %arg7[%dma_start3A] : memref<21504xf32, #tpu.memory_space<vmem>> -> memref<1344xf32, #tpu.memory_space<vmem>>
    %dma_start3A_27 = arith.constant 0 : i32
    %dma_start3A_28 = tpu.memref_slice %arg6[%dma_start3A_27] : memref<21504xi32, #tpu.memory_space<vmem>> -> memref<1344xi32, #tpu.memory_space<vmem>>
    %dma_start3A_29 = arith.constant 0 : i32
    %dma_start3A_30 = tpu.memref_slice %arg2[%dma_start3A_29] : memref<25165824xf32, #tpu.memory_space<hbm>> -> memref<25165824xf32, #tpu.memory_space<hbm>>
    tpu.enqueue_indirect_dma source(%dma_start3A_30 : memref<25165824xf32, #tpu.memory_space<hbm>>) target(%dma_start3A_26 : memref<1344xf32, #tpu.memory_space<vmem>>) offsets(%dma_start3A_28 : memref<1344xi32, #tpu.memory_space<vmem>>) semaphore(%arg8 : memref<!tpu.dma_semaphore, #tpu.memory_space<semaphore_mem>>)
    %dma_start3A_31 = arith.constant 1344 : i32
    %dma_start3A_32 = tpu.memref_slice %arg7[%dma_start3A_31] : memref<21504xf32, #tpu.memory_space<vmem>> -> memref<1344xf32, #tpu.memory_space<vmem>>
    %dma_start3A_33 = arith.constant 1344 : i32
    %dma_start3A_34 = tpu.memref_slice %arg6[%dma_start3A_33] : memref<21504xi32, #tpu.memory_space<vmem>> -> memref<1344xi32, #tpu.memory_space<vmem>>
    %dma_start3A_35 = arith.constant 0 : i32
    %dma_start3A_36 = tpu.memref_slice %arg2[%dma_start3A_35] : memref<25165824xf32, #tpu.memory_space<hbm>> -> memref<25165824xf32, #tpu.memory_space<hbm>>
    tpu.enqueue_indirect_dma source(%dma_start3A_36 : memref<25165824xf32, #tpu.memory_space<hbm>>) target(%dma_start3A_32 : memref<1344xf32, #tpu.memory_space<vmem>>) offsets(%dma_start3A_34 : memref<1344xi32, #tpu.memory_space<vmem>>) semaphore(%arg8 : memref<!tpu.dma_semaphore, #tpu.memory_space<semaphore_mem>>)
    %dma_start3A_37 = arith.constant 2688 : i32
    %dma_start3A_38 = tpu.memref_slice %arg7[%dma_start3A_37] : memref<21504xf32, #tpu.memory_space<vmem>> -> memref<1344xf32, #tpu.memory_space<vmem>>
    %dma_start3A_39 = arith.constant 2688 : i32
    %dma_start3A_40 = tpu.memref_slice %arg6[%dma_start3A_39] : memref<21504xi32, #tpu.memory_space<vmem>> -> memref<1344xi32, #tpu.memory_space<vmem>>
    %dma_start3A_41 = arith.constant 0 : i32
    %dma_start3A_42 = tpu.memref_slice %arg2[%dma_start3A_41] : memref<25165824xf32, #tpu.memory_space<hbm>> -> memref<25165824xf32, #tpu.memory_space<hbm>>
    tpu.enqueue_indirect_dma source(%dma_start3A_42 : memref<25165824xf32, #tpu.memory_space<hbm>>) target(%dma_start3A_38 : memref<1344xf32, #tpu.memory_space<vmem>>) offsets(%dma_start3A_40 : memref<1344xi32, #tpu.memory_space<vmem>>) semaphore(%arg8 : memref<!tpu.dma_semaphore, #tpu.memory_space<semaphore_mem>>)
    %dma_start3A_43 = arith.constant 4032 : i32
    %dma_start3A_44 = tpu.memref_slice %arg7[%dma_start3A_43] : memref<21504xf32, #tpu.memory_space<vmem>> -> memref<1344xf32, #tpu.memory_space<vmem>>
    %dma_start3A_45 = arith.constant 4032 : i32
    %dma_start3A_46 = tpu.memref_slice %arg6[%dma_start3A_45] : memref<21504xi32, #tpu.memory_space<vmem>> -> memref<1344xi32, #tpu.memory_space<vmem>>
    %dma_start3A_47 = arith.constant 0 : i32
    %dma_start3A_48 = tpu.memref_slice %arg2[%dma_start3A_47] : memref<25165824xf32, #tpu.memory_space<hbm>> -> memref<25165824xf32, #tpu.memory_space<hbm>>
    tpu.enqueue_indirect_dma source(%dma_start3A_48 : memref<25165824xf32, #tpu.memory_space<hbm>>) target(%dma_start3A_44 : memref<1344xf32, #tpu.memory_space<vmem>>) offsets(%dma_start3A_46 : memref<1344xi32, #tpu.memory_space<vmem>>) semaphore(%arg8 : memref<!tpu.dma_semaphore, #tpu.memory_space<semaphore_mem>>)
    %dma_start3A_49 = arith.constant 5376 : i32
    %dma_start3A_50 = tpu.memref_slice %arg7[%dma_start3A_49] : memref<21504xf32, #tpu.memory_space<vmem>> -> memref<1344xf32, #tpu.memory_space<vmem>>
    %dma_start3A_51 = arith.constant 5376 : i32
    %dma_start3A_52 = tpu.memref_slice %arg6[%dma_start3A_51] : memref<21504xi32, #tpu.memory_space<vmem>> -> memref<1344xi32, #tpu.memory_space<vmem>>
    %dma_start3A_53 = arith.constant 0 : i32
    %dma_start3A_54 = tpu.memref_slice %arg2[%dma_start3A_53] : memref<25165824xf32, #tpu.memory_space<hbm>> -> memref<25165824xf32, #tpu.memory_space<hbm>>
    tpu.enqueue_indirect_dma source(%dma_start3A_54 : memref<25165824xf32, #tpu.memory_space<hbm>>) target(%dma_start3A_50 : memref<1344xf32, #tpu.memory_space<vmem>>) offsets(%dma_start3A_52 : memref<1344xi32, #tpu.memory_space<vmem>>) semaphore(%arg8 : memref<!tpu.dma_semaphore, #tpu.memory_space<semaphore_mem>>)
    %dma_start3A_55 = arith.constant 6720 : i32
    %dma_start3A_56 = tpu.memref_slice %arg7[%dma_start3A_55] : memref<21504xf32, #tpu.memory_space<vmem>> -> memref<1344xf32, #tpu.memory_space<vmem>>
    %dma_start3A_57 = arith.constant 6720 : i32
    %dma_start3A_58 = tpu.memref_slice %arg6[%dma_start3A_57] : memref<21504xi32, #tpu.memory_space<vmem>> -> memref<1344xi32, #tpu.memory_space<vmem>>
    %dma_start3A_59 = arith.constant 0 : i32
    %dma_start3A_60 = tpu.memref_slice %arg2[%dma_start3A_59] : memref<25165824xf32, #tpu.memory_space<hbm>> -> memref<25165824xf32, #tpu.memory_space<hbm>>
    tpu.enqueue_indirect_dma source(%dma_start3A_60 : memref<25165824xf32, #tpu.memory_space<hbm>>) target(%dma_start3A_56 : memref<1344xf32, #tpu.memory_space<vmem>>) offsets(%dma_start3A_58 : memref<1344xi32, #tpu.memory_space<vmem>>) semaphore(%arg8 : memref<!tpu.dma_semaphore, #tpu.memory_space<semaphore_mem>>)
    %dma_start3A_61 = arith.constant 8064 : i32
    %dma_start3A_62 = tpu.memref_slice %arg7[%dma_start3A_61] : memref<21504xf32, #tpu.memory_space<vmem>> -> memref<1344xf32, #tpu.memory_space<vmem>>
    %dma_start3A_63 = arith.constant 8064 : i32
    %dma_start3A_64 = tpu.memref_slice %arg6[%dma_start3A_63] : memref<21504xi32, #tpu.memory_space<vmem>> -> memref<1344xi32, #tpu.memory_space<vmem>>
    %dma_start3A_65 = arith.constant 0 : i32
    %dma_start3A_66 = tpu.memref_slice %arg2[%dma_start3A_65] : memref<25165824xf32, #tpu.memory_space<hbm>> -> memref<25165824xf32, #tpu.memory_space<hbm>>
    tpu.enqueue_indirect_dma source(%dma_start3A_66 : memref<25165824xf32, #tpu.memory_space<hbm>>) target(%dma_start3A_62 : memref<1344xf32, #tpu.memory_space<vmem>>) offsets(%dma_start3A_64 : memref<1344xi32, #tpu.memory_space<vmem>>) semaphore(%arg8 : memref<!tpu.dma_semaphore, #tpu.memory_space<semaphore_mem>>)
    %dma_start3A_67 = arith.constant 9408 : i32
    %dma_start3A_68 = tpu.memref_slice %arg7[%dma_start3A_67] : memref<21504xf32, #tpu.memory_space<vmem>> -> memref<1344xf32, #tpu.memory_space<vmem>>
    %dma_start3A_69 = arith.constant 9408 : i32
    %dma_start3A_70 = tpu.memref_slice %arg6[%dma_start3A_69] : memref<21504xi32, #tpu.memory_space<vmem>> -> memref<1344xi32, #tpu.memory_space<vmem>>
    %dma_start3A_71 = arith.constant 0 : i32
    %dma_start3A_72 = tpu.memref_slice %arg2[%dma_start3A_71] : memref<25165824xf32, #tpu.memory_space<hbm>> -> memref<25165824xf32, #tpu.memory_space<hbm>>
    tpu.enqueue_indirect_dma source(%dma_start3A_72 : memref<25165824xf32, #tpu.memory_space<hbm>>) target(%dma_start3A_68 : memref<1344xf32, #tpu.memory_space<vmem>>) offsets(%dma_start3A_70 : memref<1344xi32, #tpu.memory_space<vmem>>) semaphore(%arg8 : memref<!tpu.dma_semaphore, #tpu.memory_space<semaphore_mem>>)
    %dma_start3A_73 = arith.constant 10752 : i32
    %dma_start3A_74 = tpu.memref_slice %arg7[%dma_start3A_73] : memref<21504xf32, #tpu.memory_space<vmem>> -> memref<1344xf32, #tpu.memory_space<vmem>>
    %dma_start3A_75 = arith.constant 10752 : i32
    %dma_start3A_76 = tpu.memref_slice %arg6[%dma_start3A_75] : memref<21504xi32, #tpu.memory_space<vmem>> -> memref<1344xi32, #tpu.memory_space<vmem>>
    %dma_start3A_77 = arith.constant 0 : i32
    %dma_start3A_78 = tpu.memref_slice %arg2[%dma_start3A_77] : memref<25165824xf32, #tpu.memory_space<hbm>> -> memref<25165824xf32, #tpu.memory_space<hbm>>
    tpu.enqueue_indirect_dma source(%dma_start3A_78 : memref<25165824xf32, #tpu.memory_space<hbm>>) target(%dma_start3A_74 : memref<1344xf32, #tpu.memory_space<vmem>>) offsets(%dma_start3A_76 : memref<1344xi32, #tpu.memory_space<vmem>>) semaphore(%arg8 : memref<!tpu.dma_semaphore, #tpu.memory_space<semaphore_mem>>)
    %dma_start3A_79 = arith.constant 12096 : i32
    %dma_start3A_80 = tpu.memref_slice %arg7[%dma_start3A_79] : memref<21504xf32, #tpu.memory_space<vmem>> -> memref<1344xf32, #tpu.memory_space<vmem>>
    %dma_start3A_81 = arith.constant 12096 : i32
    %dma_start3A_82 = tpu.memref_slice %arg6[%dma_start3A_81] : memref<21504xi32, #tpu.memory_space<vmem>> -> memref<1344xi32, #tpu.memory_space<vmem>>
    %dma_start3A_83 = arith.constant 0 : i32
    %dma_start3A_84 = tpu.memref_slice %arg2[%dma_start3A_83] : memref<25165824xf32, #tpu.memory_space<hbm>> -> memref<25165824xf32, #tpu.memory_space<hbm>>
    tpu.enqueue_indirect_dma source(%dma_start3A_84 : memref<25165824xf32, #tpu.memory_space<hbm>>) target(%dma_start3A_80 : memref<1344xf32, #tpu.memory_space<vmem>>) offsets(%dma_start3A_82 : memref<1344xi32, #tpu.memory_space<vmem>>) semaphore(%arg8 : memref<!tpu.dma_semaphore, #tpu.memory_space<semaphore_mem>>)
    %dma_start3A_85 = arith.constant 13440 : i32
    %dma_start3A_86 = tpu.memref_slice %arg7[%dma_start3A_85] : memref<21504xf32, #tpu.memory_space<vmem>> -> memref<1344xf32, #tpu.memory_space<vmem>>
    %dma_start3A_87 = arith.constant 13440 : i32
    %dma_start3A_88 = tpu.memref_slice %arg6[%dma_start3A_87] : memref<21504xi32, #tpu.memory_space<vmem>> -> memref<1344xi32, #tpu.memory_space<vmem>>
    %dma_start3A_89 = arith.constant 0 : i32
    %dma_start3A_90 = tpu.memref_slice %arg2[%dma_start3A_89] : memref<25165824xf32, #tpu.memory_space<hbm>> -> memref<25165824xf32, #tpu.memory_space<hbm>>
    tpu.enqueue_indirect_dma source(%dma_start3A_90 : memref<25165824xf32, #tpu.memory_space<hbm>>) target(%dma_start3A_86 : memref<1344xf32, #tpu.memory_space<vmem>>) offsets(%dma_start3A_88 : memref<1344xi32, #tpu.memory_space<vmem>>) semaphore(%arg8 : memref<!tpu.dma_semaphore, #tpu.memory_space<semaphore_mem>>)
    %dma_start3A_91 = arith.constant 14784 : i32
    %dma_start3A_92 = tpu.memref_slice %arg7[%dma_start3A_91] : memref<21504xf32, #tpu.memory_space<vmem>> -> memref<1344xf32, #tpu.memory_space<vmem>>
    %dma_start3A_93 = arith.constant 14784 : i32
    %dma_start3A_94 = tpu.memref_slice %arg6[%dma_start3A_93] : memref<21504xi32, #tpu.memory_space<vmem>> -> memref<1344xi32, #tpu.memory_space<vmem>>
    %dma_start3A_95 = arith.constant 0 : i32
    %dma_start3A_96 = tpu.memref_slice %arg2[%dma_start3A_95] : memref<25165824xf32, #tpu.memory_space<hbm>> -> memref<25165824xf32, #tpu.memory_space<hbm>>
    tpu.enqueue_indirect_dma source(%dma_start3A_96 : memref<25165824xf32, #tpu.memory_space<hbm>>) target(%dma_start3A_92 : memref<1344xf32, #tpu.memory_space<vmem>>) offsets(%dma_start3A_94 : memref<1344xi32, #tpu.memory_space<vmem>>) semaphore(%arg8 : memref<!tpu.dma_semaphore, #tpu.memory_space<semaphore_mem>>)
    %dma_start3A_97 = arith.constant 16128 : i32
    %dma_start3A_98 = tpu.memref_slice %arg7[%dma_start3A_97] : memref<21504xf32, #tpu.memory_space<vmem>> -> memref<1344xf32, #tpu.memory_space<vmem>>
    %dma_start3A_99 = arith.constant 16128 : i32
    %dma_start3A_100 = tpu.memref_slice %arg6[%dma_start3A_99] : memref<21504xi32, #tpu.memory_space<vmem>> -> memref<1344xi32, #tpu.memory_space<vmem>>
    %dma_start3A_101 = arith.constant 0 : i32
    %dma_start3A_102 = tpu.memref_slice %arg2[%dma_start3A_101] : memref<25165824xf32, #tpu.memory_space<hbm>> -> memref<25165824xf32, #tpu.memory_space<hbm>>
    tpu.enqueue_indirect_dma source(%dma_start3A_102 : memref<25165824xf32, #tpu.memory_space<hbm>>) target(%dma_start3A_98 : memref<1344xf32, #tpu.memory_space<vmem>>) offsets(%dma_start3A_100 : memref<1344xi32, #tpu.memory_space<vmem>>) semaphore(%arg8 : memref<!tpu.dma_semaphore, #tpu.memory_space<semaphore_mem>>)
    %dma_start3A_103 = arith.constant 17472 : i32
    %dma_start3A_104 = tpu.memref_slice %arg7[%dma_start3A_103] : memref<21504xf32, #tpu.memory_space<vmem>> -> memref<1344xf32, #tpu.memory_space<vmem>>
    %dma_start3A_105 = arith.constant 17472 : i32
    %dma_start3A_106 = tpu.memref_slice %arg6[%dma_start3A_105] : memref<21504xi32, #tpu.memory_space<vmem>> -> memref<1344xi32, #tpu.memory_space<vmem>>
    %dma_start3A_107 = arith.constant 0 : i32
    %dma_start3A_108 = tpu.memref_slice %arg2[%dma_start3A_107] : memref<25165824xf32, #tpu.memory_space<hbm>> -> memref<25165824xf32, #tpu.memory_space<hbm>>
    tpu.enqueue_indirect_dma source(%dma_start3A_108 : memref<25165824xf32, #tpu.memory_space<hbm>>) target(%dma_start3A_104 : memref<1344xf32, #tpu.memory_space<vmem>>) offsets(%dma_start3A_106 : memref<1344xi32, #tpu.memory_space<vmem>>) semaphore(%arg8 : memref<!tpu.dma_semaphore, #tpu.memory_space<semaphore_mem>>)
    %dma_start3A_109 = arith.constant 18816 : i32
    %dma_start3A_110 = tpu.memref_slice %arg7[%dma_start3A_109] : memref<21504xf32, #tpu.memory_space<vmem>> -> memref<1344xf32, #tpu.memory_space<vmem>>
    %dma_start3A_111 = arith.constant 18816 : i32
    %dma_start3A_112 = tpu.memref_slice %arg6[%dma_start3A_111] : memref<21504xi32, #tpu.memory_space<vmem>> -> memref<1344xi32, #tpu.memory_space<vmem>>
    %dma_start3A_113 = arith.constant 0 : i32
    %dma_start3A_114 = tpu.memref_slice %arg2[%dma_start3A_113] : memref<25165824xf32, #tpu.memory_space<hbm>> -> memref<25165824xf32, #tpu.memory_space<hbm>>
    tpu.enqueue_indirect_dma source(%dma_start3A_114 : memref<25165824xf32, #tpu.memory_space<hbm>>) target(%dma_start3A_110 : memref<1344xf32, #tpu.memory_space<vmem>>) offsets(%dma_start3A_112 : memref<1344xi32, #tpu.memory_space<vmem>>) semaphore(%arg8 : memref<!tpu.dma_semaphore, #tpu.memory_space<semaphore_mem>>)
    %dma_start3A_115 = arith.constant 20160 : i32
    %dma_start3A_116 = tpu.memref_slice %arg7[%dma_start3A_115] : memref<21504xf32, #tpu.memory_space<vmem>> -> memref<1344xf32, #tpu.memory_space<vmem>>
    %dma_start3A_117 = arith.constant 20160 : i32
    %dma_start3A_118 = tpu.memref_slice %arg6[%dma_start3A_117] : memref<21504xi32, #tpu.memory_space<vmem>> -> memref<1344xi32, #tpu.memory_space<vmem>>
    %dma_start3A_119 = arith.constant 0 : i32
    %dma_start3A_120 = tpu.memref_slice %arg2[%dma_start3A_119] : memref<25165824xf32, #tpu.memory_space<hbm>> -> memref<25165824xf32, #tpu.memory_space<hbm>>
    tpu.enqueue_indirect_dma source(%dma_start3A_120 : memref<25165824xf32, #tpu.memory_space<hbm>>) target(%dma_start3A_116 : memref<1344xf32, #tpu.memory_space<vmem>>) offsets(%dma_start3A_118 : memref<1344xi32, #tpu.memory_space<vmem>>) semaphore(%arg8 : memref<!tpu.dma_semaphore, #tpu.memory_space<semaphore_mem>>)
    %dma_wait3A = arith.constant 0 : i32
    %dma_wait3A_121 = tpu.memref_slice %arg7[%dma_wait3A] : memref<21504xf32, #tpu.memory_space<vmem>> -> memref<1344xf32, #tpu.memory_space<vmem>>
    %dma_wait3A_122 = arith.constant 0 : i32
    %dma_wait3A_123 = tpu.memref_slice %arg6[%dma_wait3A_122] : memref<21504xi32, #tpu.memory_space<vmem>> -> memref<1344xi32, #tpu.memory_space<vmem>>
    %dma_wait3A_124 = arith.constant 0 : i32
    %dma_wait3A_125 = tpu.memref_slice %arg2[%dma_wait3A_124] : memref<25165824xf32, #tpu.memory_space<hbm>> -> memref<25165824xf32, #tpu.memory_space<hbm>>
    tpu.wait_indirect_dma semaphore(%arg8 : memref<!tpu.dma_semaphore, #tpu.memory_space<semaphore_mem>>) src(%dma_wait3A_125 : memref<25165824xf32, #tpu.memory_space<hbm>>) dst(%dma_wait3A_121 : memref<1344xf32, #tpu.memory_space<vmem>>)
    %dma_wait3A_126 = arith.constant 1344 : i32
    %dma_wait3A_127 = tpu.memref_slice %arg7[%dma_wait3A_126] : memref<21504xf32, #tpu.memory_space<vmem>> -> memref<1344xf32, #tpu.memory_space<vmem>>
    %dma_wait3A_128 = arith.constant 1344 : i32
    %dma_wait3A_129 = tpu.memref_slice %arg6[%dma_wait3A_128] : memref<21504xi32, #tpu.memory_space<vmem>> -> memref<1344xi32, #tpu.memory_space<vmem>>
    %dma_wait3A_130 = arith.constant 0 : i32
    %dma_wait3A_131 = tpu.memref_slice %arg2[%dma_wait3A_130] : memref<25165824xf32, #tpu.memory_space<hbm>> -> memref<25165824xf32, #tpu.memory_space<hbm>>
    tpu.wait_indirect_dma semaphore(%arg8 : memref<!tpu.dma_semaphore, #tpu.memory_space<semaphore_mem>>) src(%dma_wait3A_131 : memref<25165824xf32, #tpu.memory_space<hbm>>) dst(%dma_wait3A_127 : memref<1344xf32, #tpu.memory_space<vmem>>)
    %dma_wait3A_132 = arith.constant 2688 : i32
    %dma_wait3A_133 = tpu.memref_slice %arg7[%dma_wait3A_132] : memref<21504xf32, #tpu.memory_space<vmem>> -> memref<1344xf32, #tpu.memory_space<vmem>>
    %dma_wait3A_134 = arith.constant 2688 : i32
    %dma_wait3A_135 = tpu.memref_slice %arg6[%dma_wait3A_134] : memref<21504xi32, #tpu.memory_space<vmem>> -> memref<1344xi32, #tpu.memory_space<vmem>>
    %dma_wait3A_136 = arith.constant 0 : i32
    %dma_wait3A_137 = tpu.memref_slice %arg2[%dma_wait3A_136] : memref<25165824xf32, #tpu.memory_space<hbm>> -> memref<25165824xf32, #tpu.memory_space<hbm>>
    tpu.wait_indirect_dma semaphore(%arg8 : memref<!tpu.dma_semaphore, #tpu.memory_space<semaphore_mem>>) src(%dma_wait3A_137 : memref<25165824xf32, #tpu.memory_space<hbm>>) dst(%dma_wait3A_133 : memref<1344xf32, #tpu.memory_space<vmem>>)
    %dma_wait3A_138 = arith.constant 4032 : i32
    %dma_wait3A_139 = tpu.memref_slice %arg7[%dma_wait3A_138] : memref<21504xf32, #tpu.memory_space<vmem>> -> memref<1344xf32, #tpu.memory_space<vmem>>
    %dma_wait3A_140 = arith.constant 4032 : i32
    %dma_wait3A_141 = tpu.memref_slice %arg6[%dma_wait3A_140] : memref<21504xi32, #tpu.memory_space<vmem>> -> memref<1344xi32, #tpu.memory_space<vmem>>
    %dma_wait3A_142 = arith.constant 0 : i32
    %dma_wait3A_143 = tpu.memref_slice %arg2[%dma_wait3A_142] : memref<25165824xf32, #tpu.memory_space<hbm>> -> memref<25165824xf32, #tpu.memory_space<hbm>>
    tpu.wait_indirect_dma semaphore(%arg8 : memref<!tpu.dma_semaphore, #tpu.memory_space<semaphore_mem>>) src(%dma_wait3A_143 : memref<25165824xf32, #tpu.memory_space<hbm>>) dst(%dma_wait3A_139 : memref<1344xf32, #tpu.memory_space<vmem>>)
    %dma_wait3A_144 = arith.constant 5376 : i32
    %dma_wait3A_145 = tpu.memref_slice %arg7[%dma_wait3A_144] : memref<21504xf32, #tpu.memory_space<vmem>> -> memref<1344xf32, #tpu.memory_space<vmem>>
    %dma_wait3A_146 = arith.constant 5376 : i32
    %dma_wait3A_147 = tpu.memref_slice %arg6[%dma_wait3A_146] : memref<21504xi32, #tpu.memory_space<vmem>> -> memref<1344xi32, #tpu.memory_space<vmem>>
    %dma_wait3A_148 = arith.constant 0 : i32
    %dma_wait3A_149 = tpu.memref_slice %arg2[%dma_wait3A_148] : memref<25165824xf32, #tpu.memory_space<hbm>> -> memref<25165824xf32, #tpu.memory_space<hbm>>
    tpu.wait_indirect_dma semaphore(%arg8 : memref<!tpu.dma_semaphore, #tpu.memory_space<semaphore_mem>>) src(%dma_wait3A_149 : memref<25165824xf32, #tpu.memory_space<hbm>>) dst(%dma_wait3A_145 : memref<1344xf32, #tpu.memory_space<vmem>>)
    %dma_wait3A_150 = arith.constant 6720 : i32
    %dma_wait3A_151 = tpu.memref_slice %arg7[%dma_wait3A_150] : memref<21504xf32, #tpu.memory_space<vmem>> -> memref<1344xf32, #tpu.memory_space<vmem>>
    %dma_wait3A_152 = arith.constant 6720 : i32
    %dma_wait3A_153 = tpu.memref_slice %arg6[%dma_wait3A_152] : memref<21504xi32, #tpu.memory_space<vmem>> -> memref<1344xi32, #tpu.memory_space<vmem>>
    %dma_wait3A_154 = arith.constant 0 : i32
    %dma_wait3A_155 = tpu.memref_slice %arg2[%dma_wait3A_154] : memref<25165824xf32, #tpu.memory_space<hbm>> -> memref<25165824xf32, #tpu.memory_space<hbm>>
    tpu.wait_indirect_dma semaphore(%arg8 : memref<!tpu.dma_semaphore, #tpu.memory_space<semaphore_mem>>) src(%dma_wait3A_155 : memref<25165824xf32, #tpu.memory_space<hbm>>) dst(%dma_wait3A_151 : memref<1344xf32, #tpu.memory_space<vmem>>)
    %dma_wait3A_156 = arith.constant 8064 : i32
    %dma_wait3A_157 = tpu.memref_slice %arg7[%dma_wait3A_156] : memref<21504xf32, #tpu.memory_space<vmem>> -> memref<1344xf32, #tpu.memory_space<vmem>>
    %dma_wait3A_158 = arith.constant 8064 : i32
    %dma_wait3A_159 = tpu.memref_slice %arg6[%dma_wait3A_158] : memref<21504xi32, #tpu.memory_space<vmem>> -> memref<1344xi32, #tpu.memory_space<vmem>>
    %dma_wait3A_160 = arith.constant 0 : i32
    %dma_wait3A_161 = tpu.memref_slice %arg2[%dma_wait3A_160] : memref<25165824xf32, #tpu.memory_space<hbm>> -> memref<25165824xf32, #tpu.memory_space<hbm>>
    tpu.wait_indirect_dma semaphore(%arg8 : memref<!tpu.dma_semaphore, #tpu.memory_space<semaphore_mem>>) src(%dma_wait3A_161 : memref<25165824xf32, #tpu.memory_space<hbm>>) dst(%dma_wait3A_157 : memref<1344xf32, #tpu.memory_space<vmem>>)
    %dma_wait3A_162 = arith.constant 9408 : i32
    %dma_wait3A_163 = tpu.memref_slice %arg7[%dma_wait3A_162] : memref<21504xf32, #tpu.memory_space<vmem>> -> memref<1344xf32, #tpu.memory_space<vmem>>
    %dma_wait3A_164 = arith.constant 9408 : i32
    %dma_wait3A_165 = tpu.memref_slice %arg6[%dma_wait3A_164] : memref<21504xi32, #tpu.memory_space<vmem>> -> memref<1344xi32, #tpu.memory_space<vmem>>
    %dma_wait3A_166 = arith.constant 0 : i32
    %dma_wait3A_167 = tpu.memref_slice %arg2[%dma_wait3A_166] : memref<25165824xf32, #tpu.memory_space<hbm>> -> memref<25165824xf32, #tpu.memory_space<hbm>>
    tpu.wait_indirect_dma semaphore(%arg8 : memref<!tpu.dma_semaphore, #tpu.memory_space<semaphore_mem>>) src(%dma_wait3A_167 : memref<25165824xf32, #tpu.memory_space<hbm>>) dst(%dma_wait3A_163 : memref<1344xf32, #tpu.memory_space<vmem>>)
    %dma_wait3A_168 = arith.constant 10752 : i32
    %dma_wait3A_169 = tpu.memref_slice %arg7[%dma_wait3A_168] : memref<21504xf32, #tpu.memory_space<vmem>> -> memref<1344xf32, #tpu.memory_space<vmem>>
    %dma_wait3A_170 = arith.constant 10752 : i32
    %dma_wait3A_171 = tpu.memref_slice %arg6[%dma_wait3A_170] : memref<21504xi32, #tpu.memory_space<vmem>> -> memref<1344xi32, #tpu.memory_space<vmem>>
    %dma_wait3A_172 = arith.constant 0 : i32
    %dma_wait3A_173 = tpu.memref_slice %arg2[%dma_wait3A_172] : memref<25165824xf32, #tpu.memory_space<hbm>> -> memref<25165824xf32, #tpu.memory_space<hbm>>
    tpu.wait_indirect_dma semaphore(%arg8 : memref<!tpu.dma_semaphore, #tpu.memory_space<semaphore_mem>>) src(%dma_wait3A_173 : memref<25165824xf32, #tpu.memory_space<hbm>>) dst(%dma_wait3A_169 : memref<1344xf32, #tpu.memory_space<vmem>>)
    %dma_wait3A_174 = arith.constant 12096 : i32
    %dma_wait3A_175 = tpu.memref_slice %arg7[%dma_wait3A_174] : memref<21504xf32, #tpu.memory_space<vmem>> -> memref<1344xf32, #tpu.memory_space<vmem>>
    %dma_wait3A_176 = arith.constant 12096 : i32
    %dma_wait3A_177 = tpu.memref_slice %arg6[%dma_wait3A_176] : memref<21504xi32, #tpu.memory_space<vmem>> -> memref<1344xi32, #tpu.memory_space<vmem>>
    %dma_wait3A_178 = arith.constant 0 : i32
    %dma_wait3A_179 = tpu.memref_slice %arg2[%dma_wait3A_178] : memref<25165824xf32, #tpu.memory_space<hbm>> -> memref<25165824xf32, #tpu.memory_space<hbm>>
    tpu.wait_indirect_dma semaphore(%arg8 : memref<!tpu.dma_semaphore, #tpu.memory_space<semaphore_mem>>) src(%dma_wait3A_179 : memref<25165824xf32, #tpu.memory_space<hbm>>) dst(%dma_wait3A_175 : memref<1344xf32, #tpu.memory_space<vmem>>)
    %dma_wait3A_180 = arith.constant 13440 : i32
    %dma_wait3A_181 = tpu.memref_slice %arg7[%dma_wait3A_180] : memref<21504xf32, #tpu.memory_space<vmem>> -> memref<1344xf32, #tpu.memory_space<vmem>>
    %dma_wait3A_182 = arith.constant 13440 : i32
    %dma_wait3A_183 = tpu.memref_slice %arg6[%dma_wait3A_182] : memref<21504xi32, #tpu.memory_space<vmem>> -> memref<1344xi32, #tpu.memory_space<vmem>>
    %dma_wait3A_184 = arith.constant 0 : i32
    %dma_wait3A_185 = tpu.memref_slice %arg2[%dma_wait3A_184] : memref<25165824xf32, #tpu.memory_space<hbm>> -> memref<25165824xf32, #tpu.memory_space<hbm>>
    tpu.wait_indirect_dma semaphore(%arg8 : memref<!tpu.dma_semaphore, #tpu.memory_space<semaphore_mem>>) src(%dma_wait3A_185 : memref<25165824xf32, #tpu.memory_space<hbm>>) dst(%dma_wait3A_181 : memref<1344xf32, #tpu.memory_space<vmem>>)
    %dma_wait3A_186 = arith.constant 14784 : i32
    %dma_wait3A_187 = tpu.memref_slice %arg7[%dma_wait3A_186] : memref<21504xf32, #tpu.memory_space<vmem>> -> memref<1344xf32, #tpu.memory_space<vmem>>
    %dma_wait3A_188 = arith.constant 14784 : i32
    %dma_wait3A_189 = tpu.memref_slice %arg6[%dma_wait3A_188] : memref<21504xi32, #tpu.memory_space<vmem>> -> memref<1344xi32, #tpu.memory_space<vmem>>
    %dma_wait3A_190 = arith.constant 0 : i32
    %dma_wait3A_191 = tpu.memref_slice %arg2[%dma_wait3A_190] : memref<25165824xf32, #tpu.memory_space<hbm>> -> memref<25165824xf32, #tpu.memory_space<hbm>>
    tpu.wait_indirect_dma semaphore(%arg8 : memref<!tpu.dma_semaphore, #tpu.memory_space<semaphore_mem>>) src(%dma_wait3A_191 : memref<25165824xf32, #tpu.memory_space<hbm>>) dst(%dma_wait3A_187 : memref<1344xf32, #tpu.memory_space<vmem>>)
    %dma_wait3A_192 = arith.constant 16128 : i32
    %dma_wait3A_193 = tpu.memref_slice %arg7[%dma_wait3A_192] : memref<21504xf32, #tpu.memory_space<vmem>> -> memref<1344xf32, #tpu.memory_space<vmem>>
    %dma_wait3A_194 = arith.constant 16128 : i32
    %dma_wait3A_195 = tpu.memref_slice %arg6[%dma_wait3A_194] : memref<21504xi32, #tpu.memory_space<vmem>> -> memref<1344xi32, #tpu.memory_space<vmem>>
    %dma_wait3A_196 = arith.constant 0 : i32
    %dma_wait3A_197 = tpu.memref_slice %arg2[%dma_wait3A_196] : memref<25165824xf32, #tpu.memory_space<hbm>> -> memref<25165824xf32, #tpu.memory_space<hbm>>
    tpu.wait_indirect_dma semaphore(%arg8 : memref<!tpu.dma_semaphore, #tpu.memory_space<semaphore_mem>>) src(%dma_wait3A_197 : memref<25165824xf32, #tpu.memory_space<hbm>>) dst(%dma_wait3A_193 : memref<1344xf32, #tpu.memory_space<vmem>>)
    %dma_wait3A_198 = arith.constant 17472 : i32
    %dma_wait3A_199 = tpu.memref_slice %arg7[%dma_wait3A_198] : memref<21504xf32, #tpu.memory_space<vmem>> -> memref<1344xf32, #tpu.memory_space<vmem>>
    %dma_wait3A_200 = arith.constant 17472 : i32
    %dma_wait3A_201 = tpu.memref_slice %arg6[%dma_wait3A_200] : memref<21504xi32, #tpu.memory_space<vmem>> -> memref<1344xi32, #tpu.memory_space<vmem>>
    %dma_wait3A_202 = arith.constant 0 : i32
    %dma_wait3A_203 = tpu.memref_slice %arg2[%dma_wait3A_202] : memref<25165824xf32, #tpu.memory_space<hbm>> -> memref<25165824xf32, #tpu.memory_space<hbm>>
    tpu.wait_indirect_dma semaphore(%arg8 : memref<!tpu.dma_semaphore, #tpu.memory_space<semaphore_mem>>) src(%dma_wait3A_203 : memref<25165824xf32, #tpu.memory_space<hbm>>) dst(%dma_wait3A_199 : memref<1344xf32, #tpu.memory_space<vmem>>)
    %dma_wait3A_204 = arith.constant 18816 : i32
    %dma_wait3A_205 = tpu.memref_slice %arg7[%dma_wait3A_204] : memref<21504xf32, #tpu.memory_space<vmem>> -> memref<1344xf32, #tpu.memory_space<vmem>>
    %dma_wait3A_206 = arith.constant 18816 : i32
    %dma_wait3A_207 = tpu.memref_slice %arg6[%dma_wait3A_206] : memref<21504xi32, #tpu.memory_space<vmem>> -> memref<1344xi32, #tpu.memory_space<vmem>>
    %dma_wait3A_208 = arith.constant 0 : i32
    %dma_wait3A_209 = tpu.memref_slice %arg2[%dma_wait3A_208] : memref<25165824xf32, #tpu.memory_space<hbm>> -> memref<25165824xf32, #tpu.memory_space<hbm>>
    tpu.wait_indirect_dma semaphore(%arg8 : memref<!tpu.dma_semaphore, #tpu.memory_space<semaphore_mem>>) src(%dma_wait3A_209 : memref<25165824xf32, #tpu.memory_space<hbm>>) dst(%dma_wait3A_205 : memref<1344xf32, #tpu.memory_space<vmem>>)
    %dma_wait3A_210 = arith.constant 20160 : i32
    %dma_wait3A_211 = tpu.memref_slice %arg7[%dma_wait3A_210] : memref<21504xf32, #tpu.memory_space<vmem>> -> memref<1344xf32, #tpu.memory_space<vmem>>
    %dma_wait3A_212 = arith.constant 20160 : i32
    %dma_wait3A_213 = tpu.memref_slice %arg6[%dma_wait3A_212] : memref<21504xi32, #tpu.memory_space<vmem>> -> memref<1344xi32, #tpu.memory_space<vmem>>
    %dma_wait3A_214 = arith.constant 0 : i32
    %dma_wait3A_215 = tpu.memref_slice %arg2[%dma_wait3A_214] : memref<25165824xf32, #tpu.memory_space<hbm>> -> memref<25165824xf32, #tpu.memory_space<hbm>>
    tpu.wait_indirect_dma semaphore(%arg8 : memref<!tpu.dma_semaphore, #tpu.memory_space<semaphore_mem>>) src(%dma_wait3A_215 : memref<25165824xf32, #tpu.memory_space<hbm>>) dst(%dma_wait3A_211 : memref<1344xf32, #tpu.memory_space<vmem>>)
    "tpu.region"() ({
      %run_scoped3A = tpu.sem_alloc : memref<!tpu.dma_semaphore, #tpu.memory_space<semaphore_mem>>
      %dma_start3A_216 = arith.constant 0 : i32
      %dma_start3A_217 = tpu.memref_slice %arg4[%select_n3A, %rem3A_18, %dma_start3A_216] : memref<8x4x21504xf32, #tpu.memory_space<hbm>> -> memref<1x1x21504xf32, #tpu.memory_space<hbm>>
      %dma_start3A_218 = tpu.memref_squeeze %dma_start3A_217 : memref<1x1x21504xf32, #tpu.memory_space<hbm>> -> memref<21504xf32, #tpu.memory_space<hbm>>
      %dma_start3A_219 = arith.constant 0 : i32
      %dma_start3A_220 = tpu.memref_slice %arg4[%select_n3A, %rem3A_18, %dma_start3A_219] : memref<8x4x21504xf32, #tpu.memory_space<hbm>> -> memref<1x1x21504xf32, #tpu.memory_space<hbm>>
      %dma_start3A_221 = tpu.memref_squeeze %dma_start3A_220 : memref<1x1x21504xf32, #tpu.memory_space<hbm>> -> memref<21504xf32, #tpu.memory_space<hbm>>
      tpu.enqueue_dma source(%arg7 : memref<21504xf32, #tpu.memory_space<vmem>>) target(%dma_start3A_221 : memref<21504xf32, #tpu.memory_space<hbm>>) target_semaphore(%run_scoped3A : memref<!tpu.dma_semaphore, #tpu.memory_space<semaphore_mem>>)
      %dma_wait3A_222 = arith.constant 0 : i32
      %dma_wait3A_223 = tpu.memref_slice %arg4[%select_n3A, %rem3A_18, %dma_wait3A_222] : memref<8x4x21504xf32, #tpu.memory_space<hbm>> -> memref<1x1x21504xf32, #tpu.memory_space<hbm>>
      %dma_wait3A_224 = tpu.memref_squeeze %dma_wait3A_223 : memref<1x1x21504xf32, #tpu.memory_space<hbm>> -> memref<21504xf32, #tpu.memory_space<hbm>>
      %dma_wait3A_225 = arith.constant 0 : i32
      %dma_wait3A_226 = tpu.memref_slice %arg4[%select_n3A, %rem3A_18, %dma_wait3A_225] : memref<8x4x21504xf32, #tpu.memory_space<hbm>> -> memref<1x1x21504xf32, #tpu.memory_space<hbm>>
      %dma_wait3A_227 = tpu.memref_squeeze %dma_wait3A_226 : memref<1x1x21504xf32, #tpu.memory_space<hbm>> -> memref<21504xf32, #tpu.memory_space<hbm>>
      tpu.wait_dma2 semaphore(%run_scoped3A : memref<!tpu.dma_semaphore, #tpu.memory_space<semaphore_mem>>) src(%arg7 : memref<21504xf32, #tpu.memory_space<vmem>>) dst(%dma_wait3A_227 : memref<21504xf32, #tpu.memory_space<hbm>>)
      tpu.yield
    }) : () -> ()
    return
  }
}

module attributes {stable_mosaic.version = 14 : i64} {
  func.func @_select_kernel(%arg0: memref<1xi32, #tpu.memory_space<smem>>, %arg1: memref<4x8x16384xf32, #tpu.memory_space<vmem>>, %arg2: memref<8x16384xi32, #tpu.memory_space<vmem>>, %arg3: memref<8x4x112xi32, #tpu.memory_space<vmem>>, %arg4: memref<8x1xi32, #tpu.memory_space<vmem>>) attributes {dimension_semantics = [], scalar_prefetch = 0 : i64, scratch_operands = 0 : i64, tpu.core_type = #tpu.core_type<tc>} {
    %get3A = arith.constant 0 : index
    %get3A_0 = arith.constant 0 : index
    %get3A_1 = arith.constant 0 : index
    %get3A_2 = vector.load %arg1[%get3A, %get3A_0, %get3A_1] : memref<4x8x16384xf32, #tpu.memory_space<vmem>>, vector<1x8x16384xf32>
    %get3A_3 = vector.shape_cast %get3A_2 : vector<1x8x16384xf32> to vector<8x16384xf32>
    %add3A = arith.constant 9.99999997E-7 : f32
    %add3A_4 = vector.broadcast %add3A : f32 to vector<8x16384xf32>
    %add3A_5 = arith.addf %get3A_3, %add3A_4 : vector<8x16384xf32>
    %log3A = math.log %add3A_5 : vector<8x16384xf32>
    %mul3A = arith.mulf %get3A_3, %log3A : vector<8x16384xf32>
    %get3A_6 = arith.constant 1 : index
    %get3A_7 = arith.constant 0 : index
    %get3A_8 = arith.constant 0 : index
    %get3A_9 = vector.load %arg1[%get3A_6, %get3A_7, %get3A_8] : memref<4x8x16384xf32, #tpu.memory_space<vmem>>, vector<1x8x16384xf32>
    %get3A_10 = vector.shape_cast %get3A_9 : vector<1x8x16384xf32> to vector<8x16384xf32>
    %add3A_11 = arith.constant 9.99999997E-7 : f32
    %add3A_12 = vector.broadcast %add3A_11 : f32 to vector<8x16384xf32>
    %add3A_13 = arith.addf %get3A_10, %add3A_12 : vector<8x16384xf32>
    %log3A_14 = math.log %add3A_13 : vector<8x16384xf32>
    %mul3A_15 = arith.mulf %get3A_10, %log3A_14 : vector<8x16384xf32>
    %add3A_16 = arith.addf %mul3A, %mul3A_15 : vector<8x16384xf32>
    %get3A_17 = arith.constant 2 : index
    %get3A_18 = arith.constant 0 : index
    %get3A_19 = arith.constant 0 : index
    %get3A_20 = vector.load %arg1[%get3A_17, %get3A_18, %get3A_19] : memref<4x8x16384xf32, #tpu.memory_space<vmem>>, vector<1x8x16384xf32>
    %get3A_21 = vector.shape_cast %get3A_20 : vector<1x8x16384xf32> to vector<8x16384xf32>
    %add3A_22 = arith.constant 9.99999997E-7 : f32
    %add3A_23 = vector.broadcast %add3A_22 : f32 to vector<8x16384xf32>
    %add3A_24 = arith.addf %get3A_21, %add3A_23 : vector<8x16384xf32>
    %log3A_25 = math.log %add3A_24 : vector<8x16384xf32>
    %mul3A_26 = arith.mulf %get3A_21, %log3A_25 : vector<8x16384xf32>
    %add3A_27 = arith.addf %add3A_16, %mul3A_26 : vector<8x16384xf32>
    %get3A_28 = arith.constant 3 : index
    %get3A_29 = arith.constant 0 : index
    %get3A_30 = arith.constant 0 : index
    %get3A_31 = vector.load %arg1[%get3A_28, %get3A_29, %get3A_30] : memref<4x8x16384xf32, #tpu.memory_space<vmem>>, vector<1x8x16384xf32>
    %get3A_32 = vector.shape_cast %get3A_31 : vector<1x8x16384xf32> to vector<8x16384xf32>
    %add3A_33 = arith.constant 9.99999997E-7 : f32
    %add3A_34 = vector.broadcast %add3A_33 : f32 to vector<8x16384xf32>
    %add3A_35 = arith.addf %get3A_32, %add3A_34 : vector<8x16384xf32>
    %log3A_36 = math.log %add3A_35 : vector<8x16384xf32>
    %mul3A_37 = arith.mulf %get3A_32, %log3A_36 : vector<8x16384xf32>
    %add3A_38 = arith.addf %add3A_27, %mul3A_37 : vector<8x16384xf32>
    %bitcast_convert_type3A = tpu.bitcast %add3A_38 : vector<8x16384xf32> -> vector<8x16384xi32>
    %shift_right_arithmetic3A = arith.constant 31 : i32
    %shift_right_arithmetic3A_39 = vector.broadcast %shift_right_arithmetic3A : i32 to vector<8x16384xi32>
    %shift_right_arithmetic3A_40 = arith.shrsi %bitcast_convert_type3A, %shift_right_arithmetic3A_39 : vector<8x16384xi32>
    %and3A = arith.constant 2147483647 : i32
    %and3A_41 = vector.broadcast %and3A : i32 to vector<8x16384xi32>
    %and3A_42 = arith.andi %shift_right_arithmetic3A_40, %and3A_41 : vector<8x16384xi32>
    %xor3A = arith.xori %bitcast_convert_type3A, %and3A_42 : vector<8x16384xi32>
    %get3A_43 = arith.constant 0 : index
    %get3A_44 = arith.constant 0 : index
    %get3A_45 = vector.load %arg2[%get3A_43, %get3A_44] : memref<8x16384xi32, #tpu.memory_space<vmem>>, vector<8x16384xi32>
    %eq3A = arith.constant 0 : i32
    %eq3A_46 = vector.broadcast %eq3A : i32 to vector<8x16384xi32>
    %eq3A_47 = arith.cmpi eq, %get3A_45, %eq3A_46 : vector<8x16384xi32>
    %not3A = arith.constant dense<true> : vector<8x16384xi1>
    %not3A_48 = arith.xori %eq3A_47, %not3A : vector<8x16384xi1>
    %convert_element_type3A = arith.extui %eq3A_47 : vector<8x16384xi1> to vector<8x16384xi32>
    %reduce_sum3A = arith.constant dense<0> : vector<8xi32>
    %reduce_sum3A_49 = vector.multi_reduction <add>, %convert_element_type3A, %reduce_sum3A [1] : vector<8x16384xi32> to vector<8xi32>
    %broadcast_in_dim3A = vector.shape_cast %reduce_sum3A_49 : vector<8xi32> to vector<8x1xi32>
    %sub3A = arith.constant 16384 : i32
    %sub3A_50 = vector.broadcast %sub3A : i32 to vector<8x1xi32>
    %sub3A_51 = arith.subi %sub3A_50, %broadcast_in_dim3A : vector<8x1xi32>
    %get3A_52 = arith.constant 0 : index
    %get3A_53 = memref.load %arg0[%get3A_52] : memref<1xi32, #tpu.memory_space<smem>>
    %jit3A = arith.constant 2 : i32
    %div3A = arith.divsi %get3A_53, %jit3A : i32
    %sign3A = arith.constant 0 : i32
    %sign3A_54 = arith.cmpi sgt, %get3A_53, %sign3A : i32
    %sign3A_55 = arith.extui %sign3A_54 : i1 to i32
    %sign3A_56 = arith.constant 0 : i32
    %sign3A_57 = arith.cmpi slt, %get3A_53, %sign3A_56 : i32
    %sign3A_58 = arith.extui %sign3A_57 : i1 to i32
    %sign3A_59 = arith.subi %sign3A_55, %sign3A_58 : i32
    %sign3A_60 = arith.constant 0 : i32
    %sign3A_61 = arith.cmpi sgt, %jit3A, %sign3A_60 : i32
    %sign3A_62 = arith.extui %sign3A_61 : i1 to i32
    %sign3A_63 = arith.constant 0 : i32
    %sign3A_64 = arith.cmpi slt, %jit3A, %sign3A_63 : i32
    %sign3A_65 = arith.extui %sign3A_64 : i1 to i32
    %sign3A_66 = arith.subi %sign3A_62, %sign3A_65 : i32
    %ne3A = arith.cmpi ne, %sign3A_59, %sign3A_66 : i32
    %rem3A = arith.remsi %get3A_53, %jit3A : i32
    %ne3A_67 = arith.constant 0 : i32
    %ne3A_68 = arith.cmpi ne, %rem3A, %ne3A_67 : i32
    %and3A_69 = arith.andi %ne3A, %ne3A_68 : i1
    %sub3A_70 = arith.constant 1 : i32
    %sub3A_71 = arith.subi %div3A, %sub3A_70 : i32
    %select_n3A = arith.select %and3A_69, %sub3A_71, %div3A : i32
    %min3A = vector.broadcast %select_n3A : i32 to vector<8x1xi32>
    %min3A_72 = arith.minsi %min3A, %broadcast_in_dim3A : vector<8x1xi32>
    %sub3A_73 = vector.broadcast %get3A_53 : i32 to vector<8x1xi32>
    %sub3A_74 = arith.subi %sub3A_73, %min3A_72 : vector<8x1xi32>
    %min3A_75 = arith.minsi %sub3A_74, %sub3A_51 : vector<8x1xi32>
    %broadcast_in_dim3A_76 = arith.constant -2147483648 : i32
    %broadcast_in_dim3A_77 = vector.broadcast %broadcast_in_dim3A_76 : i32 to vector<8x1xi32>
    %broadcast_in_dim3A_78 = arith.constant 2147483647 : i32
    %broadcast_in_dim3A_79 = vector.broadcast %broadcast_in_dim3A_78 : i32 to vector<8x1xi32>
    %scan3A = arith.constant 0 : i32
    %scan3A_80 = arith.constant 32 : i32
    %scan3A_81 = arith.addi %scan3A, %scan3A_80 : i32
    %scan3A_82 = arith.constant 1 : i32
    %scan3A_83:4 = scf.for %scan3A_1133 = %scan3A to %scan3A_81 step %scan3A_82 iter_args(%scan3A_1134 = %broadcast_in_dim3A_77, %scan3A_1135 = %broadcast_in_dim3A_79, %scan3A_1136 = %broadcast_in_dim3A_77, %scan3A_1137 = %broadcast_in_dim3A_79) -> (vector<8x1xi32>, vector<8x1xi32>, vector<8x1xi32>, vector<8x1xi32>)  : i32 {
      %shift_right_arithmetic3A_1138 = arith.constant 1 : i32
      %shift_right_arithmetic3A_1139 = vector.broadcast %shift_right_arithmetic3A_1138 : i32 to vector<8x1xi32>
      %shift_right_arithmetic3A_1140 = arith.shrsi %scan3A_1134, %shift_right_arithmetic3A_1139 : vector<8x1xi32>
      %shift_right_arithmetic3A_1141 = arith.constant 1 : i32
      %shift_right_arithmetic3A_1142 = vector.broadcast %shift_right_arithmetic3A_1141 : i32 to vector<8x1xi32>
      %shift_right_arithmetic3A_1143 = arith.shrsi %scan3A_1135, %shift_right_arithmetic3A_1142 : vector<8x1xi32>
      %add3A_1144 = arith.addi %shift_right_arithmetic3A_1140, %shift_right_arithmetic3A_1143 : vector<8x1xi32>
      %and3A_1145 = arith.andi %scan3A_1134, %scan3A_1135 : vector<8x1xi32>
      %and3A_1146 = arith.constant 1 : i32
      %and3A_1147 = vector.broadcast %and3A_1146 : i32 to vector<8x1xi32>
      %and3A_1148 = arith.andi %and3A_1145, %and3A_1147 : vector<8x1xi32>
      %add3A_1149 = arith.addi %add3A_1144, %and3A_1148 : vector<8x1xi32>
      %shift_right_arithmetic3A_1150 = arith.constant 1 : i32
      %shift_right_arithmetic3A_1151 = vector.broadcast %shift_right_arithmetic3A_1150 : i32 to vector<8x1xi32>
      %shift_right_arithmetic3A_1152 = arith.shrsi %scan3A_1136, %shift_right_arithmetic3A_1151 : vector<8x1xi32>
      %shift_right_arithmetic3A_1153 = arith.constant 1 : i32
      %shift_right_arithmetic3A_1154 = vector.broadcast %shift_right_arithmetic3A_1153 : i32 to vector<8x1xi32>
      %shift_right_arithmetic3A_1155 = arith.shrsi %scan3A_1137, %shift_right_arithmetic3A_1154 : vector<8x1xi32>
      %add3A_1156 = arith.addi %shift_right_arithmetic3A_1152, %shift_right_arithmetic3A_1155 : vector<8x1xi32>
      %and3A_1157 = arith.andi %scan3A_1136, %scan3A_1137 : vector<8x1xi32>
      %and3A_1158 = arith.constant 1 : i32
      %and3A_1159 = vector.broadcast %and3A_1158 : i32 to vector<8x1xi32>
      %and3A_1160 = arith.andi %and3A_1157, %and3A_1159 : vector<8x1xi32>
      %add3A_1161 = arith.addi %add3A_1156, %and3A_1160 : vector<8x1xi32>
      %broadcast_in_dim3A_1162 = vector.shape_cast %add3A_1149 : vector<8x1xi32> to vector<8x1xi32>
      %broadcast_in_dim3A_1163 = vector.broadcast %broadcast_in_dim3A_1162 : vector<8x1xi32> to vector<8x16384xi32>
      %broadcast_in_dim3A_1164 = vector.shape_cast %add3A_1161 : vector<8x1xi32> to vector<8x1xi32>
      %broadcast_in_dim3A_1165 = vector.broadcast %broadcast_in_dim3A_1164 : vector<8x1xi32> to vector<8x16384xi32>
      %select_n3A_1166 = arith.select %eq3A_47, %broadcast_in_dim3A_1163, %broadcast_in_dim3A_1165 : vector<8x16384xi1>, vector<8x16384xi32>
      %ge3A = arith.cmpi sge, %xor3A, %select_n3A_1166 : vector<8x16384xi32>
      %and3A_1167 = arith.andi %eq3A_47, %ge3A : vector<8x16384xi1>
      %convert_element_type3A_1168 = arith.extui %and3A_1167 : vector<8x16384xi1> to vector<8x16384xi32>
      %reduce_sum3A_1169 = arith.constant dense<0> : vector<8xi32>
      %reduce_sum3A_1170 = vector.multi_reduction <add>, %convert_element_type3A_1168, %reduce_sum3A_1169 [1] : vector<8x16384xi32> to vector<8xi32>
      %broadcast_in_dim3A_1171 = vector.shape_cast %reduce_sum3A_1170 : vector<8xi32> to vector<8x1xi32>
      %and3A_1172 = arith.andi %not3A_48, %ge3A : vector<8x16384xi1>
      %convert_element_type3A_1173 = arith.extui %and3A_1172 : vector<8x16384xi1> to vector<8x16384xi32>
      %reduce_sum3A_1174 = arith.constant dense<0> : vector<8xi32>
      %reduce_sum3A_1175 = vector.multi_reduction <add>, %convert_element_type3A_1173, %reduce_sum3A_1174 [1] : vector<8x16384xi32> to vector<8xi32>
      %broadcast_in_dim3A_1176 = vector.shape_cast %reduce_sum3A_1175 : vector<8xi32> to vector<8x1xi32>
      %ge3A_1177 = arith.cmpi sge, %broadcast_in_dim3A_1171, %min3A_72 : vector<8x1xi32>
      %ge3A_1178 = arith.cmpi sge, %broadcast_in_dim3A_1176, %min3A_75 : vector<8x1xi32>
      %select_n3A_1179 = arith.select %ge3A_1177, %add3A_1149, %scan3A_1134 : vector<8x1xi1>, vector<8x1xi32>
      %select_n3A_1180 = arith.select %ge3A_1177, %scan3A_1135, %add3A_1149 : vector<8x1xi1>, vector<8x1xi32>
      %select_n3A_1181 = arith.select %ge3A_1178, %add3A_1161, %scan3A_1136 : vector<8x1xi1>, vector<8x1xi32>
      %select_n3A_1182 = arith.select %ge3A_1178, %scan3A_1137, %add3A_1161 : vector<8x1xi1>, vector<8x1xi32>
      scf.yield %select_n3A_1179, %select_n3A_1180, %select_n3A_1181, %select_n3A_1182 : vector<8x1xi32>, vector<8x1xi32>, vector<8x1xi32>, vector<8x1xi32>
    }
    %gt3A = vector.broadcast %scan3A_83#0 : vector<8x1xi32> to vector<8x16384xi32>
    %gt3A_84 = arith.cmpi sgt, %xor3A, %gt3A : vector<8x16384xi32>
    %and3A_85 = arith.andi %eq3A_47, %gt3A_84 : vector<8x16384xi1>
    %convert_element_type3A_86 = arith.extui %and3A_85 : vector<8x16384xi1> to vector<8x16384xi32>
    %reduce_sum3A_87 = arith.constant dense<0> : vector<8xi32>
    %reduce_sum3A_88 = vector.multi_reduction <add>, %convert_element_type3A_86, %reduce_sum3A_87 [1] : vector<8x16384xi32> to vector<8xi32>
    %broadcast_in_dim3A_89 = vector.shape_cast %reduce_sum3A_88 : vector<8xi32> to vector<8x1xi32>
    %sub3A_90 = arith.subi %min3A_72, %broadcast_in_dim3A_89 : vector<8x1xi32>
    %convert_element_type3A_91 = arith.sitofp %sub3A_90 : vector<8x1xi32> to vector<8x1xf32>
    %gt3A_92 = vector.broadcast %scan3A_83#2 : vector<8x1xi32> to vector<8x16384xi32>
    %gt3A_93 = arith.cmpi sgt, %xor3A, %gt3A_92 : vector<8x16384xi32>
    %and3A_94 = arith.andi %not3A_48, %gt3A_93 : vector<8x16384xi1>
    %convert_element_type3A_95 = arith.extui %and3A_94 : vector<8x16384xi1> to vector<8x16384xi32>
    %reduce_sum3A_96 = arith.constant dense<0> : vector<8xi32>
    %reduce_sum3A_97 = vector.multi_reduction <add>, %convert_element_type3A_95, %reduce_sum3A_96 [1] : vector<8x16384xi32> to vector<8xi32>
    %broadcast_in_dim3A_98 = vector.shape_cast %reduce_sum3A_97 : vector<8xi32> to vector<8x1xi32>
    %sub3A_99 = arith.subi %min3A_75, %broadcast_in_dim3A_98 : vector<8x1xi32>
    %convert_element_type3A_100 = arith.sitofp %sub3A_99 : vector<8x1xi32> to vector<8x1xf32>
    %iota3A = tpu.iota {dimensions = array<i32: 0>} : vector<128x128xi32>
    %iota3A_101 = tpu.iota {dimensions = array<i32: 1>} : vector<128x128xi32>
    %le3A = arith.cmpi sle, %iota3A, %iota3A_101 : vector<128x128xi32>
    %convert_element_type3A_102 = arith.extui %le3A : vector<128x128xi1> to vector<128x128xi32>
    %convert_element_type3A_103 = arith.sitofp %convert_element_type3A_102 : vector<128x128xi32> to vector<128x128xf32>
    %lt3A = arith.cmpi slt, %iota3A_101, %iota3A : vector<128x128xi32>
    %convert_element_type3A_104 = arith.extui %lt3A : vector<128x128xi1> to vector<128x128xi32>
    %convert_element_type3A_105 = arith.sitofp %convert_element_type3A_104 : vector<128x128xi32> to vector<128x128xf32>
    %broadcast_in_dim3A_106 = arith.constant 1.000000e+00 : f32
    %broadcast_in_dim3A_107 = vector.broadcast %broadcast_in_dim3A_106 : f32 to vector<128x128xf32>
    %eq3A_108 = arith.cmpi eq, %iota3A, %iota3A_101 : vector<128x128xi32>
    %convert_element_type3A_109 = arith.extui %eq3A_108 : vector<128x128xi1> to vector<128x128xi32>
    %convert_element_type3A_110 = arith.sitofp %convert_element_type3A_109 : vector<128x128xi32> to vector<128x128xf32>
    %iota3A_111 = tpu.iota {dimensions = array<i32: 2>} : vector<1x1x128xi32>
    %convert_element_type3A_112 = arith.sitofp %iota3A_111 : vector<1x1x128xi32> to vector<1x1x128xf32>
    %iota3A_113 = tpu.iota {dimensions = array<i32: 0>} : vector<4x112xi32>
    %mul3A_114 = arith.constant 112 : i32
    %mul3A_115 = vector.broadcast %mul3A_114 : i32 to vector<4x112xi32>
    %mul3A_116 = arith.muli %iota3A_113, %mul3A_115 : vector<4x112xi32>
    %iota3A_117 = tpu.iota {dimensions = array<i32: 1>} : vector<4x112xi32>
    %add3A_118 = arith.addi %mul3A_116, %iota3A_117 : vector<4x112xi32>
    %convert_element_type3A_119 = arith.sitofp %add3A_118 : vector<4x112xi32> to vector<4x112xf32>
    %slice3A = vector.extract_strided_slice %xor3A {offsets = [0, 0], sizes = [1, 16384], strides = [1, 1]} : vector<8x16384xi32> to vector<1x16384xi32>
    %squeeze3A = vector.shape_cast %slice3A : vector<1x16384xi32> to vector<16384xi32>
    %reshape3A = vector.shape_cast %squeeze3A : vector<16384xi32> to vector<128x128xi32>
    %slice3A_120 = vector.extract_strided_slice %get3A_45 {offsets = [0, 0], sizes = [1, 16384], strides = [1, 1]} : vector<8x16384xi32> to vector<1x16384xi32>
    %squeeze3A_121 = vector.shape_cast %slice3A_120 : vector<1x16384xi32> to vector<16384xi32>
    %reshape3A_122 = vector.shape_cast %squeeze3A_121 : vector<16384xi32> to vector<128x128xi32>
    %eq3A_123 = arith.constant 0 : i32
    %eq3A_124 = vector.broadcast %eq3A_123 : i32 to vector<128x128xi32>
    %eq3A_125 = arith.cmpi eq, %reshape3A_122, %eq3A_124 : vector<128x128xi32>
    %not3A_126 = arith.constant dense<true> : vector<128x128xi1>
    %not3A_127 = arith.xori %eq3A_125, %not3A_126 : vector<128x128xi1>
    %slice3A_128 = vector.extract_strided_slice %scan3A_83#0 {offsets = [0, 0], sizes = [1, 1], strides = [1, 1]} : vector<8x1xi32> to vector<1x1xi32>
    %slice3A_129 = vector.extract_strided_slice %scan3A_83#2 {offsets = [0, 0], sizes = [1, 1], strides = [1, 1]} : vector<8x1xi32> to vector<1x1xi32>
    %slice3A_130 = vector.extract_strided_slice %convert_element_type3A_91 {offsets = [0, 0], sizes = [1, 1], strides = [1, 1]} : vector<8x1xf32> to vector<1x1xf32>
    %slice3A_131 = vector.extract_strided_slice %convert_element_type3A_100 {offsets = [0, 0], sizes = [1, 1], strides = [1, 1]} : vector<8x1xf32> to vector<1x1xf32>
    %eq3A_132 = vector.broadcast %slice3A_128 : vector<1x1xi32> to vector<128x128xi32>
    %eq3A_133 = arith.cmpi eq, %reshape3A, %eq3A_132 : vector<128x128xi32>
    %and3A_134 = arith.andi %eq3A_125, %eq3A_133 : vector<128x128xi1>
    %convert_element_type3A_135 = arith.extui %and3A_134 : vector<128x128xi1> to vector<128x128xi32>
    %convert_element_type3A_136 = arith.sitofp %convert_element_type3A_135 : vector<128x128xi32> to vector<128x128xf32>
    %eq3A_137 = vector.broadcast %slice3A_129 : vector<1x1xi32> to vector<128x128xi32>
    %eq3A_138 = arith.cmpi eq, %reshape3A, %eq3A_137 : vector<128x128xi32>
    %and3A_139 = arith.andi %not3A_127, %eq3A_138 : vector<128x128xi1>
    %convert_element_type3A_140 = arith.extui %and3A_139 : vector<128x128xi1> to vector<128x128xi32>
    %convert_element_type3A_141 = arith.sitofp %convert_element_type3A_140 : vector<128x128xi32> to vector<128x128xf32>
    %dot_general3A = arith.constant dense<0.000000e+00> : vector<128x128xf32>
    %dot_general3A_142 = tpu.matmul %convert_element_type3A_136, %convert_element_type3A_103, %dot_general3A {dimension_numbers = #tpu.dot_dimension_numbers<[1], [0], [0], [1], [0, 0, 1, 1], [], []>, transpose_lhs_hint = false} : vector<128x128xf32>, vector<128x128xf32>, vector<128x128xf32> -> vector<128x128xf32>
    %sub3A_143 = arith.subf %dot_general3A_142, %convert_element_type3A_136 : vector<128x128xf32>
    %dot_general3A_144 = arith.constant dense<0.000000e+00> : vector<128x128xf32>
    %dot_general3A_145 = tpu.matmul %convert_element_type3A_136, %broadcast_in_dim3A_107, %dot_general3A_144 {dimension_numbers = #tpu.dot_dimension_numbers<[1], [0], [0], [1], [0, 0, 1, 1], [], []>, transpose_lhs_hint = false} : vector<128x128xf32>, vector<128x128xf32>, vector<128x128xf32> -> vector<128x128xf32>
    %dot_general3A_146 = arith.constant dense<0.000000e+00> : vector<128x128xf32>
    %dot_general3A_147 = tpu.matmul %convert_element_type3A_105, %dot_general3A_145, %dot_general3A_146 {dimension_numbers = #tpu.dot_dimension_numbers<[1], [0], [0], [1], [0, 0, 1, 1], [], []>, transpose_lhs_hint = false} : vector<128x128xf32>, vector<128x128xf32>, vector<128x128xf32> -> vector<128x128xf32>
    %add3A_148 = arith.addf %sub3A_143, %dot_general3A_147 : vector<128x128xf32>
    %dot_general3A_149 = arith.constant dense<0.000000e+00> : vector<128x128xf32>
    %dot_general3A_150 = tpu.matmul %convert_element_type3A_141, %convert_element_type3A_103, %dot_general3A_149 {dimension_numbers = #tpu.dot_dimension_numbers<[1], [0], [0], [1], [0, 0, 1, 1], [], []>, transpose_lhs_hint = false} : vector<128x128xf32>, vector<128x128xf32>, vector<128x128xf32> -> vector<128x128xf32>
    %sub3A_151 = arith.subf %dot_general3A_150, %convert_element_type3A_141 : vector<128x128xf32>
    %dot_general3A_152 = arith.constant dense<0.000000e+00> : vector<128x128xf32>
    %dot_general3A_153 = tpu.matmul %convert_element_type3A_141, %broadcast_in_dim3A_107, %dot_general3A_152 {dimension_numbers = #tpu.dot_dimension_numbers<[1], [0], [0], [1], [0, 0, 1, 1], [], []>, transpose_lhs_hint = false} : vector<128x128xf32>, vector<128x128xf32>, vector<128x128xf32> -> vector<128x128xf32>
    %dot_general3A_154 = arith.constant dense<0.000000e+00> : vector<128x128xf32>
    %dot_general3A_155 = tpu.matmul %convert_element_type3A_105, %dot_general3A_153, %dot_general3A_154 {dimension_numbers = #tpu.dot_dimension_numbers<[1], [0], [0], [1], [0, 0, 1, 1], [], []>, transpose_lhs_hint = false} : vector<128x128xf32>, vector<128x128xf32>, vector<128x128xf32> -> vector<128x128xf32>
    %add3A_156 = arith.addf %sub3A_151, %dot_general3A_155 : vector<128x128xf32>
    %gt3A_157 = vector.broadcast %slice3A_128 : vector<1x1xi32> to vector<128x128xi32>
    %gt3A_158 = arith.cmpi sgt, %reshape3A, %gt3A_157 : vector<128x128xi32>
    %eq3A_159 = vector.broadcast %slice3A_128 : vector<1x1xi32> to vector<128x128xi32>
    %eq3A_160 = arith.cmpi eq, %reshape3A, %eq3A_159 : vector<128x128xi32>
    %lt3A_161 = vector.broadcast %slice3A_130 : vector<1x1xf32> to vector<128x128xf32>
    %lt3A_162 = arith.cmpf olt, %add3A_148, %lt3A_161 : vector<128x128xf32>
    %and3A_163 = arith.andi %eq3A_160, %lt3A_162 : vector<128x128xi1>
    %or3A = arith.ori %gt3A_158, %and3A_163 : vector<128x128xi1>
    %and3A_164 = arith.andi %eq3A_125, %or3A : vector<128x128xi1>
    %gt3A_165 = vector.broadcast %slice3A_129 : vector<1x1xi32> to vector<128x128xi32>
    %gt3A_166 = arith.cmpi sgt, %reshape3A, %gt3A_165 : vector<128x128xi32>
    %eq3A_167 = vector.broadcast %slice3A_129 : vector<1x1xi32> to vector<128x128xi32>
    %eq3A_168 = arith.cmpi eq, %reshape3A, %eq3A_167 : vector<128x128xi32>
    %lt3A_169 = vector.broadcast %slice3A_131 : vector<1x1xf32> to vector<128x128xf32>
    %lt3A_170 = arith.cmpf olt, %add3A_156, %lt3A_169 : vector<128x128xf32>
    %and3A_171 = arith.andi %eq3A_168, %lt3A_170 : vector<128x128xi1>
    %or3A_172 = arith.ori %gt3A_166, %and3A_171 : vector<128x128xi1>
    %and3A_173 = arith.andi %not3A_127, %or3A_172 : vector<128x128xi1>
    %or3A_174 = arith.ori %and3A_164, %and3A_173 : vector<128x128xi1>
    %convert_element_type3A_175 = arith.extui %or3A_174 : vector<128x128xi1> to vector<128x128xi32>
    %convert_element_type3A_176 = arith.sitofp %convert_element_type3A_175 : vector<128x128xi32> to vector<128x128xf32>
    %convert_element_type3A_177 = arith.fptosi %convert_element_type3A_176 : vector<128x128xf32> to vector<128x128xi32>
    %reduce_sum3A_178 = vector.shape_cast %convert_element_type3A_177 : vector<128x128xi32> to vector<1x128x128xi32>
    %reduce_sum3A_179 = arith.constant dense<0> : vector<1xi32>
    %reduce_sum3A_180 = vector.multi_reduction <add>, %reduce_sum3A_178, %reduce_sum3A_179 [1, 2] : vector<1x128x128xi32> to vector<1xi32>
    %reduce_sum3A_181 = vector.shape_cast %reduce_sum3A_180 : vector<1xi32> to vector<1x1x1xi32>
    %reduce_sum3A_182 = vector.extract %reduce_sum3A_181[0, 0, 0] : i32 from vector<1x1x1xi32>
    %broadcast_in_dim3A_183 = vector.broadcast %reduce_sum3A_182 : i32 to vector<1x1xi32>
    %dot_general3A_184 = arith.constant dense<0.000000e+00> : vector<128x128xf32>
    %dot_general3A_185 = tpu.matmul %convert_element_type3A_176, %convert_element_type3A_103, %dot_general3A_184 {dimension_numbers = #tpu.dot_dimension_numbers<[1], [0], [0], [1], [0, 0, 1, 1], [], []>, transpose_lhs_hint = false} : vector<128x128xf32>, vector<128x128xf32>, vector<128x128xf32> -> vector<128x128xf32>
    %dot_general3A_186 = arith.constant dense<0.000000e+00> : vector<128x128xf32>
    %dot_general3A_187 = tpu.matmul %convert_element_type3A_176, %broadcast_in_dim3A_107, %dot_general3A_186 {dimension_numbers = #tpu.dot_dimension_numbers<[1], [0], [0], [1], [0, 0, 1, 1], [], []>, transpose_lhs_hint = false} : vector<128x128xf32>, vector<128x128xf32>, vector<128x128xf32> -> vector<128x128xf32>
    %dot_general3A_188 = arith.constant dense<0.000000e+00> : vector<128x128xf32>
    %dot_general3A_189 = tpu.matmul %convert_element_type3A_105, %dot_general3A_187, %dot_general3A_188 {dimension_numbers = #tpu.dot_dimension_numbers<[1], [0], [0], [1], [0, 0, 1, 1], [], []>, transpose_lhs_hint = false} : vector<128x128xf32>, vector<128x128xf32>, vector<128x128xf32> -> vector<128x128xf32>
    %dot_general3A_190 = arith.constant dense<0.000000e+00> : vector<128x128xf32>
    %dot_general3A_191 = tpu.matmul %dot_general3A_189, %convert_element_type3A_110, %dot_general3A_190 {dimension_numbers = #tpu.dot_dimension_numbers<[0], [0], [1], [1], [0, 1, 1, 1], [], []>, transpose_lhs_hint = false} : vector<128x128xf32>, vector<128x128xf32>, vector<128x128xf32> -> vector<128x128xf32>
    %slice3A_192 = vector.extract_strided_slice %dot_general3A_191 {offsets = [0, 0], sizes = [1, 128], strides = [1, 1]} : vector<128x128xf32> to vector<1x128xf32>
    %reshape3A_193 = vector.shape_cast %slice3A_192 : vector<1x128xf32> to vector<1x1x128xf32>
    %broadcast_in_dim3A_194 = vector.shape_cast %convert_element_type3A_119 : vector<4x112xf32> to vector<4x112x1xf32>
    %le3A_195 = vector.broadcast %reshape3A_193 : vector<1x1x128xf32> to vector<4x112x128xf32>
    %le3A_196 = vector.broadcast %broadcast_in_dim3A_194 : vector<4x112x1xf32> to vector<4x112x128xf32>
    %le3A_197 = arith.cmpf ole, %le3A_195, %le3A_196 : vector<4x112x128xf32>
    %convert_element_type3A_198 = arith.extui %le3A_197 : vector<4x112x128xi1> to vector<4x112x128xi32>
    %convert_element_type3A_199 = arith.sitofp %convert_element_type3A_198 : vector<4x112x128xi32> to vector<4x112x128xf32>
    %reduce_sum3A_200 = arith.constant dense<0.000000e+00> : vector<4x112xf32>
    %reduce_sum3A_201 = vector.multi_reduction <add>, %convert_element_type3A_199, %reduce_sum3A_200 [2] : vector<4x112x128xf32> to vector<4x112xf32>
    %sub3A_202 = arith.constant 1.000000e+00 : f32
    %sub3A_203 = vector.broadcast %sub3A_202 : f32 to vector<4x112xf32>
    %sub3A_204 = arith.subf %reduce_sum3A_201, %sub3A_203 : vector<4x112xf32>
    %broadcast_in_dim3A_205 = vector.shape_cast %sub3A_204 : vector<4x112xf32> to vector<4x112x1xf32>
    %eq3A_206 = vector.broadcast %broadcast_in_dim3A_205 : vector<4x112x1xf32> to vector<4x112x128xf32>
    %eq3A_207 = vector.broadcast %convert_element_type3A_112 : vector<1x1x128xf32> to vector<4x112x128xf32>
    %eq3A_208 = arith.cmpf oeq, %eq3A_206, %eq3A_207 : vector<4x112x128xf32>
    %convert_element_type3A_209 = arith.extui %eq3A_208 : vector<4x112x128xi1> to vector<4x112x128xi32>
    %convert_element_type3A_210 = arith.sitofp %convert_element_type3A_209 : vector<4x112x128xi32> to vector<4x112x128xf32>
    %dot_general3A_211 = arith.constant dense<0.000000e+00> : vector<4x112x128xf32>
    %dot_general3A_212 = tpu.matmul %convert_element_type3A_210, %dot_general3A_185, %dot_general3A_211 {dimension_numbers = #tpu.dot_dimension_numbers<[2], [0], [0, 1], [1], [0, 0, 0, 1, 1, 1], [], []>, transpose_lhs_hint = false} : vector<4x112x128xf32>, vector<128x128xf32>, vector<4x112x128xf32> -> vector<4x112x128xf32>
    %dot_general3A_213 = arith.constant dense<0.000000e+00> : vector<4x112x128xf32>
    %dot_general3A_214 = tpu.matmul %convert_element_type3A_210, %convert_element_type3A_176, %dot_general3A_213 {dimension_numbers = #tpu.dot_dimension_numbers<[2], [0], [0, 1], [1], [0, 0, 0, 1, 1, 1], [], []>, transpose_lhs_hint = false} : vector<4x112x128xf32>, vector<128x128xf32>, vector<4x112x128xf32> -> vector<4x112x128xf32>
    %dot_general3A_215 = arith.constant dense<0.000000e+00> : vector<4x112x128xf32>
    %dot_general3A_216 = tpu.matmul %convert_element_type3A_210, %dot_general3A_189, %dot_general3A_215 {dimension_numbers = #tpu.dot_dimension_numbers<[2], [0], [0, 1], [1], [0, 0, 0, 1, 1, 1], [], []>, transpose_lhs_hint = false} : vector<4x112x128xf32>, vector<128x128xf32>, vector<4x112x128xf32> -> vector<4x112x128xf32>
    %broadcast_in_dim3A_217 = vector.shape_cast %convert_element_type3A_119 : vector<4x112xf32> to vector<4x112x1xf32>
    %sub3A_218 = vector.broadcast %broadcast_in_dim3A_217 : vector<4x112x1xf32> to vector<4x112x128xf32>
    %sub3A_219 = arith.subf %sub3A_218, %dot_general3A_216 : vector<4x112x128xf32>
    %add3A_220 = arith.constant 1.000000e+00 : f32
    %add3A_221 = vector.broadcast %add3A_220 : f32 to vector<4x112x128xf32>
    %add3A_222 = arith.addf %sub3A_219, %add3A_221 : vector<4x112x128xf32>
    %eq3A_223 = arith.cmpf oeq, %dot_general3A_212, %add3A_222 : vector<4x112x128xf32>
    %convert_element_type3A_224 = arith.extui %eq3A_223 : vector<4x112x128xi1> to vector<4x112x128xi32>
    %convert_element_type3A_225 = arith.sitofp %convert_element_type3A_224 : vector<4x112x128xi32> to vector<4x112x128xf32>
    %mul3A_226 = arith.mulf %convert_element_type3A_225, %dot_general3A_214 : vector<4x112x128xf32>
    %mul3A_227 = vector.broadcast %convert_element_type3A_112 : vector<1x1x128xf32> to vector<4x112x128xf32>
    %mul3A_228 = arith.mulf %mul3A_226, %mul3A_227 : vector<4x112x128xf32>
    %reduce_sum3A_229 = arith.constant dense<0.000000e+00> : vector<4x112xf32>
    %reduce_sum3A_230 = vector.multi_reduction <add>, %mul3A_228, %reduce_sum3A_229 [2] : vector<4x112x128xf32> to vector<4x112xf32>
    %mul3A_231 = arith.constant 1.280000e+02 : f32
    %mul3A_232 = vector.broadcast %mul3A_231 : f32 to vector<4x112xf32>
    %mul3A_233 = arith.mulf %mul3A_232, %sub3A_204 : vector<4x112xf32>
    %add3A_234 = arith.addf %mul3A_233, %reduce_sum3A_230 : vector<4x112xf32>
    %convert_element_type3A_235 = arith.fptosi %add3A_234 : vector<4x112xf32> to vector<4x112xi32>
    %swap3A = arith.constant 0 : index
    %swap3A_236 = arith.constant 0 : index
    %swap3A_237 = arith.constant 0 : index
    %swap3A_238 = vector.load %arg3[%swap3A, %swap3A_236, %swap3A_237] : memref<8x4x112xi32, #tpu.memory_space<vmem>>, vector<1x4x112xi32>
    %swap3A_239 = vector.shape_cast %swap3A_238 : vector<1x4x112xi32> to vector<4x112xi32>
    %swap3A_240 = vector.shape_cast %convert_element_type3A_235 : vector<4x112xi32> to vector<1x4x112xi32>
    tpu.vector_store %arg3[%swap3A, %swap3A_236, %swap3A_237], %swap3A_240 {strides = array<i32>} : memref<8x4x112xi32, #tpu.memory_space<vmem>>, vector<1x4x112xi32>,
    %slice3A_241 = vector.extract_strided_slice %xor3A {offsets = [1, 0], sizes = [1, 16384], strides = [1, 1]} : vector<8x16384xi32> to vector<1x16384xi32>
    %squeeze3A_242 = vector.shape_cast %slice3A_241 : vector<1x16384xi32> to vector<16384xi32>
    %reshape3A_243 = vector.shape_cast %squeeze3A_242 : vector<16384xi32> to vector<128x128xi32>
    %slice3A_244 = vector.extract_strided_slice %get3A_45 {offsets = [1, 0], sizes = [1, 16384], strides = [1, 1]} : vector<8x16384xi32> to vector<1x16384xi32>
    %squeeze3A_245 = vector.shape_cast %slice3A_244 : vector<1x16384xi32> to vector<16384xi32>
    %reshape3A_246 = vector.shape_cast %squeeze3A_245 : vector<16384xi32> to vector<128x128xi32>
    %eq3A_247 = arith.constant 0 : i32
    %eq3A_248 = vector.broadcast %eq3A_247 : i32 to vector<128x128xi32>
    %eq3A_249 = arith.cmpi eq, %reshape3A_246, %eq3A_248 : vector<128x128xi32>
    %not3A_250 = arith.constant dense<true> : vector<128x128xi1>
    %not3A_251 = arith.xori %eq3A_249, %not3A_250 : vector<128x128xi1>
    %slice3A_252 = vector.extract_strided_slice %scan3A_83#0 {offsets = [1, 0], sizes = [1, 1], strides = [1, 1]} : vector<8x1xi32> to vector<1x1xi32>
    %slice3A_253 = vector.extract_strided_slice %scan3A_83#2 {offsets = [1, 0], sizes = [1, 1], strides = [1, 1]} : vector<8x1xi32> to vector<1x1xi32>
    %slice3A_254 = vector.extract_strided_slice %convert_element_type3A_91 {offsets = [1, 0], sizes = [1, 1], strides = [1, 1]} : vector<8x1xf32> to vector<1x1xf32>
    %slice3A_255 = vector.extract_strided_slice %convert_element_type3A_100 {offsets = [1, 0], sizes = [1, 1], strides = [1, 1]} : vector<8x1xf32> to vector<1x1xf32>
    %eq3A_256 = vector.broadcast %slice3A_252 : vector<1x1xi32> to vector<128x128xi32>
    %eq3A_257 = arith.cmpi eq, %reshape3A_243, %eq3A_256 : vector<128x128xi32>
    %and3A_258 = arith.andi %eq3A_249, %eq3A_257 : vector<128x128xi1>
    %convert_element_type3A_259 = arith.extui %and3A_258 : vector<128x128xi1> to vector<128x128xi32>
    %convert_element_type3A_260 = arith.sitofp %convert_element_type3A_259 : vector<128x128xi32> to vector<128x128xf32>
    %eq3A_261 = vector.broadcast %slice3A_253 : vector<1x1xi32> to vector<128x128xi32>
    %eq3A_262 = arith.cmpi eq, %reshape3A_243, %eq3A_261 : vector<128x128xi32>
    %and3A_263 = arith.andi %not3A_251, %eq3A_262 : vector<128x128xi1>
    %convert_element_type3A_264 = arith.extui %and3A_263 : vector<128x128xi1> to vector<128x128xi32>
    %convert_element_type3A_265 = arith.sitofp %convert_element_type3A_264 : vector<128x128xi32> to vector<128x128xf32>
    %dot_general3A_266 = arith.constant dense<0.000000e+00> : vector<128x128xf32>
    %dot_general3A_267 = tpu.matmul %convert_element_type3A_260, %convert_element_type3A_103, %dot_general3A_266 {dimension_numbers = #tpu.dot_dimension_numbers<[1], [0], [0], [1], [0, 0, 1, 1], [], []>, transpose_lhs_hint = false} : vector<128x128xf32>, vector<128x128xf32>, vector<128x128xf32> -> vector<128x128xf32>
    %sub3A_268 = arith.subf %dot_general3A_267, %convert_element_type3A_260 : vector<128x128xf32>
    %dot_general3A_269 = arith.constant dense<0.000000e+00> : vector<128x128xf32>
    %dot_general3A_270 = tpu.matmul %convert_element_type3A_260, %broadcast_in_dim3A_107, %dot_general3A_269 {dimension_numbers = #tpu.dot_dimension_numbers<[1], [0], [0], [1], [0, 0, 1, 1], [], []>, transpose_lhs_hint = false} : vector<128x128xf32>, vector<128x128xf32>, vector<128x128xf32> -> vector<128x128xf32>
    %dot_general3A_271 = arith.constant dense<0.000000e+00> : vector<128x128xf32>
    %dot_general3A_272 = tpu.matmul %convert_element_type3A_105, %dot_general3A_270, %dot_general3A_271 {dimension_numbers = #tpu.dot_dimension_numbers<[1], [0], [0], [1], [0, 0, 1, 1], [], []>, transpose_lhs_hint = false} : vector<128x128xf32>, vector<128x128xf32>, vector<128x128xf32> -> vector<128x128xf32>
    %add3A_273 = arith.addf %sub3A_268, %dot_general3A_272 : vector<128x128xf32>
    %dot_general3A_274 = arith.constant dense<0.000000e+00> : vector<128x128xf32>
    %dot_general3A_275 = tpu.matmul %convert_element_type3A_265, %convert_element_type3A_103, %dot_general3A_274 {dimension_numbers = #tpu.dot_dimension_numbers<[1], [0], [0], [1], [0, 0, 1, 1], [], []>, transpose_lhs_hint = false} : vector<128x128xf32>, vector<128x128xf32>, vector<128x128xf32> -> vector<128x128xf32>
    %sub3A_276 = arith.subf %dot_general3A_275, %convert_element_type3A_265 : vector<128x128xf32>
    %dot_general3A_277 = arith.constant dense<0.000000e+00> : vector<128x128xf32>
    %dot_general3A_278 = tpu.matmul %convert_element_type3A_265, %broadcast_in_dim3A_107, %dot_general3A_277 {dimension_numbers = #tpu.dot_dimension_numbers<[1], [0], [0], [1], [0, 0, 1, 1], [], []>, transpose_lhs_hint = false} : vector<128x128xf32>, vector<128x128xf32>, vector<128x128xf32> -> vector<128x128xf32>
    %dot_general3A_279 = arith.constant dense<0.000000e+00> : vector<128x128xf32>
    %dot_general3A_280 = tpu.matmul %convert_element_type3A_105, %dot_general3A_278, %dot_general3A_279 {dimension_numbers = #tpu.dot_dimension_numbers<[1], [0], [0], [1], [0, 0, 1, 1], [], []>, transpose_lhs_hint = false} : vector<128x128xf32>, vector<128x128xf32>, vector<128x128xf32> -> vector<128x128xf32>
    %add3A_281 = arith.addf %sub3A_276, %dot_general3A_280 : vector<128x128xf32>
    %gt3A_282 = vector.broadcast %slice3A_252 : vector<1x1xi32> to vector<128x128xi32>
    %gt3A_283 = arith.cmpi sgt, %reshape3A_243, %gt3A_282 : vector<128x128xi32>
    %eq3A_284 = vector.broadcast %slice3A_252 : vector<1x1xi32> to vector<128x128xi32>
    %eq3A_285 = arith.cmpi eq, %reshape3A_243, %eq3A_284 : vector<128x128xi32>
    %lt3A_286 = vector.broadcast %slice3A_254 : vector<1x1xf32> to vector<128x128xf32>
    %lt3A_287 = arith.cmpf olt, %add3A_273, %lt3A_286 : vector<128x128xf32>
    %and3A_288 = arith.andi %eq3A_285, %lt3A_287 : vector<128x128xi1>
    %or3A_289 = arith.ori %gt3A_283, %and3A_288 : vector<128x128xi1>
    %and3A_290 = arith.andi %eq3A_249, %or3A_289 : vector<128x128xi1>
    %gt3A_291 = vector.broadcast %slice3A_253 : vector<1x1xi32> to vector<128x128xi32>
    %gt3A_292 = arith.cmpi sgt, %reshape3A_243, %gt3A_291 : vector<128x128xi32>
    %eq3A_293 = vector.broadcast %slice3A_253 : vector<1x1xi32> to vector<128x128xi32>
    %eq3A_294 = arith.cmpi eq, %reshape3A_243, %eq3A_293 : vector<128x128xi32>
    %lt3A_295 = vector.broadcast %slice3A_255 : vector<1x1xf32> to vector<128x128xf32>
    %lt3A_296 = arith.cmpf olt, %add3A_281, %lt3A_295 : vector<128x128xf32>
    %and3A_297 = arith.andi %eq3A_294, %lt3A_296 : vector<128x128xi1>
    %or3A_298 = arith.ori %gt3A_292, %and3A_297 : vector<128x128xi1>
    %and3A_299 = arith.andi %not3A_251, %or3A_298 : vector<128x128xi1>
    %or3A_300 = arith.ori %and3A_290, %and3A_299 : vector<128x128xi1>
    %convert_element_type3A_301 = arith.extui %or3A_300 : vector<128x128xi1> to vector<128x128xi32>
    %convert_element_type3A_302 = arith.sitofp %convert_element_type3A_301 : vector<128x128xi32> to vector<128x128xf32>
    %convert_element_type3A_303 = arith.fptosi %convert_element_type3A_302 : vector<128x128xf32> to vector<128x128xi32>
    %reduce_sum3A_304 = vector.shape_cast %convert_element_type3A_303 : vector<128x128xi32> to vector<1x128x128xi32>
    %reduce_sum3A_305 = arith.constant dense<0> : vector<1xi32>
    %reduce_sum3A_306 = vector.multi_reduction <add>, %reduce_sum3A_304, %reduce_sum3A_305 [1, 2] : vector<1x128x128xi32> to vector<1xi32>
    %reduce_sum3A_307 = vector.shape_cast %reduce_sum3A_306 : vector<1xi32> to vector<1x1x1xi32>
    %reduce_sum3A_308 = vector.extract %reduce_sum3A_307[0, 0, 0] : i32 from vector<1x1x1xi32>
    %broadcast_in_dim3A_309 = vector.broadcast %reduce_sum3A_308 : i32 to vector<1x1xi32>
    %dot_general3A_310 = arith.constant dense<0.000000e+00> : vector<128x128xf32>
    %dot_general3A_311 = tpu.matmul %convert_element_type3A_302, %convert_element_type3A_103, %dot_general3A_310 {dimension_numbers = #tpu.dot_dimension_numbers<[1], [0], [0], [1], [0, 0, 1, 1], [], []>, transpose_lhs_hint = false} : vector<128x128xf32>, vector<128x128xf32>, vector<128x128xf32> -> vector<128x128xf32>
    %dot_general3A_312 = arith.constant dense<0.000000e+00> : vector<128x128xf32>
    %dot_general3A_313 = tpu.matmul %convert_element_type3A_302, %broadcast_in_dim3A_107, %dot_general3A_312 {dimension_numbers = #tpu.dot_dimension_numbers<[1], [0], [0], [1], [0, 0, 1, 1], [], []>, transpose_lhs_hint = false} : vector<128x128xf32>, vector<128x128xf32>, vector<128x128xf32> -> vector<128x128xf32>
    %dot_general3A_314 = arith.constant dense<0.000000e+00> : vector<128x128xf32>
    %dot_general3A_315 = tpu.matmul %convert_element_type3A_105, %dot_general3A_313, %dot_general3A_314 {dimension_numbers = #tpu.dot_dimension_numbers<[1], [0], [0], [1], [0, 0, 1, 1], [], []>, transpose_lhs_hint = false} : vector<128x128xf32>, vector<128x128xf32>, vector<128x128xf32> -> vector<128x128xf32>
    %dot_general3A_316 = arith.constant dense<0.000000e+00> : vector<128x128xf32>
    %dot_general3A_317 = tpu.matmul %dot_general3A_315, %convert_element_type3A_110, %dot_general3A_316 {dimension_numbers = #tpu.dot_dimension_numbers<[0], [0], [1], [1], [0, 1, 1, 1], [], []>, transpose_lhs_hint = false} : vector<128x128xf32>, vector<128x128xf32>, vector<128x128xf32> -> vector<128x128xf32>
    %slice3A_318 = vector.extract_strided_slice %dot_general3A_317 {offsets = [0, 0], sizes = [1, 128], strides = [1, 1]} : vector<128x128xf32> to vector<1x128xf32>
    %reshape3A_319 = vector.shape_cast %slice3A_318 : vector<1x128xf32> to vector<1x1x128xf32>
    %broadcast_in_dim3A_320 = vector.shape_cast %convert_element_type3A_119 : vector<4x112xf32> to vector<4x112x1xf32>
    %le3A_321 = vector.broadcast %reshape3A_319 : vector<1x1x128xf32> to vector<4x112x128xf32>
    %le3A_322 = vector.broadcast %broadcast_in_dim3A_320 : vector<4x112x1xf32> to vector<4x112x128xf32>
    %le3A_323 = arith.cmpf ole, %le3A_321, %le3A_322 : vector<4x112x128xf32>
    %convert_element_type3A_324 = arith.extui %le3A_323 : vector<4x112x128xi1> to vector<4x112x128xi32>
    %convert_element_type3A_325 = arith.sitofp %convert_element_type3A_324 : vector<4x112x128xi32> to vector<4x112x128xf32>
    %reduce_sum3A_326 = arith.constant dense<0.000000e+00> : vector<4x112xf32>
    %reduce_sum3A_327 = vector.multi_reduction <add>, %convert_element_type3A_325, %reduce_sum3A_326 [2] : vector<4x112x128xf32> to vector<4x112xf32>
    %sub3A_328 = arith.constant 1.000000e+00 : f32
    %sub3A_329 = vector.broadcast %sub3A_328 : f32 to vector<4x112xf32>
    %sub3A_330 = arith.subf %reduce_sum3A_327, %sub3A_329 : vector<4x112xf32>
    %broadcast_in_dim3A_331 = vector.shape_cast %sub3A_330 : vector<4x112xf32> to vector<4x112x1xf32>
    %eq3A_332 = vector.broadcast %broadcast_in_dim3A_331 : vector<4x112x1xf32> to vector<4x112x128xf32>
    %eq3A_333 = vector.broadcast %convert_element_type3A_112 : vector<1x1x128xf32> to vector<4x112x128xf32>
    %eq3A_334 = arith.cmpf oeq, %eq3A_332, %eq3A_333 : vector<4x112x128xf32>
    %convert_element_type3A_335 = arith.extui %eq3A_334 : vector<4x112x128xi1> to vector<4x112x128xi32>
    %convert_element_type3A_336 = arith.sitofp %convert_element_type3A_335 : vector<4x112x128xi32> to vector<4x112x128xf32>
    %dot_general3A_337 = arith.constant dense<0.000000e+00> : vector<4x112x128xf32>
    %dot_general3A_338 = tpu.matmul %convert_element_type3A_336, %dot_general3A_311, %dot_general3A_337 {dimension_numbers = #tpu.dot_dimension_numbers<[2], [0], [0, 1], [1], [0, 0, 0, 1, 1, 1], [], []>, transpose_lhs_hint = false} : vector<4x112x128xf32>, vector<128x128xf32>, vector<4x112x128xf32> -> vector<4x112x128xf32>
    %dot_general3A_339 = arith.constant dense<0.000000e+00> : vector<4x112x128xf32>
    %dot_general3A_340 = tpu.matmul %convert_element_type3A_336, %convert_element_type3A_302, %dot_general3A_339 {dimension_numbers = #tpu.dot_dimension_numbers<[2], [0], [0, 1], [1], [0, 0, 0, 1, 1, 1], [], []>, transpose_lhs_hint = false} : vector<4x112x128xf32>, vector<128x128xf32>, vector<4x112x128xf32> -> vector<4x112x128xf32>
    %dot_general3A_341 = arith.constant dense<0.000000e+00> : vector<4x112x128xf32>
    %dot_general3A_342 = tpu.matmul %convert_element_type3A_336, %dot_general3A_315, %dot_general3A_341 {dimension_numbers = #tpu.dot_dimension_numbers<[2], [0], [0, 1], [1], [0, 0, 0, 1, 1, 1], [], []>, transpose_lhs_hint = false} : vector<4x112x128xf32>, vector<128x128xf32>, vector<4x112x128xf32> -> vector<4x112x128xf32>
    %broadcast_in_dim3A_343 = vector.shape_cast %convert_element_type3A_119 : vector<4x112xf32> to vector<4x112x1xf32>
    %sub3A_344 = vector.broadcast %broadcast_in_dim3A_343 : vector<4x112x1xf32> to vector<4x112x128xf32>
    %sub3A_345 = arith.subf %sub3A_344, %dot_general3A_342 : vector<4x112x128xf32>
    %add3A_346 = arith.constant 1.000000e+00 : f32
    %add3A_347 = vector.broadcast %add3A_346 : f32 to vector<4x112x128xf32>
    %add3A_348 = arith.addf %sub3A_345, %add3A_347 : vector<4x112x128xf32>
    %eq3A_349 = arith.cmpf oeq, %dot_general3A_338, %add3A_348 : vector<4x112x128xf32>
    %convert_element_type3A_350 = arith.extui %eq3A_349 : vector<4x112x128xi1> to vector<4x112x128xi32>
    %convert_element_type3A_351 = arith.sitofp %convert_element_type3A_350 : vector<4x112x128xi32> to vector<4x112x128xf32>
    %mul3A_352 = arith.mulf %convert_element_type3A_351, %dot_general3A_340 : vector<4x112x128xf32>
    %mul3A_353 = vector.broadcast %convert_element_type3A_112 : vector<1x1x128xf32> to vector<4x112x128xf32>
    %mul3A_354 = arith.mulf %mul3A_352, %mul3A_353 : vector<4x112x128xf32>
    %reduce_sum3A_355 = arith.constant dense<0.000000e+00> : vector<4x112xf32>
    %reduce_sum3A_356 = vector.multi_reduction <add>, %mul3A_354, %reduce_sum3A_355 [2] : vector<4x112x128xf32> to vector<4x112xf32>
    %mul3A_357 = arith.constant 1.280000e+02 : f32
    %mul3A_358 = vector.broadcast %mul3A_357 : f32 to vector<4x112xf32>
    %mul3A_359 = arith.mulf %mul3A_358, %sub3A_330 : vector<4x112xf32>
    %add3A_360 = arith.addf %mul3A_359, %reduce_sum3A_356 : vector<4x112xf32>
    %convert_element_type3A_361 = arith.fptosi %add3A_360 : vector<4x112xf32> to vector<4x112xi32>
    %swap3A_362 = arith.constant 1 : index
    %swap3A_363 = arith.constant 0 : index
    %swap3A_364 = arith.constant 0 : index
    %swap3A_365 = vector.load %arg3[%swap3A_362, %swap3A_363, %swap3A_364] : memref<8x4x112xi32, #tpu.memory_space<vmem>>, vector<1x4x112xi32>
    %swap3A_366 = vector.shape_cast %swap3A_365 : vector<1x4x112xi32> to vector<4x112xi32>
    %swap3A_367 = vector.shape_cast %convert_element_type3A_361 : vector<4x112xi32> to vector<1x4x112xi32>
    tpu.vector_store %arg3[%swap3A_362, %swap3A_363, %swap3A_364], %swap3A_367 {strides = array<i32>} : memref<8x4x112xi32, #tpu.memory_space<vmem>>, vector<1x4x112xi32>,
    %slice3A_368 = vector.extract_strided_slice %xor3A {offsets = [2, 0], sizes = [1, 16384], strides = [1, 1]} : vector<8x16384xi32> to vector<1x16384xi32>
    %squeeze3A_369 = vector.shape_cast %slice3A_368 : vector<1x16384xi32> to vector<16384xi32>
    %reshape3A_370 = vector.shape_cast %squeeze3A_369 : vector<16384xi32> to vector<128x128xi32>
    %slice3A_371 = vector.extract_strided_slice %get3A_45 {offsets = [2, 0], sizes = [1, 16384], strides = [1, 1]} : vector<8x16384xi32> to vector<1x16384xi32>
    %squeeze3A_372 = vector.shape_cast %slice3A_371 : vector<1x16384xi32> to vector<16384xi32>
    %reshape3A_373 = vector.shape_cast %squeeze3A_372 : vector<16384xi32> to vector<128x128xi32>
    %eq3A_374 = arith.constant 0 : i32
    %eq3A_375 = vector.broadcast %eq3A_374 : i32 to vector<128x128xi32>
    %eq3A_376 = arith.cmpi eq, %reshape3A_373, %eq3A_375 : vector<128x128xi32>
    %not3A_377 = arith.constant dense<true> : vector<128x128xi1>
    %not3A_378 = arith.xori %eq3A_376, %not3A_377 : vector<128x128xi1>
    %slice3A_379 = vector.extract_strided_slice %scan3A_83#0 {offsets = [2, 0], sizes = [1, 1], strides = [1, 1]} : vector<8x1xi32> to vector<1x1xi32>
    %slice3A_380 = vector.extract_strided_slice %scan3A_83#2 {offsets = [2, 0], sizes = [1, 1], strides = [1, 1]} : vector<8x1xi32> to vector<1x1xi32>
    %slice3A_381 = vector.extract_strided_slice %convert_element_type3A_91 {offsets = [2, 0], sizes = [1, 1], strides = [1, 1]} : vector<8x1xf32> to vector<1x1xf32>
    %slice3A_382 = vector.extract_strided_slice %convert_element_type3A_100 {offsets = [2, 0], sizes = [1, 1], strides = [1, 1]} : vector<8x1xf32> to vector<1x1xf32>
    %eq3A_383 = vector.broadcast %slice3A_379 : vector<1x1xi32> to vector<128x128xi32>
    %eq3A_384 = arith.cmpi eq, %reshape3A_370, %eq3A_383 : vector<128x128xi32>
    %and3A_385 = arith.andi %eq3A_376, %eq3A_384 : vector<128x128xi1>
    %convert_element_type3A_386 = arith.extui %and3A_385 : vector<128x128xi1> to vector<128x128xi32>
    %convert_element_type3A_387 = arith.sitofp %convert_element_type3A_386 : vector<128x128xi32> to vector<128x128xf32>
    %eq3A_388 = vector.broadcast %slice3A_380 : vector<1x1xi32> to vector<128x128xi32>
    %eq3A_389 = arith.cmpi eq, %reshape3A_370, %eq3A_388 : vector<128x128xi32>
    %and3A_390 = arith.andi %not3A_378, %eq3A_389 : vector<128x128xi1>
    %convert_element_type3A_391 = arith.extui %and3A_390 : vector<128x128xi1> to vector<128x128xi32>
    %convert_element_type3A_392 = arith.sitofp %convert_element_type3A_391 : vector<128x128xi32> to vector<128x128xf32>
    %dot_general3A_393 = arith.constant dense<0.000000e+00> : vector<128x128xf32>
    %dot_general3A_394 = tpu.matmul %convert_element_type3A_387, %convert_element_type3A_103, %dot_general3A_393 {dimension_numbers = #tpu.dot_dimension_numbers<[1], [0], [0], [1], [0, 0, 1, 1], [], []>, transpose_lhs_hint = false} : vector<128x128xf32>, vector<128x128xf32>, vector<128x128xf32> -> vector<128x128xf32>
    %sub3A_395 = arith.subf %dot_general3A_394, %convert_element_type3A_387 : vector<128x128xf32>
    %dot_general3A_396 = arith.constant dense<0.000000e+00> : vector<128x128xf32>
    %dot_general3A_397 = tpu.matmul %convert_element_type3A_387, %broadcast_in_dim3A_107, %dot_general3A_396 {dimension_numbers = #tpu.dot_dimension_numbers<[1], [0], [0], [1], [0, 0, 1, 1], [], []>, transpose_lhs_hint = false} : vector<128x128xf32>, vector<128x128xf32>, vector<128x128xf32> -> vector<128x128xf32>
    %dot_general3A_398 = arith.constant dense<0.000000e+00> : vector<128x128xf32>
    %dot_general3A_399 = tpu.matmul %convert_element_type3A_105, %dot_general3A_397, %dot_general3A_398 {dimension_numbers = #tpu.dot_dimension_numbers<[1], [0], [0], [1], [0, 0, 1, 1], [], []>, transpose_lhs_hint = false} : vector<128x128xf32>, vector<128x128xf32>, vector<128x128xf32> -> vector<128x128xf32>
    %add3A_400 = arith.addf %sub3A_395, %dot_general3A_399 : vector<128x128xf32>
    %dot_general3A_401 = arith.constant dense<0.000000e+00> : vector<128x128xf32>
    %dot_general3A_402 = tpu.matmul %convert_element_type3A_392, %convert_element_type3A_103, %dot_general3A_401 {dimension_numbers = #tpu.dot_dimension_numbers<[1], [0], [0], [1], [0, 0, 1, 1], [], []>, transpose_lhs_hint = false} : vector<128x128xf32>, vector<128x128xf32>, vector<128x128xf32> -> vector<128x128xf32>
    %sub3A_403 = arith.subf %dot_general3A_402, %convert_element_type3A_392 : vector<128x128xf32>
    %dot_general3A_404 = arith.constant dense<0.000000e+00> : vector<128x128xf32>
    %dot_general3A_405 = tpu.matmul %convert_element_type3A_392, %broadcast_in_dim3A_107, %dot_general3A_404 {dimension_numbers = #tpu.dot_dimension_numbers<[1], [0], [0], [1], [0, 0, 1, 1], [], []>, transpose_lhs_hint = false} : vector<128x128xf32>, vector<128x128xf32>, vector<128x128xf32> -> vector<128x128xf32>
    %dot_general3A_406 = arith.constant dense<0.000000e+00> : vector<128x128xf32>
    %dot_general3A_407 = tpu.matmul %convert_element_type3A_105, %dot_general3A_405, %dot_general3A_406 {dimension_numbers = #tpu.dot_dimension_numbers<[1], [0], [0], [1], [0, 0, 1, 1], [], []>, transpose_lhs_hint = false} : vector<128x128xf32>, vector<128x128xf32>, vector<128x128xf32> -> vector<128x128xf32>
    %add3A_408 = arith.addf %sub3A_403, %dot_general3A_407 : vector<128x128xf32>
    %gt3A_409 = vector.broadcast %slice3A_379 : vector<1x1xi32> to vector<128x128xi32>
    %gt3A_410 = arith.cmpi sgt, %reshape3A_370, %gt3A_409 : vector<128x128xi32>
    %eq3A_411 = vector.broadcast %slice3A_379 : vector<1x1xi32> to vector<128x128xi32>
    %eq3A_412 = arith.cmpi eq, %reshape3A_370, %eq3A_411 : vector<128x128xi32>
    %lt3A_413 = vector.broadcast %slice3A_381 : vector<1x1xf32> to vector<128x128xf32>
    %lt3A_414 = arith.cmpf olt, %add3A_400, %lt3A_413 : vector<128x128xf32>
    %and3A_415 = arith.andi %eq3A_412, %lt3A_414 : vector<128x128xi1>
    %or3A_416 = arith.ori %gt3A_410, %and3A_415 : vector<128x128xi1>
    %and3A_417 = arith.andi %eq3A_376, %or3A_416 : vector<128x128xi1>
    %gt3A_418 = vector.broadcast %slice3A_380 : vector<1x1xi32> to vector<128x128xi32>
    %gt3A_419 = arith.cmpi sgt, %reshape3A_370, %gt3A_418 : vector<128x128xi32>
    %eq3A_420 = vector.broadcast %slice3A_380 : vector<1x1xi32> to vector<128x128xi32>
    %eq3A_421 = arith.cmpi eq, %reshape3A_370, %eq3A_420 : vector<128x128xi32>
    %lt3A_422 = vector.broadcast %slice3A_382 : vector<1x1xf32> to vector<128x128xf32>
    %lt3A_423 = arith.cmpf olt, %add3A_408, %lt3A_422 : vector<128x128xf32>
    %and3A_424 = arith.andi %eq3A_421, %lt3A_423 : vector<128x128xi1>
    %or3A_425 = arith.ori %gt3A_419, %and3A_424 : vector<128x128xi1>
    %and3A_426 = arith.andi %not3A_378, %or3A_425 : vector<128x128xi1>
    %or3A_427 = arith.ori %and3A_417, %and3A_426 : vector<128x128xi1>
    %convert_element_type3A_428 = arith.extui %or3A_427 : vector<128x128xi1> to vector<128x128xi32>
    %convert_element_type3A_429 = arith.sitofp %convert_element_type3A_428 : vector<128x128xi32> to vector<128x128xf32>
    %convert_element_type3A_430 = arith.fptosi %convert_element_type3A_429 : vector<128x128xf32> to vector<128x128xi32>
    %reduce_sum3A_431 = vector.shape_cast %convert_element_type3A_430 : vector<128x128xi32> to vector<1x128x128xi32>
    %reduce_sum3A_432 = arith.constant dense<0> : vector<1xi32>
    %reduce_sum3A_433 = vector.multi_reduction <add>, %reduce_sum3A_431, %reduce_sum3A_432 [1, 2] : vector<1x128x128xi32> to vector<1xi32>
    %reduce_sum3A_434 = vector.shape_cast %reduce_sum3A_433 : vector<1xi32> to vector<1x1x1xi32>
    %reduce_sum3A_435 = vector.extract %reduce_sum3A_434[0, 0, 0] : i32 from vector<1x1x1xi32>
    %broadcast_in_dim3A_436 = vector.broadcast %reduce_sum3A_435 : i32 to vector<1x1xi32>
    %dot_general3A_437 = arith.constant dense<0.000000e+00> : vector<128x128xf32>
    %dot_general3A_438 = tpu.matmul %convert_element_type3A_429, %convert_element_type3A_103, %dot_general3A_437 {dimension_numbers = #tpu.dot_dimension_numbers<[1], [0], [0], [1], [0, 0, 1, 1], [], []>, transpose_lhs_hint = false} : vector<128x128xf32>, vector<128x128xf32>, vector<128x128xf32> -> vector<128x128xf32>
    %dot_general3A_439 = arith.constant dense<0.000000e+00> : vector<128x128xf32>
    %dot_general3A_440 = tpu.matmul %convert_element_type3A_429, %broadcast_in_dim3A_107, %dot_general3A_439 {dimension_numbers = #tpu.dot_dimension_numbers<[1], [0], [0], [1], [0, 0, 1, 1], [], []>, transpose_lhs_hint = false} : vector<128x128xf32>, vector<128x128xf32>, vector<128x128xf32> -> vector<128x128xf32>
    %dot_general3A_441 = arith.constant dense<0.000000e+00> : vector<128x128xf32>
    %dot_general3A_442 = tpu.matmul %convert_element_type3A_105, %dot_general3A_440, %dot_general3A_441 {dimension_numbers = #tpu.dot_dimension_numbers<[1], [0], [0], [1], [0, 0, 1, 1], [], []>, transpose_lhs_hint = false} : vector<128x128xf32>, vector<128x128xf32>, vector<128x128xf32> -> vector<128x128xf32>
    %dot_general3A_443 = arith.constant dense<0.000000e+00> : vector<128x128xf32>
    %dot_general3A_444 = tpu.matmul %dot_general3A_442, %convert_element_type3A_110, %dot_general3A_443 {dimension_numbers = #tpu.dot_dimension_numbers<[0], [0], [1], [1], [0, 1, 1, 1], [], []>, transpose_lhs_hint = false} : vector<128x128xf32>, vector<128x128xf32>, vector<128x128xf32> -> vector<128x128xf32>
    %slice3A_445 = vector.extract_strided_slice %dot_general3A_444 {offsets = [0, 0], sizes = [1, 128], strides = [1, 1]} : vector<128x128xf32> to vector<1x128xf32>
    %reshape3A_446 = vector.shape_cast %slice3A_445 : vector<1x128xf32> to vector<1x1x128xf32>
    %broadcast_in_dim3A_447 = vector.shape_cast %convert_element_type3A_119 : vector<4x112xf32> to vector<4x112x1xf32>
    %le3A_448 = vector.broadcast %reshape3A_446 : vector<1x1x128xf32> to vector<4x112x128xf32>
    %le3A_449 = vector.broadcast %broadcast_in_dim3A_447 : vector<4x112x1xf32> to vector<4x112x128xf32>
    %le3A_450 = arith.cmpf ole, %le3A_448, %le3A_449 : vector<4x112x128xf32>
    %convert_element_type3A_451 = arith.extui %le3A_450 : vector<4x112x128xi1> to vector<4x112x128xi32>
    %convert_element_type3A_452 = arith.sitofp %convert_element_type3A_451 : vector<4x112x128xi32> to vector<4x112x128xf32>
    %reduce_sum3A_453 = arith.constant dense<0.000000e+00> : vector<4x112xf32>
    %reduce_sum3A_454 = vector.multi_reduction <add>, %convert_element_type3A_452, %reduce_sum3A_453 [2] : vector<4x112x128xf32> to vector<4x112xf32>
    %sub3A_455 = arith.constant 1.000000e+00 : f32
    %sub3A_456 = vector.broadcast %sub3A_455 : f32 to vector<4x112xf32>
    %sub3A_457 = arith.subf %reduce_sum3A_454, %sub3A_456 : vector<4x112xf32>
    %broadcast_in_dim3A_458 = vector.shape_cast %sub3A_457 : vector<4x112xf32> to vector<4x112x1xf32>
    %eq3A_459 = vector.broadcast %broadcast_in_dim3A_458 : vector<4x112x1xf32> to vector<4x112x128xf32>
    %eq3A_460 = vector.broadcast %convert_element_type3A_112 : vector<1x1x128xf32> to vector<4x112x128xf32>
    %eq3A_461 = arith.cmpf oeq, %eq3A_459, %eq3A_460 : vector<4x112x128xf32>
    %convert_element_type3A_462 = arith.extui %eq3A_461 : vector<4x112x128xi1> to vector<4x112x128xi32>
    %convert_element_type3A_463 = arith.sitofp %convert_element_type3A_462 : vector<4x112x128xi32> to vector<4x112x128xf32>
    %dot_general3A_464 = arith.constant dense<0.000000e+00> : vector<4x112x128xf32>
    %dot_general3A_465 = tpu.matmul %convert_element_type3A_463, %dot_general3A_438, %dot_general3A_464 {dimension_numbers = #tpu.dot_dimension_numbers<[2], [0], [0, 1], [1], [0, 0, 0, 1, 1, 1], [], []>, transpose_lhs_hint = false} : vector<4x112x128xf32>, vector<128x128xf32>, vector<4x112x128xf32> -> vector<4x112x128xf32>
    %dot_general3A_466 = arith.constant dense<0.000000e+00> : vector<4x112x128xf32>
    %dot_general3A_467 = tpu.matmul %convert_element_type3A_463, %convert_element_type3A_429, %dot_general3A_466 {dimension_numbers = #tpu.dot_dimension_numbers<[2], [0], [0, 1], [1], [0, 0, 0, 1, 1, 1], [], []>, transpose_lhs_hint = false} : vector<4x112x128xf32>, vector<128x128xf32>, vector<4x112x128xf32> -> vector<4x112x128xf32>
    %dot_general3A_468 = arith.constant dense<0.000000e+00> : vector<4x112x128xf32>
    %dot_general3A_469 = tpu.matmul %convert_element_type3A_463, %dot_general3A_442, %dot_general3A_468 {dimension_numbers = #tpu.dot_dimension_numbers<[2], [0], [0, 1], [1], [0, 0, 0, 1, 1, 1], [], []>, transpose_lhs_hint = false} : vector<4x112x128xf32>, vector<128x128xf32>, vector<4x112x128xf32> -> vector<4x112x128xf32>
    %broadcast_in_dim3A_470 = vector.shape_cast %convert_element_type3A_119 : vector<4x112xf32> to vector<4x112x1xf32>
    %sub3A_471 = vector.broadcast %broadcast_in_dim3A_470 : vector<4x112x1xf32> to vector<4x112x128xf32>
    %sub3A_472 = arith.subf %sub3A_471, %dot_general3A_469 : vector<4x112x128xf32>
    %add3A_473 = arith.constant 1.000000e+00 : f32
    %add3A_474 = vector.broadcast %add3A_473 : f32 to vector<4x112x128xf32>
    %add3A_475 = arith.addf %sub3A_472, %add3A_474 : vector<4x112x128xf32>
    %eq3A_476 = arith.cmpf oeq, %dot_general3A_465, %add3A_475 : vector<4x112x128xf32>
    %convert_element_type3A_477 = arith.extui %eq3A_476 : vector<4x112x128xi1> to vector<4x112x128xi32>
    %convert_element_type3A_478 = arith.sitofp %convert_element_type3A_477 : vector<4x112x128xi32> to vector<4x112x128xf32>
    %mul3A_479 = arith.mulf %convert_element_type3A_478, %dot_general3A_467 : vector<4x112x128xf32>
    %mul3A_480 = vector.broadcast %convert_element_type3A_112 : vector<1x1x128xf32> to vector<4x112x128xf32>
    %mul3A_481 = arith.mulf %mul3A_479, %mul3A_480 : vector<4x112x128xf32>
    %reduce_sum3A_482 = arith.constant dense<0.000000e+00> : vector<4x112xf32>
    %reduce_sum3A_483 = vector.multi_reduction <add>, %mul3A_481, %reduce_sum3A_482 [2] : vector<4x112x128xf32> to vector<4x112xf32>
    %mul3A_484 = arith.constant 1.280000e+02 : f32
    %mul3A_485 = vector.broadcast %mul3A_484 : f32 to vector<4x112xf32>
    %mul3A_486 = arith.mulf %mul3A_485, %sub3A_457 : vector<4x112xf32>
    %add3A_487 = arith.addf %mul3A_486, %reduce_sum3A_483 : vector<4x112xf32>
    %convert_element_type3A_488 = arith.fptosi %add3A_487 : vector<4x112xf32> to vector<4x112xi32>
    %swap3A_489 = arith.constant 2 : index
    %swap3A_490 = arith.constant 0 : index
    %swap3A_491 = arith.constant 0 : index
    %swap3A_492 = vector.load %arg3[%swap3A_489, %swap3A_490, %swap3A_491] : memref<8x4x112xi32, #tpu.memory_space<vmem>>, vector<1x4x112xi32>
    %swap3A_493 = vector.shape_cast %swap3A_492 : vector<1x4x112xi32> to vector<4x112xi32>
    %swap3A_494 = vector.shape_cast %convert_element_type3A_488 : vector<4x112xi32> to vector<1x4x112xi32>
    tpu.vector_store %arg3[%swap3A_489, %swap3A_490, %swap3A_491], %swap3A_494 {strides = array<i32>} : memref<8x4x112xi32, #tpu.memory_space<vmem>>, vector<1x4x112xi32>,
    %slice3A_495 = vector.extract_strided_slice %xor3A {offsets = [3, 0], sizes = [1, 16384], strides = [1, 1]} : vector<8x16384xi32> to vector<1x16384xi32>
    %squeeze3A_496 = vector.shape_cast %slice3A_495 : vector<1x16384xi32> to vector<16384xi32>
    %reshape3A_497 = vector.shape_cast %squeeze3A_496 : vector<16384xi32> to vector<128x128xi32>
    %slice3A_498 = vector.extract_strided_slice %get3A_45 {offsets = [3, 0], sizes = [1, 16384], strides = [1, 1]} : vector<8x16384xi32> to vector<1x16384xi32>
    %squeeze3A_499 = vector.shape_cast %slice3A_498 : vector<1x16384xi32> to vector<16384xi32>
    %reshape3A_500 = vector.shape_cast %squeeze3A_499 : vector<16384xi32> to vector<128x128xi32>
    %eq3A_501 = arith.constant 0 : i32
    %eq3A_502 = vector.broadcast %eq3A_501 : i32 to vector<128x128xi32>
    %eq3A_503 = arith.cmpi eq, %reshape3A_500, %eq3A_502 : vector<128x128xi32>
    %not3A_504 = arith.constant dense<true> : vector<128x128xi1>
    %not3A_505 = arith.xori %eq3A_503, %not3A_504 : vector<128x128xi1>
    %slice3A_506 = vector.extract_strided_slice %scan3A_83#0 {offsets = [3, 0], sizes = [1, 1], strides = [1, 1]} : vector<8x1xi32> to vector<1x1xi32>
    %slice3A_507 = vector.extract_strided_slice %scan3A_83#2 {offsets = [3, 0], sizes = [1, 1], strides = [1, 1]} : vector<8x1xi32> to vector<1x1xi32>
    %slice3A_508 = vector.extract_strided_slice %convert_element_type3A_91 {offsets = [3, 0], sizes = [1, 1], strides = [1, 1]} : vector<8x1xf32> to vector<1x1xf32>
    %slice3A_509 = vector.extract_strided_slice %convert_element_type3A_100 {offsets = [3, 0], sizes = [1, 1], strides = [1, 1]} : vector<8x1xf32> to vector<1x1xf32>
    %eq3A_510 = vector.broadcast %slice3A_506 : vector<1x1xi32> to vector<128x128xi32>
    %eq3A_511 = arith.cmpi eq, %reshape3A_497, %eq3A_510 : vector<128x128xi32>
    %and3A_512 = arith.andi %eq3A_503, %eq3A_511 : vector<128x128xi1>
    %convert_element_type3A_513 = arith.extui %and3A_512 : vector<128x128xi1> to vector<128x128xi32>
    %convert_element_type3A_514 = arith.sitofp %convert_element_type3A_513 : vector<128x128xi32> to vector<128x128xf32>
    %eq3A_515 = vector.broadcast %slice3A_507 : vector<1x1xi32> to vector<128x128xi32>
    %eq3A_516 = arith.cmpi eq, %reshape3A_497, %eq3A_515 : vector<128x128xi32>
    %and3A_517 = arith.andi %not3A_505, %eq3A_516 : vector<128x128xi1>
    %convert_element_type3A_518 = arith.extui %and3A_517 : vector<128x128xi1> to vector<128x128xi32>
    %convert_element_type3A_519 = arith.sitofp %convert_element_type3A_518 : vector<128x128xi32> to vector<128x128xf32>
    %dot_general3A_520 = arith.constant dense<0.000000e+00> : vector<128x128xf32>
    %dot_general3A_521 = tpu.matmul %convert_element_type3A_514, %convert_element_type3A_103, %dot_general3A_520 {dimension_numbers = #tpu.dot_dimension_numbers<[1], [0], [0], [1], [0, 0, 1, 1], [], []>, transpose_lhs_hint = false} : vector<128x128xf32>, vector<128x128xf32>, vector<128x128xf32> -> vector<128x128xf32>
    %sub3A_522 = arith.subf %dot_general3A_521, %convert_element_type3A_514 : vector<128x128xf32>
    %dot_general3A_523 = arith.constant dense<0.000000e+00> : vector<128x128xf32>
    %dot_general3A_524 = tpu.matmul %convert_element_type3A_514, %broadcast_in_dim3A_107, %dot_general3A_523 {dimension_numbers = #tpu.dot_dimension_numbers<[1], [0], [0], [1], [0, 0, 1, 1], [], []>, transpose_lhs_hint = false} : vector<128x128xf32>, vector<128x128xf32>, vector<128x128xf32> -> vector<128x128xf32>
    %dot_general3A_525 = arith.constant dense<0.000000e+00> : vector<128x128xf32>
    %dot_general3A_526 = tpu.matmul %convert_element_type3A_105, %dot_general3A_524, %dot_general3A_525 {dimension_numbers = #tpu.dot_dimension_numbers<[1], [0], [0], [1], [0, 0, 1, 1], [], []>, transpose_lhs_hint = false} : vector<128x128xf32>, vector<128x128xf32>, vector<128x128xf32> -> vector<128x128xf32>
    %add3A_527 = arith.addf %sub3A_522, %dot_general3A_526 : vector<128x128xf32>
    %dot_general3A_528 = arith.constant dense<0.000000e+00> : vector<128x128xf32>
    %dot_general3A_529 = tpu.matmul %convert_element_type3A_519, %convert_element_type3A_103, %dot_general3A_528 {dimension_numbers = #tpu.dot_dimension_numbers<[1], [0], [0], [1], [0, 0, 1, 1], [], []>, transpose_lhs_hint = false} : vector<128x128xf32>, vector<128x128xf32>, vector<128x128xf32> -> vector<128x128xf32>
    %sub3A_530 = arith.subf %dot_general3A_529, %convert_element_type3A_519 : vector<128x128xf32>
    %dot_general3A_531 = arith.constant dense<0.000000e+00> : vector<128x128xf32>
    %dot_general3A_532 = tpu.matmul %convert_element_type3A_519, %broadcast_in_dim3A_107, %dot_general3A_531 {dimension_numbers = #tpu.dot_dimension_numbers<[1], [0], [0], [1], [0, 0, 1, 1], [], []>, transpose_lhs_hint = false} : vector<128x128xf32>, vector<128x128xf32>, vector<128x128xf32> -> vector<128x128xf32>
    %dot_general3A_533 = arith.constant dense<0.000000e+00> : vector<128x128xf32>
    %dot_general3A_534 = tpu.matmul %convert_element_type3A_105, %dot_general3A_532, %dot_general3A_533 {dimension_numbers = #tpu.dot_dimension_numbers<[1], [0], [0], [1], [0, 0, 1, 1], [], []>, transpose_lhs_hint = false} : vector<128x128xf32>, vector<128x128xf32>, vector<128x128xf32> -> vector<128x128xf32>
    %add3A_535 = arith.addf %sub3A_530, %dot_general3A_534 : vector<128x128xf32>
    %gt3A_536 = vector.broadcast %slice3A_506 : vector<1x1xi32> to vector<128x128xi32>
    %gt3A_537 = arith.cmpi sgt, %reshape3A_497, %gt3A_536 : vector<128x128xi32>
    %eq3A_538 = vector.broadcast %slice3A_506 : vector<1x1xi32> to vector<128x128xi32>
    %eq3A_539 = arith.cmpi eq, %reshape3A_497, %eq3A_538 : vector<128x128xi32>
    %lt3A_540 = vector.broadcast %slice3A_508 : vector<1x1xf32> to vector<128x128xf32>
    %lt3A_541 = arith.cmpf olt, %add3A_527, %lt3A_540 : vector<128x128xf32>
    %and3A_542 = arith.andi %eq3A_539, %lt3A_541 : vector<128x128xi1>
    %or3A_543 = arith.ori %gt3A_537, %and3A_542 : vector<128x128xi1>
    %and3A_544 = arith.andi %eq3A_503, %or3A_543 : vector<128x128xi1>
    %gt3A_545 = vector.broadcast %slice3A_507 : vector<1x1xi32> to vector<128x128xi32>
    %gt3A_546 = arith.cmpi sgt, %reshape3A_497, %gt3A_545 : vector<128x128xi32>
    %eq3A_547 = vector.broadcast %slice3A_507 : vector<1x1xi32> to vector<128x128xi32>
    %eq3A_548 = arith.cmpi eq, %reshape3A_497, %eq3A_547 : vector<128x128xi32>
    %lt3A_549 = vector.broadcast %slice3A_509 : vector<1x1xf32> to vector<128x128xf32>
    %lt3A_550 = arith.cmpf olt, %add3A_535, %lt3A_549 : vector<128x128xf32>
    %and3A_551 = arith.andi %eq3A_548, %lt3A_550 : vector<128x128xi1>
    %or3A_552 = arith.ori %gt3A_546, %and3A_551 : vector<128x128xi1>
    %and3A_553 = arith.andi %not3A_505, %or3A_552 : vector<128x128xi1>
    %or3A_554 = arith.ori %and3A_544, %and3A_553 : vector<128x128xi1>
    %convert_element_type3A_555 = arith.extui %or3A_554 : vector<128x128xi1> to vector<128x128xi32>
    %convert_element_type3A_556 = arith.sitofp %convert_element_type3A_555 : vector<128x128xi32> to vector<128x128xf32>
    %convert_element_type3A_557 = arith.fptosi %convert_element_type3A_556 : vector<128x128xf32> to vector<128x128xi32>
    %reduce_sum3A_558 = vector.shape_cast %convert_element_type3A_557 : vector<128x128xi32> to vector<1x128x128xi32>
    %reduce_sum3A_559 = arith.constant dense<0> : vector<1xi32>
    %reduce_sum3A_560 = vector.multi_reduction <add>, %reduce_sum3A_558, %reduce_sum3A_559 [1, 2] : vector<1x128x128xi32> to vector<1xi32>
    %reduce_sum3A_561 = vector.shape_cast %reduce_sum3A_560 : vector<1xi32> to vector<1x1x1xi32>
    %reduce_sum3A_562 = vector.extract %reduce_sum3A_561[0, 0, 0] : i32 from vector<1x1x1xi32>
    %broadcast_in_dim3A_563 = vector.broadcast %reduce_sum3A_562 : i32 to vector<1x1xi32>
    %dot_general3A_564 = arith.constant dense<0.000000e+00> : vector<128x128xf32>
    %dot_general3A_565 = tpu.matmul %convert_element_type3A_556, %convert_element_type3A_103, %dot_general3A_564 {dimension_numbers = #tpu.dot_dimension_numbers<[1], [0], [0], [1], [0, 0, 1, 1], [], []>, transpose_lhs_hint = false} : vector<128x128xf32>, vector<128x128xf32>, vector<128x128xf32> -> vector<128x128xf32>
    %dot_general3A_566 = arith.constant dense<0.000000e+00> : vector<128x128xf32>
    %dot_general3A_567 = tpu.matmul %convert_element_type3A_556, %broadcast_in_dim3A_107, %dot_general3A_566 {dimension_numbers = #tpu.dot_dimension_numbers<[1], [0], [0], [1], [0, 0, 1, 1], [], []>, transpose_lhs_hint = false} : vector<128x128xf32>, vector<128x128xf32>, vector<128x128xf32> -> vector<128x128xf32>
    %dot_general3A_568 = arith.constant dense<0.000000e+00> : vector<128x128xf32>
    %dot_general3A_569 = tpu.matmul %convert_element_type3A_105, %dot_general3A_567, %dot_general3A_568 {dimension_numbers = #tpu.dot_dimension_numbers<[1], [0], [0], [1], [0, 0, 1, 1], [], []>, transpose_lhs_hint = false} : vector<128x128xf32>, vector<128x128xf32>, vector<128x128xf32> -> vector<128x128xf32>
    %dot_general3A_570 = arith.constant dense<0.000000e+00> : vector<128x128xf32>
    %dot_general3A_571 = tpu.matmul %dot_general3A_569, %convert_element_type3A_110, %dot_general3A_570 {dimension_numbers = #tpu.dot_dimension_numbers<[0], [0], [1], [1], [0, 1, 1, 1], [], []>, transpose_lhs_hint = false} : vector<128x128xf32>, vector<128x128xf32>, vector<128x128xf32> -> vector<128x128xf32>
    %slice3A_572 = vector.extract_strided_slice %dot_general3A_571 {offsets = [0, 0], sizes = [1, 128], strides = [1, 1]} : vector<128x128xf32> to vector<1x128xf32>
    %reshape3A_573 = vector.shape_cast %slice3A_572 : vector<1x128xf32> to vector<1x1x128xf32>
    %broadcast_in_dim3A_574 = vector.shape_cast %convert_element_type3A_119 : vector<4x112xf32> to vector<4x112x1xf32>
    %le3A_575 = vector.broadcast %reshape3A_573 : vector<1x1x128xf32> to vector<4x112x128xf32>
    %le3A_576 = vector.broadcast %broadcast_in_dim3A_574 : vector<4x112x1xf32> to vector<4x112x128xf32>
    %le3A_577 = arith.cmpf ole, %le3A_575, %le3A_576 : vector<4x112x128xf32>
    %convert_element_type3A_578 = arith.extui %le3A_577 : vector<4x112x128xi1> to vector<4x112x128xi32>
    %convert_element_type3A_579 = arith.sitofp %convert_element_type3A_578 : vector<4x112x128xi32> to vector<4x112x128xf32>
    %reduce_sum3A_580 = arith.constant dense<0.000000e+00> : vector<4x112xf32>
    %reduce_sum3A_581 = vector.multi_reduction <add>, %convert_element_type3A_579, %reduce_sum3A_580 [2] : vector<4x112x128xf32> to vector<4x112xf32>
    %sub3A_582 = arith.constant 1.000000e+00 : f32
    %sub3A_583 = vector.broadcast %sub3A_582 : f32 to vector<4x112xf32>
    %sub3A_584 = arith.subf %reduce_sum3A_581, %sub3A_583 : vector<4x112xf32>
    %broadcast_in_dim3A_585 = vector.shape_cast %sub3A_584 : vector<4x112xf32> to vector<4x112x1xf32>
    %eq3A_586 = vector.broadcast %broadcast_in_dim3A_585 : vector<4x112x1xf32> to vector<4x112x128xf32>
    %eq3A_587 = vector.broadcast %convert_element_type3A_112 : vector<1x1x128xf32> to vector<4x112x128xf32>
    %eq3A_588 = arith.cmpf oeq, %eq3A_586, %eq3A_587 : vector<4x112x128xf32>
    %convert_element_type3A_589 = arith.extui %eq3A_588 : vector<4x112x128xi1> to vector<4x112x128xi32>
    %convert_element_type3A_590 = arith.sitofp %convert_element_type3A_589 : vector<4x112x128xi32> to vector<4x112x128xf32>
    %dot_general3A_591 = arith.constant dense<0.000000e+00> : vector<4x112x128xf32>
    %dot_general3A_592 = tpu.matmul %convert_element_type3A_590, %dot_general3A_565, %dot_general3A_591 {dimension_numbers = #tpu.dot_dimension_numbers<[2], [0], [0, 1], [1], [0, 0, 0, 1, 1, 1], [], []>, transpose_lhs_hint = false} : vector<4x112x128xf32>, vector<128x128xf32>, vector<4x112x128xf32> -> vector<4x112x128xf32>
    %dot_general3A_593 = arith.constant dense<0.000000e+00> : vector<4x112x128xf32>
    %dot_general3A_594 = tpu.matmul %convert_element_type3A_590, %convert_element_type3A_556, %dot_general3A_593 {dimension_numbers = #tpu.dot_dimension_numbers<[2], [0], [0, 1], [1], [0, 0, 0, 1, 1, 1], [], []>, transpose_lhs_hint = false} : vector<4x112x128xf32>, vector<128x128xf32>, vector<4x112x128xf32> -> vector<4x112x128xf32>
    %dot_general3A_595 = arith.constant dense<0.000000e+00> : vector<4x112x128xf32>
    %dot_general3A_596 = tpu.matmul %convert_element_type3A_590, %dot_general3A_569, %dot_general3A_595 {dimension_numbers = #tpu.dot_dimension_numbers<[2], [0], [0, 1], [1], [0, 0, 0, 1, 1, 1], [], []>, transpose_lhs_hint = false} : vector<4x112x128xf32>, vector<128x128xf32>, vector<4x112x128xf32> -> vector<4x112x128xf32>
    %broadcast_in_dim3A_597 = vector.shape_cast %convert_element_type3A_119 : vector<4x112xf32> to vector<4x112x1xf32>
    %sub3A_598 = vector.broadcast %broadcast_in_dim3A_597 : vector<4x112x1xf32> to vector<4x112x128xf32>
    %sub3A_599 = arith.subf %sub3A_598, %dot_general3A_596 : vector<4x112x128xf32>
    %add3A_600 = arith.constant 1.000000e+00 : f32
    %add3A_601 = vector.broadcast %add3A_600 : f32 to vector<4x112x128xf32>
    %add3A_602 = arith.addf %sub3A_599, %add3A_601 : vector<4x112x128xf32>
    %eq3A_603 = arith.cmpf oeq, %dot_general3A_592, %add3A_602 : vector<4x112x128xf32>
    %convert_element_type3A_604 = arith.extui %eq3A_603 : vector<4x112x128xi1> to vector<4x112x128xi32>
    %convert_element_type3A_605 = arith.sitofp %convert_element_type3A_604 : vector<4x112x128xi32> to vector<4x112x128xf32>
    %mul3A_606 = arith.mulf %convert_element_type3A_605, %dot_general3A_594 : vector<4x112x128xf32>
    %mul3A_607 = vector.broadcast %convert_element_type3A_112 : vector<1x1x128xf32> to vector<4x112x128xf32>
    %mul3A_608 = arith.mulf %mul3A_606, %mul3A_607 : vector<4x112x128xf32>
    %reduce_sum3A_609 = arith.constant dense<0.000000e+00> : vector<4x112xf32>
    %reduce_sum3A_610 = vector.multi_reduction <add>, %mul3A_608, %reduce_sum3A_609 [2] : vector<4x112x128xf32> to vector<4x112xf32>
    %mul3A_611 = arith.constant 1.280000e+02 : f32
    %mul3A_612 = vector.broadcast %mul3A_611 : f32 to vector<4x112xf32>
    %mul3A_613 = arith.mulf %mul3A_612, %sub3A_584 : vector<4x112xf32>
    %add3A_614 = arith.addf %mul3A_613, %reduce_sum3A_610 : vector<4x112xf32>
    %convert_element_type3A_615 = arith.fptosi %add3A_614 : vector<4x112xf32> to vector<4x112xi32>
    %swap3A_616 = arith.constant 3 : index
    %swap3A_617 = arith.constant 0 : index
    %swap3A_618 = arith.constant 0 : index
    %swap3A_619 = vector.load %arg3[%swap3A_616, %swap3A_617, %swap3A_618] : memref<8x4x112xi32, #tpu.memory_space<vmem>>, vector<1x4x112xi32>
    %swap3A_620 = vector.shape_cast %swap3A_619 : vector<1x4x112xi32> to vector<4x112xi32>
    %swap3A_621 = vector.shape_cast %convert_element_type3A_615 : vector<4x112xi32> to vector<1x4x112xi32>
    tpu.vector_store %arg3[%swap3A_616, %swap3A_617, %swap3A_618], %swap3A_621 {strides = array<i32>} : memref<8x4x112xi32, #tpu.memory_space<vmem>>, vector<1x4x112xi32>,
    %slice3A_622 = vector.extract_strided_slice %xor3A {offsets = [4, 0], sizes = [1, 16384], strides = [1, 1]} : vector<8x16384xi32> to vector<1x16384xi32>
    %squeeze3A_623 = vector.shape_cast %slice3A_622 : vector<1x16384xi32> to vector<16384xi32>
    %reshape3A_624 = vector.shape_cast %squeeze3A_623 : vector<16384xi32> to vector<128x128xi32>
    %slice3A_625 = vector.extract_strided_slice %get3A_45 {offsets = [4, 0], sizes = [1, 16384], strides = [1, 1]} : vector<8x16384xi32> to vector<1x16384xi32>
    %squeeze3A_626 = vector.shape_cast %slice3A_625 : vector<1x16384xi32> to vector<16384xi32>
    %reshape3A_627 = vector.shape_cast %squeeze3A_626 : vector<16384xi32> to vector<128x128xi32>
    %eq3A_628 = arith.constant 0 : i32
    %eq3A_629 = vector.broadcast %eq3A_628 : i32 to vector<128x128xi32>
    %eq3A_630 = arith.cmpi eq, %reshape3A_627, %eq3A_629 : vector<128x128xi32>
    %not3A_631 = arith.constant dense<true> : vector<128x128xi1>
    %not3A_632 = arith.xori %eq3A_630, %not3A_631 : vector<128x128xi1>
    %slice3A_633 = vector.extract_strided_slice %scan3A_83#0 {offsets = [4, 0], sizes = [1, 1], strides = [1, 1]} : vector<8x1xi32> to vector<1x1xi32>
    %slice3A_634 = vector.extract_strided_slice %scan3A_83#2 {offsets = [4, 0], sizes = [1, 1], strides = [1, 1]} : vector<8x1xi32> to vector<1x1xi32>
    %slice3A_635 = vector.extract_strided_slice %convert_element_type3A_91 {offsets = [4, 0], sizes = [1, 1], strides = [1, 1]} : vector<8x1xf32> to vector<1x1xf32>
    %slice3A_636 = vector.extract_strided_slice %convert_element_type3A_100 {offsets = [4, 0], sizes = [1, 1], strides = [1, 1]} : vector<8x1xf32> to vector<1x1xf32>
    %eq3A_637 = vector.broadcast %slice3A_633 : vector<1x1xi32> to vector<128x128xi32>
    %eq3A_638 = arith.cmpi eq, %reshape3A_624, %eq3A_637 : vector<128x128xi32>
    %and3A_639 = arith.andi %eq3A_630, %eq3A_638 : vector<128x128xi1>
    %convert_element_type3A_640 = arith.extui %and3A_639 : vector<128x128xi1> to vector<128x128xi32>
    %convert_element_type3A_641 = arith.sitofp %convert_element_type3A_640 : vector<128x128xi32> to vector<128x128xf32>
    %eq3A_642 = vector.broadcast %slice3A_634 : vector<1x1xi32> to vector<128x128xi32>
    %eq3A_643 = arith.cmpi eq, %reshape3A_624, %eq3A_642 : vector<128x128xi32>
    %and3A_644 = arith.andi %not3A_632, %eq3A_643 : vector<128x128xi1>
    %convert_element_type3A_645 = arith.extui %and3A_644 : vector<128x128xi1> to vector<128x128xi32>
    %convert_element_type3A_646 = arith.sitofp %convert_element_type3A_645 : vector<128x128xi32> to vector<128x128xf32>
    %dot_general3A_647 = arith.constant dense<0.000000e+00> : vector<128x128xf32>
    %dot_general3A_648 = tpu.matmul %convert_element_type3A_641, %convert_element_type3A_103, %dot_general3A_647 {dimension_numbers = #tpu.dot_dimension_numbers<[1], [0], [0], [1], [0, 0, 1, 1], [], []>, transpose_lhs_hint = false} : vector<128x128xf32>, vector<128x128xf32>, vector<128x128xf32> -> vector<128x128xf32>
    %sub3A_649 = arith.subf %dot_general3A_648, %convert_element_type3A_641 : vector<128x128xf32>
    %dot_general3A_650 = arith.constant dense<0.000000e+00> : vector<128x128xf32>
    %dot_general3A_651 = tpu.matmul %convert_element_type3A_641, %broadcast_in_dim3A_107, %dot_general3A_650 {dimension_numbers = #tpu.dot_dimension_numbers<[1], [0], [0], [1], [0, 0, 1, 1], [], []>, transpose_lhs_hint = false} : vector<128x128xf32>, vector<128x128xf32>, vector<128x128xf32> -> vector<128x128xf32>
    %dot_general3A_652 = arith.constant dense<0.000000e+00> : vector<128x128xf32>
    %dot_general3A_653 = tpu.matmul %convert_element_type3A_105, %dot_general3A_651, %dot_general3A_652 {dimension_numbers = #tpu.dot_dimension_numbers<[1], [0], [0], [1], [0, 0, 1, 1], [], []>, transpose_lhs_hint = false} : vector<128x128xf32>, vector<128x128xf32>, vector<128x128xf32> -> vector<128x128xf32>
    %add3A_654 = arith.addf %sub3A_649, %dot_general3A_653 : vector<128x128xf32>
    %dot_general3A_655 = arith.constant dense<0.000000e+00> : vector<128x128xf32>
    %dot_general3A_656 = tpu.matmul %convert_element_type3A_646, %convert_element_type3A_103, %dot_general3A_655 {dimension_numbers = #tpu.dot_dimension_numbers<[1], [0], [0], [1], [0, 0, 1, 1], [], []>, transpose_lhs_hint = false} : vector<128x128xf32>, vector<128x128xf32>, vector<128x128xf32> -> vector<128x128xf32>
    %sub3A_657 = arith.subf %dot_general3A_656, %convert_element_type3A_646 : vector<128x128xf32>
    %dot_general3A_658 = arith.constant dense<0.000000e+00> : vector<128x128xf32>
    %dot_general3A_659 = tpu.matmul %convert_element_type3A_646, %broadcast_in_dim3A_107, %dot_general3A_658 {dimension_numbers = #tpu.dot_dimension_numbers<[1], [0], [0], [1], [0, 0, 1, 1], [], []>, transpose_lhs_hint = false} : vector<128x128xf32>, vector<128x128xf32>, vector<128x128xf32> -> vector<128x128xf32>
    %dot_general3A_660 = arith.constant dense<0.000000e+00> : vector<128x128xf32>
    %dot_general3A_661 = tpu.matmul %convert_element_type3A_105, %dot_general3A_659, %dot_general3A_660 {dimension_numbers = #tpu.dot_dimension_numbers<[1], [0], [0], [1], [0, 0, 1, 1], [], []>, transpose_lhs_hint = false} : vector<128x128xf32>, vector<128x128xf32>, vector<128x128xf32> -> vector<128x128xf32>
    %add3A_662 = arith.addf %sub3A_657, %dot_general3A_661 : vector<128x128xf32>
    %gt3A_663 = vector.broadcast %slice3A_633 : vector<1x1xi32> to vector<128x128xi32>
    %gt3A_664 = arith.cmpi sgt, %reshape3A_624, %gt3A_663 : vector<128x128xi32>
    %eq3A_665 = vector.broadcast %slice3A_633 : vector<1x1xi32> to vector<128x128xi32>
    %eq3A_666 = arith.cmpi eq, %reshape3A_624, %eq3A_665 : vector<128x128xi32>
    %lt3A_667 = vector.broadcast %slice3A_635 : vector<1x1xf32> to vector<128x128xf32>
    %lt3A_668 = arith.cmpf olt, %add3A_654, %lt3A_667 : vector<128x128xf32>
    %and3A_669 = arith.andi %eq3A_666, %lt3A_668 : vector<128x128xi1>
    %or3A_670 = arith.ori %gt3A_664, %and3A_669 : vector<128x128xi1>
    %and3A_671 = arith.andi %eq3A_630, %or3A_670 : vector<128x128xi1>
    %gt3A_672 = vector.broadcast %slice3A_634 : vector<1x1xi32> to vector<128x128xi32>
    %gt3A_673 = arith.cmpi sgt, %reshape3A_624, %gt3A_672 : vector<128x128xi32>
    %eq3A_674 = vector.broadcast %slice3A_634 : vector<1x1xi32> to vector<128x128xi32>
    %eq3A_675 = arith.cmpi eq, %reshape3A_624, %eq3A_674 : vector<128x128xi32>
    %lt3A_676 = vector.broadcast %slice3A_636 : vector<1x1xf32> to vector<128x128xf32>
    %lt3A_677 = arith.cmpf olt, %add3A_662, %lt3A_676 : vector<128x128xf32>
    %and3A_678 = arith.andi %eq3A_675, %lt3A_677 : vector<128x128xi1>
    %or3A_679 = arith.ori %gt3A_673, %and3A_678 : vector<128x128xi1>
    %and3A_680 = arith.andi %not3A_632, %or3A_679 : vector<128x128xi1>
    %or3A_681 = arith.ori %and3A_671, %and3A_680 : vector<128x128xi1>
    %convert_element_type3A_682 = arith.extui %or3A_681 : vector<128x128xi1> to vector<128x128xi32>
    %convert_element_type3A_683 = arith.sitofp %convert_element_type3A_682 : vector<128x128xi32> to vector<128x128xf32>
    %convert_element_type3A_684 = arith.fptosi %convert_element_type3A_683 : vector<128x128xf32> to vector<128x128xi32>
    %reduce_sum3A_685 = vector.shape_cast %convert_element_type3A_684 : vector<128x128xi32> to vector<1x128x128xi32>
    %reduce_sum3A_686 = arith.constant dense<0> : vector<1xi32>
    %reduce_sum3A_687 = vector.multi_reduction <add>, %reduce_sum3A_685, %reduce_sum3A_686 [1, 2] : vector<1x128x128xi32> to vector<1xi32>
    %reduce_sum3A_688 = vector.shape_cast %reduce_sum3A_687 : vector<1xi32> to vector<1x1x1xi32>
    %reduce_sum3A_689 = vector.extract %reduce_sum3A_688[0, 0, 0] : i32 from vector<1x1x1xi32>
    %broadcast_in_dim3A_690 = vector.broadcast %reduce_sum3A_689 : i32 to vector<1x1xi32>
    %dot_general3A_691 = arith.constant dense<0.000000e+00> : vector<128x128xf32>
    %dot_general3A_692 = tpu.matmul %convert_element_type3A_683, %convert_element_type3A_103, %dot_general3A_691 {dimension_numbers = #tpu.dot_dimension_numbers<[1], [0], [0], [1], [0, 0, 1, 1], [], []>, transpose_lhs_hint = false} : vector<128x128xf32>, vector<128x128xf32>, vector<128x128xf32> -> vector<128x128xf32>
    %dot_general3A_693 = arith.constant dense<0.000000e+00> : vector<128x128xf32>
    %dot_general3A_694 = tpu.matmul %convert_element_type3A_683, %broadcast_in_dim3A_107, %dot_general3A_693 {dimension_numbers = #tpu.dot_dimension_numbers<[1], [0], [0], [1], [0, 0, 1, 1], [], []>, transpose_lhs_hint = false} : vector<128x128xf32>, vector<128x128xf32>, vector<128x128xf32> -> vector<128x128xf32>
    %dot_general3A_695 = arith.constant dense<0.000000e+00> : vector<128x128xf32>
    %dot_general3A_696 = tpu.matmul %convert_element_type3A_105, %dot_general3A_694, %dot_general3A_695 {dimension_numbers = #tpu.dot_dimension_numbers<[1], [0], [0], [1], [0, 0, 1, 1], [], []>, transpose_lhs_hint = false} : vector<128x128xf32>, vector<128x128xf32>, vector<128x128xf32> -> vector<128x128xf32>
    %dot_general3A_697 = arith.constant dense<0.000000e+00> : vector<128x128xf32>
    %dot_general3A_698 = tpu.matmul %dot_general3A_696, %convert_element_type3A_110, %dot_general3A_697 {dimension_numbers = #tpu.dot_dimension_numbers<[0], [0], [1], [1], [0, 1, 1, 1], [], []>, transpose_lhs_hint = false} : vector<128x128xf32>, vector<128x128xf32>, vector<128x128xf32> -> vector<128x128xf32>
    %slice3A_699 = vector.extract_strided_slice %dot_general3A_698 {offsets = [0, 0], sizes = [1, 128], strides = [1, 1]} : vector<128x128xf32> to vector<1x128xf32>
    %reshape3A_700 = vector.shape_cast %slice3A_699 : vector<1x128xf32> to vector<1x1x128xf32>
    %broadcast_in_dim3A_701 = vector.shape_cast %convert_element_type3A_119 : vector<4x112xf32> to vector<4x112x1xf32>
    %le3A_702 = vector.broadcast %reshape3A_700 : vector<1x1x128xf32> to vector<4x112x128xf32>
    %le3A_703 = vector.broadcast %broadcast_in_dim3A_701 : vector<4x112x1xf32> to vector<4x112x128xf32>
    %le3A_704 = arith.cmpf ole, %le3A_702, %le3A_703 : vector<4x112x128xf32>
    %convert_element_type3A_705 = arith.extui %le3A_704 : vector<4x112x128xi1> to vector<4x112x128xi32>
    %convert_element_type3A_706 = arith.sitofp %convert_element_type3A_705 : vector<4x112x128xi32> to vector<4x112x128xf32>
    %reduce_sum3A_707 = arith.constant dense<0.000000e+00> : vector<4x112xf32>
    %reduce_sum3A_708 = vector.multi_reduction <add>, %convert_element_type3A_706, %reduce_sum3A_707 [2] : vector<4x112x128xf32> to vector<4x112xf32>
    %sub3A_709 = arith.constant 1.000000e+00 : f32
    %sub3A_710 = vector.broadcast %sub3A_709 : f32 to vector<4x112xf32>
    %sub3A_711 = arith.subf %reduce_sum3A_708, %sub3A_710 : vector<4x112xf32>
    %broadcast_in_dim3A_712 = vector.shape_cast %sub3A_711 : vector<4x112xf32> to vector<4x112x1xf32>
    %eq3A_713 = vector.broadcast %broadcast_in_dim3A_712 : vector<4x112x1xf32> to vector<4x112x128xf32>
    %eq3A_714 = vector.broadcast %convert_element_type3A_112 : vector<1x1x128xf32> to vector<4x112x128xf32>
    %eq3A_715 = arith.cmpf oeq, %eq3A_713, %eq3A_714 : vector<4x112x128xf32>
    %convert_element_type3A_716 = arith.extui %eq3A_715 : vector<4x112x128xi1> to vector<4x112x128xi32>
    %convert_element_type3A_717 = arith.sitofp %convert_element_type3A_716 : vector<4x112x128xi32> to vector<4x112x128xf32>
    %dot_general3A_718 = arith.constant dense<0.000000e+00> : vector<4x112x128xf32>
    %dot_general3A_719 = tpu.matmul %convert_element_type3A_717, %dot_general3A_692, %dot_general3A_718 {dimension_numbers = #tpu.dot_dimension_numbers<[2], [0], [0, 1], [1], [0, 0, 0, 1, 1, 1], [], []>, transpose_lhs_hint = false} : vector<4x112x128xf32>, vector<128x128xf32>, vector<4x112x128xf32> -> vector<4x112x128xf32>
    %dot_general3A_720 = arith.constant dense<0.000000e+00> : vector<4x112x128xf32>
    %dot_general3A_721 = tpu.matmul %convert_element_type3A_717, %convert_element_type3A_683, %dot_general3A_720 {dimension_numbers = #tpu.dot_dimension_numbers<[2], [0], [0, 1], [1], [0, 0, 0, 1, 1, 1], [], []>, transpose_lhs_hint = false} : vector<4x112x128xf32>, vector<128x128xf32>, vector<4x112x128xf32> -> vector<4x112x128xf32>
    %dot_general3A_722 = arith.constant dense<0.000000e+00> : vector<4x112x128xf32>
    %dot_general3A_723 = tpu.matmul %convert_element_type3A_717, %dot_general3A_696, %dot_general3A_722 {dimension_numbers = #tpu.dot_dimension_numbers<[2], [0], [0, 1], [1], [0, 0, 0, 1, 1, 1], [], []>, transpose_lhs_hint = false} : vector<4x112x128xf32>, vector<128x128xf32>, vector<4x112x128xf32> -> vector<4x112x128xf32>
    %broadcast_in_dim3A_724 = vector.shape_cast %convert_element_type3A_119 : vector<4x112xf32> to vector<4x112x1xf32>
    %sub3A_725 = vector.broadcast %broadcast_in_dim3A_724 : vector<4x112x1xf32> to vector<4x112x128xf32>
    %sub3A_726 = arith.subf %sub3A_725, %dot_general3A_723 : vector<4x112x128xf32>
    %add3A_727 = arith.constant 1.000000e+00 : f32
    %add3A_728 = vector.broadcast %add3A_727 : f32 to vector<4x112x128xf32>
    %add3A_729 = arith.addf %sub3A_726, %add3A_728 : vector<4x112x128xf32>
    %eq3A_730 = arith.cmpf oeq, %dot_general3A_719, %add3A_729 : vector<4x112x128xf32>
    %convert_element_type3A_731 = arith.extui %eq3A_730 : vector<4x112x128xi1> to vector<4x112x128xi32>
    %convert_element_type3A_732 = arith.sitofp %convert_element_type3A_731 : vector<4x112x128xi32> to vector<4x112x128xf32>
    %mul3A_733 = arith.mulf %convert_element_type3A_732, %dot_general3A_721 : vector<4x112x128xf32>
    %mul3A_734 = vector.broadcast %convert_element_type3A_112 : vector<1x1x128xf32> to vector<4x112x128xf32>
    %mul3A_735 = arith.mulf %mul3A_733, %mul3A_734 : vector<4x112x128xf32>
    %reduce_sum3A_736 = arith.constant dense<0.000000e+00> : vector<4x112xf32>
    %reduce_sum3A_737 = vector.multi_reduction <add>, %mul3A_735, %reduce_sum3A_736 [2] : vector<4x112x128xf32> to vector<4x112xf32>
    %mul3A_738 = arith.constant 1.280000e+02 : f32
    %mul3A_739 = vector.broadcast %mul3A_738 : f32 to vector<4x112xf32>
    %mul3A_740 = arith.mulf %mul3A_739, %sub3A_711 : vector<4x112xf32>
    %add3A_741 = arith.addf %mul3A_740, %reduce_sum3A_737 : vector<4x112xf32>
    %convert_element_type3A_742 = arith.fptosi %add3A_741 : vector<4x112xf32> to vector<4x112xi32>
    %swap3A_743 = arith.constant 4 : index
    %swap3A_744 = arith.constant 0 : index
    %swap3A_745 = arith.constant 0 : index
    %swap3A_746 = vector.load %arg3[%swap3A_743, %swap3A_744, %swap3A_745] : memref<8x4x112xi32, #tpu.memory_space<vmem>>, vector<1x4x112xi32>
    %swap3A_747 = vector.shape_cast %swap3A_746 : vector<1x4x112xi32> to vector<4x112xi32>
    %swap3A_748 = vector.shape_cast %convert_element_type3A_742 : vector<4x112xi32> to vector<1x4x112xi32>
    tpu.vector_store %arg3[%swap3A_743, %swap3A_744, %swap3A_745], %swap3A_748 {strides = array<i32>} : memref<8x4x112xi32, #tpu.memory_space<vmem>>, vector<1x4x112xi32>,
    %slice3A_749 = vector.extract_strided_slice %xor3A {offsets = [5, 0], sizes = [1, 16384], strides = [1, 1]} : vector<8x16384xi32> to vector<1x16384xi32>
    %squeeze3A_750 = vector.shape_cast %slice3A_749 : vector<1x16384xi32> to vector<16384xi32>
    %reshape3A_751 = vector.shape_cast %squeeze3A_750 : vector<16384xi32> to vector<128x128xi32>
    %slice3A_752 = vector.extract_strided_slice %get3A_45 {offsets = [5, 0], sizes = [1, 16384], strides = [1, 1]} : vector<8x16384xi32> to vector<1x16384xi32>
    %squeeze3A_753 = vector.shape_cast %slice3A_752 : vector<1x16384xi32> to vector<16384xi32>
    %reshape3A_754 = vector.shape_cast %squeeze3A_753 : vector<16384xi32> to vector<128x128xi32>
    %eq3A_755 = arith.constant 0 : i32
    %eq3A_756 = vector.broadcast %eq3A_755 : i32 to vector<128x128xi32>
    %eq3A_757 = arith.cmpi eq, %reshape3A_754, %eq3A_756 : vector<128x128xi32>
    %not3A_758 = arith.constant dense<true> : vector<128x128xi1>
    %not3A_759 = arith.xori %eq3A_757, %not3A_758 : vector<128x128xi1>
    %slice3A_760 = vector.extract_strided_slice %scan3A_83#0 {offsets = [5, 0], sizes = [1, 1], strides = [1, 1]} : vector<8x1xi32> to vector<1x1xi32>
    %slice3A_761 = vector.extract_strided_slice %scan3A_83#2 {offsets = [5, 0], sizes = [1, 1], strides = [1, 1]} : vector<8x1xi32> to vector<1x1xi32>
    %slice3A_762 = vector.extract_strided_slice %convert_element_type3A_91 {offsets = [5, 0], sizes = [1, 1], strides = [1, 1]} : vector<8x1xf32> to vector<1x1xf32>
    %slice3A_763 = vector.extract_strided_slice %convert_element_type3A_100 {offsets = [5, 0], sizes = [1, 1], strides = [1, 1]} : vector<8x1xf32> to vector<1x1xf32>
    %eq3A_764 = vector.broadcast %slice3A_760 : vector<1x1xi32> to vector<128x128xi32>
    %eq3A_765 = arith.cmpi eq, %reshape3A_751, %eq3A_764 : vector<128x128xi32>
    %and3A_766 = arith.andi %eq3A_757, %eq3A_765 : vector<128x128xi1>
    %convert_element_type3A_767 = arith.extui %and3A_766 : vector<128x128xi1> to vector<128x128xi32>
    %convert_element_type3A_768 = arith.sitofp %convert_element_type3A_767 : vector<128x128xi32> to vector<128x128xf32>
    %eq3A_769 = vector.broadcast %slice3A_761 : vector<1x1xi32> to vector<128x128xi32>
    %eq3A_770 = arith.cmpi eq, %reshape3A_751, %eq3A_769 : vector<128x128xi32>
    %and3A_771 = arith.andi %not3A_759, %eq3A_770 : vector<128x128xi1>
    %convert_element_type3A_772 = arith.extui %and3A_771 : vector<128x128xi1> to vector<128x128xi32>
    %convert_element_type3A_773 = arith.sitofp %convert_element_type3A_772 : vector<128x128xi32> to vector<128x128xf32>
    %dot_general3A_774 = arith.constant dense<0.000000e+00> : vector<128x128xf32>
    %dot_general3A_775 = tpu.matmul %convert_element_type3A_768, %convert_element_type3A_103, %dot_general3A_774 {dimension_numbers = #tpu.dot_dimension_numbers<[1], [0], [0], [1], [0, 0, 1, 1], [], []>, transpose_lhs_hint = false} : vector<128x128xf32>, vector<128x128xf32>, vector<128x128xf32> -> vector<128x128xf32>
    %sub3A_776 = arith.subf %dot_general3A_775, %convert_element_type3A_768 : vector<128x128xf32>
    %dot_general3A_777 = arith.constant dense<0.000000e+00> : vector<128x128xf32>
    %dot_general3A_778 = tpu.matmul %convert_element_type3A_768, %broadcast_in_dim3A_107, %dot_general3A_777 {dimension_numbers = #tpu.dot_dimension_numbers<[1], [0], [0], [1], [0, 0, 1, 1], [], []>, transpose_lhs_hint = false} : vector<128x128xf32>, vector<128x128xf32>, vector<128x128xf32> -> vector<128x128xf32>
    %dot_general3A_779 = arith.constant dense<0.000000e+00> : vector<128x128xf32>
    %dot_general3A_780 = tpu.matmul %convert_element_type3A_105, %dot_general3A_778, %dot_general3A_779 {dimension_numbers = #tpu.dot_dimension_numbers<[1], [0], [0], [1], [0, 0, 1, 1], [], []>, transpose_lhs_hint = false} : vector<128x128xf32>, vector<128x128xf32>, vector<128x128xf32> -> vector<128x128xf32>
    %add3A_781 = arith.addf %sub3A_776, %dot_general3A_780 : vector<128x128xf32>
    %dot_general3A_782 = arith.constant dense<0.000000e+00> : vector<128x128xf32>
    %dot_general3A_783 = tpu.matmul %convert_element_type3A_773, %convert_element_type3A_103, %dot_general3A_782 {dimension_numbers = #tpu.dot_dimension_numbers<[1], [0], [0], [1], [0, 0, 1, 1], [], []>, transpose_lhs_hint = false} : vector<128x128xf32>, vector<128x128xf32>, vector<128x128xf32> -> vector<128x128xf32>
    %sub3A_784 = arith.subf %dot_general3A_783, %convert_element_type3A_773 : vector<128x128xf32>
    %dot_general3A_785 = arith.constant dense<0.000000e+00> : vector<128x128xf32>
    %dot_general3A_786 = tpu.matmul %convert_element_type3A_773, %broadcast_in_dim3A_107, %dot_general3A_785 {dimension_numbers = #tpu.dot_dimension_numbers<[1], [0], [0], [1], [0, 0, 1, 1], [], []>, transpose_lhs_hint = false} : vector<128x128xf32>, vector<128x128xf32>, vector<128x128xf32> -> vector<128x128xf32>
    %dot_general3A_787 = arith.constant dense<0.000000e+00> : vector<128x128xf32>
    %dot_general3A_788 = tpu.matmul %convert_element_type3A_105, %dot_general3A_786, %dot_general3A_787 {dimension_numbers = #tpu.dot_dimension_numbers<[1], [0], [0], [1], [0, 0, 1, 1], [], []>, transpose_lhs_hint = false} : vector<128x128xf32>, vector<128x128xf32>, vector<128x128xf32> -> vector<128x128xf32>
    %add3A_789 = arith.addf %sub3A_784, %dot_general3A_788 : vector<128x128xf32>
    %gt3A_790 = vector.broadcast %slice3A_760 : vector<1x1xi32> to vector<128x128xi32>
    %gt3A_791 = arith.cmpi sgt, %reshape3A_751, %gt3A_790 : vector<128x128xi32>
    %eq3A_792 = vector.broadcast %slice3A_760 : vector<1x1xi32> to vector<128x128xi32>
    %eq3A_793 = arith.cmpi eq, %reshape3A_751, %eq3A_792 : vector<128x128xi32>
    %lt3A_794 = vector.broadcast %slice3A_762 : vector<1x1xf32> to vector<128x128xf32>
    %lt3A_795 = arith.cmpf olt, %add3A_781, %lt3A_794 : vector<128x128xf32>
    %and3A_796 = arith.andi %eq3A_793, %lt3A_795 : vector<128x128xi1>
    %or3A_797 = arith.ori %gt3A_791, %and3A_796 : vector<128x128xi1>
    %and3A_798 = arith.andi %eq3A_757, %or3A_797 : vector<128x128xi1>
    %gt3A_799 = vector.broadcast %slice3A_761 : vector<1x1xi32> to vector<128x128xi32>
    %gt3A_800 = arith.cmpi sgt, %reshape3A_751, %gt3A_799 : vector<128x128xi32>
    %eq3A_801 = vector.broadcast %slice3A_761 : vector<1x1xi32> to vector<128x128xi32>
    %eq3A_802 = arith.cmpi eq, %reshape3A_751, %eq3A_801 : vector<128x128xi32>
    %lt3A_803 = vector.broadcast %slice3A_763 : vector<1x1xf32> to vector<128x128xf32>
    %lt3A_804 = arith.cmpf olt, %add3A_789, %lt3A_803 : vector<128x128xf32>
    %and3A_805 = arith.andi %eq3A_802, %lt3A_804 : vector<128x128xi1>
    %or3A_806 = arith.ori %gt3A_800, %and3A_805 : vector<128x128xi1>
    %and3A_807 = arith.andi %not3A_759, %or3A_806 : vector<128x128xi1>
    %or3A_808 = arith.ori %and3A_798, %and3A_807 : vector<128x128xi1>
    %convert_element_type3A_809 = arith.extui %or3A_808 : vector<128x128xi1> to vector<128x128xi32>
    %convert_element_type3A_810 = arith.sitofp %convert_element_type3A_809 : vector<128x128xi32> to vector<128x128xf32>
    %convert_element_type3A_811 = arith.fptosi %convert_element_type3A_810 : vector<128x128xf32> to vector<128x128xi32>
    %reduce_sum3A_812 = vector.shape_cast %convert_element_type3A_811 : vector<128x128xi32> to vector<1x128x128xi32>
    %reduce_sum3A_813 = arith.constant dense<0> : vector<1xi32>
    %reduce_sum3A_814 = vector.multi_reduction <add>, %reduce_sum3A_812, %reduce_sum3A_813 [1, 2] : vector<1x128x128xi32> to vector<1xi32>
    %reduce_sum3A_815 = vector.shape_cast %reduce_sum3A_814 : vector<1xi32> to vector<1x1x1xi32>
    %reduce_sum3A_816 = vector.extract %reduce_sum3A_815[0, 0, 0] : i32 from vector<1x1x1xi32>
    %broadcast_in_dim3A_817 = vector.broadcast %reduce_sum3A_816 : i32 to vector<1x1xi32>
    %dot_general3A_818 = arith.constant dense<0.000000e+00> : vector<128x128xf32>
    %dot_general3A_819 = tpu.matmul %convert_element_type3A_810, %convert_element_type3A_103, %dot_general3A_818 {dimension_numbers = #tpu.dot_dimension_numbers<[1], [0], [0], [1], [0, 0, 1, 1], [], []>, transpose_lhs_hint = false} : vector<128x128xf32>, vector<128x128xf32>, vector<128x128xf32> -> vector<128x128xf32>
    %dot_general3A_820 = arith.constant dense<0.000000e+00> : vector<128x128xf32>
    %dot_general3A_821 = tpu.matmul %convert_element_type3A_810, %broadcast_in_dim3A_107, %dot_general3A_820 {dimension_numbers = #tpu.dot_dimension_numbers<[1], [0], [0], [1], [0, 0, 1, 1], [], []>, transpose_lhs_hint = false} : vector<128x128xf32>, vector<128x128xf32>, vector<128x128xf32> -> vector<128x128xf32>
    %dot_general3A_822 = arith.constant dense<0.000000e+00> : vector<128x128xf32>
    %dot_general3A_823 = tpu.matmul %convert_element_type3A_105, %dot_general3A_821, %dot_general3A_822 {dimension_numbers = #tpu.dot_dimension_numbers<[1], [0], [0], [1], [0, 0, 1, 1], [], []>, transpose_lhs_hint = false} : vector<128x128xf32>, vector<128x128xf32>, vector<128x128xf32> -> vector<128x128xf32>
    %dot_general3A_824 = arith.constant dense<0.000000e+00> : vector<128x128xf32>
    %dot_general3A_825 = tpu.matmul %dot_general3A_823, %convert_element_type3A_110, %dot_general3A_824 {dimension_numbers = #tpu.dot_dimension_numbers<[0], [0], [1], [1], [0, 1, 1, 1], [], []>, transpose_lhs_hint = false} : vector<128x128xf32>, vector<128x128xf32>, vector<128x128xf32> -> vector<128x128xf32>
    %slice3A_826 = vector.extract_strided_slice %dot_general3A_825 {offsets = [0, 0], sizes = [1, 128], strides = [1, 1]} : vector<128x128xf32> to vector<1x128xf32>
    %reshape3A_827 = vector.shape_cast %slice3A_826 : vector<1x128xf32> to vector<1x1x128xf32>
    %broadcast_in_dim3A_828 = vector.shape_cast %convert_element_type3A_119 : vector<4x112xf32> to vector<4x112x1xf32>
    %le3A_829 = vector.broadcast %reshape3A_827 : vector<1x1x128xf32> to vector<4x112x128xf32>
    %le3A_830 = vector.broadcast %broadcast_in_dim3A_828 : vector<4x112x1xf32> to vector<4x112x128xf32>
    %le3A_831 = arith.cmpf ole, %le3A_829, %le3A_830 : vector<4x112x128xf32>
    %convert_element_type3A_832 = arith.extui %le3A_831 : vector<4x112x128xi1> to vector<4x112x128xi32>
    %convert_element_type3A_833 = arith.sitofp %convert_element_type3A_832 : vector<4x112x128xi32> to vector<4x112x128xf32>
    %reduce_sum3A_834 = arith.constant dense<0.000000e+00> : vector<4x112xf32>
    %reduce_sum3A_835 = vector.multi_reduction <add>, %convert_element_type3A_833, %reduce_sum3A_834 [2] : vector<4x112x128xf32> to vector<4x112xf32>
    %sub3A_836 = arith.constant 1.000000e+00 : f32
    %sub3A_837 = vector.broadcast %sub3A_836 : f32 to vector<4x112xf32>
    %sub3A_838 = arith.subf %reduce_sum3A_835, %sub3A_837 : vector<4x112xf32>
    %broadcast_in_dim3A_839 = vector.shape_cast %sub3A_838 : vector<4x112xf32> to vector<4x112x1xf32>
    %eq3A_840 = vector.broadcast %broadcast_in_dim3A_839 : vector<4x112x1xf32> to vector<4x112x128xf32>
    %eq3A_841 = vector.broadcast %convert_element_type3A_112 : vector<1x1x128xf32> to vector<4x112x128xf32>
    %eq3A_842 = arith.cmpf oeq, %eq3A_840, %eq3A_841 : vector<4x112x128xf32>
    %convert_element_type3A_843 = arith.extui %eq3A_842 : vector<4x112x128xi1> to vector<4x112x128xi32>
    %convert_element_type3A_844 = arith.sitofp %convert_element_type3A_843 : vector<4x112x128xi32> to vector<4x112x128xf32>
    %dot_general3A_845 = arith.constant dense<0.000000e+00> : vector<4x112x128xf32>
    %dot_general3A_846 = tpu.matmul %convert_element_type3A_844, %dot_general3A_819, %dot_general3A_845 {dimension_numbers = #tpu.dot_dimension_numbers<[2], [0], [0, 1], [1], [0, 0, 0, 1, 1, 1], [], []>, transpose_lhs_hint = false} : vector<4x112x128xf32>, vector<128x128xf32>, vector<4x112x128xf32> -> vector<4x112x128xf32>
    %dot_general3A_847 = arith.constant dense<0.000000e+00> : vector<4x112x128xf32>
    %dot_general3A_848 = tpu.matmul %convert_element_type3A_844, %convert_element_type3A_810, %dot_general3A_847 {dimension_numbers = #tpu.dot_dimension_numbers<[2], [0], [0, 1], [1], [0, 0, 0, 1, 1, 1], [], []>, transpose_lhs_hint = false} : vector<4x112x128xf32>, vector<128x128xf32>, vector<4x112x128xf32> -> vector<4x112x128xf32>
    %dot_general3A_849 = arith.constant dense<0.000000e+00> : vector<4x112x128xf32>
    %dot_general3A_850 = tpu.matmul %convert_element_type3A_844, %dot_general3A_823, %dot_general3A_849 {dimension_numbers = #tpu.dot_dimension_numbers<[2], [0], [0, 1], [1], [0, 0, 0, 1, 1, 1], [], []>, transpose_lhs_hint = false} : vector<4x112x128xf32>, vector<128x128xf32>, vector<4x112x128xf32> -> vector<4x112x128xf32>
    %broadcast_in_dim3A_851 = vector.shape_cast %convert_element_type3A_119 : vector<4x112xf32> to vector<4x112x1xf32>
    %sub3A_852 = vector.broadcast %broadcast_in_dim3A_851 : vector<4x112x1xf32> to vector<4x112x128xf32>
    %sub3A_853 = arith.subf %sub3A_852, %dot_general3A_850 : vector<4x112x128xf32>
    %add3A_854 = arith.constant 1.000000e+00 : f32
    %add3A_855 = vector.broadcast %add3A_854 : f32 to vector<4x112x128xf32>
    %add3A_856 = arith.addf %sub3A_853, %add3A_855 : vector<4x112x128xf32>
    %eq3A_857 = arith.cmpf oeq, %dot_general3A_846, %add3A_856 : vector<4x112x128xf32>
    %convert_element_type3A_858 = arith.extui %eq3A_857 : vector<4x112x128xi1> to vector<4x112x128xi32>
    %convert_element_type3A_859 = arith.sitofp %convert_element_type3A_858 : vector<4x112x128xi32> to vector<4x112x128xf32>
    %mul3A_860 = arith.mulf %convert_element_type3A_859, %dot_general3A_848 : vector<4x112x128xf32>
    %mul3A_861 = vector.broadcast %convert_element_type3A_112 : vector<1x1x128xf32> to vector<4x112x128xf32>
    %mul3A_862 = arith.mulf %mul3A_860, %mul3A_861 : vector<4x112x128xf32>
    %reduce_sum3A_863 = arith.constant dense<0.000000e+00> : vector<4x112xf32>
    %reduce_sum3A_864 = vector.multi_reduction <add>, %mul3A_862, %reduce_sum3A_863 [2] : vector<4x112x128xf32> to vector<4x112xf32>
    %mul3A_865 = arith.constant 1.280000e+02 : f32
    %mul3A_866 = vector.broadcast %mul3A_865 : f32 to vector<4x112xf32>
    %mul3A_867 = arith.mulf %mul3A_866, %sub3A_838 : vector<4x112xf32>
    %add3A_868 = arith.addf %mul3A_867, %reduce_sum3A_864 : vector<4x112xf32>
    %convert_element_type3A_869 = arith.fptosi %add3A_868 : vector<4x112xf32> to vector<4x112xi32>
    %swap3A_870 = arith.constant 5 : index
    %swap3A_871 = arith.constant 0 : index
    %swap3A_872 = arith.constant 0 : index
    %swap3A_873 = vector.load %arg3[%swap3A_870, %swap3A_871, %swap3A_872] : memref<8x4x112xi32, #tpu.memory_space<vmem>>, vector<1x4x112xi32>
    %swap3A_874 = vector.shape_cast %swap3A_873 : vector<1x4x112xi32> to vector<4x112xi32>
    %swap3A_875 = vector.shape_cast %convert_element_type3A_869 : vector<4x112xi32> to vector<1x4x112xi32>
    tpu.vector_store %arg3[%swap3A_870, %swap3A_871, %swap3A_872], %swap3A_875 {strides = array<i32>} : memref<8x4x112xi32, #tpu.memory_space<vmem>>, vector<1x4x112xi32>,
    %slice3A_876 = vector.extract_strided_slice %xor3A {offsets = [6, 0], sizes = [1, 16384], strides = [1, 1]} : vector<8x16384xi32> to vector<1x16384xi32>
    %squeeze3A_877 = vector.shape_cast %slice3A_876 : vector<1x16384xi32> to vector<16384xi32>
    %reshape3A_878 = vector.shape_cast %squeeze3A_877 : vector<16384xi32> to vector<128x128xi32>
    %slice3A_879 = vector.extract_strided_slice %get3A_45 {offsets = [6, 0], sizes = [1, 16384], strides = [1, 1]} : vector<8x16384xi32> to vector<1x16384xi32>
    %squeeze3A_880 = vector.shape_cast %slice3A_879 : vector<1x16384xi32> to vector<16384xi32>
    %reshape3A_881 = vector.shape_cast %squeeze3A_880 : vector<16384xi32> to vector<128x128xi32>
    %eq3A_882 = arith.constant 0 : i32
    %eq3A_883 = vector.broadcast %eq3A_882 : i32 to vector<128x128xi32>
    %eq3A_884 = arith.cmpi eq, %reshape3A_881, %eq3A_883 : vector<128x128xi32>
    %not3A_885 = arith.constant dense<true> : vector<128x128xi1>
    %not3A_886 = arith.xori %eq3A_884, %not3A_885 : vector<128x128xi1>
    %slice3A_887 = vector.extract_strided_slice %scan3A_83#0 {offsets = [6, 0], sizes = [1, 1], strides = [1, 1]} : vector<8x1xi32> to vector<1x1xi32>
    %slice3A_888 = vector.extract_strided_slice %scan3A_83#2 {offsets = [6, 0], sizes = [1, 1], strides = [1, 1]} : vector<8x1xi32> to vector<1x1xi32>
    %slice3A_889 = vector.extract_strided_slice %convert_element_type3A_91 {offsets = [6, 0], sizes = [1, 1], strides = [1, 1]} : vector<8x1xf32> to vector<1x1xf32>
    %slice3A_890 = vector.extract_strided_slice %convert_element_type3A_100 {offsets = [6, 0], sizes = [1, 1], strides = [1, 1]} : vector<8x1xf32> to vector<1x1xf32>
    %eq3A_891 = vector.broadcast %slice3A_887 : vector<1x1xi32> to vector<128x128xi32>
    %eq3A_892 = arith.cmpi eq, %reshape3A_878, %eq3A_891 : vector<128x128xi32>
    %and3A_893 = arith.andi %eq3A_884, %eq3A_892 : vector<128x128xi1>
    %convert_element_type3A_894 = arith.extui %and3A_893 : vector<128x128xi1> to vector<128x128xi32>
    %convert_element_type3A_895 = arith.sitofp %convert_element_type3A_894 : vector<128x128xi32> to vector<128x128xf32>
    %eq3A_896 = vector.broadcast %slice3A_888 : vector<1x1xi32> to vector<128x128xi32>
    %eq3A_897 = arith.cmpi eq, %reshape3A_878, %eq3A_896 : vector<128x128xi32>
    %and3A_898 = arith.andi %not3A_886, %eq3A_897 : vector<128x128xi1>
    %convert_element_type3A_899 = arith.extui %and3A_898 : vector<128x128xi1> to vector<128x128xi32>
    %convert_element_type3A_900 = arith.sitofp %convert_element_type3A_899 : vector<128x128xi32> to vector<128x128xf32>
    %dot_general3A_901 = arith.constant dense<0.000000e+00> : vector<128x128xf32>
    %dot_general3A_902 = tpu.matmul %convert_element_type3A_895, %convert_element_type3A_103, %dot_general3A_901 {dimension_numbers = #tpu.dot_dimension_numbers<[1], [0], [0], [1], [0, 0, 1, 1], [], []>, transpose_lhs_hint = false} : vector<128x128xf32>, vector<128x128xf32>, vector<128x128xf32> -> vector<128x128xf32>
    %sub3A_903 = arith.subf %dot_general3A_902, %convert_element_type3A_895 : vector<128x128xf32>
    %dot_general3A_904 = arith.constant dense<0.000000e+00> : vector<128x128xf32>
    %dot_general3A_905 = tpu.matmul %convert_element_type3A_895, %broadcast_in_dim3A_107, %dot_general3A_904 {dimension_numbers = #tpu.dot_dimension_numbers<[1], [0], [0], [1], [0, 0, 1, 1], [], []>, transpose_lhs_hint = false} : vector<128x128xf32>, vector<128x128xf32>, vector<128x128xf32> -> vector<128x128xf32>
    %dot_general3A_906 = arith.constant dense<0.000000e+00> : vector<128x128xf32>
    %dot_general3A_907 = tpu.matmul %convert_element_type3A_105, %dot_general3A_905, %dot_general3A_906 {dimension_numbers = #tpu.dot_dimension_numbers<[1], [0], [0], [1], [0, 0, 1, 1], [], []>, transpose_lhs_hint = false} : vector<128x128xf32>, vector<128x128xf32>, vector<128x128xf32> -> vector<128x128xf32>
    %add3A_908 = arith.addf %sub3A_903, %dot_general3A_907 : vector<128x128xf32>
    %dot_general3A_909 = arith.constant dense<0.000000e+00> : vector<128x128xf32>
    %dot_general3A_910 = tpu.matmul %convert_element_type3A_900, %convert_element_type3A_103, %dot_general3A_909 {dimension_numbers = #tpu.dot_dimension_numbers<[1], [0], [0], [1], [0, 0, 1, 1], [], []>, transpose_lhs_hint = false} : vector<128x128xf32>, vector<128x128xf32>, vector<128x128xf32> -> vector<128x128xf32>
    %sub3A_911 = arith.subf %dot_general3A_910, %convert_element_type3A_900 : vector<128x128xf32>
    %dot_general3A_912 = arith.constant dense<0.000000e+00> : vector<128x128xf32>
    %dot_general3A_913 = tpu.matmul %convert_element_type3A_900, %broadcast_in_dim3A_107, %dot_general3A_912 {dimension_numbers = #tpu.dot_dimension_numbers<[1], [0], [0], [1], [0, 0, 1, 1], [], []>, transpose_lhs_hint = false} : vector<128x128xf32>, vector<128x128xf32>, vector<128x128xf32> -> vector<128x128xf32>
    %dot_general3A_914 = arith.constant dense<0.000000e+00> : vector<128x128xf32>
    %dot_general3A_915 = tpu.matmul %convert_element_type3A_105, %dot_general3A_913, %dot_general3A_914 {dimension_numbers = #tpu.dot_dimension_numbers<[1], [0], [0], [1], [0, 0, 1, 1], [], []>, transpose_lhs_hint = false} : vector<128x128xf32>, vector<128x128xf32>, vector<128x128xf32> -> vector<128x128xf32>
    %add3A_916 = arith.addf %sub3A_911, %dot_general3A_915 : vector<128x128xf32>
    %gt3A_917 = vector.broadcast %slice3A_887 : vector<1x1xi32> to vector<128x128xi32>
    %gt3A_918 = arith.cmpi sgt, %reshape3A_878, %gt3A_917 : vector<128x128xi32>
    %eq3A_919 = vector.broadcast %slice3A_887 : vector<1x1xi32> to vector<128x128xi32>
    %eq3A_920 = arith.cmpi eq, %reshape3A_878, %eq3A_919 : vector<128x128xi32>
    %lt3A_921 = vector.broadcast %slice3A_889 : vector<1x1xf32> to vector<128x128xf32>
    %lt3A_922 = arith.cmpf olt, %add3A_908, %lt3A_921 : vector<128x128xf32>
    %and3A_923 = arith.andi %eq3A_920, %lt3A_922 : vector<128x128xi1>
    %or3A_924 = arith.ori %gt3A_918, %and3A_923 : vector<128x128xi1>
    %and3A_925 = arith.andi %eq3A_884, %or3A_924 : vector<128x128xi1>
    %gt3A_926 = vector.broadcast %slice3A_888 : vector<1x1xi32> to vector<128x128xi32>
    %gt3A_927 = arith.cmpi sgt, %reshape3A_878, %gt3A_926 : vector<128x128xi32>
    %eq3A_928 = vector.broadcast %slice3A_888 : vector<1x1xi32> to vector<128x128xi32>
    %eq3A_929 = arith.cmpi eq, %reshape3A_878, %eq3A_928 : vector<128x128xi32>
    %lt3A_930 = vector.broadcast %slice3A_890 : vector<1x1xf32> to vector<128x128xf32>
    %lt3A_931 = arith.cmpf olt, %add3A_916, %lt3A_930 : vector<128x128xf32>
    %and3A_932 = arith.andi %eq3A_929, %lt3A_931 : vector<128x128xi1>
    %or3A_933 = arith.ori %gt3A_927, %and3A_932 : vector<128x128xi1>
    %and3A_934 = arith.andi %not3A_886, %or3A_933 : vector<128x128xi1>
    %or3A_935 = arith.ori %and3A_925, %and3A_934 : vector<128x128xi1>
    %convert_element_type3A_936 = arith.extui %or3A_935 : vector<128x128xi1> to vector<128x128xi32>
    %convert_element_type3A_937 = arith.sitofp %convert_element_type3A_936 : vector<128x128xi32> to vector<128x128xf32>
    %convert_element_type3A_938 = arith.fptosi %convert_element_type3A_937 : vector<128x128xf32> to vector<128x128xi32>
    %reduce_sum3A_939 = vector.shape_cast %convert_element_type3A_938 : vector<128x128xi32> to vector<1x128x128xi32>
    %reduce_sum3A_940 = arith.constant dense<0> : vector<1xi32>
    %reduce_sum3A_941 = vector.multi_reduction <add>, %reduce_sum3A_939, %reduce_sum3A_940 [1, 2] : vector<1x128x128xi32> to vector<1xi32>
    %reduce_sum3A_942 = vector.shape_cast %reduce_sum3A_941 : vector<1xi32> to vector<1x1x1xi32>
    %reduce_sum3A_943 = vector.extract %reduce_sum3A_942[0, 0, 0] : i32 from vector<1x1x1xi32>
    %broadcast_in_dim3A_944 = vector.broadcast %reduce_sum3A_943 : i32 to vector<1x1xi32>
    %dot_general3A_945 = arith.constant dense<0.000000e+00> : vector<128x128xf32>
    %dot_general3A_946 = tpu.matmul %convert_element_type3A_937, %convert_element_type3A_103, %dot_general3A_945 {dimension_numbers = #tpu.dot_dimension_numbers<[1], [0], [0], [1], [0, 0, 1, 1], [], []>, transpose_lhs_hint = false} : vector<128x128xf32>, vector<128x128xf32>, vector<128x128xf32> -> vector<128x128xf32>
    %dot_general3A_947 = arith.constant dense<0.000000e+00> : vector<128x128xf32>
    %dot_general3A_948 = tpu.matmul %convert_element_type3A_937, %broadcast_in_dim3A_107, %dot_general3A_947 {dimension_numbers = #tpu.dot_dimension_numbers<[1], [0], [0], [1], [0, 0, 1, 1], [], []>, transpose_lhs_hint = false} : vector<128x128xf32>, vector<128x128xf32>, vector<128x128xf32> -> vector<128x128xf32>
    %dot_general3A_949 = arith.constant dense<0.000000e+00> : vector<128x128xf32>
    %dot_general3A_950 = tpu.matmul %convert_element_type3A_105, %dot_general3A_948, %dot_general3A_949 {dimension_numbers = #tpu.dot_dimension_numbers<[1], [0], [0], [1], [0, 0, 1, 1], [], []>, transpose_lhs_hint = false} : vector<128x128xf32>, vector<128x128xf32>, vector<128x128xf32> -> vector<128x128xf32>
    %dot_general3A_951 = arith.constant dense<0.000000e+00> : vector<128x128xf32>
    %dot_general3A_952 = tpu.matmul %dot_general3A_950, %convert_element_type3A_110, %dot_general3A_951 {dimension_numbers = #tpu.dot_dimension_numbers<[0], [0], [1], [1], [0, 1, 1, 1], [], []>, transpose_lhs_hint = false} : vector<128x128xf32>, vector<128x128xf32>, vector<128x128xf32> -> vector<128x128xf32>
    %slice3A_953 = vector.extract_strided_slice %dot_general3A_952 {offsets = [0, 0], sizes = [1, 128], strides = [1, 1]} : vector<128x128xf32> to vector<1x128xf32>
    %reshape3A_954 = vector.shape_cast %slice3A_953 : vector<1x128xf32> to vector<1x1x128xf32>
    %broadcast_in_dim3A_955 = vector.shape_cast %convert_element_type3A_119 : vector<4x112xf32> to vector<4x112x1xf32>
    %le3A_956 = vector.broadcast %reshape3A_954 : vector<1x1x128xf32> to vector<4x112x128xf32>
    %le3A_957 = vector.broadcast %broadcast_in_dim3A_955 : vector<4x112x1xf32> to vector<4x112x128xf32>
    %le3A_958 = arith.cmpf ole, %le3A_956, %le3A_957 : vector<4x112x128xf32>
    %convert_element_type3A_959 = arith.extui %le3A_958 : vector<4x112x128xi1> to vector<4x112x128xi32>
    %convert_element_type3A_960 = arith.sitofp %convert_element_type3A_959 : vector<4x112x128xi32> to vector<4x112x128xf32>
    %reduce_sum3A_961 = arith.constant dense<0.000000e+00> : vector<4x112xf32>
    %reduce_sum3A_962 = vector.multi_reduction <add>, %convert_element_type3A_960, %reduce_sum3A_961 [2] : vector<4x112x128xf32> to vector<4x112xf32>
    %sub3A_963 = arith.constant 1.000000e+00 : f32
    %sub3A_964 = vector.broadcast %sub3A_963 : f32 to vector<4x112xf32>
    %sub3A_965 = arith.subf %reduce_sum3A_962, %sub3A_964 : vector<4x112xf32>
    %broadcast_in_dim3A_966 = vector.shape_cast %sub3A_965 : vector<4x112xf32> to vector<4x112x1xf32>
    %eq3A_967 = vector.broadcast %broadcast_in_dim3A_966 : vector<4x112x1xf32> to vector<4x112x128xf32>
    %eq3A_968 = vector.broadcast %convert_element_type3A_112 : vector<1x1x128xf32> to vector<4x112x128xf32>
    %eq3A_969 = arith.cmpf oeq, %eq3A_967, %eq3A_968 : vector<4x112x128xf32>
    %convert_element_type3A_970 = arith.extui %eq3A_969 : vector<4x112x128xi1> to vector<4x112x128xi32>
    %convert_element_type3A_971 = arith.sitofp %convert_element_type3A_970 : vector<4x112x128xi32> to vector<4x112x128xf32>
    %dot_general3A_972 = arith.constant dense<0.000000e+00> : vector<4x112x128xf32>
    %dot_general3A_973 = tpu.matmul %convert_element_type3A_971, %dot_general3A_946, %dot_general3A_972 {dimension_numbers = #tpu.dot_dimension_numbers<[2], [0], [0, 1], [1], [0, 0, 0, 1, 1, 1], [], []>, transpose_lhs_hint = false} : vector<4x112x128xf32>, vector<128x128xf32>, vector<4x112x128xf32> -> vector<4x112x128xf32>
    %dot_general3A_974 = arith.constant dense<0.000000e+00> : vector<4x112x128xf32>
    %dot_general3A_975 = tpu.matmul %convert_element_type3A_971, %convert_element_type3A_937, %dot_general3A_974 {dimension_numbers = #tpu.dot_dimension_numbers<[2], [0], [0, 1], [1], [0, 0, 0, 1, 1, 1], [], []>, transpose_lhs_hint = false} : vector<4x112x128xf32>, vector<128x128xf32>, vector<4x112x128xf32> -> vector<4x112x128xf32>
    %dot_general3A_976 = arith.constant dense<0.000000e+00> : vector<4x112x128xf32>
    %dot_general3A_977 = tpu.matmul %convert_element_type3A_971, %dot_general3A_950, %dot_general3A_976 {dimension_numbers = #tpu.dot_dimension_numbers<[2], [0], [0, 1], [1], [0, 0, 0, 1, 1, 1], [], []>, transpose_lhs_hint = false} : vector<4x112x128xf32>, vector<128x128xf32>, vector<4x112x128xf32> -> vector<4x112x128xf32>
    %broadcast_in_dim3A_978 = vector.shape_cast %convert_element_type3A_119 : vector<4x112xf32> to vector<4x112x1xf32>
    %sub3A_979 = vector.broadcast %broadcast_in_dim3A_978 : vector<4x112x1xf32> to vector<4x112x128xf32>
    %sub3A_980 = arith.subf %sub3A_979, %dot_general3A_977 : vector<4x112x128xf32>
    %add3A_981 = arith.constant 1.000000e+00 : f32
    %add3A_982 = vector.broadcast %add3A_981 : f32 to vector<4x112x128xf32>
    %add3A_983 = arith.addf %sub3A_980, %add3A_982 : vector<4x112x128xf32>
    %eq3A_984 = arith.cmpf oeq, %dot_general3A_973, %add3A_983 : vector<4x112x128xf32>
    %convert_element_type3A_985 = arith.extui %eq3A_984 : vector<4x112x128xi1> to vector<4x112x128xi32>
    %convert_element_type3A_986 = arith.sitofp %convert_element_type3A_985 : vector<4x112x128xi32> to vector<4x112x128xf32>
    %mul3A_987 = arith.mulf %convert_element_type3A_986, %dot_general3A_975 : vector<4x112x128xf32>
    %mul3A_988 = vector.broadcast %convert_element_type3A_112 : vector<1x1x128xf32> to vector<4x112x128xf32>
    %mul3A_989 = arith.mulf %mul3A_987, %mul3A_988 : vector<4x112x128xf32>
    %reduce_sum3A_990 = arith.constant dense<0.000000e+00> : vector<4x112xf32>
    %reduce_sum3A_991 = vector.multi_reduction <add>, %mul3A_989, %reduce_sum3A_990 [2] : vector<4x112x128xf32> to vector<4x112xf32>
    %mul3A_992 = arith.constant 1.280000e+02 : f32
    %mul3A_993 = vector.broadcast %mul3A_992 : f32 to vector<4x112xf32>
    %mul3A_994 = arith.mulf %mul3A_993, %sub3A_965 : vector<4x112xf32>
    %add3A_995 = arith.addf %mul3A_994, %reduce_sum3A_991 : vector<4x112xf32>
    %convert_element_type3A_996 = arith.fptosi %add3A_995 : vector<4x112xf32> to vector<4x112xi32>
    %swap3A_997 = arith.constant 6 : index
    %swap3A_998 = arith.constant 0 : index
    %swap3A_999 = arith.constant 0 : index
    %swap3A_1000 = vector.load %arg3[%swap3A_997, %swap3A_998, %swap3A_999] : memref<8x4x112xi32, #tpu.memory_space<vmem>>, vector<1x4x112xi32>
    %swap3A_1001 = vector.shape_cast %swap3A_1000 : vector<1x4x112xi32> to vector<4x112xi32>
    %swap3A_1002 = vector.shape_cast %convert_element_type3A_996 : vector<4x112xi32> to vector<1x4x112xi32>
    tpu.vector_store %arg3[%swap3A_997, %swap3A_998, %swap3A_999], %swap3A_1002 {strides = array<i32>} : memref<8x4x112xi32, #tpu.memory_space<vmem>>, vector<1x4x112xi32>,
    %slice3A_1003 = vector.extract_strided_slice %xor3A {offsets = [7, 0], sizes = [1, 16384], strides = [1, 1]} : vector<8x16384xi32> to vector<1x16384xi32>
    %squeeze3A_1004 = vector.shape_cast %slice3A_1003 : vector<1x16384xi32> to vector<16384xi32>
    %reshape3A_1005 = vector.shape_cast %squeeze3A_1004 : vector<16384xi32> to vector<128x128xi32>
    %slice3A_1006 = vector.extract_strided_slice %get3A_45 {offsets = [7, 0], sizes = [1, 16384], strides = [1, 1]} : vector<8x16384xi32> to vector<1x16384xi32>
    %squeeze3A_1007 = vector.shape_cast %slice3A_1006 : vector<1x16384xi32> to vector<16384xi32>
    %reshape3A_1008 = vector.shape_cast %squeeze3A_1007 : vector<16384xi32> to vector<128x128xi32>
    %eq3A_1009 = arith.constant 0 : i32
    %eq3A_1010 = vector.broadcast %eq3A_1009 : i32 to vector<128x128xi32>
    %eq3A_1011 = arith.cmpi eq, %reshape3A_1008, %eq3A_1010 : vector<128x128xi32>
    %not3A_1012 = arith.constant dense<true> : vector<128x128xi1>
    %not3A_1013 = arith.xori %eq3A_1011, %not3A_1012 : vector<128x128xi1>
    %slice3A_1014 = vector.extract_strided_slice %scan3A_83#0 {offsets = [7, 0], sizes = [1, 1], strides = [1, 1]} : vector<8x1xi32> to vector<1x1xi32>
    %slice3A_1015 = vector.extract_strided_slice %scan3A_83#2 {offsets = [7, 0], sizes = [1, 1], strides = [1, 1]} : vector<8x1xi32> to vector<1x1xi32>
    %slice3A_1016 = vector.extract_strided_slice %convert_element_type3A_91 {offsets = [7, 0], sizes = [1, 1], strides = [1, 1]} : vector<8x1xf32> to vector<1x1xf32>
    %slice3A_1017 = vector.extract_strided_slice %convert_element_type3A_100 {offsets = [7, 0], sizes = [1, 1], strides = [1, 1]} : vector<8x1xf32> to vector<1x1xf32>
    %eq3A_1018 = vector.broadcast %slice3A_1014 : vector<1x1xi32> to vector<128x128xi32>
    %eq3A_1019 = arith.cmpi eq, %reshape3A_1005, %eq3A_1018 : vector<128x128xi32>
    %and3A_1020 = arith.andi %eq3A_1011, %eq3A_1019 : vector<128x128xi1>
    %convert_element_type3A_1021 = arith.extui %and3A_1020 : vector<128x128xi1> to vector<128x128xi32>
    %convert_element_type3A_1022 = arith.sitofp %convert_element_type3A_1021 : vector<128x128xi32> to vector<128x128xf32>
    %eq3A_1023 = vector.broadcast %slice3A_1015 : vector<1x1xi32> to vector<128x128xi32>
    %eq3A_1024 = arith.cmpi eq, %reshape3A_1005, %eq3A_1023 : vector<128x128xi32>
    %and3A_1025 = arith.andi %not3A_1013, %eq3A_1024 : vector<128x128xi1>
    %convert_element_type3A_1026 = arith.extui %and3A_1025 : vector<128x128xi1> to vector<128x128xi32>
    %convert_element_type3A_1027 = arith.sitofp %convert_element_type3A_1026 : vector<128x128xi32> to vector<128x128xf32>
    %dot_general3A_1028 = arith.constant dense<0.000000e+00> : vector<128x128xf32>
    %dot_general3A_1029 = tpu.matmul %convert_element_type3A_1022, %convert_element_type3A_103, %dot_general3A_1028 {dimension_numbers = #tpu.dot_dimension_numbers<[1], [0], [0], [1], [0, 0, 1, 1], [], []>, transpose_lhs_hint = false} : vector<128x128xf32>, vector<128x128xf32>, vector<128x128xf32> -> vector<128x128xf32>
    %sub3A_1030 = arith.subf %dot_general3A_1029, %convert_element_type3A_1022 : vector<128x128xf32>
    %dot_general3A_1031 = arith.constant dense<0.000000e+00> : vector<128x128xf32>
    %dot_general3A_1032 = tpu.matmul %convert_element_type3A_1022, %broadcast_in_dim3A_107, %dot_general3A_1031 {dimension_numbers = #tpu.dot_dimension_numbers<[1], [0], [0], [1], [0, 0, 1, 1], [], []>, transpose_lhs_hint = false} : vector<128x128xf32>, vector<128x128xf32>, vector<128x128xf32> -> vector<128x128xf32>
    %dot_general3A_1033 = arith.constant dense<0.000000e+00> : vector<128x128xf32>
    %dot_general3A_1034 = tpu.matmul %convert_element_type3A_105, %dot_general3A_1032, %dot_general3A_1033 {dimension_numbers = #tpu.dot_dimension_numbers<[1], [0], [0], [1], [0, 0, 1, 1], [], []>, transpose_lhs_hint = false} : vector<128x128xf32>, vector<128x128xf32>, vector<128x128xf32> -> vector<128x128xf32>
    %add3A_1035 = arith.addf %sub3A_1030, %dot_general3A_1034 : vector<128x128xf32>
    %dot_general3A_1036 = arith.constant dense<0.000000e+00> : vector<128x128xf32>
    %dot_general3A_1037 = tpu.matmul %convert_element_type3A_1027, %convert_element_type3A_103, %dot_general3A_1036 {dimension_numbers = #tpu.dot_dimension_numbers<[1], [0], [0], [1], [0, 0, 1, 1], [], []>, transpose_lhs_hint = false} : vector<128x128xf32>, vector<128x128xf32>, vector<128x128xf32> -> vector<128x128xf32>
    %sub3A_1038 = arith.subf %dot_general3A_1037, %convert_element_type3A_1027 : vector<128x128xf32>
    %dot_general3A_1039 = arith.constant dense<0.000000e+00> : vector<128x128xf32>
    %dot_general3A_1040 = tpu.matmul %convert_element_type3A_1027, %broadcast_in_dim3A_107, %dot_general3A_1039 {dimension_numbers = #tpu.dot_dimension_numbers<[1], [0], [0], [1], [0, 0, 1, 1], [], []>, transpose_lhs_hint = false} : vector<128x128xf32>, vector<128x128xf32>, vector<128x128xf32> -> vector<128x128xf32>
    %dot_general3A_1041 = arith.constant dense<0.000000e+00> : vector<128x128xf32>
    %dot_general3A_1042 = tpu.matmul %convert_element_type3A_105, %dot_general3A_1040, %dot_general3A_1041 {dimension_numbers = #tpu.dot_dimension_numbers<[1], [0], [0], [1], [0, 0, 1, 1], [], []>, transpose_lhs_hint = false} : vector<128x128xf32>, vector<128x128xf32>, vector<128x128xf32> -> vector<128x128xf32>
    %add3A_1043 = arith.addf %sub3A_1038, %dot_general3A_1042 : vector<128x128xf32>
    %gt3A_1044 = vector.broadcast %slice3A_1014 : vector<1x1xi32> to vector<128x128xi32>
    %gt3A_1045 = arith.cmpi sgt, %reshape3A_1005, %gt3A_1044 : vector<128x128xi32>
    %eq3A_1046 = vector.broadcast %slice3A_1014 : vector<1x1xi32> to vector<128x128xi32>
    %eq3A_1047 = arith.cmpi eq, %reshape3A_1005, %eq3A_1046 : vector<128x128xi32>
    %lt3A_1048 = vector.broadcast %slice3A_1016 : vector<1x1xf32> to vector<128x128xf32>
    %lt3A_1049 = arith.cmpf olt, %add3A_1035, %lt3A_1048 : vector<128x128xf32>
    %and3A_1050 = arith.andi %eq3A_1047, %lt3A_1049 : vector<128x128xi1>
    %or3A_1051 = arith.ori %gt3A_1045, %and3A_1050 : vector<128x128xi1>
    %and3A_1052 = arith.andi %eq3A_1011, %or3A_1051 : vector<128x128xi1>
    %gt3A_1053 = vector.broadcast %slice3A_1015 : vector<1x1xi32> to vector<128x128xi32>
    %gt3A_1054 = arith.cmpi sgt, %reshape3A_1005, %gt3A_1053 : vector<128x128xi32>
    %eq3A_1055 = vector.broadcast %slice3A_1015 : vector<1x1xi32> to vector<128x128xi32>
    %eq3A_1056 = arith.cmpi eq, %reshape3A_1005, %eq3A_1055 : vector<128x128xi32>
    %lt3A_1057 = vector.broadcast %slice3A_1017 : vector<1x1xf32> to vector<128x128xf32>
    %lt3A_1058 = arith.cmpf olt, %add3A_1043, %lt3A_1057 : vector<128x128xf32>
    %and3A_1059 = arith.andi %eq3A_1056, %lt3A_1058 : vector<128x128xi1>
    %or3A_1060 = arith.ori %gt3A_1054, %and3A_1059 : vector<128x128xi1>
    %and3A_1061 = arith.andi %not3A_1013, %or3A_1060 : vector<128x128xi1>
    %or3A_1062 = arith.ori %and3A_1052, %and3A_1061 : vector<128x128xi1>
    %convert_element_type3A_1063 = arith.extui %or3A_1062 : vector<128x128xi1> to vector<128x128xi32>
    %convert_element_type3A_1064 = arith.sitofp %convert_element_type3A_1063 : vector<128x128xi32> to vector<128x128xf32>
    %convert_element_type3A_1065 = arith.fptosi %convert_element_type3A_1064 : vector<128x128xf32> to vector<128x128xi32>
    %reduce_sum3A_1066 = vector.shape_cast %convert_element_type3A_1065 : vector<128x128xi32> to vector<1x128x128xi32>
    %reduce_sum3A_1067 = arith.constant dense<0> : vector<1xi32>
    %reduce_sum3A_1068 = vector.multi_reduction <add>, %reduce_sum3A_1066, %reduce_sum3A_1067 [1, 2] : vector<1x128x128xi32> to vector<1xi32>
    %reduce_sum3A_1069 = vector.shape_cast %reduce_sum3A_1068 : vector<1xi32> to vector<1x1x1xi32>
    %reduce_sum3A_1070 = vector.extract %reduce_sum3A_1069[0, 0, 0] : i32 from vector<1x1x1xi32>
    %broadcast_in_dim3A_1071 = vector.broadcast %reduce_sum3A_1070 : i32 to vector<1x1xi32>
    %dot_general3A_1072 = arith.constant dense<0.000000e+00> : vector<128x128xf32>
    %dot_general3A_1073 = tpu.matmul %convert_element_type3A_1064, %convert_element_type3A_103, %dot_general3A_1072 {dimension_numbers = #tpu.dot_dimension_numbers<[1], [0], [0], [1], [0, 0, 1, 1], [], []>, transpose_lhs_hint = false} : vector<128x128xf32>, vector<128x128xf32>, vector<128x128xf32> -> vector<128x128xf32>
    %dot_general3A_1074 = arith.constant dense<0.000000e+00> : vector<128x128xf32>
    %dot_general3A_1075 = tpu.matmul %convert_element_type3A_1064, %broadcast_in_dim3A_107, %dot_general3A_1074 {dimension_numbers = #tpu.dot_dimension_numbers<[1], [0], [0], [1], [0, 0, 1, 1], [], []>, transpose_lhs_hint = false} : vector<128x128xf32>, vector<128x128xf32>, vector<128x128xf32> -> vector<128x128xf32>
    %dot_general3A_1076 = arith.constant dense<0.000000e+00> : vector<128x128xf32>
    %dot_general3A_1077 = tpu.matmul %convert_element_type3A_105, %dot_general3A_1075, %dot_general3A_1076 {dimension_numbers = #tpu.dot_dimension_numbers<[1], [0], [0], [1], [0, 0, 1, 1], [], []>, transpose_lhs_hint = false} : vector<128x128xf32>, vector<128x128xf32>, vector<128x128xf32> -> vector<128x128xf32>
    %dot_general3A_1078 = arith.constant dense<0.000000e+00> : vector<128x128xf32>
    %dot_general3A_1079 = tpu.matmul %dot_general3A_1077, %convert_element_type3A_110, %dot_general3A_1078 {dimension_numbers = #tpu.dot_dimension_numbers<[0], [0], [1], [1], [0, 1, 1, 1], [], []>, transpose_lhs_hint = false} : vector<128x128xf32>, vector<128x128xf32>, vector<128x128xf32> -> vector<128x128xf32>
    %slice3A_1080 = vector.extract_strided_slice %dot_general3A_1079 {offsets = [0, 0], sizes = [1, 128], strides = [1, 1]} : vector<128x128xf32> to vector<1x128xf32>
    %reshape3A_1081 = vector.shape_cast %slice3A_1080 : vector<1x128xf32> to vector<1x1x128xf32>
    %broadcast_in_dim3A_1082 = vector.shape_cast %convert_element_type3A_119 : vector<4x112xf32> to vector<4x112x1xf32>
    %le3A_1083 = vector.broadcast %reshape3A_1081 : vector<1x1x128xf32> to vector<4x112x128xf32>
    %le3A_1084 = vector.broadcast %broadcast_in_dim3A_1082 : vector<4x112x1xf32> to vector<4x112x128xf32>
    %le3A_1085 = arith.cmpf ole, %le3A_1083, %le3A_1084 : vector<4x112x128xf32>
    %convert_element_type3A_1086 = arith.extui %le3A_1085 : vector<4x112x128xi1> to vector<4x112x128xi32>
    %convert_element_type3A_1087 = arith.sitofp %convert_element_type3A_1086 : vector<4x112x128xi32> to vector<4x112x128xf32>
    %reduce_sum3A_1088 = arith.constant dense<0.000000e+00> : vector<4x112xf32>
    %reduce_sum3A_1089 = vector.multi_reduction <add>, %convert_element_type3A_1087, %reduce_sum3A_1088 [2] : vector<4x112x128xf32> to vector<4x112xf32>
    %sub3A_1090 = arith.constant 1.000000e+00 : f32
    %sub3A_1091 = vector.broadcast %sub3A_1090 : f32 to vector<4x112xf32>
    %sub3A_1092 = arith.subf %reduce_sum3A_1089, %sub3A_1091 : vector<4x112xf32>
    %broadcast_in_dim3A_1093 = vector.shape_cast %sub3A_1092 : vector<4x112xf32> to vector<4x112x1xf32>
    %eq3A_1094 = vector.broadcast %broadcast_in_dim3A_1093 : vector<4x112x1xf32> to vector<4x112x128xf32>
    %eq3A_1095 = vector.broadcast %convert_element_type3A_112 : vector<1x1x128xf32> to vector<4x112x128xf32>
    %eq3A_1096 = arith.cmpf oeq, %eq3A_1094, %eq3A_1095 : vector<4x112x128xf32>
    %convert_element_type3A_1097 = arith.extui %eq3A_1096 : vector<4x112x128xi1> to vector<4x112x128xi32>
    %convert_element_type3A_1098 = arith.sitofp %convert_element_type3A_1097 : vector<4x112x128xi32> to vector<4x112x128xf32>
    %dot_general3A_1099 = arith.constant dense<0.000000e+00> : vector<4x112x128xf32>
    %dot_general3A_1100 = tpu.matmul %convert_element_type3A_1098, %dot_general3A_1073, %dot_general3A_1099 {dimension_numbers = #tpu.dot_dimension_numbers<[2], [0], [0, 1], [1], [0, 0, 0, 1, 1, 1], [], []>, transpose_lhs_hint = false} : vector<4x112x128xf32>, vector<128x128xf32>, vector<4x112x128xf32> -> vector<4x112x128xf32>
    %dot_general3A_1101 = arith.constant dense<0.000000e+00> : vector<4x112x128xf32>
    %dot_general3A_1102 = tpu.matmul %convert_element_type3A_1098, %convert_element_type3A_1064, %dot_general3A_1101 {dimension_numbers = #tpu.dot_dimension_numbers<[2], [0], [0, 1], [1], [0, 0, 0, 1, 1, 1], [], []>, transpose_lhs_hint = false} : vector<4x112x128xf32>, vector<128x128xf32>, vector<4x112x128xf32> -> vector<4x112x128xf32>
    %dot_general3A_1103 = arith.constant dense<0.000000e+00> : vector<4x112x128xf32>
    %dot_general3A_1104 = tpu.matmul %convert_element_type3A_1098, %dot_general3A_1077, %dot_general3A_1103 {dimension_numbers = #tpu.dot_dimension_numbers<[2], [0], [0, 1], [1], [0, 0, 0, 1, 1, 1], [], []>, transpose_lhs_hint = false} : vector<4x112x128xf32>, vector<128x128xf32>, vector<4x112x128xf32> -> vector<4x112x128xf32>
    %broadcast_in_dim3A_1105 = vector.shape_cast %convert_element_type3A_119 : vector<4x112xf32> to vector<4x112x1xf32>
    %sub3A_1106 = vector.broadcast %broadcast_in_dim3A_1105 : vector<4x112x1xf32> to vector<4x112x128xf32>
    %sub3A_1107 = arith.subf %sub3A_1106, %dot_general3A_1104 : vector<4x112x128xf32>
    %add3A_1108 = arith.constant 1.000000e+00 : f32
    %add3A_1109 = vector.broadcast %add3A_1108 : f32 to vector<4x112x128xf32>
    %add3A_1110 = arith.addf %sub3A_1107, %add3A_1109 : vector<4x112x128xf32>
    %eq3A_1111 = arith.cmpf oeq, %dot_general3A_1100, %add3A_1110 : vector<4x112x128xf32>
    %convert_element_type3A_1112 = arith.extui %eq3A_1111 : vector<4x112x128xi1> to vector<4x112x128xi32>
    %convert_element_type3A_1113 = arith.sitofp %convert_element_type3A_1112 : vector<4x112x128xi32> to vector<4x112x128xf32>
    %mul3A_1114 = arith.mulf %convert_element_type3A_1113, %dot_general3A_1102 : vector<4x112x128xf32>
    %mul3A_1115 = vector.broadcast %convert_element_type3A_112 : vector<1x1x128xf32> to vector<4x112x128xf32>
    %mul3A_1116 = arith.mulf %mul3A_1114, %mul3A_1115 : vector<4x112x128xf32>
    %reduce_sum3A_1117 = arith.constant dense<0.000000e+00> : vector<4x112xf32>
    %reduce_sum3A_1118 = vector.multi_reduction <add>, %mul3A_1116, %reduce_sum3A_1117 [2] : vector<4x112x128xf32> to vector<4x112xf32>
    %mul3A_1119 = arith.constant 1.280000e+02 : f32
    %mul3A_1120 = vector.broadcast %mul3A_1119 : f32 to vector<4x112xf32>
    %mul3A_1121 = arith.mulf %mul3A_1120, %sub3A_1092 : vector<4x112xf32>
    %add3A_1122 = arith.addf %mul3A_1121, %reduce_sum3A_1118 : vector<4x112xf32>
    %convert_element_type3A_1123 = arith.fptosi %add3A_1122 : vector<4x112xf32> to vector<4x112xi32>
    %swap3A_1124 = arith.constant 7 : index
    %swap3A_1125 = arith.constant 0 : index
    %swap3A_1126 = arith.constant 0 : index
    %swap3A_1127 = vector.load %arg3[%swap3A_1124, %swap3A_1125, %swap3A_1126] : memref<8x4x112xi32, #tpu.memory_space<vmem>>, vector<1x4x112xi32>
    %swap3A_1128 = vector.shape_cast %swap3A_1127 : vector<1x4x112xi32> to vector<4x112xi32>
    %swap3A_1129 = vector.shape_cast %convert_element_type3A_1123 : vector<4x112xi32> to vector<1x4x112xi32>
    tpu.vector_store %arg3[%swap3A_1124, %swap3A_1125, %swap3A_1126], %swap3A_1129 {strides = array<i32>} : memref<8x4x112xi32, #tpu.memory_space<vmem>>, vector<1x4x112xi32>,
    %concatenate3A = tpu.concatenate %broadcast_in_dim3A_183, %broadcast_in_dim3A_309, %broadcast_in_dim3A_436, %broadcast_in_dim3A_563, %broadcast_in_dim3A_690, %broadcast_in_dim3A_817, %broadcast_in_dim3A_944, %broadcast_in_dim3A_1071 in 0 : vector<1x1xi32>, vector<1x1xi32>, vector<1x1xi32>, vector<1x1xi32>, vector<1x1xi32>, vector<1x1xi32>, vector<1x1xi32>, vector<1x1xi32> -> vector<8x1xi32>
    %swap3A_1130 = arith.constant 0 : index
    %swap3A_1131 = arith.constant 0 : index
    %swap3A_1132 = vector.load %arg4[%swap3A_1130, %swap3A_1131] : memref<8x1xi32, #tpu.memory_space<vmem>>, vector<8x1xi32>
    tpu.vector_store %arg4[%swap3A_1130, %swap3A_1131], %concatenate3A {strides = array<i32>} : memref<8x1xi32, #tpu.memory_space<vmem>>, vector<8x1xi32>,
    return
  }
}

module attributes {stable_mosaic.version = 14 : i64} {
  func.func @_loss_kernel(%arg0: memref<1xi32, #tpu.memory_space<smem>>, %arg1: memref<8x4x3x64x112xf32, #tpu.memory_space<vmem>>, %arg2: memref<8x1xi32, #tpu.memory_space<vmem>>, %arg3: memref<1x1xf32, #tpu.memory_space<vmem>>) attributes {dimension_semantics = [], scalar_prefetch = 0 : i64, scratch_operands = 0 : i64, tpu.core_type = #tpu.core_type<tc>} {
    %get3A = arith.constant 0 : index
    %get3A_0 = memref.load %arg0[%get3A] : memref<1xi32, #tpu.memory_space<smem>>
    %eq3A = arith.constant 0 : i32
    %eq3A_1 = arith.cmpi eq, %get3A_0, %eq3A : i32
    %convert_element_type3A = arith.extui %eq3A_1 : i1 to i32
    %convert_element_type3A_2 = arith.sitofp %convert_element_type3A : i32 to f32
    %get3A_3 = arith.constant 0 : index
    %get3A_4 = memref.load %arg0[%get3A_3] : memref<1xi32, #tpu.memory_space<smem>>
    %eq3A_5 = arith.constant 1 : i32
    %eq3A_6 = arith.cmpi eq, %get3A_4, %eq3A_5 : i32
    %convert_element_type3A_7 = arith.extui %eq3A_6 : i1 to i32
    %convert_element_type3A_8 = arith.sitofp %convert_element_type3A_7 : i32 to f32
    %get3A_9 = arith.constant 0 : index
    %get3A_10 = memref.load %arg0[%get3A_9] : memref<1xi32, #tpu.memory_space<smem>>
    %eq3A_11 = arith.constant 2 : i32
    %eq3A_12 = arith.cmpi eq, %get3A_10, %eq3A_11 : i32
    %convert_element_type3A_13 = arith.extui %eq3A_12 : i1 to i32
    %convert_element_type3A_14 = arith.sitofp %convert_element_type3A_13 : i32 to f32
    %iota3A = tpu.iota {dimensions = array<i32: 0>} : vector<448x448xi32>
    %iota3A_15 = tpu.iota {dimensions = array<i32: 1>} : vector<448x448xi32>
    %eq3A_16 = arith.cmpi eq, %iota3A, %iota3A_15 : vector<448x448xi32>
    %convert_element_type3A_17 = arith.extui %eq3A_16 : vector<448x448xi1> to vector<448x448xi32>
    %convert_element_type3A_18 = arith.sitofp %convert_element_type3A_17 : vector<448x448xi32> to vector<448x448xf32>
    %iota3A_19 = tpu.iota {dimensions = array<i32: 1>} : vector<1x448xi32>
    %broadcast_in_dim3A = arith.constant 0.000000e+00 : f32
    %broadcast_in_dim3A_20 = vector.broadcast %broadcast_in_dim3A : f32 to vector<1x1xf32>
    %get3A_21 = arith.constant 0 : index
    %get3A_22 = arith.constant 0 : index
    %get3A_23 = vector.load %arg2[%get3A_21, %get3A_22] : memref<8x1xi32, #tpu.memory_space<vmem>>, vector<8x1xi32>
    %slice3A = vector.extract_strided_slice %get3A_23 {offsets = [0, 0], sizes = [1, 1], strides = [1, 1]} : vector<8x1xi32> to vector<1x1xi32>
    %get3A_24 = arith.constant 0 : index
    %get3A_25 = arith.constant 0 : index
    %get3A_26 = arith.constant 0 : index
    %get3A_27 = arith.constant 0 : index
    %get3A_28 = arith.constant 0 : index
    %get3A_29 = vector.load %arg1[%get3A_24, %get3A_25, %get3A_26, %get3A_27, %get3A_28] : memref<8x4x3x64x112xf32, #tpu.memory_space<vmem>>, vector<1x1x1x64x112xf32>
    %get3A_30 = vector.shape_cast %get3A_29 : vector<1x1x1x64x112xf32> to vector<64x112xf32>
    %get3A_31 = arith.constant 0 : index
    %get3A_32 = arith.constant 1 : index
    %get3A_33 = arith.constant 0 : index
    %get3A_34 = arith.constant 0 : index
    %get3A_35 = arith.constant 0 : index
    %get3A_36 = vector.load %arg1[%get3A_31, %get3A_32, %get3A_33, %get3A_34, %get3A_35] : memref<8x4x3x64x112xf32, #tpu.memory_space<vmem>>, vector<1x1x1x64x112xf32>
    %get3A_37 = vector.shape_cast %get3A_36 : vector<1x1x1x64x112xf32> to vector<64x112xf32>
    %get3A_38 = arith.constant 0 : index
    %get3A_39 = arith.constant 2 : index
    %get3A_40 = arith.constant 0 : index
    %get3A_41 = arith.constant 0 : index
    %get3A_42 = arith.constant 0 : index
    %get3A_43 = vector.load %arg1[%get3A_38, %get3A_39, %get3A_40, %get3A_41, %get3A_42] : memref<8x4x3x64x112xf32, #tpu.memory_space<vmem>>, vector<1x1x1x64x112xf32>
    %get3A_44 = vector.shape_cast %get3A_43 : vector<1x1x1x64x112xf32> to vector<64x112xf32>
    %get3A_45 = arith.constant 0 : index
    %get3A_46 = arith.constant 3 : index
    %get3A_47 = arith.constant 0 : index
    %get3A_48 = arith.constant 0 : index
    %get3A_49 = arith.constant 0 : index
    %get3A_50 = vector.load %arg1[%get3A_45, %get3A_46, %get3A_47, %get3A_48, %get3A_49] : memref<8x4x3x64x112xf32, #tpu.memory_space<vmem>>, vector<1x1x1x64x112xf32>
    %get3A_51 = vector.shape_cast %get3A_50 : vector<1x1x1x64x112xf32> to vector<64x112xf32>
    %concatenate3A = tpu.concatenate %get3A_30, %get3A_37, %get3A_44, %get3A_51 in 1 : vector<64x112xf32>, vector<64x112xf32>, vector<64x112xf32>, vector<64x112xf32> -> vector<64x448xf32>
    %mul3A = arith.mulf %concatenate3A, %concatenate3A : vector<64x448xf32>
    %reduce_sum3A = arith.constant dense<0.000000e+00> : vector<448xf32>
    %reduce_sum3A_52 = vector.multi_reduction <add>, %mul3A, %reduce_sum3A [0] : vector<64x448xf32> to vector<448xf32>
    %broadcast_in_dim3A_53 = vector.shape_cast %reduce_sum3A_52 : vector<448xf32> to vector<1x448xf32>
    %sqrt3A = math.sqrt %broadcast_in_dim3A_53 : vector<1x448xf32>
    %max3A = arith.constant 9.99999996E-13 : f32
    %max3A_54 = vector.broadcast %max3A : f32 to vector<1x448xf32>
    %max3A_55 = arith.maximumf %sqrt3A, %max3A_54 : vector<1x448xf32>
    %div3A = vector.broadcast %max3A_55 : vector<1x448xf32> to vector<64x448xf32>
    %div3A_56 = arith.divf %concatenate3A, %div3A : vector<64x448xf32>
    %mul3A_57 = arith.mulf %div3A_56, %div3A_56 : vector<64x448xf32>
    %reduce_sum3A_58 = arith.constant dense<0.000000e+00> : vector<448xf32>
    %reduce_sum3A_59 = vector.multi_reduction <add>, %mul3A_57, %reduce_sum3A_58 [0] : vector<64x448xf32> to vector<448xf32>
    %broadcast_in_dim3A_60 = vector.shape_cast %reduce_sum3A_59 : vector<448xf32> to vector<1x448xf32>
    %sqrt3A_61 = math.sqrt %broadcast_in_dim3A_60 : vector<1x448xf32>
    %max3A_62 = arith.constant 9.99999993E-9 : f32
    %max3A_63 = vector.broadcast %max3A_62 : f32 to vector<1x448xf32>
    %max3A_64 = arith.maximumf %sqrt3A_61, %max3A_63 : vector<1x448xf32>
    %div3A_65 = vector.broadcast %max3A_64 : vector<1x448xf32> to vector<64x448xf32>
    %div3A_66 = arith.divf %div3A_56, %div3A_65 : vector<64x448xf32>
    %get3A_67 = arith.constant 0 : index
    %get3A_68 = arith.constant 0 : index
    %get3A_69 = arith.constant 1 : index
    %get3A_70 = arith.constant 0 : index
    %get3A_71 = arith.constant 0 : index
    %get3A_72 = vector.load %arg1[%get3A_67, %get3A_68, %get3A_69, %get3A_70, %get3A_71] : memref<8x4x3x64x112xf32, #tpu.memory_space<vmem>>, vector<1x1x1x64x112xf32>
    %get3A_73 = vector.shape_cast %get3A_72 : vector<1x1x1x64x112xf32> to vector<64x112xf32>
    %get3A_74 = arith.constant 0 : index
    %get3A_75 = arith.constant 1 : index
    %get3A_76 = arith.constant 1 : index
    %get3A_77 = arith.constant 0 : index
    %get3A_78 = arith.constant 0 : index
    %get3A_79 = vector.load %arg1[%get3A_74, %get3A_75, %get3A_76, %get3A_77, %get3A_78] : memref<8x4x3x64x112xf32, #tpu.memory_space<vmem>>, vector<1x1x1x64x112xf32>
    %get3A_80 = vector.shape_cast %get3A_79 : vector<1x1x1x64x112xf32> to vector<64x112xf32>
    %get3A_81 = arith.constant 0 : index
    %get3A_82 = arith.constant 2 : index
    %get3A_83 = arith.constant 1 : index
    %get3A_84 = arith.constant 0 : index
    %get3A_85 = arith.constant 0 : index
    %get3A_86 = vector.load %arg1[%get3A_81, %get3A_82, %get3A_83, %get3A_84, %get3A_85] : memref<8x4x3x64x112xf32, #tpu.memory_space<vmem>>, vector<1x1x1x64x112xf32>
    %get3A_87 = vector.shape_cast %get3A_86 : vector<1x1x1x64x112xf32> to vector<64x112xf32>
    %get3A_88 = arith.constant 0 : index
    %get3A_89 = arith.constant 3 : index
    %get3A_90 = arith.constant 1 : index
    %get3A_91 = arith.constant 0 : index
    %get3A_92 = arith.constant 0 : index
    %get3A_93 = vector.load %arg1[%get3A_88, %get3A_89, %get3A_90, %get3A_91, %get3A_92] : memref<8x4x3x64x112xf32, #tpu.memory_space<vmem>>, vector<1x1x1x64x112xf32>
    %get3A_94 = vector.shape_cast %get3A_93 : vector<1x1x1x64x112xf32> to vector<64x112xf32>
    %concatenate3A_95 = tpu.concatenate %get3A_73, %get3A_80, %get3A_87, %get3A_94 in 1 : vector<64x112xf32>, vector<64x112xf32>, vector<64x112xf32>, vector<64x112xf32> -> vector<64x448xf32>
    %mul3A_96 = arith.mulf %concatenate3A_95, %concatenate3A_95 : vector<64x448xf32>
    %reduce_sum3A_97 = arith.constant dense<0.000000e+00> : vector<448xf32>
    %reduce_sum3A_98 = vector.multi_reduction <add>, %mul3A_96, %reduce_sum3A_97 [0] : vector<64x448xf32> to vector<448xf32>
    %broadcast_in_dim3A_99 = vector.shape_cast %reduce_sum3A_98 : vector<448xf32> to vector<1x448xf32>
    %sqrt3A_100 = math.sqrt %broadcast_in_dim3A_99 : vector<1x448xf32>
    %max3A_101 = arith.constant 9.99999996E-13 : f32
    %max3A_102 = vector.broadcast %max3A_101 : f32 to vector<1x448xf32>
    %max3A_103 = arith.maximumf %sqrt3A_100, %max3A_102 : vector<1x448xf32>
    %div3A_104 = vector.broadcast %max3A_103 : vector<1x448xf32> to vector<64x448xf32>
    %div3A_105 = arith.divf %concatenate3A_95, %div3A_104 : vector<64x448xf32>
    %mul3A_106 = arith.mulf %div3A_105, %div3A_105 : vector<64x448xf32>
    %reduce_sum3A_107 = arith.constant dense<0.000000e+00> : vector<448xf32>
    %reduce_sum3A_108 = vector.multi_reduction <add>, %mul3A_106, %reduce_sum3A_107 [0] : vector<64x448xf32> to vector<448xf32>
    %broadcast_in_dim3A_109 = vector.shape_cast %reduce_sum3A_108 : vector<448xf32> to vector<1x448xf32>
    %sqrt3A_110 = math.sqrt %broadcast_in_dim3A_109 : vector<1x448xf32>
    %max3A_111 = arith.constant 9.99999993E-9 : f32
    %max3A_112 = vector.broadcast %max3A_111 : f32 to vector<1x448xf32>
    %max3A_113 = arith.maximumf %sqrt3A_110, %max3A_112 : vector<1x448xf32>
    %div3A_114 = vector.broadcast %max3A_113 : vector<1x448xf32> to vector<64x448xf32>
    %div3A_115 = arith.divf %div3A_105, %div3A_114 : vector<64x448xf32>
    %get3A_116 = arith.constant 0 : index
    %get3A_117 = arith.constant 0 : index
    %get3A_118 = arith.constant 2 : index
    %get3A_119 = arith.constant 0 : index
    %get3A_120 = arith.constant 0 : index
    %get3A_121 = vector.load %arg1[%get3A_116, %get3A_117, %get3A_118, %get3A_119, %get3A_120] : memref<8x4x3x64x112xf32, #tpu.memory_space<vmem>>, vector<1x1x1x64x112xf32>
    %get3A_122 = vector.shape_cast %get3A_121 : vector<1x1x1x64x112xf32> to vector<64x112xf32>
    %get3A_123 = arith.constant 0 : index
    %get3A_124 = arith.constant 1 : index
    %get3A_125 = arith.constant 2 : index
    %get3A_126 = arith.constant 0 : index
    %get3A_127 = arith.constant 0 : index
    %get3A_128 = vector.load %arg1[%get3A_123, %get3A_124, %get3A_125, %get3A_126, %get3A_127] : memref<8x4x3x64x112xf32, #tpu.memory_space<vmem>>, vector<1x1x1x64x112xf32>
    %get3A_129 = vector.shape_cast %get3A_128 : vector<1x1x1x64x112xf32> to vector<64x112xf32>
    %get3A_130 = arith.constant 0 : index
    %get3A_131 = arith.constant 2 : index
    %get3A_132 = arith.constant 2 : index
    %get3A_133 = arith.constant 0 : index
    %get3A_134 = arith.constant 0 : index
    %get3A_135 = vector.load %arg1[%get3A_130, %get3A_131, %get3A_132, %get3A_133, %get3A_134] : memref<8x4x3x64x112xf32, #tpu.memory_space<vmem>>, vector<1x1x1x64x112xf32>
    %get3A_136 = vector.shape_cast %get3A_135 : vector<1x1x1x64x112xf32> to vector<64x112xf32>
    %get3A_137 = arith.constant 0 : index
    %get3A_138 = arith.constant 3 : index
    %get3A_139 = arith.constant 2 : index
    %get3A_140 = arith.constant 0 : index
    %get3A_141 = arith.constant 0 : index
    %get3A_142 = vector.load %arg1[%get3A_137, %get3A_138, %get3A_139, %get3A_140, %get3A_141] : memref<8x4x3x64x112xf32, #tpu.memory_space<vmem>>, vector<1x1x1x64x112xf32>
    %get3A_143 = vector.shape_cast %get3A_142 : vector<1x1x1x64x112xf32> to vector<64x112xf32>
    %concatenate3A_144 = tpu.concatenate %get3A_122, %get3A_129, %get3A_136, %get3A_143 in 1 : vector<64x112xf32>, vector<64x112xf32>, vector<64x112xf32>, vector<64x112xf32> -> vector<64x448xf32>
    %mul3A_145 = arith.mulf %concatenate3A_144, %concatenate3A_144 : vector<64x448xf32>
    %reduce_sum3A_146 = arith.constant dense<0.000000e+00> : vector<448xf32>
    %reduce_sum3A_147 = vector.multi_reduction <add>, %mul3A_145, %reduce_sum3A_146 [0] : vector<64x448xf32> to vector<448xf32>
    %broadcast_in_dim3A_148 = vector.shape_cast %reduce_sum3A_147 : vector<448xf32> to vector<1x448xf32>
    %sqrt3A_149 = math.sqrt %broadcast_in_dim3A_148 : vector<1x448xf32>
    %max3A_150 = arith.constant 9.99999996E-13 : f32
    %max3A_151 = vector.broadcast %max3A_150 : f32 to vector<1x448xf32>
    %max3A_152 = arith.maximumf %sqrt3A_149, %max3A_151 : vector<1x448xf32>
    %div3A_153 = vector.broadcast %max3A_152 : vector<1x448xf32> to vector<64x448xf32>
    %div3A_154 = arith.divf %concatenate3A_144, %div3A_153 : vector<64x448xf32>
    %mul3A_155 = arith.mulf %div3A_154, %div3A_154 : vector<64x448xf32>
    %reduce_sum3A_156 = arith.constant dense<0.000000e+00> : vector<448xf32>
    %reduce_sum3A_157 = vector.multi_reduction <add>, %mul3A_155, %reduce_sum3A_156 [0] : vector<64x448xf32> to vector<448xf32>
    %broadcast_in_dim3A_158 = vector.shape_cast %reduce_sum3A_157 : vector<448xf32> to vector<1x448xf32>
    %sqrt3A_159 = math.sqrt %broadcast_in_dim3A_158 : vector<1x448xf32>
    %max3A_160 = arith.constant 9.99999993E-9 : f32
    %max3A_161 = vector.broadcast %max3A_160 : f32 to vector<1x448xf32>
    %max3A_162 = arith.maximumf %sqrt3A_159, %max3A_161 : vector<1x448xf32>
    %div3A_163 = vector.broadcast %max3A_162 : vector<1x448xf32> to vector<64x448xf32>
    %div3A_164 = arith.divf %div3A_154, %div3A_163 : vector<64x448xf32>
    %mul3A_165 = vector.broadcast %convert_element_type3A_2 : f32 to vector<64x448xf32>
    %mul3A_166 = arith.mulf %mul3A_165, %div3A_66 : vector<64x448xf32>
    %mul3A_167 = vector.broadcast %convert_element_type3A_8 : f32 to vector<64x448xf32>
    %mul3A_168 = arith.mulf %mul3A_167, %div3A_115 : vector<64x448xf32>
    %add3A = arith.addf %mul3A_166, %mul3A_168 : vector<64x448xf32>
    %mul3A_169 = vector.broadcast %convert_element_type3A_14 : f32 to vector<64x448xf32>
    %mul3A_170 = arith.mulf %mul3A_169, %div3A_164 : vector<64x448xf32>
    %add3A_171 = arith.addf %add3A, %mul3A_170 : vector<64x448xf32>
    %mul3A_172 = arith.mulf %add3A_171, %div3A_66 : vector<64x448xf32>
    %reduce_sum3A_173 = arith.constant dense<0.000000e+00> : vector<448xf32>
    %reduce_sum3A_174 = vector.multi_reduction <add>, %mul3A_172, %reduce_sum3A_173 [0] : vector<64x448xf32> to vector<448xf32>
    %broadcast_in_dim3A_175 = vector.shape_cast %reduce_sum3A_174 : vector<448xf32> to vector<1x448xf32>
    %add3A_176 = arith.constant 0.000000e+00 : f32
    %add3A_177 = vector.broadcast %add3A_176 : f32 to vector<1x448xf32>
    %add3A_178 = arith.addf %add3A_177, %broadcast_in_dim3A_175 : vector<1x448xf32>
    %mul3A_179 = arith.mulf %add3A_171, %div3A_115 : vector<64x448xf32>
    %reduce_sum3A_180 = arith.constant dense<0.000000e+00> : vector<448xf32>
    %reduce_sum3A_181 = vector.multi_reduction <add>, %mul3A_179, %reduce_sum3A_180 [0] : vector<64x448xf32> to vector<448xf32>
    %broadcast_in_dim3A_182 = vector.shape_cast %reduce_sum3A_181 : vector<448xf32> to vector<1x448xf32>
    %add3A_183 = arith.addf %add3A_178, %broadcast_in_dim3A_182 : vector<1x448xf32>
    %mul3A_184 = arith.mulf %add3A_171, %div3A_164 : vector<64x448xf32>
    %reduce_sum3A_185 = arith.constant dense<0.000000e+00> : vector<448xf32>
    %reduce_sum3A_186 = vector.multi_reduction <add>, %mul3A_184, %reduce_sum3A_185 [0] : vector<64x448xf32> to vector<448xf32>
    %broadcast_in_dim3A_187 = vector.shape_cast %reduce_sum3A_186 : vector<448xf32> to vector<1x448xf32>
    %add3A_188 = arith.addf %add3A_183, %broadcast_in_dim3A_187 : vector<1x448xf32>
    %mul3A_189 = arith.mulf %add3A_171, %add3A_171 : vector<64x448xf32>
    %reduce_sum3A_190 = arith.constant dense<0.000000e+00> : vector<448xf32>
    %reduce_sum3A_191 = vector.multi_reduction <add>, %mul3A_189, %reduce_sum3A_190 [0] : vector<64x448xf32> to vector<448xf32>
    %broadcast_in_dim3A_192 = vector.shape_cast %reduce_sum3A_191 : vector<448xf32> to vector<1x448xf32>
    %sub3A = arith.subf %add3A_188, %broadcast_in_dim3A_192 : vector<1x448xf32>
    %div3A_193 = arith.constant 7.000000e-02 : f32
    %div3A_194 = vector.broadcast %div3A_193 : f32 to vector<1x448xf32>
    %div3A_195 = arith.divf %sub3A, %div3A_194 : vector<1x448xf32>
    %exp3A = math.exp %div3A_195 : vector<1x448xf32>
    %dot_general3A = arith.constant dense<0.000000e+00> : vector<448x448xf32>
    %dot_general3A_196 = tpu.matmul %add3A_171, %add3A_171, %dot_general3A {dimension_numbers = #tpu.dot_dimension_numbers<[0], [0], [1], [1], [0, 1, 1, 1], [], []>, transpose_lhs_hint = false} : vector<64x448xf32>, vector<64x448xf32>, vector<448x448xf32> -> vector<448x448xf32>
    %div3A_197 = arith.constant 7.000000e-02 : f32
    %div3A_198 = vector.broadcast %div3A_197 : f32 to vector<448x448xf32>
    %div3A_199 = arith.divf %dot_general3A_196, %div3A_198 : vector<448x448xf32>
    %exp3A_200 = math.exp %div3A_199 : vector<448x448xf32>
    %lt3A = vector.broadcast %slice3A : vector<1x1xi32> to vector<448x448xi32>
    %lt3A_201 = arith.cmpi slt, %iota3A, %lt3A : vector<448x448xi32>
    %convert_element_type3A_202 = arith.extui %lt3A_201 : vector<448x448xi1> to vector<448x448xi32>
    %convert_element_type3A_203 = arith.sitofp %convert_element_type3A_202 : vector<448x448xi32> to vector<448x448xf32>
    %mul3A_204 = arith.mulf %exp3A_200, %convert_element_type3A_203 : vector<448x448xf32>
    %reduce_sum3A_205 = arith.constant dense<0.000000e+00> : vector<448xf32>
    %reduce_sum3A_206 = vector.multi_reduction <add>, %mul3A_204, %reduce_sum3A_205 [0] : vector<448x448xf32> to vector<448xf32>
    %broadcast_in_dim3A_207 = vector.shape_cast %reduce_sum3A_206 : vector<448xf32> to vector<1x448xf32>
    %mul3A_208 = arith.mulf %exp3A_200, %convert_element_type3A_18 : vector<448x448xf32>
    %reduce_sum3A_209 = arith.constant dense<0.000000e+00> : vector<448xf32>
    %reduce_sum3A_210 = vector.multi_reduction <add>, %mul3A_208, %reduce_sum3A_209 [0] : vector<448x448xf32> to vector<448xf32>
    %broadcast_in_dim3A_211 = vector.shape_cast %reduce_sum3A_210 : vector<448xf32> to vector<1x448xf32>
    %sub3A_212 = arith.subf %broadcast_in_dim3A_207, %broadcast_in_dim3A_211 : vector<1x448xf32>
    %add3A_213 = arith.addf %exp3A, %sub3A_212 : vector<1x448xf32>
    %add3A_214 = arith.constant 9.99999993E-9 : f32
    %add3A_215 = vector.broadcast %add3A_214 : f32 to vector<1x448xf32>
    %add3A_216 = arith.addf %add3A_213, %add3A_215 : vector<1x448xf32>
    %div3A_217 = arith.divf %exp3A, %add3A_216 : vector<1x448xf32>
    %log3A = math.log %div3A_217 : vector<1x448xf32>
    %neg3A = arith.constant 0.000000e+00 : f32
    %neg3A_218 = vector.broadcast %neg3A : f32 to vector<1x448xf32>
    %neg3A_219 = arith.subf %neg3A_218, %log3A : vector<1x448xf32>
    %lt3A_220 = vector.broadcast %slice3A : vector<1x1xi32> to vector<1x448xi32>
    %lt3A_221 = arith.cmpi slt, %iota3A_19, %lt3A_220 : vector<1x448xi32>
    %convert_element_type3A_222 = arith.extui %lt3A_221 : vector<1x448xi1> to vector<1x448xi32>
    %convert_element_type3A_223 = arith.sitofp %convert_element_type3A_222 : vector<1x448xi32> to vector<1x448xf32>
    %mul3A_224 = arith.mulf %neg3A_219, %convert_element_type3A_223 : vector<1x448xf32>
    %reduce_sum3A_225 = vector.shape_cast %mul3A_224 : vector<1x448xf32> to vector<1x1x448xf32>
    %reduce_sum3A_226 = arith.constant dense<0.000000e+00> : vector<1xf32>
    %reduce_sum3A_227 = vector.multi_reduction <add>, %reduce_sum3A_225, %reduce_sum3A_226 [1, 2] : vector<1x1x448xf32> to vector<1xf32>
    %reduce_sum3A_228 = vector.shape_cast %reduce_sum3A_227 : vector<1xf32> to vector<1x1x1xf32>
    %reduce_sum3A_229 = vector.extract %reduce_sum3A_228[0, 0, 0] : f32 from vector<1x1x1xf32>
    %broadcast_in_dim3A_230 = vector.broadcast %reduce_sum3A_229 : f32 to vector<1x1xf32>
    %convert_element_type3A_231 = arith.sitofp %slice3A : vector<1x1xi32> to vector<1x1xf32>
    %div3A_232 = arith.divf %broadcast_in_dim3A_230, %convert_element_type3A_231 : vector<1x1xf32>
    %add3A_233 = arith.addf %broadcast_in_dim3A_20, %div3A_232 : vector<1x1xf32>
    %get3A_234 = arith.constant 0 : index
    %get3A_235 = arith.constant 0 : index
    %get3A_236 = vector.load %arg2[%get3A_234, %get3A_235] : memref<8x1xi32, #tpu.memory_space<vmem>>, vector<8x1xi32>
    %slice3A_237 = vector.extract_strided_slice %get3A_236 {offsets = [1, 0], sizes = [1, 1], strides = [1, 1]} : vector<8x1xi32> to vector<1x1xi32>
    %get3A_238 = arith.constant 1 : index
    %get3A_239 = arith.constant 0 : index
    %get3A_240 = arith.constant 0 : index
    %get3A_241 = arith.constant 0 : index
    %get3A_242 = arith.constant 0 : index
    %get3A_243 = vector.load %arg1[%get3A_238, %get3A_239, %get3A_240, %get3A_241, %get3A_242] : memref<8x4x3x64x112xf32, #tpu.memory_space<vmem>>, vector<1x1x1x64x112xf32>
    %get3A_244 = vector.shape_cast %get3A_243 : vector<1x1x1x64x112xf32> to vector<64x112xf32>
    %get3A_245 = arith.constant 1 : index
    %get3A_246 = arith.constant 1 : index
    %get3A_247 = arith.constant 0 : index
    %get3A_248 = arith.constant 0 : index
    %get3A_249 = arith.constant 0 : index
    %get3A_250 = vector.load %arg1[%get3A_245, %get3A_246, %get3A_247, %get3A_248, %get3A_249] : memref<8x4x3x64x112xf32, #tpu.memory_space<vmem>>, vector<1x1x1x64x112xf32>
    %get3A_251 = vector.shape_cast %get3A_250 : vector<1x1x1x64x112xf32> to vector<64x112xf32>
    %get3A_252 = arith.constant 1 : index
    %get3A_253 = arith.constant 2 : index
    %get3A_254 = arith.constant 0 : index
    %get3A_255 = arith.constant 0 : index
    %get3A_256 = arith.constant 0 : index
    %get3A_257 = vector.load %arg1[%get3A_252, %get3A_253, %get3A_254, %get3A_255, %get3A_256] : memref<8x4x3x64x112xf32, #tpu.memory_space<vmem>>, vector<1x1x1x64x112xf32>
    %get3A_258 = vector.shape_cast %get3A_257 : vector<1x1x1x64x112xf32> to vector<64x112xf32>
    %get3A_259 = arith.constant 1 : index
    %get3A_260 = arith.constant 3 : index
    %get3A_261 = arith.constant 0 : index
    %get3A_262 = arith.constant 0 : index
    %get3A_263 = arith.constant 0 : index
    %get3A_264 = vector.load %arg1[%get3A_259, %get3A_260, %get3A_261, %get3A_262, %get3A_263] : memref<8x4x3x64x112xf32, #tpu.memory_space<vmem>>, vector<1x1x1x64x112xf32>
    %get3A_265 = vector.shape_cast %get3A_264 : vector<1x1x1x64x112xf32> to vector<64x112xf32>
    %concatenate3A_266 = tpu.concatenate %get3A_244, %get3A_251, %get3A_258, %get3A_265 in 1 : vector<64x112xf32>, vector<64x112xf32>, vector<64x112xf32>, vector<64x112xf32> -> vector<64x448xf32>
    %mul3A_267 = arith.mulf %concatenate3A_266, %concatenate3A_266 : vector<64x448xf32>
    %reduce_sum3A_268 = arith.constant dense<0.000000e+00> : vector<448xf32>
    %reduce_sum3A_269 = vector.multi_reduction <add>, %mul3A_267, %reduce_sum3A_268 [0] : vector<64x448xf32> to vector<448xf32>
    %broadcast_in_dim3A_270 = vector.shape_cast %reduce_sum3A_269 : vector<448xf32> to vector<1x448xf32>
    %sqrt3A_271 = math.sqrt %broadcast_in_dim3A_270 : vector<1x448xf32>
    %max3A_272 = arith.constant 9.99999996E-13 : f32
    %max3A_273 = vector.broadcast %max3A_272 : f32 to vector<1x448xf32>
    %max3A_274 = arith.maximumf %sqrt3A_271, %max3A_273 : vector<1x448xf32>
    %div3A_275 = vector.broadcast %max3A_274 : vector<1x448xf32> to vector<64x448xf32>
    %div3A_276 = arith.divf %concatenate3A_266, %div3A_275 : vector<64x448xf32>
    %mul3A_277 = arith.mulf %div3A_276, %div3A_276 : vector<64x448xf32>
    %reduce_sum3A_278 = arith.constant dense<0.000000e+00> : vector<448xf32>
    %reduce_sum3A_279 = vector.multi_reduction <add>, %mul3A_277, %reduce_sum3A_278 [0] : vector<64x448xf32> to vector<448xf32>
    %broadcast_in_dim3A_280 = vector.shape_cast %reduce_sum3A_279 : vector<448xf32> to vector<1x448xf32>
    %sqrt3A_281 = math.sqrt %broadcast_in_dim3A_280 : vector<1x448xf32>
    %max3A_282 = arith.constant 9.99999993E-9 : f32
    %max3A_283 = vector.broadcast %max3A_282 : f32 to vector<1x448xf32>
    %max3A_284 = arith.maximumf %sqrt3A_281, %max3A_283 : vector<1x448xf32>
    %div3A_285 = vector.broadcast %max3A_284 : vector<1x448xf32> to vector<64x448xf32>
    %div3A_286 = arith.divf %div3A_276, %div3A_285 : vector<64x448xf32>
    %get3A_287 = arith.constant 1 : index
    %get3A_288 = arith.constant 0 : index
    %get3A_289 = arith.constant 1 : index
    %get3A_290 = arith.constant 0 : index
    %get3A_291 = arith.constant 0 : index
    %get3A_292 = vector.load %arg1[%get3A_287, %get3A_288, %get3A_289, %get3A_290, %get3A_291] : memref<8x4x3x64x112xf32, #tpu.memory_space<vmem>>, vector<1x1x1x64x112xf32>
    %get3A_293 = vector.shape_cast %get3A_292 : vector<1x1x1x64x112xf32> to vector<64x112xf32>
    %get3A_294 = arith.constant 1 : index
    %get3A_295 = arith.constant 1 : index
    %get3A_296 = arith.constant 1 : index
    %get3A_297 = arith.constant 0 : index
    %get3A_298 = arith.constant 0 : index
    %get3A_299 = vector.load %arg1[%get3A_294, %get3A_295, %get3A_296, %get3A_297, %get3A_298] : memref<8x4x3x64x112xf32, #tpu.memory_space<vmem>>, vector<1x1x1x64x112xf32>
    %get3A_300 = vector.shape_cast %get3A_299 : vector<1x1x1x64x112xf32> to vector<64x112xf32>
    %get3A_301 = arith.constant 1 : index
    %get3A_302 = arith.constant 2 : index
    %get3A_303 = arith.constant 1 : index
    %get3A_304 = arith.constant 0 : index
    %get3A_305 = arith.constant 0 : index
    %get3A_306 = vector.load %arg1[%get3A_301, %get3A_302, %get3A_303, %get3A_304, %get3A_305] : memref<8x4x3x64x112xf32, #tpu.memory_space<vmem>>, vector<1x1x1x64x112xf32>
    %get3A_307 = vector.shape_cast %get3A_306 : vector<1x1x1x64x112xf32> to vector<64x112xf32>
    %get3A_308 = arith.constant 1 : index
    %get3A_309 = arith.constant 3 : index
    %get3A_310 = arith.constant 1 : index
    %get3A_311 = arith.constant 0 : index
    %get3A_312 = arith.constant 0 : index
    %get3A_313 = vector.load %arg1[%get3A_308, %get3A_309, %get3A_310, %get3A_311, %get3A_312] : memref<8x4x3x64x112xf32, #tpu.memory_space<vmem>>, vector<1x1x1x64x112xf32>
    %get3A_314 = vector.shape_cast %get3A_313 : vector<1x1x1x64x112xf32> to vector<64x112xf32>
    %concatenate3A_315 = tpu.concatenate %get3A_293, %get3A_300, %get3A_307, %get3A_314 in 1 : vector<64x112xf32>, vector<64x112xf32>, vector<64x112xf32>, vector<64x112xf32> -> vector<64x448xf32>
    %mul3A_316 = arith.mulf %concatenate3A_315, %concatenate3A_315 : vector<64x448xf32>
    %reduce_sum3A_317 = arith.constant dense<0.000000e+00> : vector<448xf32>
    %reduce_sum3A_318 = vector.multi_reduction <add>, %mul3A_316, %reduce_sum3A_317 [0] : vector<64x448xf32> to vector<448xf32>
    %broadcast_in_dim3A_319 = vector.shape_cast %reduce_sum3A_318 : vector<448xf32> to vector<1x448xf32>
    %sqrt3A_320 = math.sqrt %broadcast_in_dim3A_319 : vector<1x448xf32>
    %max3A_321 = arith.constant 9.99999996E-13 : f32
    %max3A_322 = vector.broadcast %max3A_321 : f32 to vector<1x448xf32>
    %max3A_323 = arith.maximumf %sqrt3A_320, %max3A_322 : vector<1x448xf32>
    %div3A_324 = vector.broadcast %max3A_323 : vector<1x448xf32> to vector<64x448xf32>
    %div3A_325 = arith.divf %concatenate3A_315, %div3A_324 : vector<64x448xf32>
    %mul3A_326 = arith.mulf %div3A_325, %div3A_325 : vector<64x448xf32>
    %reduce_sum3A_327 = arith.constant dense<0.000000e+00> : vector<448xf32>
    %reduce_sum3A_328 = vector.multi_reduction <add>, %mul3A_326, %reduce_sum3A_327 [0] : vector<64x448xf32> to vector<448xf32>
    %broadcast_in_dim3A_329 = vector.shape_cast %reduce_sum3A_328 : vector<448xf32> to vector<1x448xf32>
    %sqrt3A_330 = math.sqrt %broadcast_in_dim3A_329 : vector<1x448xf32>
    %max3A_331 = arith.constant 9.99999993E-9 : f32
    %max3A_332 = vector.broadcast %max3A_331 : f32 to vector<1x448xf32>
    %max3A_333 = arith.maximumf %sqrt3A_330, %max3A_332 : vector<1x448xf32>
    %div3A_334 = vector.broadcast %max3A_333 : vector<1x448xf32> to vector<64x448xf32>
    %div3A_335 = arith.divf %div3A_325, %div3A_334 : vector<64x448xf32>
    %get3A_336 = arith.constant 1 : index
    %get3A_337 = arith.constant 0 : index
    %get3A_338 = arith.constant 2 : index
    %get3A_339 = arith.constant 0 : index
    %get3A_340 = arith.constant 0 : index
    %get3A_341 = vector.load %arg1[%get3A_336, %get3A_337, %get3A_338, %get3A_339, %get3A_340] : memref<8x4x3x64x112xf32, #tpu.memory_space<vmem>>, vector<1x1x1x64x112xf32>
    %get3A_342 = vector.shape_cast %get3A_341 : vector<1x1x1x64x112xf32> to vector<64x112xf32>
    %get3A_343 = arith.constant 1 : index
    %get3A_344 = arith.constant 1 : index
    %get3A_345 = arith.constant 2 : index
    %get3A_346 = arith.constant 0 : index
    %get3A_347 = arith.constant 0 : index
    %get3A_348 = vector.load %arg1[%get3A_343, %get3A_344, %get3A_345, %get3A_346, %get3A_347] : memref<8x4x3x64x112xf32, #tpu.memory_space<vmem>>, vector<1x1x1x64x112xf32>
    %get3A_349 = vector.shape_cast %get3A_348 : vector<1x1x1x64x112xf32> to vector<64x112xf32>
    %get3A_350 = arith.constant 1 : index
    %get3A_351 = arith.constant 2 : index
    %get3A_352 = arith.constant 2 : index
    %get3A_353 = arith.constant 0 : index
    %get3A_354 = arith.constant 0 : index
    %get3A_355 = vector.load %arg1[%get3A_350, %get3A_351, %get3A_352, %get3A_353, %get3A_354] : memref<8x4x3x64x112xf32, #tpu.memory_space<vmem>>, vector<1x1x1x64x112xf32>
    %get3A_356 = vector.shape_cast %get3A_355 : vector<1x1x1x64x112xf32> to vector<64x112xf32>
    %get3A_357 = arith.constant 1 : index
    %get3A_358 = arith.constant 3 : index
    %get3A_359 = arith.constant 2 : index
    %get3A_360 = arith.constant 0 : index
    %get3A_361 = arith.constant 0 : index
    %get3A_362 = vector.load %arg1[%get3A_357, %get3A_358, %get3A_359, %get3A_360, %get3A_361] : memref<8x4x3x64x112xf32, #tpu.memory_space<vmem>>, vector<1x1x1x64x112xf32>
    %get3A_363 = vector.shape_cast %get3A_362 : vector<1x1x1x64x112xf32> to vector<64x112xf32>
    %concatenate3A_364 = tpu.concatenate %get3A_342, %get3A_349, %get3A_356, %get3A_363 in 1 : vector<64x112xf32>, vector<64x112xf32>, vector<64x112xf32>, vector<64x112xf32> -> vector<64x448xf32>
    %mul3A_365 = arith.mulf %concatenate3A_364, %concatenate3A_364 : vector<64x448xf32>
    %reduce_sum3A_366 = arith.constant dense<0.000000e+00> : vector<448xf32>
    %reduce_sum3A_367 = vector.multi_reduction <add>, %mul3A_365, %reduce_sum3A_366 [0] : vector<64x448xf32> to vector<448xf32>
    %broadcast_in_dim3A_368 = vector.shape_cast %reduce_sum3A_367 : vector<448xf32> to vector<1x448xf32>
    %sqrt3A_369 = math.sqrt %broadcast_in_dim3A_368 : vector<1x448xf32>
    %max3A_370 = arith.constant 9.99999996E-13 : f32
    %max3A_371 = vector.broadcast %max3A_370 : f32 to vector<1x448xf32>
    %max3A_372 = arith.maximumf %sqrt3A_369, %max3A_371 : vector<1x448xf32>
    %div3A_373 = vector.broadcast %max3A_372 : vector<1x448xf32> to vector<64x448xf32>
    %div3A_374 = arith.divf %concatenate3A_364, %div3A_373 : vector<64x448xf32>
    %mul3A_375 = arith.mulf %div3A_374, %div3A_374 : vector<64x448xf32>
    %reduce_sum3A_376 = arith.constant dense<0.000000e+00> : vector<448xf32>
    %reduce_sum3A_377 = vector.multi_reduction <add>, %mul3A_375, %reduce_sum3A_376 [0] : vector<64x448xf32> to vector<448xf32>
    %broadcast_in_dim3A_378 = vector.shape_cast %reduce_sum3A_377 : vector<448xf32> to vector<1x448xf32>
    %sqrt3A_379 = math.sqrt %broadcast_in_dim3A_378 : vector<1x448xf32>
    %max3A_380 = arith.constant 9.99999993E-9 : f32
    %max3A_381 = vector.broadcast %max3A_380 : f32 to vector<1x448xf32>
    %max3A_382 = arith.maximumf %sqrt3A_379, %max3A_381 : vector<1x448xf32>
    %div3A_383 = vector.broadcast %max3A_382 : vector<1x448xf32> to vector<64x448xf32>
    %div3A_384 = arith.divf %div3A_374, %div3A_383 : vector<64x448xf32>
    %mul3A_385 = vector.broadcast %convert_element_type3A_2 : f32 to vector<64x448xf32>
    %mul3A_386 = arith.mulf %mul3A_385, %div3A_286 : vector<64x448xf32>
    %mul3A_387 = vector.broadcast %convert_element_type3A_8 : f32 to vector<64x448xf32>
    %mul3A_388 = arith.mulf %mul3A_387, %div3A_335 : vector<64x448xf32>
    %add3A_389 = arith.addf %mul3A_386, %mul3A_388 : vector<64x448xf32>
    %mul3A_390 = vector.broadcast %convert_element_type3A_14 : f32 to vector<64x448xf32>
    %mul3A_391 = arith.mulf %mul3A_390, %div3A_384 : vector<64x448xf32>
    %add3A_392 = arith.addf %add3A_389, %mul3A_391 : vector<64x448xf32>
    %mul3A_393 = arith.mulf %add3A_392, %div3A_286 : vector<64x448xf32>
    %reduce_sum3A_394 = arith.constant dense<0.000000e+00> : vector<448xf32>
    %reduce_sum3A_395 = vector.multi_reduction <add>, %mul3A_393, %reduce_sum3A_394 [0] : vector<64x448xf32> to vector<448xf32>
    %broadcast_in_dim3A_396 = vector.shape_cast %reduce_sum3A_395 : vector<448xf32> to vector<1x448xf32>
    %add3A_397 = arith.constant 0.000000e+00 : f32
    %add3A_398 = vector.broadcast %add3A_397 : f32 to vector<1x448xf32>
    %add3A_399 = arith.addf %add3A_398, %broadcast_in_dim3A_396 : vector<1x448xf32>
    %mul3A_400 = arith.mulf %add3A_392, %div3A_335 : vector<64x448xf32>
    %reduce_sum3A_401 = arith.constant dense<0.000000e+00> : vector<448xf32>
    %reduce_sum3A_402 = vector.multi_reduction <add>, %mul3A_400, %reduce_sum3A_401 [0] : vector<64x448xf32> to vector<448xf32>
    %broadcast_in_dim3A_403 = vector.shape_cast %reduce_sum3A_402 : vector<448xf32> to vector<1x448xf32>
    %add3A_404 = arith.addf %add3A_399, %broadcast_in_dim3A_403 : vector<1x448xf32>
    %mul3A_405 = arith.mulf %add3A_392, %div3A_384 : vector<64x448xf32>
    %reduce_sum3A_406 = arith.constant dense<0.000000e+00> : vector<448xf32>
    %reduce_sum3A_407 = vector.multi_reduction <add>, %mul3A_405, %reduce_sum3A_406 [0] : vector<64x448xf32> to vector<448xf32>
    %broadcast_in_dim3A_408 = vector.shape_cast %reduce_sum3A_407 : vector<448xf32> to vector<1x448xf32>
    %add3A_409 = arith.addf %add3A_404, %broadcast_in_dim3A_408 : vector<1x448xf32>
    %mul3A_410 = arith.mulf %add3A_392, %add3A_392 : vector<64x448xf32>
    %reduce_sum3A_411 = arith.constant dense<0.000000e+00> : vector<448xf32>
    %reduce_sum3A_412 = vector.multi_reduction <add>, %mul3A_410, %reduce_sum3A_411 [0] : vector<64x448xf32> to vector<448xf32>
    %broadcast_in_dim3A_413 = vector.shape_cast %reduce_sum3A_412 : vector<448xf32> to vector<1x448xf32>
    %sub3A_414 = arith.subf %add3A_409, %broadcast_in_dim3A_413 : vector<1x448xf32>
    %div3A_415 = arith.constant 7.000000e-02 : f32
    %div3A_416 = vector.broadcast %div3A_415 : f32 to vector<1x448xf32>
    %div3A_417 = arith.divf %sub3A_414, %div3A_416 : vector<1x448xf32>
    %exp3A_418 = math.exp %div3A_417 : vector<1x448xf32>
    %dot_general3A_419 = arith.constant dense<0.000000e+00> : vector<448x448xf32>
    %dot_general3A_420 = tpu.matmul %add3A_392, %add3A_392, %dot_general3A_419 {dimension_numbers = #tpu.dot_dimension_numbers<[0], [0], [1], [1], [0, 1, 1, 1], [], []>, transpose_lhs_hint = false} : vector<64x448xf32>, vector<64x448xf32>, vector<448x448xf32> -> vector<448x448xf32>
    %div3A_421 = arith.constant 7.000000e-02 : f32
    %div3A_422 = vector.broadcast %div3A_421 : f32 to vector<448x448xf32>
    %div3A_423 = arith.divf %dot_general3A_420, %div3A_422 : vector<448x448xf32>
    %exp3A_424 = math.exp %div3A_423 : vector<448x448xf32>
    %lt3A_425 = vector.broadcast %slice3A_237 : vector<1x1xi32> to vector<448x448xi32>
    %lt3A_426 = arith.cmpi slt, %iota3A, %lt3A_425 : vector<448x448xi32>
    %convert_element_type3A_427 = arith.extui %lt3A_426 : vector<448x448xi1> to vector<448x448xi32>
    %convert_element_type3A_428 = arith.sitofp %convert_element_type3A_427 : vector<448x448xi32> to vector<448x448xf32>
    %mul3A_429 = arith.mulf %exp3A_424, %convert_element_type3A_428 : vector<448x448xf32>
    %reduce_sum3A_430 = arith.constant dense<0.000000e+00> : vector<448xf32>
    %reduce_sum3A_431 = vector.multi_reduction <add>, %mul3A_429, %reduce_sum3A_430 [0] : vector<448x448xf32> to vector<448xf32>
    %broadcast_in_dim3A_432 = vector.shape_cast %reduce_sum3A_431 : vector<448xf32> to vector<1x448xf32>
    %mul3A_433 = arith.mulf %exp3A_424, %convert_element_type3A_18 : vector<448x448xf32>
    %reduce_sum3A_434 = arith.constant dense<0.000000e+00> : vector<448xf32>
    %reduce_sum3A_435 = vector.multi_reduction <add>, %mul3A_433, %reduce_sum3A_434 [0] : vector<448x448xf32> to vector<448xf32>
    %broadcast_in_dim3A_436 = vector.shape_cast %reduce_sum3A_435 : vector<448xf32> to vector<1x448xf32>
    %sub3A_437 = arith.subf %broadcast_in_dim3A_432, %broadcast_in_dim3A_436 : vector<1x448xf32>
    %add3A_438 = arith.addf %exp3A_418, %sub3A_437 : vector<1x448xf32>
    %add3A_439 = arith.constant 9.99999993E-9 : f32
    %add3A_440 = vector.broadcast %add3A_439 : f32 to vector<1x448xf32>
    %add3A_441 = arith.addf %add3A_438, %add3A_440 : vector<1x448xf32>
    %div3A_442 = arith.divf %exp3A_418, %add3A_441 : vector<1x448xf32>
    %log3A_443 = math.log %div3A_442 : vector<1x448xf32>
    %neg3A_444 = arith.constant 0.000000e+00 : f32
    %neg3A_445 = vector.broadcast %neg3A_444 : f32 to vector<1x448xf32>
    %neg3A_446 = arith.subf %neg3A_445, %log3A_443 : vector<1x448xf32>
    %lt3A_447 = vector.broadcast %slice3A_237 : vector<1x1xi32> to vector<1x448xi32>
    %lt3A_448 = arith.cmpi slt, %iota3A_19, %lt3A_447 : vector<1x448xi32>
    %convert_element_type3A_449 = arith.extui %lt3A_448 : vector<1x448xi1> to vector<1x448xi32>
    %convert_element_type3A_450 = arith.sitofp %convert_element_type3A_449 : vector<1x448xi32> to vector<1x448xf32>
    %mul3A_451 = arith.mulf %neg3A_446, %convert_element_type3A_450 : vector<1x448xf32>
    %reduce_sum3A_452 = vector.shape_cast %mul3A_451 : vector<1x448xf32> to vector<1x1x448xf32>
    %reduce_sum3A_453 = arith.constant dense<0.000000e+00> : vector<1xf32>
    %reduce_sum3A_454 = vector.multi_reduction <add>, %reduce_sum3A_452, %reduce_sum3A_453 [1, 2] : vector<1x1x448xf32> to vector<1xf32>
    %reduce_sum3A_455 = vector.shape_cast %reduce_sum3A_454 : vector<1xf32> to vector<1x1x1xf32>
    %reduce_sum3A_456 = vector.extract %reduce_sum3A_455[0, 0, 0] : f32 from vector<1x1x1xf32>
    %broadcast_in_dim3A_457 = vector.broadcast %reduce_sum3A_456 : f32 to vector<1x1xf32>
    %convert_element_type3A_458 = arith.sitofp %slice3A_237 : vector<1x1xi32> to vector<1x1xf32>
    %div3A_459 = arith.divf %broadcast_in_dim3A_457, %convert_element_type3A_458 : vector<1x1xf32>
    %add3A_460 = arith.addf %add3A_233, %div3A_459 : vector<1x1xf32>
    %get3A_461 = arith.constant 0 : index
    %get3A_462 = arith.constant 0 : index
    %get3A_463 = vector.load %arg2[%get3A_461, %get3A_462] : memref<8x1xi32, #tpu.memory_space<vmem>>, vector<8x1xi32>
    %slice3A_464 = vector.extract_strided_slice %get3A_463 {offsets = [2, 0], sizes = [1, 1], strides = [1, 1]} : vector<8x1xi32> to vector<1x1xi32>
    %get3A_465 = arith.constant 2 : index
    %get3A_466 = arith.constant 0 : index
    %get3A_467 = arith.constant 0 : index
    %get3A_468 = arith.constant 0 : index
    %get3A_469 = arith.constant 0 : index
    %get3A_470 = vector.load %arg1[%get3A_465, %get3A_466, %get3A_467, %get3A_468, %get3A_469] : memref<8x4x3x64x112xf32, #tpu.memory_space<vmem>>, vector<1x1x1x64x112xf32>
    %get3A_471 = vector.shape_cast %get3A_470 : vector<1x1x1x64x112xf32> to vector<64x112xf32>
    %get3A_472 = arith.constant 2 : index
    %get3A_473 = arith.constant 1 : index
    %get3A_474 = arith.constant 0 : index
    %get3A_475 = arith.constant 0 : index
    %get3A_476 = arith.constant 0 : index
    %get3A_477 = vector.load %arg1[%get3A_472, %get3A_473, %get3A_474, %get3A_475, %get3A_476] : memref<8x4x3x64x112xf32, #tpu.memory_space<vmem>>, vector<1x1x1x64x112xf32>
    %get3A_478 = vector.shape_cast %get3A_477 : vector<1x1x1x64x112xf32> to vector<64x112xf32>
    %get3A_479 = arith.constant 2 : index
    %get3A_480 = arith.constant 2 : index
    %get3A_481 = arith.constant 0 : index
    %get3A_482 = arith.constant 0 : index
    %get3A_483 = arith.constant 0 : index
    %get3A_484 = vector.load %arg1[%get3A_479, %get3A_480, %get3A_481, %get3A_482, %get3A_483] : memref<8x4x3x64x112xf32, #tpu.memory_space<vmem>>, vector<1x1x1x64x112xf32>
    %get3A_485 = vector.shape_cast %get3A_484 : vector<1x1x1x64x112xf32> to vector<64x112xf32>
    %get3A_486 = arith.constant 2 : index
    %get3A_487 = arith.constant 3 : index
    %get3A_488 = arith.constant 0 : index
    %get3A_489 = arith.constant 0 : index
    %get3A_490 = arith.constant 0 : index
    %get3A_491 = vector.load %arg1[%get3A_486, %get3A_487, %get3A_488, %get3A_489, %get3A_490] : memref<8x4x3x64x112xf32, #tpu.memory_space<vmem>>, vector<1x1x1x64x112xf32>
    %get3A_492 = vector.shape_cast %get3A_491 : vector<1x1x1x64x112xf32> to vector<64x112xf32>
    %concatenate3A_493 = tpu.concatenate %get3A_471, %get3A_478, %get3A_485, %get3A_492 in 1 : vector<64x112xf32>, vector<64x112xf32>, vector<64x112xf32>, vector<64x112xf32> -> vector<64x448xf32>
    %mul3A_494 = arith.mulf %concatenate3A_493, %concatenate3A_493 : vector<64x448xf32>
    %reduce_sum3A_495 = arith.constant dense<0.000000e+00> : vector<448xf32>
    %reduce_sum3A_496 = vector.multi_reduction <add>, %mul3A_494, %reduce_sum3A_495 [0] : vector<64x448xf32> to vector<448xf32>
    %broadcast_in_dim3A_497 = vector.shape_cast %reduce_sum3A_496 : vector<448xf32> to vector<1x448xf32>
    %sqrt3A_498 = math.sqrt %broadcast_in_dim3A_497 : vector<1x448xf32>
    %max3A_499 = arith.constant 9.99999996E-13 : f32
    %max3A_500 = vector.broadcast %max3A_499 : f32 to vector<1x448xf32>
    %max3A_501 = arith.maximumf %sqrt3A_498, %max3A_500 : vector<1x448xf32>
    %div3A_502 = vector.broadcast %max3A_501 : vector<1x448xf32> to vector<64x448xf32>
    %div3A_503 = arith.divf %concatenate3A_493, %div3A_502 : vector<64x448xf32>
    %mul3A_504 = arith.mulf %div3A_503, %div3A_503 : vector<64x448xf32>
    %reduce_sum3A_505 = arith.constant dense<0.000000e+00> : vector<448xf32>
    %reduce_sum3A_506 = vector.multi_reduction <add>, %mul3A_504, %reduce_sum3A_505 [0] : vector<64x448xf32> to vector<448xf32>
    %broadcast_in_dim3A_507 = vector.shape_cast %reduce_sum3A_506 : vector<448xf32> to vector<1x448xf32>
    %sqrt3A_508 = math.sqrt %broadcast_in_dim3A_507 : vector<1x448xf32>
    %max3A_509 = arith.constant 9.99999993E-9 : f32
    %max3A_510 = vector.broadcast %max3A_509 : f32 to vector<1x448xf32>
    %max3A_511 = arith.maximumf %sqrt3A_508, %max3A_510 : vector<1x448xf32>
    %div3A_512 = vector.broadcast %max3A_511 : vector<1x448xf32> to vector<64x448xf32>
    %div3A_513 = arith.divf %div3A_503, %div3A_512 : vector<64x448xf32>
    %get3A_514 = arith.constant 2 : index
    %get3A_515 = arith.constant 0 : index
    %get3A_516 = arith.constant 1 : index
    %get3A_517 = arith.constant 0 : index
    %get3A_518 = arith.constant 0 : index
    %get3A_519 = vector.load %arg1[%get3A_514, %get3A_515, %get3A_516, %get3A_517, %get3A_518] : memref<8x4x3x64x112xf32, #tpu.memory_space<vmem>>, vector<1x1x1x64x112xf32>
    %get3A_520 = vector.shape_cast %get3A_519 : vector<1x1x1x64x112xf32> to vector<64x112xf32>
    %get3A_521 = arith.constant 2 : index
    %get3A_522 = arith.constant 1 : index
    %get3A_523 = arith.constant 1 : index
    %get3A_524 = arith.constant 0 : index
    %get3A_525 = arith.constant 0 : index
    %get3A_526 = vector.load %arg1[%get3A_521, %get3A_522, %get3A_523, %get3A_524, %get3A_525] : memref<8x4x3x64x112xf32, #tpu.memory_space<vmem>>, vector<1x1x1x64x112xf32>
    %get3A_527 = vector.shape_cast %get3A_526 : vector<1x1x1x64x112xf32> to vector<64x112xf32>
    %get3A_528 = arith.constant 2 : index
    %get3A_529 = arith.constant 2 : index
    %get3A_530 = arith.constant 1 : index
    %get3A_531 = arith.constant 0 : index
    %get3A_532 = arith.constant 0 : index
    %get3A_533 = vector.load %arg1[%get3A_528, %get3A_529, %get3A_530, %get3A_531, %get3A_532] : memref<8x4x3x64x112xf32, #tpu.memory_space<vmem>>, vector<1x1x1x64x112xf32>
    %get3A_534 = vector.shape_cast %get3A_533 : vector<1x1x1x64x112xf32> to vector<64x112xf32>
    %get3A_535 = arith.constant 2 : index
    %get3A_536 = arith.constant 3 : index
    %get3A_537 = arith.constant 1 : index
    %get3A_538 = arith.constant 0 : index
    %get3A_539 = arith.constant 0 : index
    %get3A_540 = vector.load %arg1[%get3A_535, %get3A_536, %get3A_537, %get3A_538, %get3A_539] : memref<8x4x3x64x112xf32, #tpu.memory_space<vmem>>, vector<1x1x1x64x112xf32>
    %get3A_541 = vector.shape_cast %get3A_540 : vector<1x1x1x64x112xf32> to vector<64x112xf32>
    %concatenate3A_542 = tpu.concatenate %get3A_520, %get3A_527, %get3A_534, %get3A_541 in 1 : vector<64x112xf32>, vector<64x112xf32>, vector<64x112xf32>, vector<64x112xf32> -> vector<64x448xf32>
    %mul3A_543 = arith.mulf %concatenate3A_542, %concatenate3A_542 : vector<64x448xf32>
    %reduce_sum3A_544 = arith.constant dense<0.000000e+00> : vector<448xf32>
    %reduce_sum3A_545 = vector.multi_reduction <add>, %mul3A_543, %reduce_sum3A_544 [0] : vector<64x448xf32> to vector<448xf32>
    %broadcast_in_dim3A_546 = vector.shape_cast %reduce_sum3A_545 : vector<448xf32> to vector<1x448xf32>
    %sqrt3A_547 = math.sqrt %broadcast_in_dim3A_546 : vector<1x448xf32>
    %max3A_548 = arith.constant 9.99999996E-13 : f32
    %max3A_549 = vector.broadcast %max3A_548 : f32 to vector<1x448xf32>
    %max3A_550 = arith.maximumf %sqrt3A_547, %max3A_549 : vector<1x448xf32>
    %div3A_551 = vector.broadcast %max3A_550 : vector<1x448xf32> to vector<64x448xf32>
    %div3A_552 = arith.divf %concatenate3A_542, %div3A_551 : vector<64x448xf32>
    %mul3A_553 = arith.mulf %div3A_552, %div3A_552 : vector<64x448xf32>
    %reduce_sum3A_554 = arith.constant dense<0.000000e+00> : vector<448xf32>
    %reduce_sum3A_555 = vector.multi_reduction <add>, %mul3A_553, %reduce_sum3A_554 [0] : vector<64x448xf32> to vector<448xf32>
    %broadcast_in_dim3A_556 = vector.shape_cast %reduce_sum3A_555 : vector<448xf32> to vector<1x448xf32>
    %sqrt3A_557 = math.sqrt %broadcast_in_dim3A_556 : vector<1x448xf32>
    %max3A_558 = arith.constant 9.99999993E-9 : f32
    %max3A_559 = vector.broadcast %max3A_558 : f32 to vector<1x448xf32>
    %max3A_560 = arith.maximumf %sqrt3A_557, %max3A_559 : vector<1x448xf32>
    %div3A_561 = vector.broadcast %max3A_560 : vector<1x448xf32> to vector<64x448xf32>
    %div3A_562 = arith.divf %div3A_552, %div3A_561 : vector<64x448xf32>
    %get3A_563 = arith.constant 2 : index
    %get3A_564 = arith.constant 0 : index
    %get3A_565 = arith.constant 2 : index
    %get3A_566 = arith.constant 0 : index
    %get3A_567 = arith.constant 0 : index
    %get3A_568 = vector.load %arg1[%get3A_563, %get3A_564, %get3A_565, %get3A_566, %get3A_567] : memref<8x4x3x64x112xf32, #tpu.memory_space<vmem>>, vector<1x1x1x64x112xf32>
    %get3A_569 = vector.shape_cast %get3A_568 : vector<1x1x1x64x112xf32> to vector<64x112xf32>
    %get3A_570 = arith.constant 2 : index
    %get3A_571 = arith.constant 1 : index
    %get3A_572 = arith.constant 2 : index
    %get3A_573 = arith.constant 0 : index
    %get3A_574 = arith.constant 0 : index
    %get3A_575 = vector.load %arg1[%get3A_570, %get3A_571, %get3A_572, %get3A_573, %get3A_574] : memref<8x4x3x64x112xf32, #tpu.memory_space<vmem>>, vector<1x1x1x64x112xf32>
    %get3A_576 = vector.shape_cast %get3A_575 : vector<1x1x1x64x112xf32> to vector<64x112xf32>
    %get3A_577 = arith.constant 2 : index
    %get3A_578 = arith.constant 2 : index
    %get3A_579 = arith.constant 2 : index
    %get3A_580 = arith.constant 0 : index
    %get3A_581 = arith.constant 0 : index
    %get3A_582 = vector.load %arg1[%get3A_577, %get3A_578, %get3A_579, %get3A_580, %get3A_581] : memref<8x4x3x64x112xf32, #tpu.memory_space<vmem>>, vector<1x1x1x64x112xf32>
    %get3A_583 = vector.shape_cast %get3A_582 : vector<1x1x1x64x112xf32> to vector<64x112xf32>
    %get3A_584 = arith.constant 2 : index
    %get3A_585 = arith.constant 3 : index
    %get3A_586 = arith.constant 2 : index
    %get3A_587 = arith.constant 0 : index
    %get3A_588 = arith.constant 0 : index
    %get3A_589 = vector.load %arg1[%get3A_584, %get3A_585, %get3A_586, %get3A_587, %get3A_588] : memref<8x4x3x64x112xf32, #tpu.memory_space<vmem>>, vector<1x1x1x64x112xf32>
    %get3A_590 = vector.shape_cast %get3A_589 : vector<1x1x1x64x112xf32> to vector<64x112xf32>
    %concatenate3A_591 = tpu.concatenate %get3A_569, %get3A_576, %get3A_583, %get3A_590 in 1 : vector<64x112xf32>, vector<64x112xf32>, vector<64x112xf32>, vector<64x112xf32> -> vector<64x448xf32>
    %mul3A_592 = arith.mulf %concatenate3A_591, %concatenate3A_591 : vector<64x448xf32>
    %reduce_sum3A_593 = arith.constant dense<0.000000e+00> : vector<448xf32>
    %reduce_sum3A_594 = vector.multi_reduction <add>, %mul3A_592, %reduce_sum3A_593 [0] : vector<64x448xf32> to vector<448xf32>
    %broadcast_in_dim3A_595 = vector.shape_cast %reduce_sum3A_594 : vector<448xf32> to vector<1x448xf32>
    %sqrt3A_596 = math.sqrt %broadcast_in_dim3A_595 : vector<1x448xf32>
    %max3A_597 = arith.constant 9.99999996E-13 : f32
    %max3A_598 = vector.broadcast %max3A_597 : f32 to vector<1x448xf32>
    %max3A_599 = arith.maximumf %sqrt3A_596, %max3A_598 : vector<1x448xf32>
    %div3A_600 = vector.broadcast %max3A_599 : vector<1x448xf32> to vector<64x448xf32>
    %div3A_601 = arith.divf %concatenate3A_591, %div3A_600 : vector<64x448xf32>
    %mul3A_602 = arith.mulf %div3A_601, %div3A_601 : vector<64x448xf32>
    %reduce_sum3A_603 = arith.constant dense<0.000000e+00> : vector<448xf32>
    %reduce_sum3A_604 = vector.multi_reduction <add>, %mul3A_602, %reduce_sum3A_603 [0] : vector<64x448xf32> to vector<448xf32>
    %broadcast_in_dim3A_605 = vector.shape_cast %reduce_sum3A_604 : vector<448xf32> to vector<1x448xf32>
    %sqrt3A_606 = math.sqrt %broadcast_in_dim3A_605 : vector<1x448xf32>
    %max3A_607 = arith.constant 9.99999993E-9 : f32
    %max3A_608 = vector.broadcast %max3A_607 : f32 to vector<1x448xf32>
    %max3A_609 = arith.maximumf %sqrt3A_606, %max3A_608 : vector<1x448xf32>
    %div3A_610 = vector.broadcast %max3A_609 : vector<1x448xf32> to vector<64x448xf32>
    %div3A_611 = arith.divf %div3A_601, %div3A_610 : vector<64x448xf32>
    %mul3A_612 = vector.broadcast %convert_element_type3A_2 : f32 to vector<64x448xf32>
    %mul3A_613 = arith.mulf %mul3A_612, %div3A_513 : vector<64x448xf32>
    %mul3A_614 = vector.broadcast %convert_element_type3A_8 : f32 to vector<64x448xf32>
    %mul3A_615 = arith.mulf %mul3A_614, %div3A_562 : vector<64x448xf32>
    %add3A_616 = arith.addf %mul3A_613, %mul3A_615 : vector<64x448xf32>
    %mul3A_617 = vector.broadcast %convert_element_type3A_14 : f32 to vector<64x448xf32>
    %mul3A_618 = arith.mulf %mul3A_617, %div3A_611 : vector<64x448xf32>
    %add3A_619 = arith.addf %add3A_616, %mul3A_618 : vector<64x448xf32>
    %mul3A_620 = arith.mulf %add3A_619, %div3A_513 : vector<64x448xf32>
    %reduce_sum3A_621 = arith.constant dense<0.000000e+00> : vector<448xf32>
    %reduce_sum3A_622 = vector.multi_reduction <add>, %mul3A_620, %reduce_sum3A_621 [0] : vector<64x448xf32> to vector<448xf32>
    %broadcast_in_dim3A_623 = vector.shape_cast %reduce_sum3A_622 : vector<448xf32> to vector<1x448xf32>
    %add3A_624 = arith.constant 0.000000e+00 : f32
    %add3A_625 = vector.broadcast %add3A_624 : f32 to vector<1x448xf32>
    %add3A_626 = arith.addf %add3A_625, %broadcast_in_dim3A_623 : vector<1x448xf32>
    %mul3A_627 = arith.mulf %add3A_619, %div3A_562 : vector<64x448xf32>
    %reduce_sum3A_628 = arith.constant dense<0.000000e+00> : vector<448xf32>
    %reduce_sum3A_629 = vector.multi_reduction <add>, %mul3A_627, %reduce_sum3A_628 [0] : vector<64x448xf32> to vector<448xf32>
    %broadcast_in_dim3A_630 = vector.shape_cast %reduce_sum3A_629 : vector<448xf32> to vector<1x448xf32>
    %add3A_631 = arith.addf %add3A_626, %broadcast_in_dim3A_630 : vector<1x448xf32>
    %mul3A_632 = arith.mulf %add3A_619, %div3A_611 : vector<64x448xf32>
    %reduce_sum3A_633 = arith.constant dense<0.000000e+00> : vector<448xf32>
    %reduce_sum3A_634 = vector.multi_reduction <add>, %mul3A_632, %reduce_sum3A_633 [0] : vector<64x448xf32> to vector<448xf32>
    %broadcast_in_dim3A_635 = vector.shape_cast %reduce_sum3A_634 : vector<448xf32> to vector<1x448xf32>
    %add3A_636 = arith.addf %add3A_631, %broadcast_in_dim3A_635 : vector<1x448xf32>
    %mul3A_637 = arith.mulf %add3A_619, %add3A_619 : vector<64x448xf32>
    %reduce_sum3A_638 = arith.constant dense<0.000000e+00> : vector<448xf32>
    %reduce_sum3A_639 = vector.multi_reduction <add>, %mul3A_637, %reduce_sum3A_638 [0] : vector<64x448xf32> to vector<448xf32>
    %broadcast_in_dim3A_640 = vector.shape_cast %reduce_sum3A_639 : vector<448xf32> to vector<1x448xf32>
    %sub3A_641 = arith.subf %add3A_636, %broadcast_in_dim3A_640 : vector<1x448xf32>
    %div3A_642 = arith.constant 7.000000e-02 : f32
    %div3A_643 = vector.broadcast %div3A_642 : f32 to vector<1x448xf32>
    %div3A_644 = arith.divf %sub3A_641, %div3A_643 : vector<1x448xf32>
    %exp3A_645 = math.exp %div3A_644 : vector<1x448xf32>
    %dot_general3A_646 = arith.constant dense<0.000000e+00> : vector<448x448xf32>
    %dot_general3A_647 = tpu.matmul %add3A_619, %add3A_619, %dot_general3A_646 {dimension_numbers = #tpu.dot_dimension_numbers<[0], [0], [1], [1], [0, 1, 1, 1], [], []>, transpose_lhs_hint = false} : vector<64x448xf32>, vector<64x448xf32>, vector<448x448xf32> -> vector<448x448xf32>
    %div3A_648 = arith.constant 7.000000e-02 : f32
    %div3A_649 = vector.broadcast %div3A_648 : f32 to vector<448x448xf32>
    %div3A_650 = arith.divf %dot_general3A_647, %div3A_649 : vector<448x448xf32>
    %exp3A_651 = math.exp %div3A_650 : vector<448x448xf32>
    %lt3A_652 = vector.broadcast %slice3A_464 : vector<1x1xi32> to vector<448x448xi32>
    %lt3A_653 = arith.cmpi slt, %iota3A, %lt3A_652 : vector<448x448xi32>
    %convert_element_type3A_654 = arith.extui %lt3A_653 : vector<448x448xi1> to vector<448x448xi32>
    %convert_element_type3A_655 = arith.sitofp %convert_element_type3A_654 : vector<448x448xi32> to vector<448x448xf32>
    %mul3A_656 = arith.mulf %exp3A_651, %convert_element_type3A_655 : vector<448x448xf32>
    %reduce_sum3A_657 = arith.constant dense<0.000000e+00> : vector<448xf32>
    %reduce_sum3A_658 = vector.multi_reduction <add>, %mul3A_656, %reduce_sum3A_657 [0] : vector<448x448xf32> to vector<448xf32>
    %broadcast_in_dim3A_659 = vector.shape_cast %reduce_sum3A_658 : vector<448xf32> to vector<1x448xf32>
    %mul3A_660 = arith.mulf %exp3A_651, %convert_element_type3A_18 : vector<448x448xf32>
    %reduce_sum3A_661 = arith.constant dense<0.000000e+00> : vector<448xf32>
    %reduce_sum3A_662 = vector.multi_reduction <add>, %mul3A_660, %reduce_sum3A_661 [0] : vector<448x448xf32> to vector<448xf32>
    %broadcast_in_dim3A_663 = vector.shape_cast %reduce_sum3A_662 : vector<448xf32> to vector<1x448xf32>
    %sub3A_664 = arith.subf %broadcast_in_dim3A_659, %broadcast_in_dim3A_663 : vector<1x448xf32>
    %add3A_665 = arith.addf %exp3A_645, %sub3A_664 : vector<1x448xf32>
    %add3A_666 = arith.constant 9.99999993E-9 : f32
    %add3A_667 = vector.broadcast %add3A_666 : f32 to vector<1x448xf32>
    %add3A_668 = arith.addf %add3A_665, %add3A_667 : vector<1x448xf32>
    %div3A_669 = arith.divf %exp3A_645, %add3A_668 : vector<1x448xf32>
    %log3A_670 = math.log %div3A_669 : vector<1x448xf32>
    %neg3A_671 = arith.constant 0.000000e+00 : f32
    %neg3A_672 = vector.broadcast %neg3A_671 : f32 to vector<1x448xf32>
    %neg3A_673 = arith.subf %neg3A_672, %log3A_670 : vector<1x448xf32>
    %lt3A_674 = vector.broadcast %slice3A_464 : vector<1x1xi32> to vector<1x448xi32>
    %lt3A_675 = arith.cmpi slt, %iota3A_19, %lt3A_674 : vector<1x448xi32>
    %convert_element_type3A_676 = arith.extui %lt3A_675 : vector<1x448xi1> to vector<1x448xi32>
    %convert_element_type3A_677 = arith.sitofp %convert_element_type3A_676 : vector<1x448xi32> to vector<1x448xf32>
    %mul3A_678 = arith.mulf %neg3A_673, %convert_element_type3A_677 : vector<1x448xf32>
    %reduce_sum3A_679 = vector.shape_cast %mul3A_678 : vector<1x448xf32> to vector<1x1x448xf32>
    %reduce_sum3A_680 = arith.constant dense<0.000000e+00> : vector<1xf32>
    %reduce_sum3A_681 = vector.multi_reduction <add>, %reduce_sum3A_679, %reduce_sum3A_680 [1, 2] : vector<1x1x448xf32> to vector<1xf32>
    %reduce_sum3A_682 = vector.shape_cast %reduce_sum3A_681 : vector<1xf32> to vector<1x1x1xf32>
    %reduce_sum3A_683 = vector.extract %reduce_sum3A_682[0, 0, 0] : f32 from vector<1x1x1xf32>
    %broadcast_in_dim3A_684 = vector.broadcast %reduce_sum3A_683 : f32 to vector<1x1xf32>
    %convert_element_type3A_685 = arith.sitofp %slice3A_464 : vector<1x1xi32> to vector<1x1xf32>
    %div3A_686 = arith.divf %broadcast_in_dim3A_684, %convert_element_type3A_685 : vector<1x1xf32>
    %add3A_687 = arith.addf %add3A_460, %div3A_686 : vector<1x1xf32>
    %get3A_688 = arith.constant 0 : index
    %get3A_689 = arith.constant 0 : index
    %get3A_690 = vector.load %arg2[%get3A_688, %get3A_689] : memref<8x1xi32, #tpu.memory_space<vmem>>, vector<8x1xi32>
    %slice3A_691 = vector.extract_strided_slice %get3A_690 {offsets = [3, 0], sizes = [1, 1], strides = [1, 1]} : vector<8x1xi32> to vector<1x1xi32>
    %get3A_692 = arith.constant 3 : index
    %get3A_693 = arith.constant 0 : index
    %get3A_694 = arith.constant 0 : index
    %get3A_695 = arith.constant 0 : index
    %get3A_696 = arith.constant 0 : index
    %get3A_697 = vector.load %arg1[%get3A_692, %get3A_693, %get3A_694, %get3A_695, %get3A_696] : memref<8x4x3x64x112xf32, #tpu.memory_space<vmem>>, vector<1x1x1x64x112xf32>
    %get3A_698 = vector.shape_cast %get3A_697 : vector<1x1x1x64x112xf32> to vector<64x112xf32>
    %get3A_699 = arith.constant 3 : index
    %get3A_700 = arith.constant 1 : index
    %get3A_701 = arith.constant 0 : index
    %get3A_702 = arith.constant 0 : index
    %get3A_703 = arith.constant 0 : index
    %get3A_704 = vector.load %arg1[%get3A_699, %get3A_700, %get3A_701, %get3A_702, %get3A_703] : memref<8x4x3x64x112xf32, #tpu.memory_space<vmem>>, vector<1x1x1x64x112xf32>
    %get3A_705 = vector.shape_cast %get3A_704 : vector<1x1x1x64x112xf32> to vector<64x112xf32>
    %get3A_706 = arith.constant 3 : index
    %get3A_707 = arith.constant 2 : index
    %get3A_708 = arith.constant 0 : index
    %get3A_709 = arith.constant 0 : index
    %get3A_710 = arith.constant 0 : index
    %get3A_711 = vector.load %arg1[%get3A_706, %get3A_707, %get3A_708, %get3A_709, %get3A_710] : memref<8x4x3x64x112xf32, #tpu.memory_space<vmem>>, vector<1x1x1x64x112xf32>
    %get3A_712 = vector.shape_cast %get3A_711 : vector<1x1x1x64x112xf32> to vector<64x112xf32>
    %get3A_713 = arith.constant 3 : index
    %get3A_714 = arith.constant 3 : index
    %get3A_715 = arith.constant 0 : index
    %get3A_716 = arith.constant 0 : index
    %get3A_717 = arith.constant 0 : index
    %get3A_718 = vector.load %arg1[%get3A_713, %get3A_714, %get3A_715, %get3A_716, %get3A_717] : memref<8x4x3x64x112xf32, #tpu.memory_space<vmem>>, vector<1x1x1x64x112xf32>
    %get3A_719 = vector.shape_cast %get3A_718 : vector<1x1x1x64x112xf32> to vector<64x112xf32>
    %concatenate3A_720 = tpu.concatenate %get3A_698, %get3A_705, %get3A_712, %get3A_719 in 1 : vector<64x112xf32>, vector<64x112xf32>, vector<64x112xf32>, vector<64x112xf32> -> vector<64x448xf32>
    %mul3A_721 = arith.mulf %concatenate3A_720, %concatenate3A_720 : vector<64x448xf32>
    %reduce_sum3A_722 = arith.constant dense<0.000000e+00> : vector<448xf32>
    %reduce_sum3A_723 = vector.multi_reduction <add>, %mul3A_721, %reduce_sum3A_722 [0] : vector<64x448xf32> to vector<448xf32>
    %broadcast_in_dim3A_724 = vector.shape_cast %reduce_sum3A_723 : vector<448xf32> to vector<1x448xf32>
    %sqrt3A_725 = math.sqrt %broadcast_in_dim3A_724 : vector<1x448xf32>
    %max3A_726 = arith.constant 9.99999996E-13 : f32
    %max3A_727 = vector.broadcast %max3A_726 : f32 to vector<1x448xf32>
    %max3A_728 = arith.maximumf %sqrt3A_725, %max3A_727 : vector<1x448xf32>
    %div3A_729 = vector.broadcast %max3A_728 : vector<1x448xf32> to vector<64x448xf32>
    %div3A_730 = arith.divf %concatenate3A_720, %div3A_729 : vector<64x448xf32>
    %mul3A_731 = arith.mulf %div3A_730, %div3A_730 : vector<64x448xf32>
    %reduce_sum3A_732 = arith.constant dense<0.000000e+00> : vector<448xf32>
    %reduce_sum3A_733 = vector.multi_reduction <add>, %mul3A_731, %reduce_sum3A_732 [0] : vector<64x448xf32> to vector<448xf32>
    %broadcast_in_dim3A_734 = vector.shape_cast %reduce_sum3A_733 : vector<448xf32> to vector<1x448xf32>
    %sqrt3A_735 = math.sqrt %broadcast_in_dim3A_734 : vector<1x448xf32>
    %max3A_736 = arith.constant 9.99999993E-9 : f32
    %max3A_737 = vector.broadcast %max3A_736 : f32 to vector<1x448xf32>
    %max3A_738 = arith.maximumf %sqrt3A_735, %max3A_737 : vector<1x448xf32>
    %div3A_739 = vector.broadcast %max3A_738 : vector<1x448xf32> to vector<64x448xf32>
    %div3A_740 = arith.divf %div3A_730, %div3A_739 : vector<64x448xf32>
    %get3A_741 = arith.constant 3 : index
    %get3A_742 = arith.constant 0 : index
    %get3A_743 = arith.constant 1 : index
    %get3A_744 = arith.constant 0 : index
    %get3A_745 = arith.constant 0 : index
    %get3A_746 = vector.load %arg1[%get3A_741, %get3A_742, %get3A_743, %get3A_744, %get3A_745] : memref<8x4x3x64x112xf32, #tpu.memory_space<vmem>>, vector<1x1x1x64x112xf32>
    %get3A_747 = vector.shape_cast %get3A_746 : vector<1x1x1x64x112xf32> to vector<64x112xf32>
    %get3A_748 = arith.constant 3 : index
    %get3A_749 = arith.constant 1 : index
    %get3A_750 = arith.constant 1 : index
    %get3A_751 = arith.constant 0 : index
    %get3A_752 = arith.constant 0 : index
    %get3A_753 = vector.load %arg1[%get3A_748, %get3A_749, %get3A_750, %get3A_751, %get3A_752] : memref<8x4x3x64x112xf32, #tpu.memory_space<vmem>>, vector<1x1x1x64x112xf32>
    %get3A_754 = vector.shape_cast %get3A_753 : vector<1x1x1x64x112xf32> to vector<64x112xf32>
    %get3A_755 = arith.constant 3 : index
    %get3A_756 = arith.constant 2 : index
    %get3A_757 = arith.constant 1 : index
    %get3A_758 = arith.constant 0 : index
    %get3A_759 = arith.constant 0 : index
    %get3A_760 = vector.load %arg1[%get3A_755, %get3A_756, %get3A_757, %get3A_758, %get3A_759] : memref<8x4x3x64x112xf32, #tpu.memory_space<vmem>>, vector<1x1x1x64x112xf32>
    %get3A_761 = vector.shape_cast %get3A_760 : vector<1x1x1x64x112xf32> to vector<64x112xf32>
    %get3A_762 = arith.constant 3 : index
    %get3A_763 = arith.constant 3 : index
    %get3A_764 = arith.constant 1 : index
    %get3A_765 = arith.constant 0 : index
    %get3A_766 = arith.constant 0 : index
    %get3A_767 = vector.load %arg1[%get3A_762, %get3A_763, %get3A_764, %get3A_765, %get3A_766] : memref<8x4x3x64x112xf32, #tpu.memory_space<vmem>>, vector<1x1x1x64x112xf32>
    %get3A_768 = vector.shape_cast %get3A_767 : vector<1x1x1x64x112xf32> to vector<64x112xf32>
    %concatenate3A_769 = tpu.concatenate %get3A_747, %get3A_754, %get3A_761, %get3A_768 in 1 : vector<64x112xf32>, vector<64x112xf32>, vector<64x112xf32>, vector<64x112xf32> -> vector<64x448xf32>
    %mul3A_770 = arith.mulf %concatenate3A_769, %concatenate3A_769 : vector<64x448xf32>
    %reduce_sum3A_771 = arith.constant dense<0.000000e+00> : vector<448xf32>
    %reduce_sum3A_772 = vector.multi_reduction <add>, %mul3A_770, %reduce_sum3A_771 [0] : vector<64x448xf32> to vector<448xf32>
    %broadcast_in_dim3A_773 = vector.shape_cast %reduce_sum3A_772 : vector<448xf32> to vector<1x448xf32>
    %sqrt3A_774 = math.sqrt %broadcast_in_dim3A_773 : vector<1x448xf32>
    %max3A_775 = arith.constant 9.99999996E-13 : f32
    %max3A_776 = vector.broadcast %max3A_775 : f32 to vector<1x448xf32>
    %max3A_777 = arith.maximumf %sqrt3A_774, %max3A_776 : vector<1x448xf32>
    %div3A_778 = vector.broadcast %max3A_777 : vector<1x448xf32> to vector<64x448xf32>
    %div3A_779 = arith.divf %concatenate3A_769, %div3A_778 : vector<64x448xf32>
    %mul3A_780 = arith.mulf %div3A_779, %div3A_779 : vector<64x448xf32>
    %reduce_sum3A_781 = arith.constant dense<0.000000e+00> : vector<448xf32>
    %reduce_sum3A_782 = vector.multi_reduction <add>, %mul3A_780, %reduce_sum3A_781 [0] : vector<64x448xf32> to vector<448xf32>
    %broadcast_in_dim3A_783 = vector.shape_cast %reduce_sum3A_782 : vector<448xf32> to vector<1x448xf32>
    %sqrt3A_784 = math.sqrt %broadcast_in_dim3A_783 : vector<1x448xf32>
    %max3A_785 = arith.constant 9.99999993E-9 : f32
    %max3A_786 = vector.broadcast %max3A_785 : f32 to vector<1x448xf32>
    %max3A_787 = arith.maximumf %sqrt3A_784, %max3A_786 : vector<1x448xf32>
    %div3A_788 = vector.broadcast %max3A_787 : vector<1x448xf32> to vector<64x448xf32>
    %div3A_789 = arith.divf %div3A_779, %div3A_788 : vector<64x448xf32>
    %get3A_790 = arith.constant 3 : index
    %get3A_791 = arith.constant 0 : index
    %get3A_792 = arith.constant 2 : index
    %get3A_793 = arith.constant 0 : index
    %get3A_794 = arith.constant 0 : index
    %get3A_795 = vector.load %arg1[%get3A_790, %get3A_791, %get3A_792, %get3A_793, %get3A_794] : memref<8x4x3x64x112xf32, #tpu.memory_space<vmem>>, vector<1x1x1x64x112xf32>
    %get3A_796 = vector.shape_cast %get3A_795 : vector<1x1x1x64x112xf32> to vector<64x112xf32>
    %get3A_797 = arith.constant 3 : index
    %get3A_798 = arith.constant 1 : index
    %get3A_799 = arith.constant 2 : index
    %get3A_800 = arith.constant 0 : index
    %get3A_801 = arith.constant 0 : index
    %get3A_802 = vector.load %arg1[%get3A_797, %get3A_798, %get3A_799, %get3A_800, %get3A_801] : memref<8x4x3x64x112xf32, #tpu.memory_space<vmem>>, vector<1x1x1x64x112xf32>
    %get3A_803 = vector.shape_cast %get3A_802 : vector<1x1x1x64x112xf32> to vector<64x112xf32>
    %get3A_804 = arith.constant 3 : index
    %get3A_805 = arith.constant 2 : index
    %get3A_806 = arith.constant 2 : index
    %get3A_807 = arith.constant 0 : index
    %get3A_808 = arith.constant 0 : index
    %get3A_809 = vector.load %arg1[%get3A_804, %get3A_805, %get3A_806, %get3A_807, %get3A_808] : memref<8x4x3x64x112xf32, #tpu.memory_space<vmem>>, vector<1x1x1x64x112xf32>
    %get3A_810 = vector.shape_cast %get3A_809 : vector<1x1x1x64x112xf32> to vector<64x112xf32>
    %get3A_811 = arith.constant 3 : index
    %get3A_812 = arith.constant 3 : index
    %get3A_813 = arith.constant 2 : index
    %get3A_814 = arith.constant 0 : index
    %get3A_815 = arith.constant 0 : index
    %get3A_816 = vector.load %arg1[%get3A_811, %get3A_812, %get3A_813, %get3A_814, %get3A_815] : memref<8x4x3x64x112xf32, #tpu.memory_space<vmem>>, vector<1x1x1x64x112xf32>
    %get3A_817 = vector.shape_cast %get3A_816 : vector<1x1x1x64x112xf32> to vector<64x112xf32>
    %concatenate3A_818 = tpu.concatenate %get3A_796, %get3A_803, %get3A_810, %get3A_817 in 1 : vector<64x112xf32>, vector<64x112xf32>, vector<64x112xf32>, vector<64x112xf32> -> vector<64x448xf32>
    %mul3A_819 = arith.mulf %concatenate3A_818, %concatenate3A_818 : vector<64x448xf32>
    %reduce_sum3A_820 = arith.constant dense<0.000000e+00> : vector<448xf32>
    %reduce_sum3A_821 = vector.multi_reduction <add>, %mul3A_819, %reduce_sum3A_820 [0] : vector<64x448xf32> to vector<448xf32>
    %broadcast_in_dim3A_822 = vector.shape_cast %reduce_sum3A_821 : vector<448xf32> to vector<1x448xf32>
    %sqrt3A_823 = math.sqrt %broadcast_in_dim3A_822 : vector<1x448xf32>
    %max3A_824 = arith.constant 9.99999996E-13 : f32
    %max3A_825 = vector.broadcast %max3A_824 : f32 to vector<1x448xf32>
    %max3A_826 = arith.maximumf %sqrt3A_823, %max3A_825 : vector<1x448xf32>
    %div3A_827 = vector.broadcast %max3A_826 : vector<1x448xf32> to vector<64x448xf32>
    %div3A_828 = arith.divf %concatenate3A_818, %div3A_827 : vector<64x448xf32>
    %mul3A_829 = arith.mulf %div3A_828, %div3A_828 : vector<64x448xf32>
    %reduce_sum3A_830 = arith.constant dense<0.000000e+00> : vector<448xf32>
    %reduce_sum3A_831 = vector.multi_reduction <add>, %mul3A_829, %reduce_sum3A_830 [0] : vector<64x448xf32> to vector<448xf32>
    %broadcast_in_dim3A_832 = vector.shape_cast %reduce_sum3A_831 : vector<448xf32> to vector<1x448xf32>
    %sqrt3A_833 = math.sqrt %broadcast_in_dim3A_832 : vector<1x448xf32>
    %max3A_834 = arith.constant 9.99999993E-9 : f32
    %max3A_835 = vector.broadcast %max3A_834 : f32 to vector<1x448xf32>
    %max3A_836 = arith.maximumf %sqrt3A_833, %max3A_835 : vector<1x448xf32>
    %div3A_837 = vector.broadcast %max3A_836 : vector<1x448xf32> to vector<64x448xf32>
    %div3A_838 = arith.divf %div3A_828, %div3A_837 : vector<64x448xf32>
    %mul3A_839 = vector.broadcast %convert_element_type3A_2 : f32 to vector<64x448xf32>
    %mul3A_840 = arith.mulf %mul3A_839, %div3A_740 : vector<64x448xf32>
    %mul3A_841 = vector.broadcast %convert_element_type3A_8 : f32 to vector<64x448xf32>
    %mul3A_842 = arith.mulf %mul3A_841, %div3A_789 : vector<64x448xf32>
    %add3A_843 = arith.addf %mul3A_840, %mul3A_842 : vector<64x448xf32>
    %mul3A_844 = vector.broadcast %convert_element_type3A_14 : f32 to vector<64x448xf32>
    %mul3A_845 = arith.mulf %mul3A_844, %div3A_838 : vector<64x448xf32>
    %add3A_846 = arith.addf %add3A_843, %mul3A_845 : vector<64x448xf32>
    %mul3A_847 = arith.mulf %add3A_846, %div3A_740 : vector<64x448xf32>
    %reduce_sum3A_848 = arith.constant dense<0.000000e+00> : vector<448xf32>
    %reduce_sum3A_849 = vector.multi_reduction <add>, %mul3A_847, %reduce_sum3A_848 [0] : vector<64x448xf32> to vector<448xf32>
    %broadcast_in_dim3A_850 = vector.shape_cast %reduce_sum3A_849 : vector<448xf32> to vector<1x448xf32>
    %add3A_851 = arith.constant 0.000000e+00 : f32
    %add3A_852 = vector.broadcast %add3A_851 : f32 to vector<1x448xf32>
    %add3A_853 = arith.addf %add3A_852, %broadcast_in_dim3A_850 : vector<1x448xf32>
    %mul3A_854 = arith.mulf %add3A_846, %div3A_789 : vector<64x448xf32>
    %reduce_sum3A_855 = arith.constant dense<0.000000e+00> : vector<448xf32>
    %reduce_sum3A_856 = vector.multi_reduction <add>, %mul3A_854, %reduce_sum3A_855 [0] : vector<64x448xf32> to vector<448xf32>
    %broadcast_in_dim3A_857 = vector.shape_cast %reduce_sum3A_856 : vector<448xf32> to vector<1x448xf32>
    %add3A_858 = arith.addf %add3A_853, %broadcast_in_dim3A_857 : vector<1x448xf32>
    %mul3A_859 = arith.mulf %add3A_846, %div3A_838 : vector<64x448xf32>
    %reduce_sum3A_860 = arith.constant dense<0.000000e+00> : vector<448xf32>
    %reduce_sum3A_861 = vector.multi_reduction <add>, %mul3A_859, %reduce_sum3A_860 [0] : vector<64x448xf32> to vector<448xf32>
    %broadcast_in_dim3A_862 = vector.shape_cast %reduce_sum3A_861 : vector<448xf32> to vector<1x448xf32>
    %add3A_863 = arith.addf %add3A_858, %broadcast_in_dim3A_862 : vector<1x448xf32>
    %mul3A_864 = arith.mulf %add3A_846, %add3A_846 : vector<64x448xf32>
    %reduce_sum3A_865 = arith.constant dense<0.000000e+00> : vector<448xf32>
    %reduce_sum3A_866 = vector.multi_reduction <add>, %mul3A_864, %reduce_sum3A_865 [0] : vector<64x448xf32> to vector<448xf32>
    %broadcast_in_dim3A_867 = vector.shape_cast %reduce_sum3A_866 : vector<448xf32> to vector<1x448xf32>
    %sub3A_868 = arith.subf %add3A_863, %broadcast_in_dim3A_867 : vector<1x448xf32>
    %div3A_869 = arith.constant 7.000000e-02 : f32
    %div3A_870 = vector.broadcast %div3A_869 : f32 to vector<1x448xf32>
    %div3A_871 = arith.divf %sub3A_868, %div3A_870 : vector<1x448xf32>
    %exp3A_872 = math.exp %div3A_871 : vector<1x448xf32>
    %dot_general3A_873 = arith.constant dense<0.000000e+00> : vector<448x448xf32>
    %dot_general3A_874 = tpu.matmul %add3A_846, %add3A_846, %dot_general3A_873 {dimension_numbers = #tpu.dot_dimension_numbers<[0], [0], [1], [1], [0, 1, 1, 1], [], []>, transpose_lhs_hint = false} : vector<64x448xf32>, vector<64x448xf32>, vector<448x448xf32> -> vector<448x448xf32>
    %div3A_875 = arith.constant 7.000000e-02 : f32
    %div3A_876 = vector.broadcast %div3A_875 : f32 to vector<448x448xf32>
    %div3A_877 = arith.divf %dot_general3A_874, %div3A_876 : vector<448x448xf32>
    %exp3A_878 = math.exp %div3A_877 : vector<448x448xf32>
    %lt3A_879 = vector.broadcast %slice3A_691 : vector<1x1xi32> to vector<448x448xi32>
    %lt3A_880 = arith.cmpi slt, %iota3A, %lt3A_879 : vector<448x448xi32>
    %convert_element_type3A_881 = arith.extui %lt3A_880 : vector<448x448xi1> to vector<448x448xi32>
    %convert_element_type3A_882 = arith.sitofp %convert_element_type3A_881 : vector<448x448xi32> to vector<448x448xf32>
    %mul3A_883 = arith.mulf %exp3A_878, %convert_element_type3A_882 : vector<448x448xf32>
    %reduce_sum3A_884 = arith.constant dense<0.000000e+00> : vector<448xf32>
    %reduce_sum3A_885 = vector.multi_reduction <add>, %mul3A_883, %reduce_sum3A_884 [0] : vector<448x448xf32> to vector<448xf32>
    %broadcast_in_dim3A_886 = vector.shape_cast %reduce_sum3A_885 : vector<448xf32> to vector<1x448xf32>
    %mul3A_887 = arith.mulf %exp3A_878, %convert_element_type3A_18 : vector<448x448xf32>
    %reduce_sum3A_888 = arith.constant dense<0.000000e+00> : vector<448xf32>
    %reduce_sum3A_889 = vector.multi_reduction <add>, %mul3A_887, %reduce_sum3A_888 [0] : vector<448x448xf32> to vector<448xf32>
    %broadcast_in_dim3A_890 = vector.shape_cast %reduce_sum3A_889 : vector<448xf32> to vector<1x448xf32>
    %sub3A_891 = arith.subf %broadcast_in_dim3A_886, %broadcast_in_dim3A_890 : vector<1x448xf32>
    %add3A_892 = arith.addf %exp3A_872, %sub3A_891 : vector<1x448xf32>
    %add3A_893 = arith.constant 9.99999993E-9 : f32
    %add3A_894 = vector.broadcast %add3A_893 : f32 to vector<1x448xf32>
    %add3A_895 = arith.addf %add3A_892, %add3A_894 : vector<1x448xf32>
    %div3A_896 = arith.divf %exp3A_872, %add3A_895 : vector<1x448xf32>
    %log3A_897 = math.log %div3A_896 : vector<1x448xf32>
    %neg3A_898 = arith.constant 0.000000e+00 : f32
    %neg3A_899 = vector.broadcast %neg3A_898 : f32 to vector<1x448xf32>
    %neg3A_900 = arith.subf %neg3A_899, %log3A_897 : vector<1x448xf32>
    %lt3A_901 = vector.broadcast %slice3A_691 : vector<1x1xi32> to vector<1x448xi32>
    %lt3A_902 = arith.cmpi slt, %iota3A_19, %lt3A_901 : vector<1x448xi32>
    %convert_element_type3A_903 = arith.extui %lt3A_902 : vector<1x448xi1> to vector<1x448xi32>
    %convert_element_type3A_904 = arith.sitofp %convert_element_type3A_903 : vector<1x448xi32> to vector<1x448xf32>
    %mul3A_905 = arith.mulf %neg3A_900, %convert_element_type3A_904 : vector<1x448xf32>
    %reduce_sum3A_906 = vector.shape_cast %mul3A_905 : vector<1x448xf32> to vector<1x1x448xf32>
    %reduce_sum3A_907 = arith.constant dense<0.000000e+00> : vector<1xf32>
    %reduce_sum3A_908 = vector.multi_reduction <add>, %reduce_sum3A_906, %reduce_sum3A_907 [1, 2] : vector<1x1x448xf32> to vector<1xf32>
    %reduce_sum3A_909 = vector.shape_cast %reduce_sum3A_908 : vector<1xf32> to vector<1x1x1xf32>
    %reduce_sum3A_910 = vector.extract %reduce_sum3A_909[0, 0, 0] : f32 from vector<1x1x1xf32>
    %broadcast_in_dim3A_911 = vector.broadcast %reduce_sum3A_910 : f32 to vector<1x1xf32>
    %convert_element_type3A_912 = arith.sitofp %slice3A_691 : vector<1x1xi32> to vector<1x1xf32>
    %div3A_913 = arith.divf %broadcast_in_dim3A_911, %convert_element_type3A_912 : vector<1x1xf32>
    %add3A_914 = arith.addf %add3A_687, %div3A_913 : vector<1x1xf32>
    %get3A_915 = arith.constant 0 : index
    %get3A_916 = arith.constant 0 : index
    %get3A_917 = vector.load %arg2[%get3A_915, %get3A_916] : memref<8x1xi32, #tpu.memory_space<vmem>>, vector<8x1xi32>
    %slice3A_918 = vector.extract_strided_slice %get3A_917 {offsets = [4, 0], sizes = [1, 1], strides = [1, 1]} : vector<8x1xi32> to vector<1x1xi32>
    %get3A_919 = arith.constant 4 : index
    %get3A_920 = arith.constant 0 : index
    %get3A_921 = arith.constant 0 : index
    %get3A_922 = arith.constant 0 : index
    %get3A_923 = arith.constant 0 : index
    %get3A_924 = vector.load %arg1[%get3A_919, %get3A_920, %get3A_921, %get3A_922, %get3A_923] : memref<8x4x3x64x112xf32, #tpu.memory_space<vmem>>, vector<1x1x1x64x112xf32>
    %get3A_925 = vector.shape_cast %get3A_924 : vector<1x1x1x64x112xf32> to vector<64x112xf32>
    %get3A_926 = arith.constant 4 : index
    %get3A_927 = arith.constant 1 : index
    %get3A_928 = arith.constant 0 : index
    %get3A_929 = arith.constant 0 : index
    %get3A_930 = arith.constant 0 : index
    %get3A_931 = vector.load %arg1[%get3A_926, %get3A_927, %get3A_928, %get3A_929, %get3A_930] : memref<8x4x3x64x112xf32, #tpu.memory_space<vmem>>, vector<1x1x1x64x112xf32>
    %get3A_932 = vector.shape_cast %get3A_931 : vector<1x1x1x64x112xf32> to vector<64x112xf32>
    %get3A_933 = arith.constant 4 : index
    %get3A_934 = arith.constant 2 : index
    %get3A_935 = arith.constant 0 : index
    %get3A_936 = arith.constant 0 : index
    %get3A_937 = arith.constant 0 : index
    %get3A_938 = vector.load %arg1[%get3A_933, %get3A_934, %get3A_935, %get3A_936, %get3A_937] : memref<8x4x3x64x112xf32, #tpu.memory_space<vmem>>, vector<1x1x1x64x112xf32>
    %get3A_939 = vector.shape_cast %get3A_938 : vector<1x1x1x64x112xf32> to vector<64x112xf32>
    %get3A_940 = arith.constant 4 : index
    %get3A_941 = arith.constant 3 : index
    %get3A_942 = arith.constant 0 : index
    %get3A_943 = arith.constant 0 : index
    %get3A_944 = arith.constant 0 : index
    %get3A_945 = vector.load %arg1[%get3A_940, %get3A_941, %get3A_942, %get3A_943, %get3A_944] : memref<8x4x3x64x112xf32, #tpu.memory_space<vmem>>, vector<1x1x1x64x112xf32>
    %get3A_946 = vector.shape_cast %get3A_945 : vector<1x1x1x64x112xf32> to vector<64x112xf32>
    %concatenate3A_947 = tpu.concatenate %get3A_925, %get3A_932, %get3A_939, %get3A_946 in 1 : vector<64x112xf32>, vector<64x112xf32>, vector<64x112xf32>, vector<64x112xf32> -> vector<64x448xf32>
    %mul3A_948 = arith.mulf %concatenate3A_947, %concatenate3A_947 : vector<64x448xf32>
    %reduce_sum3A_949 = arith.constant dense<0.000000e+00> : vector<448xf32>
    %reduce_sum3A_950 = vector.multi_reduction <add>, %mul3A_948, %reduce_sum3A_949 [0] : vector<64x448xf32> to vector<448xf32>
    %broadcast_in_dim3A_951 = vector.shape_cast %reduce_sum3A_950 : vector<448xf32> to vector<1x448xf32>
    %sqrt3A_952 = math.sqrt %broadcast_in_dim3A_951 : vector<1x448xf32>
    %max3A_953 = arith.constant 9.99999996E-13 : f32
    %max3A_954 = vector.broadcast %max3A_953 : f32 to vector<1x448xf32>
    %max3A_955 = arith.maximumf %sqrt3A_952, %max3A_954 : vector<1x448xf32>
    %div3A_956 = vector.broadcast %max3A_955 : vector<1x448xf32> to vector<64x448xf32>
    %div3A_957 = arith.divf %concatenate3A_947, %div3A_956 : vector<64x448xf32>
    %mul3A_958 = arith.mulf %div3A_957, %div3A_957 : vector<64x448xf32>
    %reduce_sum3A_959 = arith.constant dense<0.000000e+00> : vector<448xf32>
    %reduce_sum3A_960 = vector.multi_reduction <add>, %mul3A_958, %reduce_sum3A_959 [0] : vector<64x448xf32> to vector<448xf32>
    %broadcast_in_dim3A_961 = vector.shape_cast %reduce_sum3A_960 : vector<448xf32> to vector<1x448xf32>
    %sqrt3A_962 = math.sqrt %broadcast_in_dim3A_961 : vector<1x448xf32>
    %max3A_963 = arith.constant 9.99999993E-9 : f32
    %max3A_964 = vector.broadcast %max3A_963 : f32 to vector<1x448xf32>
    %max3A_965 = arith.maximumf %sqrt3A_962, %max3A_964 : vector<1x448xf32>
    %div3A_966 = vector.broadcast %max3A_965 : vector<1x448xf32> to vector<64x448xf32>
    %div3A_967 = arith.divf %div3A_957, %div3A_966 : vector<64x448xf32>
    %get3A_968 = arith.constant 4 : index
    %get3A_969 = arith.constant 0 : index
    %get3A_970 = arith.constant 1 : index
    %get3A_971 = arith.constant 0 : index
    %get3A_972 = arith.constant 0 : index
    %get3A_973 = vector.load %arg1[%get3A_968, %get3A_969, %get3A_970, %get3A_971, %get3A_972] : memref<8x4x3x64x112xf32, #tpu.memory_space<vmem>>, vector<1x1x1x64x112xf32>
    %get3A_974 = vector.shape_cast %get3A_973 : vector<1x1x1x64x112xf32> to vector<64x112xf32>
    %get3A_975 = arith.constant 4 : index
    %get3A_976 = arith.constant 1 : index
    %get3A_977 = arith.constant 1 : index
    %get3A_978 = arith.constant 0 : index
    %get3A_979 = arith.constant 0 : index
    %get3A_980 = vector.load %arg1[%get3A_975, %get3A_976, %get3A_977, %get3A_978, %get3A_979] : memref<8x4x3x64x112xf32, #tpu.memory_space<vmem>>, vector<1x1x1x64x112xf32>
    %get3A_981 = vector.shape_cast %get3A_980 : vector<1x1x1x64x112xf32> to vector<64x112xf32>
    %get3A_982 = arith.constant 4 : index
    %get3A_983 = arith.constant 2 : index
    %get3A_984 = arith.constant 1 : index
    %get3A_985 = arith.constant 0 : index
    %get3A_986 = arith.constant 0 : index
    %get3A_987 = vector.load %arg1[%get3A_982, %get3A_983, %get3A_984, %get3A_985, %get3A_986] : memref<8x4x3x64x112xf32, #tpu.memory_space<vmem>>, vector<1x1x1x64x112xf32>
    %get3A_988 = vector.shape_cast %get3A_987 : vector<1x1x1x64x112xf32> to vector<64x112xf32>
    %get3A_989 = arith.constant 4 : index
    %get3A_990 = arith.constant 3 : index
    %get3A_991 = arith.constant 1 : index
    %get3A_992 = arith.constant 0 : index
    %get3A_993 = arith.constant 0 : index
    %get3A_994 = vector.load %arg1[%get3A_989, %get3A_990, %get3A_991, %get3A_992, %get3A_993] : memref<8x4x3x64x112xf32, #tpu.memory_space<vmem>>, vector<1x1x1x64x112xf32>
    %get3A_995 = vector.shape_cast %get3A_994 : vector<1x1x1x64x112xf32> to vector<64x112xf32>
    %concatenate3A_996 = tpu.concatenate %get3A_974, %get3A_981, %get3A_988, %get3A_995 in 1 : vector<64x112xf32>, vector<64x112xf32>, vector<64x112xf32>, vector<64x112xf32> -> vector<64x448xf32>
    %mul3A_997 = arith.mulf %concatenate3A_996, %concatenate3A_996 : vector<64x448xf32>
    %reduce_sum3A_998 = arith.constant dense<0.000000e+00> : vector<448xf32>
    %reduce_sum3A_999 = vector.multi_reduction <add>, %mul3A_997, %reduce_sum3A_998 [0] : vector<64x448xf32> to vector<448xf32>
    %broadcast_in_dim3A_1000 = vector.shape_cast %reduce_sum3A_999 : vector<448xf32> to vector<1x448xf32>
    %sqrt3A_1001 = math.sqrt %broadcast_in_dim3A_1000 : vector<1x448xf32>
    %max3A_1002 = arith.constant 9.99999996E-13 : f32
    %max3A_1003 = vector.broadcast %max3A_1002 : f32 to vector<1x448xf32>
    %max3A_1004 = arith.maximumf %sqrt3A_1001, %max3A_1003 : vector<1x448xf32>
    %div3A_1005 = vector.broadcast %max3A_1004 : vector<1x448xf32> to vector<64x448xf32>
    %div3A_1006 = arith.divf %concatenate3A_996, %div3A_1005 : vector<64x448xf32>
    %mul3A_1007 = arith.mulf %div3A_1006, %div3A_1006 : vector<64x448xf32>
    %reduce_sum3A_1008 = arith.constant dense<0.000000e+00> : vector<448xf32>
    %reduce_sum3A_1009 = vector.multi_reduction <add>, %mul3A_1007, %reduce_sum3A_1008 [0] : vector<64x448xf32> to vector<448xf32>
    %broadcast_in_dim3A_1010 = vector.shape_cast %reduce_sum3A_1009 : vector<448xf32> to vector<1x448xf32>
    %sqrt3A_1011 = math.sqrt %broadcast_in_dim3A_1010 : vector<1x448xf32>
    %max3A_1012 = arith.constant 9.99999993E-9 : f32
    %max3A_1013 = vector.broadcast %max3A_1012 : f32 to vector<1x448xf32>
    %max3A_1014 = arith.maximumf %sqrt3A_1011, %max3A_1013 : vector<1x448xf32>
    %div3A_1015 = vector.broadcast %max3A_1014 : vector<1x448xf32> to vector<64x448xf32>
    %div3A_1016 = arith.divf %div3A_1006, %div3A_1015 : vector<64x448xf32>
    %get3A_1017 = arith.constant 4 : index
    %get3A_1018 = arith.constant 0 : index
    %get3A_1019 = arith.constant 2 : index
    %get3A_1020 = arith.constant 0 : index
    %get3A_1021 = arith.constant 0 : index
    %get3A_1022 = vector.load %arg1[%get3A_1017, %get3A_1018, %get3A_1019, %get3A_1020, %get3A_1021] : memref<8x4x3x64x112xf32, #tpu.memory_space<vmem>>, vector<1x1x1x64x112xf32>
    %get3A_1023 = vector.shape_cast %get3A_1022 : vector<1x1x1x64x112xf32> to vector<64x112xf32>
    %get3A_1024 = arith.constant 4 : index
    %get3A_1025 = arith.constant 1 : index
    %get3A_1026 = arith.constant 2 : index
    %get3A_1027 = arith.constant 0 : index
    %get3A_1028 = arith.constant 0 : index
    %get3A_1029 = vector.load %arg1[%get3A_1024, %get3A_1025, %get3A_1026, %get3A_1027, %get3A_1028] : memref<8x4x3x64x112xf32, #tpu.memory_space<vmem>>, vector<1x1x1x64x112xf32>
    %get3A_1030 = vector.shape_cast %get3A_1029 : vector<1x1x1x64x112xf32> to vector<64x112xf32>
    %get3A_1031 = arith.constant 4 : index
    %get3A_1032 = arith.constant 2 : index
    %get3A_1033 = arith.constant 2 : index
    %get3A_1034 = arith.constant 0 : index
    %get3A_1035 = arith.constant 0 : index
    %get3A_1036 = vector.load %arg1[%get3A_1031, %get3A_1032, %get3A_1033, %get3A_1034, %get3A_1035] : memref<8x4x3x64x112xf32, #tpu.memory_space<vmem>>, vector<1x1x1x64x112xf32>
    %get3A_1037 = vector.shape_cast %get3A_1036 : vector<1x1x1x64x112xf32> to vector<64x112xf32>
    %get3A_1038 = arith.constant 4 : index
    %get3A_1039 = arith.constant 3 : index
    %get3A_1040 = arith.constant 2 : index
    %get3A_1041 = arith.constant 0 : index
    %get3A_1042 = arith.constant 0 : index
    %get3A_1043 = vector.load %arg1[%get3A_1038, %get3A_1039, %get3A_1040, %get3A_1041, %get3A_1042] : memref<8x4x3x64x112xf32, #tpu.memory_space<vmem>>, vector<1x1x1x64x112xf32>
    %get3A_1044 = vector.shape_cast %get3A_1043 : vector<1x1x1x64x112xf32> to vector<64x112xf32>
    %concatenate3A_1045 = tpu.concatenate %get3A_1023, %get3A_1030, %get3A_1037, %get3A_1044 in 1 : vector<64x112xf32>, vector<64x112xf32>, vector<64x112xf32>, vector<64x112xf32> -> vector<64x448xf32>
    %mul3A_1046 = arith.mulf %concatenate3A_1045, %concatenate3A_1045 : vector<64x448xf32>
    %reduce_sum3A_1047 = arith.constant dense<0.000000e+00> : vector<448xf32>
    %reduce_sum3A_1048 = vector.multi_reduction <add>, %mul3A_1046, %reduce_sum3A_1047 [0] : vector<64x448xf32> to vector<448xf32>
    %broadcast_in_dim3A_1049 = vector.shape_cast %reduce_sum3A_1048 : vector<448xf32> to vector<1x448xf32>
    %sqrt3A_1050 = math.sqrt %broadcast_in_dim3A_1049 : vector<1x448xf32>
    %max3A_1051 = arith.constant 9.99999996E-13 : f32
    %max3A_1052 = vector.broadcast %max3A_1051 : f32 to vector<1x448xf32>
    %max3A_1053 = arith.maximumf %sqrt3A_1050, %max3A_1052 : vector<1x448xf32>
    %div3A_1054 = vector.broadcast %max3A_1053 : vector<1x448xf32> to vector<64x448xf32>
    %div3A_1055 = arith.divf %concatenate3A_1045, %div3A_1054 : vector<64x448xf32>
    %mul3A_1056 = arith.mulf %div3A_1055, %div3A_1055 : vector<64x448xf32>
    %reduce_sum3A_1057 = arith.constant dense<0.000000e+00> : vector<448xf32>
    %reduce_sum3A_1058 = vector.multi_reduction <add>, %mul3A_1056, %reduce_sum3A_1057 [0] : vector<64x448xf32> to vector<448xf32>
    %broadcast_in_dim3A_1059 = vector.shape_cast %reduce_sum3A_1058 : vector<448xf32> to vector<1x448xf32>
    %sqrt3A_1060 = math.sqrt %broadcast_in_dim3A_1059 : vector<1x448xf32>
    %max3A_1061 = arith.constant 9.99999993E-9 : f32
    %max3A_1062 = vector.broadcast %max3A_1061 : f32 to vector<1x448xf32>
    %max3A_1063 = arith.maximumf %sqrt3A_1060, %max3A_1062 : vector<1x448xf32>
    %div3A_1064 = vector.broadcast %max3A_1063 : vector<1x448xf32> to vector<64x448xf32>
    %div3A_1065 = arith.divf %div3A_1055, %div3A_1064 : vector<64x448xf32>
    %mul3A_1066 = vector.broadcast %convert_element_type3A_2 : f32 to vector<64x448xf32>
    %mul3A_1067 = arith.mulf %mul3A_1066, %div3A_967 : vector<64x448xf32>
    %mul3A_1068 = vector.broadcast %convert_element_type3A_8 : f32 to vector<64x448xf32>
    %mul3A_1069 = arith.mulf %mul3A_1068, %div3A_1016 : vector<64x448xf32>
    %add3A_1070 = arith.addf %mul3A_1067, %mul3A_1069 : vector<64x448xf32>
    %mul3A_1071 = vector.broadcast %convert_element_type3A_14 : f32 to vector<64x448xf32>
    %mul3A_1072 = arith.mulf %mul3A_1071, %div3A_1065 : vector<64x448xf32>
    %add3A_1073 = arith.addf %add3A_1070, %mul3A_1072 : vector<64x448xf32>
    %mul3A_1074 = arith.mulf %add3A_1073, %div3A_967 : vector<64x448xf32>
    %reduce_sum3A_1075 = arith.constant dense<0.000000e+00> : vector<448xf32>
    %reduce_sum3A_1076 = vector.multi_reduction <add>, %mul3A_1074, %reduce_sum3A_1075 [0] : vector<64x448xf32> to vector<448xf32>
    %broadcast_in_dim3A_1077 = vector.shape_cast %reduce_sum3A_1076 : vector<448xf32> to vector<1x448xf32>
    %add3A_1078 = arith.constant 0.000000e+00 : f32
    %add3A_1079 = vector.broadcast %add3A_1078 : f32 to vector<1x448xf32>
    %add3A_1080 = arith.addf %add3A_1079, %broadcast_in_dim3A_1077 : vector<1x448xf32>
    %mul3A_1081 = arith.mulf %add3A_1073, %div3A_1016 : vector<64x448xf32>
    %reduce_sum3A_1082 = arith.constant dense<0.000000e+00> : vector<448xf32>
    %reduce_sum3A_1083 = vector.multi_reduction <add>, %mul3A_1081, %reduce_sum3A_1082 [0] : vector<64x448xf32> to vector<448xf32>
    %broadcast_in_dim3A_1084 = vector.shape_cast %reduce_sum3A_1083 : vector<448xf32> to vector<1x448xf32>
    %add3A_1085 = arith.addf %add3A_1080, %broadcast_in_dim3A_1084 : vector<1x448xf32>
    %mul3A_1086 = arith.mulf %add3A_1073, %div3A_1065 : vector<64x448xf32>
    %reduce_sum3A_1087 = arith.constant dense<0.000000e+00> : vector<448xf32>
    %reduce_sum3A_1088 = vector.multi_reduction <add>, %mul3A_1086, %reduce_sum3A_1087 [0] : vector<64x448xf32> to vector<448xf32>
    %broadcast_in_dim3A_1089 = vector.shape_cast %reduce_sum3A_1088 : vector<448xf32> to vector<1x448xf32>
    %add3A_1090 = arith.addf %add3A_1085, %broadcast_in_dim3A_1089 : vector<1x448xf32>
    %mul3A_1091 = arith.mulf %add3A_1073, %add3A_1073 : vector<64x448xf32>
    %reduce_sum3A_1092 = arith.constant dense<0.000000e+00> : vector<448xf32>
    %reduce_sum3A_1093 = vector.multi_reduction <add>, %mul3A_1091, %reduce_sum3A_1092 [0] : vector<64x448xf32> to vector<448xf32>
    %broadcast_in_dim3A_1094 = vector.shape_cast %reduce_sum3A_1093 : vector<448xf32> to vector<1x448xf32>
    %sub3A_1095 = arith.subf %add3A_1090, %broadcast_in_dim3A_1094 : vector<1x448xf32>
    %div3A_1096 = arith.constant 7.000000e-02 : f32
    %div3A_1097 = vector.broadcast %div3A_1096 : f32 to vector<1x448xf32>
    %div3A_1098 = arith.divf %sub3A_1095, %div3A_1097 : vector<1x448xf32>
    %exp3A_1099 = math.exp %div3A_1098 : vector<1x448xf32>
    %dot_general3A_1100 = arith.constant dense<0.000000e+00> : vector<448x448xf32>
    %dot_general3A_1101 = tpu.matmul %add3A_1073, %add3A_1073, %dot_general3A_1100 {dimension_numbers = #tpu.dot_dimension_numbers<[0], [0], [1], [1], [0, 1, 1, 1], [], []>, transpose_lhs_hint = false} : vector<64x448xf32>, vector<64x448xf32>, vector<448x448xf32> -> vector<448x448xf32>
    %div3A_1102 = arith.constant 7.000000e-02 : f32
    %div3A_1103 = vector.broadcast %div3A_1102 : f32 to vector<448x448xf32>
    %div3A_1104 = arith.divf %dot_general3A_1101, %div3A_1103 : vector<448x448xf32>
    %exp3A_1105 = math.exp %div3A_1104 : vector<448x448xf32>
    %lt3A_1106 = vector.broadcast %slice3A_918 : vector<1x1xi32> to vector<448x448xi32>
    %lt3A_1107 = arith.cmpi slt, %iota3A, %lt3A_1106 : vector<448x448xi32>
    %convert_element_type3A_1108 = arith.extui %lt3A_1107 : vector<448x448xi1> to vector<448x448xi32>
    %convert_element_type3A_1109 = arith.sitofp %convert_element_type3A_1108 : vector<448x448xi32> to vector<448x448xf32>
    %mul3A_1110 = arith.mulf %exp3A_1105, %convert_element_type3A_1109 : vector<448x448xf32>
    %reduce_sum3A_1111 = arith.constant dense<0.000000e+00> : vector<448xf32>
    %reduce_sum3A_1112 = vector.multi_reduction <add>, %mul3A_1110, %reduce_sum3A_1111 [0] : vector<448x448xf32> to vector<448xf32>
    %broadcast_in_dim3A_1113 = vector.shape_cast %reduce_sum3A_1112 : vector<448xf32> to vector<1x448xf32>
    %mul3A_1114 = arith.mulf %exp3A_1105, %convert_element_type3A_18 : vector<448x448xf32>
    %reduce_sum3A_1115 = arith.constant dense<0.000000e+00> : vector<448xf32>
    %reduce_sum3A_1116 = vector.multi_reduction <add>, %mul3A_1114, %reduce_sum3A_1115 [0] : vector<448x448xf32> to vector<448xf32>
    %broadcast_in_dim3A_1117 = vector.shape_cast %reduce_sum3A_1116 : vector<448xf32> to vector<1x448xf32>
    %sub3A_1118 = arith.subf %broadcast_in_dim3A_1113, %broadcast_in_dim3A_1117 : vector<1x448xf32>
    %add3A_1119 = arith.addf %exp3A_1099, %sub3A_1118 : vector<1x448xf32>
    %add3A_1120 = arith.constant 9.99999993E-9 : f32
    %add3A_1121 = vector.broadcast %add3A_1120 : f32 to vector<1x448xf32>
    %add3A_1122 = arith.addf %add3A_1119, %add3A_1121 : vector<1x448xf32>
    %div3A_1123 = arith.divf %exp3A_1099, %add3A_1122 : vector<1x448xf32>
    %log3A_1124 = math.log %div3A_1123 : vector<1x448xf32>
    %neg3A_1125 = arith.constant 0.000000e+00 : f32
    %neg3A_1126 = vector.broadcast %neg3A_1125 : f32 to vector<1x448xf32>
    %neg3A_1127 = arith.subf %neg3A_1126, %log3A_1124 : vector<1x448xf32>
    %lt3A_1128 = vector.broadcast %slice3A_918 : vector<1x1xi32> to vector<1x448xi32>
    %lt3A_1129 = arith.cmpi slt, %iota3A_19, %lt3A_1128 : vector<1x448xi32>
    %convert_element_type3A_1130 = arith.extui %lt3A_1129 : vector<1x448xi1> to vector<1x448xi32>
    %convert_element_type3A_1131 = arith.sitofp %convert_element_type3A_1130 : vector<1x448xi32> to vector<1x448xf32>
    %mul3A_1132 = arith.mulf %neg3A_1127, %convert_element_type3A_1131 : vector<1x448xf32>
    %reduce_sum3A_1133 = vector.shape_cast %mul3A_1132 : vector<1x448xf32> to vector<1x1x448xf32>
    %reduce_sum3A_1134 = arith.constant dense<0.000000e+00> : vector<1xf32>
    %reduce_sum3A_1135 = vector.multi_reduction <add>, %reduce_sum3A_1133, %reduce_sum3A_1134 [1, 2] : vector<1x1x448xf32> to vector<1xf32>
    %reduce_sum3A_1136 = vector.shape_cast %reduce_sum3A_1135 : vector<1xf32> to vector<1x1x1xf32>
    %reduce_sum3A_1137 = vector.extract %reduce_sum3A_1136[0, 0, 0] : f32 from vector<1x1x1xf32>
    %broadcast_in_dim3A_1138 = vector.broadcast %reduce_sum3A_1137 : f32 to vector<1x1xf32>
    %convert_element_type3A_1139 = arith.sitofp %slice3A_918 : vector<1x1xi32> to vector<1x1xf32>
    %div3A_1140 = arith.divf %broadcast_in_dim3A_1138, %convert_element_type3A_1139 : vector<1x1xf32>
    %add3A_1141 = arith.addf %add3A_914, %div3A_1140 : vector<1x1xf32>
    %get3A_1142 = arith.constant 0 : index
    %get3A_1143 = arith.constant 0 : index
    %get3A_1144 = vector.load %arg2[%get3A_1142, %get3A_1143] : memref<8x1xi32, #tpu.memory_space<vmem>>, vector<8x1xi32>
    %slice3A_1145 = vector.extract_strided_slice %get3A_1144 {offsets = [5, 0], sizes = [1, 1], strides = [1, 1]} : vector<8x1xi32> to vector<1x1xi32>
    %get3A_1146 = arith.constant 5 : index
    %get3A_1147 = arith.constant 0 : index
    %get3A_1148 = arith.constant 0 : index
    %get3A_1149 = arith.constant 0 : index
    %get3A_1150 = arith.constant 0 : index
    %get3A_1151 = vector.load %arg1[%get3A_1146, %get3A_1147, %get3A_1148, %get3A_1149, %get3A_1150] : memref<8x4x3x64x112xf32, #tpu.memory_space<vmem>>, vector<1x1x1x64x112xf32>
    %get3A_1152 = vector.shape_cast %get3A_1151 : vector<1x1x1x64x112xf32> to vector<64x112xf32>
    %get3A_1153 = arith.constant 5 : index
    %get3A_1154 = arith.constant 1 : index
    %get3A_1155 = arith.constant 0 : index
    %get3A_1156 = arith.constant 0 : index
    %get3A_1157 = arith.constant 0 : index
    %get3A_1158 = vector.load %arg1[%get3A_1153, %get3A_1154, %get3A_1155, %get3A_1156, %get3A_1157] : memref<8x4x3x64x112xf32, #tpu.memory_space<vmem>>, vector<1x1x1x64x112xf32>
    %get3A_1159 = vector.shape_cast %get3A_1158 : vector<1x1x1x64x112xf32> to vector<64x112xf32>
    %get3A_1160 = arith.constant 5 : index
    %get3A_1161 = arith.constant 2 : index
    %get3A_1162 = arith.constant 0 : index
    %get3A_1163 = arith.constant 0 : index
    %get3A_1164 = arith.constant 0 : index
    %get3A_1165 = vector.load %arg1[%get3A_1160, %get3A_1161, %get3A_1162, %get3A_1163, %get3A_1164] : memref<8x4x3x64x112xf32, #tpu.memory_space<vmem>>, vector<1x1x1x64x112xf32>
    %get3A_1166 = vector.shape_cast %get3A_1165 : vector<1x1x1x64x112xf32> to vector<64x112xf32>
    %get3A_1167 = arith.constant 5 : index
    %get3A_1168 = arith.constant 3 : index
    %get3A_1169 = arith.constant 0 : index
    %get3A_1170 = arith.constant 0 : index
    %get3A_1171 = arith.constant 0 : index
    %get3A_1172 = vector.load %arg1[%get3A_1167, %get3A_1168, %get3A_1169, %get3A_1170, %get3A_1171] : memref<8x4x3x64x112xf32, #tpu.memory_space<vmem>>, vector<1x1x1x64x112xf32>
    %get3A_1173 = vector.shape_cast %get3A_1172 : vector<1x1x1x64x112xf32> to vector<64x112xf32>
    %concatenate3A_1174 = tpu.concatenate %get3A_1152, %get3A_1159, %get3A_1166, %get3A_1173 in 1 : vector<64x112xf32>, vector<64x112xf32>, vector<64x112xf32>, vector<64x112xf32> -> vector<64x448xf32>
    %mul3A_1175 = arith.mulf %concatenate3A_1174, %concatenate3A_1174 : vector<64x448xf32>
    %reduce_sum3A_1176 = arith.constant dense<0.000000e+00> : vector<448xf32>
    %reduce_sum3A_1177 = vector.multi_reduction <add>, %mul3A_1175, %reduce_sum3A_1176 [0] : vector<64x448xf32> to vector<448xf32>
    %broadcast_in_dim3A_1178 = vector.shape_cast %reduce_sum3A_1177 : vector<448xf32> to vector<1x448xf32>
    %sqrt3A_1179 = math.sqrt %broadcast_in_dim3A_1178 : vector<1x448xf32>
    %max3A_1180 = arith.constant 9.99999996E-13 : f32
    %max3A_1181 = vector.broadcast %max3A_1180 : f32 to vector<1x448xf32>
    %max3A_1182 = arith.maximumf %sqrt3A_1179, %max3A_1181 : vector<1x448xf32>
    %div3A_1183 = vector.broadcast %max3A_1182 : vector<1x448xf32> to vector<64x448xf32>
    %div3A_1184 = arith.divf %concatenate3A_1174, %div3A_1183 : vector<64x448xf32>
    %mul3A_1185 = arith.mulf %div3A_1184, %div3A_1184 : vector<64x448xf32>
    %reduce_sum3A_1186 = arith.constant dense<0.000000e+00> : vector<448xf32>
    %reduce_sum3A_1187 = vector.multi_reduction <add>, %mul3A_1185, %reduce_sum3A_1186 [0] : vector<64x448xf32> to vector<448xf32>
    %broadcast_in_dim3A_1188 = vector.shape_cast %reduce_sum3A_1187 : vector<448xf32> to vector<1x448xf32>
    %sqrt3A_1189 = math.sqrt %broadcast_in_dim3A_1188 : vector<1x448xf32>
    %max3A_1190 = arith.constant 9.99999993E-9 : f32
    %max3A_1191 = vector.broadcast %max3A_1190 : f32 to vector<1x448xf32>
    %max3A_1192 = arith.maximumf %sqrt3A_1189, %max3A_1191 : vector<1x448xf32>
    %div3A_1193 = vector.broadcast %max3A_1192 : vector<1x448xf32> to vector<64x448xf32>
    %div3A_1194 = arith.divf %div3A_1184, %div3A_1193 : vector<64x448xf32>
    %get3A_1195 = arith.constant 5 : index
    %get3A_1196 = arith.constant 0 : index
    %get3A_1197 = arith.constant 1 : index
    %get3A_1198 = arith.constant 0 : index
    %get3A_1199 = arith.constant 0 : index
    %get3A_1200 = vector.load %arg1[%get3A_1195, %get3A_1196, %get3A_1197, %get3A_1198, %get3A_1199] : memref<8x4x3x64x112xf32, #tpu.memory_space<vmem>>, vector<1x1x1x64x112xf32>
    %get3A_1201 = vector.shape_cast %get3A_1200 : vector<1x1x1x64x112xf32> to vector<64x112xf32>
    %get3A_1202 = arith.constant 5 : index
    %get3A_1203 = arith.constant 1 : index
    %get3A_1204 = arith.constant 1 : index
    %get3A_1205 = arith.constant 0 : index
    %get3A_1206 = arith.constant 0 : index
    %get3A_1207 = vector.load %arg1[%get3A_1202, %get3A_1203, %get3A_1204, %get3A_1205, %get3A_1206] : memref<8x4x3x64x112xf32, #tpu.memory_space<vmem>>, vector<1x1x1x64x112xf32>
    %get3A_1208 = vector.shape_cast %get3A_1207 : vector<1x1x1x64x112xf32> to vector<64x112xf32>
    %get3A_1209 = arith.constant 5 : index
    %get3A_1210 = arith.constant 2 : index
    %get3A_1211 = arith.constant 1 : index
    %get3A_1212 = arith.constant 0 : index
    %get3A_1213 = arith.constant 0 : index
    %get3A_1214 = vector.load %arg1[%get3A_1209, %get3A_1210, %get3A_1211, %get3A_1212, %get3A_1213] : memref<8x4x3x64x112xf32, #tpu.memory_space<vmem>>, vector<1x1x1x64x112xf32>
    %get3A_1215 = vector.shape_cast %get3A_1214 : vector<1x1x1x64x112xf32> to vector<64x112xf32>
    %get3A_1216 = arith.constant 5 : index
    %get3A_1217 = arith.constant 3 : index
    %get3A_1218 = arith.constant 1 : index
    %get3A_1219 = arith.constant 0 : index
    %get3A_1220 = arith.constant 0 : index
    %get3A_1221 = vector.load %arg1[%get3A_1216, %get3A_1217, %get3A_1218, %get3A_1219, %get3A_1220] : memref<8x4x3x64x112xf32, #tpu.memory_space<vmem>>, vector<1x1x1x64x112xf32>
    %get3A_1222 = vector.shape_cast %get3A_1221 : vector<1x1x1x64x112xf32> to vector<64x112xf32>
    %concatenate3A_1223 = tpu.concatenate %get3A_1201, %get3A_1208, %get3A_1215, %get3A_1222 in 1 : vector<64x112xf32>, vector<64x112xf32>, vector<64x112xf32>, vector<64x112xf32> -> vector<64x448xf32>
    %mul3A_1224 = arith.mulf %concatenate3A_1223, %concatenate3A_1223 : vector<64x448xf32>
    %reduce_sum3A_1225 = arith.constant dense<0.000000e+00> : vector<448xf32>
    %reduce_sum3A_1226 = vector.multi_reduction <add>, %mul3A_1224, %reduce_sum3A_1225 [0] : vector<64x448xf32> to vector<448xf32>
    %broadcast_in_dim3A_1227 = vector.shape_cast %reduce_sum3A_1226 : vector<448xf32> to vector<1x448xf32>
    %sqrt3A_1228 = math.sqrt %broadcast_in_dim3A_1227 : vector<1x448xf32>
    %max3A_1229 = arith.constant 9.99999996E-13 : f32
    %max3A_1230 = vector.broadcast %max3A_1229 : f32 to vector<1x448xf32>
    %max3A_1231 = arith.maximumf %sqrt3A_1228, %max3A_1230 : vector<1x448xf32>
    %div3A_1232 = vector.broadcast %max3A_1231 : vector<1x448xf32> to vector<64x448xf32>
    %div3A_1233 = arith.divf %concatenate3A_1223, %div3A_1232 : vector<64x448xf32>
    %mul3A_1234 = arith.mulf %div3A_1233, %div3A_1233 : vector<64x448xf32>
    %reduce_sum3A_1235 = arith.constant dense<0.000000e+00> : vector<448xf32>
    %reduce_sum3A_1236 = vector.multi_reduction <add>, %mul3A_1234, %reduce_sum3A_1235 [0] : vector<64x448xf32> to vector<448xf32>
    %broadcast_in_dim3A_1237 = vector.shape_cast %reduce_sum3A_1236 : vector<448xf32> to vector<1x448xf32>
    %sqrt3A_1238 = math.sqrt %broadcast_in_dim3A_1237 : vector<1x448xf32>
    %max3A_1239 = arith.constant 9.99999993E-9 : f32
    %max3A_1240 = vector.broadcast %max3A_1239 : f32 to vector<1x448xf32>
    %max3A_1241 = arith.maximumf %sqrt3A_1238, %max3A_1240 : vector<1x448xf32>
    %div3A_1242 = vector.broadcast %max3A_1241 : vector<1x448xf32> to vector<64x448xf32>
    %div3A_1243 = arith.divf %div3A_1233, %div3A_1242 : vector<64x448xf32>
    %get3A_1244 = arith.constant 5 : index
    %get3A_1245 = arith.constant 0 : index
    %get3A_1246 = arith.constant 2 : index
    %get3A_1247 = arith.constant 0 : index
    %get3A_1248 = arith.constant 0 : index
    %get3A_1249 = vector.load %arg1[%get3A_1244, %get3A_1245, %get3A_1246, %get3A_1247, %get3A_1248] : memref<8x4x3x64x112xf32, #tpu.memory_space<vmem>>, vector<1x1x1x64x112xf32>
    %get3A_1250 = vector.shape_cast %get3A_1249 : vector<1x1x1x64x112xf32> to vector<64x112xf32>
    %get3A_1251 = arith.constant 5 : index
    %get3A_1252 = arith.constant 1 : index
    %get3A_1253 = arith.constant 2 : index
    %get3A_1254 = arith.constant 0 : index
    %get3A_1255 = arith.constant 0 : index
    %get3A_1256 = vector.load %arg1[%get3A_1251, %get3A_1252, %get3A_1253, %get3A_1254, %get3A_1255] : memref<8x4x3x64x112xf32, #tpu.memory_space<vmem>>, vector<1x1x1x64x112xf32>
    %get3A_1257 = vector.shape_cast %get3A_1256 : vector<1x1x1x64x112xf32> to vector<64x112xf32>
    %get3A_1258 = arith.constant 5 : index
    %get3A_1259 = arith.constant 2 : index
    %get3A_1260 = arith.constant 2 : index
    %get3A_1261 = arith.constant 0 : index
    %get3A_1262 = arith.constant 0 : index
    %get3A_1263 = vector.load %arg1[%get3A_1258, %get3A_1259, %get3A_1260, %get3A_1261, %get3A_1262] : memref<8x4x3x64x112xf32, #tpu.memory_space<vmem>>, vector<1x1x1x64x112xf32>
    %get3A_1264 = vector.shape_cast %get3A_1263 : vector<1x1x1x64x112xf32> to vector<64x112xf32>
    %get3A_1265 = arith.constant 5 : index
    %get3A_1266 = arith.constant 3 : index
    %get3A_1267 = arith.constant 2 : index
    %get3A_1268 = arith.constant 0 : index
    %get3A_1269 = arith.constant 0 : index
    %get3A_1270 = vector.load %arg1[%get3A_1265, %get3A_1266, %get3A_1267, %get3A_1268, %get3A_1269] : memref<8x4x3x64x112xf32, #tpu.memory_space<vmem>>, vector<1x1x1x64x112xf32>
    %get3A_1271 = vector.shape_cast %get3A_1270 : vector<1x1x1x64x112xf32> to vector<64x112xf32>
    %concatenate3A_1272 = tpu.concatenate %get3A_1250, %get3A_1257, %get3A_1264, %get3A_1271 in 1 : vector<64x112xf32>, vector<64x112xf32>, vector<64x112xf32>, vector<64x112xf32> -> vector<64x448xf32>
    %mul3A_1273 = arith.mulf %concatenate3A_1272, %concatenate3A_1272 : vector<64x448xf32>
    %reduce_sum3A_1274 = arith.constant dense<0.000000e+00> : vector<448xf32>
    %reduce_sum3A_1275 = vector.multi_reduction <add>, %mul3A_1273, %reduce_sum3A_1274 [0] : vector<64x448xf32> to vector<448xf32>
    %broadcast_in_dim3A_1276 = vector.shape_cast %reduce_sum3A_1275 : vector<448xf32> to vector<1x448xf32>
    %sqrt3A_1277 = math.sqrt %broadcast_in_dim3A_1276 : vector<1x448xf32>
    %max3A_1278 = arith.constant 9.99999996E-13 : f32
    %max3A_1279 = vector.broadcast %max3A_1278 : f32 to vector<1x448xf32>
    %max3A_1280 = arith.maximumf %sqrt3A_1277, %max3A_1279 : vector<1x448xf32>
    %div3A_1281 = vector.broadcast %max3A_1280 : vector<1x448xf32> to vector<64x448xf32>
    %div3A_1282 = arith.divf %concatenate3A_1272, %div3A_1281 : vector<64x448xf32>
    %mul3A_1283 = arith.mulf %div3A_1282, %div3A_1282 : vector<64x448xf32>
    %reduce_sum3A_1284 = arith.constant dense<0.000000e+00> : vector<448xf32>
    %reduce_sum3A_1285 = vector.multi_reduction <add>, %mul3A_1283, %reduce_sum3A_1284 [0] : vector<64x448xf32> to vector<448xf32>
    %broadcast_in_dim3A_1286 = vector.shape_cast %reduce_sum3A_1285 : vector<448xf32> to vector<1x448xf32>
    %sqrt3A_1287 = math.sqrt %broadcast_in_dim3A_1286 : vector<1x448xf32>
    %max3A_1288 = arith.constant 9.99999993E-9 : f32
    %max3A_1289 = vector.broadcast %max3A_1288 : f32 to vector<1x448xf32>
    %max3A_1290 = arith.maximumf %sqrt3A_1287, %max3A_1289 : vector<1x448xf32>
    %div3A_1291 = vector.broadcast %max3A_1290 : vector<1x448xf32> to vector<64x448xf32>
    %div3A_1292 = arith.divf %div3A_1282, %div3A_1291 : vector<64x448xf32>
    %mul3A_1293 = vector.broadcast %convert_element_type3A_2 : f32 to vector<64x448xf32>
    %mul3A_1294 = arith.mulf %mul3A_1293, %div3A_1194 : vector<64x448xf32>
    %mul3A_1295 = vector.broadcast %convert_element_type3A_8 : f32 to vector<64x448xf32>
    %mul3A_1296 = arith.mulf %mul3A_1295, %div3A_1243 : vector<64x448xf32>
    %add3A_1297 = arith.addf %mul3A_1294, %mul3A_1296 : vector<64x448xf32>
    %mul3A_1298 = vector.broadcast %convert_element_type3A_14 : f32 to vector<64x448xf32>
    %mul3A_1299 = arith.mulf %mul3A_1298, %div3A_1292 : vector<64x448xf32>
    %add3A_1300 = arith.addf %add3A_1297, %mul3A_1299 : vector<64x448xf32>
    %mul3A_1301 = arith.mulf %add3A_1300, %div3A_1194 : vector<64x448xf32>
    %reduce_sum3A_1302 = arith.constant dense<0.000000e+00> : vector<448xf32>
    %reduce_sum3A_1303 = vector.multi_reduction <add>, %mul3A_1301, %reduce_sum3A_1302 [0] : vector<64x448xf32> to vector<448xf32>
    %broadcast_in_dim3A_1304 = vector.shape_cast %reduce_sum3A_1303 : vector<448xf32> to vector<1x448xf32>
    %add3A_1305 = arith.constant 0.000000e+00 : f32
    %add3A_1306 = vector.broadcast %add3A_1305 : f32 to vector<1x448xf32>
    %add3A_1307 = arith.addf %add3A_1306, %broadcast_in_dim3A_1304 : vector<1x448xf32>
    %mul3A_1308 = arith.mulf %add3A_1300, %div3A_1243 : vector<64x448xf32>
    %reduce_sum3A_1309 = arith.constant dense<0.000000e+00> : vector<448xf32>
    %reduce_sum3A_1310 = vector.multi_reduction <add>, %mul3A_1308, %reduce_sum3A_1309 [0] : vector<64x448xf32> to vector<448xf32>
    %broadcast_in_dim3A_1311 = vector.shape_cast %reduce_sum3A_1310 : vector<448xf32> to vector<1x448xf32>
    %add3A_1312 = arith.addf %add3A_1307, %broadcast_in_dim3A_1311 : vector<1x448xf32>
    %mul3A_1313 = arith.mulf %add3A_1300, %div3A_1292 : vector<64x448xf32>
    %reduce_sum3A_1314 = arith.constant dense<0.000000e+00> : vector<448xf32>
    %reduce_sum3A_1315 = vector.multi_reduction <add>, %mul3A_1313, %reduce_sum3A_1314 [0] : vector<64x448xf32> to vector<448xf32>
    %broadcast_in_dim3A_1316 = vector.shape_cast %reduce_sum3A_1315 : vector<448xf32> to vector<1x448xf32>
    %add3A_1317 = arith.addf %add3A_1312, %broadcast_in_dim3A_1316 : vector<1x448xf32>
    %mul3A_1318 = arith.mulf %add3A_1300, %add3A_1300 : vector<64x448xf32>
    %reduce_sum3A_1319 = arith.constant dense<0.000000e+00> : vector<448xf32>
    %reduce_sum3A_1320 = vector.multi_reduction <add>, %mul3A_1318, %reduce_sum3A_1319 [0] : vector<64x448xf32> to vector<448xf32>
    %broadcast_in_dim3A_1321 = vector.shape_cast %reduce_sum3A_1320 : vector<448xf32> to vector<1x448xf32>
    %sub3A_1322 = arith.subf %add3A_1317, %broadcast_in_dim3A_1321 : vector<1x448xf32>
    %div3A_1323 = arith.constant 7.000000e-02 : f32
    %div3A_1324 = vector.broadcast %div3A_1323 : f32 to vector<1x448xf32>
    %div3A_1325 = arith.divf %sub3A_1322, %div3A_1324 : vector<1x448xf32>
    %exp3A_1326 = math.exp %div3A_1325 : vector<1x448xf32>
    %dot_general3A_1327 = arith.constant dense<0.000000e+00> : vector<448x448xf32>
    %dot_general3A_1328 = tpu.matmul %add3A_1300, %add3A_1300, %dot_general3A_1327 {dimension_numbers = #tpu.dot_dimension_numbers<[0], [0], [1], [1], [0, 1, 1, 1], [], []>, transpose_lhs_hint = false} : vector<64x448xf32>, vector<64x448xf32>, vector<448x448xf32> -> vector<448x448xf32>
    %div3A_1329 = arith.constant 7.000000e-02 : f32
    %div3A_1330 = vector.broadcast %div3A_1329 : f32 to vector<448x448xf32>
    %div3A_1331 = arith.divf %dot_general3A_1328, %div3A_1330 : vector<448x448xf32>
    %exp3A_1332 = math.exp %div3A_1331 : vector<448x448xf32>
    %lt3A_1333 = vector.broadcast %slice3A_1145 : vector<1x1xi32> to vector<448x448xi32>
    %lt3A_1334 = arith.cmpi slt, %iota3A, %lt3A_1333 : vector<448x448xi32>
    %convert_element_type3A_1335 = arith.extui %lt3A_1334 : vector<448x448xi1> to vector<448x448xi32>
    %convert_element_type3A_1336 = arith.sitofp %convert_element_type3A_1335 : vector<448x448xi32> to vector<448x448xf32>
    %mul3A_1337 = arith.mulf %exp3A_1332, %convert_element_type3A_1336 : vector<448x448xf32>
    %reduce_sum3A_1338 = arith.constant dense<0.000000e+00> : vector<448xf32>
    %reduce_sum3A_1339 = vector.multi_reduction <add>, %mul3A_1337, %reduce_sum3A_1338 [0] : vector<448x448xf32> to vector<448xf32>
    %broadcast_in_dim3A_1340 = vector.shape_cast %reduce_sum3A_1339 : vector<448xf32> to vector<1x448xf32>
    %mul3A_1341 = arith.mulf %exp3A_1332, %convert_element_type3A_18 : vector<448x448xf32>
    %reduce_sum3A_1342 = arith.constant dense<0.000000e+00> : vector<448xf32>
    %reduce_sum3A_1343 = vector.multi_reduction <add>, %mul3A_1341, %reduce_sum3A_1342 [0] : vector<448x448xf32> to vector<448xf32>
    %broadcast_in_dim3A_1344 = vector.shape_cast %reduce_sum3A_1343 : vector<448xf32> to vector<1x448xf32>
    %sub3A_1345 = arith.subf %broadcast_in_dim3A_1340, %broadcast_in_dim3A_1344 : vector<1x448xf32>
    %add3A_1346 = arith.addf %exp3A_1326, %sub3A_1345 : vector<1x448xf32>
    %add3A_1347 = arith.constant 9.99999993E-9 : f32
    %add3A_1348 = vector.broadcast %add3A_1347 : f32 to vector<1x448xf32>
    %add3A_1349 = arith.addf %add3A_1346, %add3A_1348 : vector<1x448xf32>
    %div3A_1350 = arith.divf %exp3A_1326, %add3A_1349 : vector<1x448xf32>
    %log3A_1351 = math.log %div3A_1350 : vector<1x448xf32>
    %neg3A_1352 = arith.constant 0.000000e+00 : f32
    %neg3A_1353 = vector.broadcast %neg3A_1352 : f32 to vector<1x448xf32>
    %neg3A_1354 = arith.subf %neg3A_1353, %log3A_1351 : vector<1x448xf32>
    %lt3A_1355 = vector.broadcast %slice3A_1145 : vector<1x1xi32> to vector<1x448xi32>
    %lt3A_1356 = arith.cmpi slt, %iota3A_19, %lt3A_1355 : vector<1x448xi32>
    %convert_element_type3A_1357 = arith.extui %lt3A_1356 : vector<1x448xi1> to vector<1x448xi32>
    %convert_element_type3A_1358 = arith.sitofp %convert_element_type3A_1357 : vector<1x448xi32> to vector<1x448xf32>
    %mul3A_1359 = arith.mulf %neg3A_1354, %convert_element_type3A_1358 : vector<1x448xf32>
    %reduce_sum3A_1360 = vector.shape_cast %mul3A_1359 : vector<1x448xf32> to vector<1x1x448xf32>
    %reduce_sum3A_1361 = arith.constant dense<0.000000e+00> : vector<1xf32>
    %reduce_sum3A_1362 = vector.multi_reduction <add>, %reduce_sum3A_1360, %reduce_sum3A_1361 [1, 2] : vector<1x1x448xf32> to vector<1xf32>
    %reduce_sum3A_1363 = vector.shape_cast %reduce_sum3A_1362 : vector<1xf32> to vector<1x1x1xf32>
    %reduce_sum3A_1364 = vector.extract %reduce_sum3A_1363[0, 0, 0] : f32 from vector<1x1x1xf32>
    %broadcast_in_dim3A_1365 = vector.broadcast %reduce_sum3A_1364 : f32 to vector<1x1xf32>
    %convert_element_type3A_1366 = arith.sitofp %slice3A_1145 : vector<1x1xi32> to vector<1x1xf32>
    %div3A_1367 = arith.divf %broadcast_in_dim3A_1365, %convert_element_type3A_1366 : vector<1x1xf32>
    %add3A_1368 = arith.addf %add3A_1141, %div3A_1367 : vector<1x1xf32>
    %get3A_1369 = arith.constant 0 : index
    %get3A_1370 = arith.constant 0 : index
    %get3A_1371 = vector.load %arg2[%get3A_1369, %get3A_1370] : memref<8x1xi32, #tpu.memory_space<vmem>>, vector<8x1xi32>
    %slice3A_1372 = vector.extract_strided_slice %get3A_1371 {offsets = [6, 0], sizes = [1, 1], strides = [1, 1]} : vector<8x1xi32> to vector<1x1xi32>
    %get3A_1373 = arith.constant 6 : index
    %get3A_1374 = arith.constant 0 : index
    %get3A_1375 = arith.constant 0 : index
    %get3A_1376 = arith.constant 0 : index
    %get3A_1377 = arith.constant 0 : index
    %get3A_1378 = vector.load %arg1[%get3A_1373, %get3A_1374, %get3A_1375, %get3A_1376, %get3A_1377] : memref<8x4x3x64x112xf32, #tpu.memory_space<vmem>>, vector<1x1x1x64x112xf32>
    %get3A_1379 = vector.shape_cast %get3A_1378 : vector<1x1x1x64x112xf32> to vector<64x112xf32>
    %get3A_1380 = arith.constant 6 : index
    %get3A_1381 = arith.constant 1 : index
    %get3A_1382 = arith.constant 0 : index
    %get3A_1383 = arith.constant 0 : index
    %get3A_1384 = arith.constant 0 : index
    %get3A_1385 = vector.load %arg1[%get3A_1380, %get3A_1381, %get3A_1382, %get3A_1383, %get3A_1384] : memref<8x4x3x64x112xf32, #tpu.memory_space<vmem>>, vector<1x1x1x64x112xf32>
    %get3A_1386 = vector.shape_cast %get3A_1385 : vector<1x1x1x64x112xf32> to vector<64x112xf32>
    %get3A_1387 = arith.constant 6 : index
    %get3A_1388 = arith.constant 2 : index
    %get3A_1389 = arith.constant 0 : index
    %get3A_1390 = arith.constant 0 : index
    %get3A_1391 = arith.constant 0 : index
    %get3A_1392 = vector.load %arg1[%get3A_1387, %get3A_1388, %get3A_1389, %get3A_1390, %get3A_1391] : memref<8x4x3x64x112xf32, #tpu.memory_space<vmem>>, vector<1x1x1x64x112xf32>
    %get3A_1393 = vector.shape_cast %get3A_1392 : vector<1x1x1x64x112xf32> to vector<64x112xf32>
    %get3A_1394 = arith.constant 6 : index
    %get3A_1395 = arith.constant 3 : index
    %get3A_1396 = arith.constant 0 : index
    %get3A_1397 = arith.constant 0 : index
    %get3A_1398 = arith.constant 0 : index
    %get3A_1399 = vector.load %arg1[%get3A_1394, %get3A_1395, %get3A_1396, %get3A_1397, %get3A_1398] : memref<8x4x3x64x112xf32, #tpu.memory_space<vmem>>, vector<1x1x1x64x112xf32>
    %get3A_1400 = vector.shape_cast %get3A_1399 : vector<1x1x1x64x112xf32> to vector<64x112xf32>
    %concatenate3A_1401 = tpu.concatenate %get3A_1379, %get3A_1386, %get3A_1393, %get3A_1400 in 1 : vector<64x112xf32>, vector<64x112xf32>, vector<64x112xf32>, vector<64x112xf32> -> vector<64x448xf32>
    %mul3A_1402 = arith.mulf %concatenate3A_1401, %concatenate3A_1401 : vector<64x448xf32>
    %reduce_sum3A_1403 = arith.constant dense<0.000000e+00> : vector<448xf32>
    %reduce_sum3A_1404 = vector.multi_reduction <add>, %mul3A_1402, %reduce_sum3A_1403 [0] : vector<64x448xf32> to vector<448xf32>
    %broadcast_in_dim3A_1405 = vector.shape_cast %reduce_sum3A_1404 : vector<448xf32> to vector<1x448xf32>
    %sqrt3A_1406 = math.sqrt %broadcast_in_dim3A_1405 : vector<1x448xf32>
    %max3A_1407 = arith.constant 9.99999996E-13 : f32
    %max3A_1408 = vector.broadcast %max3A_1407 : f32 to vector<1x448xf32>
    %max3A_1409 = arith.maximumf %sqrt3A_1406, %max3A_1408 : vector<1x448xf32>
    %div3A_1410 = vector.broadcast %max3A_1409 : vector<1x448xf32> to vector<64x448xf32>
    %div3A_1411 = arith.divf %concatenate3A_1401, %div3A_1410 : vector<64x448xf32>
    %mul3A_1412 = arith.mulf %div3A_1411, %div3A_1411 : vector<64x448xf32>
    %reduce_sum3A_1413 = arith.constant dense<0.000000e+00> : vector<448xf32>
    %reduce_sum3A_1414 = vector.multi_reduction <add>, %mul3A_1412, %reduce_sum3A_1413 [0] : vector<64x448xf32> to vector<448xf32>
    %broadcast_in_dim3A_1415 = vector.shape_cast %reduce_sum3A_1414 : vector<448xf32> to vector<1x448xf32>
    %sqrt3A_1416 = math.sqrt %broadcast_in_dim3A_1415 : vector<1x448xf32>
    %max3A_1417 = arith.constant 9.99999993E-9 : f32
    %max3A_1418 = vector.broadcast %max3A_1417 : f32 to vector<1x448xf32>
    %max3A_1419 = arith.maximumf %sqrt3A_1416, %max3A_1418 : vector<1x448xf32>
    %div3A_1420 = vector.broadcast %max3A_1419 : vector<1x448xf32> to vector<64x448xf32>
    %div3A_1421 = arith.divf %div3A_1411, %div3A_1420 : vector<64x448xf32>
    %get3A_1422 = arith.constant 6 : index
    %get3A_1423 = arith.constant 0 : index
    %get3A_1424 = arith.constant 1 : index
    %get3A_1425 = arith.constant 0 : index
    %get3A_1426 = arith.constant 0 : index
    %get3A_1427 = vector.load %arg1[%get3A_1422, %get3A_1423, %get3A_1424, %get3A_1425, %get3A_1426] : memref<8x4x3x64x112xf32, #tpu.memory_space<vmem>>, vector<1x1x1x64x112xf32>
    %get3A_1428 = vector.shape_cast %get3A_1427 : vector<1x1x1x64x112xf32> to vector<64x112xf32>
    %get3A_1429 = arith.constant 6 : index
    %get3A_1430 = arith.constant 1 : index
    %get3A_1431 = arith.constant 1 : index
    %get3A_1432 = arith.constant 0 : index
    %get3A_1433 = arith.constant 0 : index
    %get3A_1434 = vector.load %arg1[%get3A_1429, %get3A_1430, %get3A_1431, %get3A_1432, %get3A_1433] : memref<8x4x3x64x112xf32, #tpu.memory_space<vmem>>, vector<1x1x1x64x112xf32>
    %get3A_1435 = vector.shape_cast %get3A_1434 : vector<1x1x1x64x112xf32> to vector<64x112xf32>
    %get3A_1436 = arith.constant 6 : index
    %get3A_1437 = arith.constant 2 : index
    %get3A_1438 = arith.constant 1 : index
    %get3A_1439 = arith.constant 0 : index
    %get3A_1440 = arith.constant 0 : index
    %get3A_1441 = vector.load %arg1[%get3A_1436, %get3A_1437, %get3A_1438, %get3A_1439, %get3A_1440] : memref<8x4x3x64x112xf32, #tpu.memory_space<vmem>>, vector<1x1x1x64x112xf32>
    %get3A_1442 = vector.shape_cast %get3A_1441 : vector<1x1x1x64x112xf32> to vector<64x112xf32>
    %get3A_1443 = arith.constant 6 : index
    %get3A_1444 = arith.constant 3 : index
    %get3A_1445 = arith.constant 1 : index
    %get3A_1446 = arith.constant 0 : index
    %get3A_1447 = arith.constant 0 : index
    %get3A_1448 = vector.load %arg1[%get3A_1443, %get3A_1444, %get3A_1445, %get3A_1446, %get3A_1447] : memref<8x4x3x64x112xf32, #tpu.memory_space<vmem>>, vector<1x1x1x64x112xf32>
    %get3A_1449 = vector.shape_cast %get3A_1448 : vector<1x1x1x64x112xf32> to vector<64x112xf32>
    %concatenate3A_1450 = tpu.concatenate %get3A_1428, %get3A_1435, %get3A_1442, %get3A_1449 in 1 : vector<64x112xf32>, vector<64x112xf32>, vector<64x112xf32>, vector<64x112xf32> -> vector<64x448xf32>
    %mul3A_1451 = arith.mulf %concatenate3A_1450, %concatenate3A_1450 : vector<64x448xf32>
    %reduce_sum3A_1452 = arith.constant dense<0.000000e+00> : vector<448xf32>
    %reduce_sum3A_1453 = vector.multi_reduction <add>, %mul3A_1451, %reduce_sum3A_1452 [0] : vector<64x448xf32> to vector<448xf32>
    %broadcast_in_dim3A_1454 = vector.shape_cast %reduce_sum3A_1453 : vector<448xf32> to vector<1x448xf32>
    %sqrt3A_1455 = math.sqrt %broadcast_in_dim3A_1454 : vector<1x448xf32>
    %max3A_1456 = arith.constant 9.99999996E-13 : f32
    %max3A_1457 = vector.broadcast %max3A_1456 : f32 to vector<1x448xf32>
    %max3A_1458 = arith.maximumf %sqrt3A_1455, %max3A_1457 : vector<1x448xf32>
    %div3A_1459 = vector.broadcast %max3A_1458 : vector<1x448xf32> to vector<64x448xf32>
    %div3A_1460 = arith.divf %concatenate3A_1450, %div3A_1459 : vector<64x448xf32>
    %mul3A_1461 = arith.mulf %div3A_1460, %div3A_1460 : vector<64x448xf32>
    %reduce_sum3A_1462 = arith.constant dense<0.000000e+00> : vector<448xf32>
    %reduce_sum3A_1463 = vector.multi_reduction <add>, %mul3A_1461, %reduce_sum3A_1462 [0] : vector<64x448xf32> to vector<448xf32>
    %broadcast_in_dim3A_1464 = vector.shape_cast %reduce_sum3A_1463 : vector<448xf32> to vector<1x448xf32>
    %sqrt3A_1465 = math.sqrt %broadcast_in_dim3A_1464 : vector<1x448xf32>
    %max3A_1466 = arith.constant 9.99999993E-9 : f32
    %max3A_1467 = vector.broadcast %max3A_1466 : f32 to vector<1x448xf32>
    %max3A_1468 = arith.maximumf %sqrt3A_1465, %max3A_1467 : vector<1x448xf32>
    %div3A_1469 = vector.broadcast %max3A_1468 : vector<1x448xf32> to vector<64x448xf32>
    %div3A_1470 = arith.divf %div3A_1460, %div3A_1469 : vector<64x448xf32>
    %get3A_1471 = arith.constant 6 : index
    %get3A_1472 = arith.constant 0 : index
    %get3A_1473 = arith.constant 2 : index
    %get3A_1474 = arith.constant 0 : index
    %get3A_1475 = arith.constant 0 : index
    %get3A_1476 = vector.load %arg1[%get3A_1471, %get3A_1472, %get3A_1473, %get3A_1474, %get3A_1475] : memref<8x4x3x64x112xf32, #tpu.memory_space<vmem>>, vector<1x1x1x64x112xf32>
    %get3A_1477 = vector.shape_cast %get3A_1476 : vector<1x1x1x64x112xf32> to vector<64x112xf32>
    %get3A_1478 = arith.constant 6 : index
    %get3A_1479 = arith.constant 1 : index
    %get3A_1480 = arith.constant 2 : index
    %get3A_1481 = arith.constant 0 : index
    %get3A_1482 = arith.constant 0 : index
    %get3A_1483 = vector.load %arg1[%get3A_1478, %get3A_1479, %get3A_1480, %get3A_1481, %get3A_1482] : memref<8x4x3x64x112xf32, #tpu.memory_space<vmem>>, vector<1x1x1x64x112xf32>
    %get3A_1484 = vector.shape_cast %get3A_1483 : vector<1x1x1x64x112xf32> to vector<64x112xf32>
    %get3A_1485 = arith.constant 6 : index
    %get3A_1486 = arith.constant 2 : index
    %get3A_1487 = arith.constant 2 : index
    %get3A_1488 = arith.constant 0 : index
    %get3A_1489 = arith.constant 0 : index
    %get3A_1490 = vector.load %arg1[%get3A_1485, %get3A_1486, %get3A_1487, %get3A_1488, %get3A_1489] : memref<8x4x3x64x112xf32, #tpu.memory_space<vmem>>, vector<1x1x1x64x112xf32>
    %get3A_1491 = vector.shape_cast %get3A_1490 : vector<1x1x1x64x112xf32> to vector<64x112xf32>
    %get3A_1492 = arith.constant 6 : index
    %get3A_1493 = arith.constant 3 : index
    %get3A_1494 = arith.constant 2 : index
    %get3A_1495 = arith.constant 0 : index
    %get3A_1496 = arith.constant 0 : index
    %get3A_1497 = vector.load %arg1[%get3A_1492, %get3A_1493, %get3A_1494, %get3A_1495, %get3A_1496] : memref<8x4x3x64x112xf32, #tpu.memory_space<vmem>>, vector<1x1x1x64x112xf32>
    %get3A_1498 = vector.shape_cast %get3A_1497 : vector<1x1x1x64x112xf32> to vector<64x112xf32>
    %concatenate3A_1499 = tpu.concatenate %get3A_1477, %get3A_1484, %get3A_1491, %get3A_1498 in 1 : vector<64x112xf32>, vector<64x112xf32>, vector<64x112xf32>, vector<64x112xf32> -> vector<64x448xf32>
    %mul3A_1500 = arith.mulf %concatenate3A_1499, %concatenate3A_1499 : vector<64x448xf32>
    %reduce_sum3A_1501 = arith.constant dense<0.000000e+00> : vector<448xf32>
    %reduce_sum3A_1502 = vector.multi_reduction <add>, %mul3A_1500, %reduce_sum3A_1501 [0] : vector<64x448xf32> to vector<448xf32>
    %broadcast_in_dim3A_1503 = vector.shape_cast %reduce_sum3A_1502 : vector<448xf32> to vector<1x448xf32>
    %sqrt3A_1504 = math.sqrt %broadcast_in_dim3A_1503 : vector<1x448xf32>
    %max3A_1505 = arith.constant 9.99999996E-13 : f32
    %max3A_1506 = vector.broadcast %max3A_1505 : f32 to vector<1x448xf32>
    %max3A_1507 = arith.maximumf %sqrt3A_1504, %max3A_1506 : vector<1x448xf32>
    %div3A_1508 = vector.broadcast %max3A_1507 : vector<1x448xf32> to vector<64x448xf32>
    %div3A_1509 = arith.divf %concatenate3A_1499, %div3A_1508 : vector<64x448xf32>
    %mul3A_1510 = arith.mulf %div3A_1509, %div3A_1509 : vector<64x448xf32>
    %reduce_sum3A_1511 = arith.constant dense<0.000000e+00> : vector<448xf32>
    %reduce_sum3A_1512 = vector.multi_reduction <add>, %mul3A_1510, %reduce_sum3A_1511 [0] : vector<64x448xf32> to vector<448xf32>
    %broadcast_in_dim3A_1513 = vector.shape_cast %reduce_sum3A_1512 : vector<448xf32> to vector<1x448xf32>
    %sqrt3A_1514 = math.sqrt %broadcast_in_dim3A_1513 : vector<1x448xf32>
    %max3A_1515 = arith.constant 9.99999993E-9 : f32
    %max3A_1516 = vector.broadcast %max3A_1515 : f32 to vector<1x448xf32>
    %max3A_1517 = arith.maximumf %sqrt3A_1514, %max3A_1516 : vector<1x448xf32>
    %div3A_1518 = vector.broadcast %max3A_1517 : vector<1x448xf32> to vector<64x448xf32>
    %div3A_1519 = arith.divf %div3A_1509, %div3A_1518 : vector<64x448xf32>
    %mul3A_1520 = vector.broadcast %convert_element_type3A_2 : f32 to vector<64x448xf32>
    %mul3A_1521 = arith.mulf %mul3A_1520, %div3A_1421 : vector<64x448xf32>
    %mul3A_1522 = vector.broadcast %convert_element_type3A_8 : f32 to vector<64x448xf32>
    %mul3A_1523 = arith.mulf %mul3A_1522, %div3A_1470 : vector<64x448xf32>
    %add3A_1524 = arith.addf %mul3A_1521, %mul3A_1523 : vector<64x448xf32>
    %mul3A_1525 = vector.broadcast %convert_element_type3A_14 : f32 to vector<64x448xf32>
    %mul3A_1526 = arith.mulf %mul3A_1525, %div3A_1519 : vector<64x448xf32>
    %add3A_1527 = arith.addf %add3A_1524, %mul3A_1526 : vector<64x448xf32>
    %mul3A_1528 = arith.mulf %add3A_1527, %div3A_1421 : vector<64x448xf32>
    %reduce_sum3A_1529 = arith.constant dense<0.000000e+00> : vector<448xf32>
    %reduce_sum3A_1530 = vector.multi_reduction <add>, %mul3A_1528, %reduce_sum3A_1529 [0] : vector<64x448xf32> to vector<448xf32>
    %broadcast_in_dim3A_1531 = vector.shape_cast %reduce_sum3A_1530 : vector<448xf32> to vector<1x448xf32>
    %add3A_1532 = arith.constant 0.000000e+00 : f32
    %add3A_1533 = vector.broadcast %add3A_1532 : f32 to vector<1x448xf32>
    %add3A_1534 = arith.addf %add3A_1533, %broadcast_in_dim3A_1531 : vector<1x448xf32>
    %mul3A_1535 = arith.mulf %add3A_1527, %div3A_1470 : vector<64x448xf32>
    %reduce_sum3A_1536 = arith.constant dense<0.000000e+00> : vector<448xf32>
    %reduce_sum3A_1537 = vector.multi_reduction <add>, %mul3A_1535, %reduce_sum3A_1536 [0] : vector<64x448xf32> to vector<448xf32>
    %broadcast_in_dim3A_1538 = vector.shape_cast %reduce_sum3A_1537 : vector<448xf32> to vector<1x448xf32>
    %add3A_1539 = arith.addf %add3A_1534, %broadcast_in_dim3A_1538 : vector<1x448xf32>
    %mul3A_1540 = arith.mulf %add3A_1527, %div3A_1519 : vector<64x448xf32>
    %reduce_sum3A_1541 = arith.constant dense<0.000000e+00> : vector<448xf32>
    %reduce_sum3A_1542 = vector.multi_reduction <add>, %mul3A_1540, %reduce_sum3A_1541 [0] : vector<64x448xf32> to vector<448xf32>
    %broadcast_in_dim3A_1543 = vector.shape_cast %reduce_sum3A_1542 : vector<448xf32> to vector<1x448xf32>
    %add3A_1544 = arith.addf %add3A_1539, %broadcast_in_dim3A_1543 : vector<1x448xf32>
    %mul3A_1545 = arith.mulf %add3A_1527, %add3A_1527 : vector<64x448xf32>
    %reduce_sum3A_1546 = arith.constant dense<0.000000e+00> : vector<448xf32>
    %reduce_sum3A_1547 = vector.multi_reduction <add>, %mul3A_1545, %reduce_sum3A_1546 [0] : vector<64x448xf32> to vector<448xf32>
    %broadcast_in_dim3A_1548 = vector.shape_cast %reduce_sum3A_1547 : vector<448xf32> to vector<1x448xf32>
    %sub3A_1549 = arith.subf %add3A_1544, %broadcast_in_dim3A_1548 : vector<1x448xf32>
    %div3A_1550 = arith.constant 7.000000e-02 : f32
    %div3A_1551 = vector.broadcast %div3A_1550 : f32 to vector<1x448xf32>
    %div3A_1552 = arith.divf %sub3A_1549, %div3A_1551 : vector<1x448xf32>
    %exp3A_1553 = math.exp %div3A_1552 : vector<1x448xf32>
    %dot_general3A_1554 = arith.constant dense<0.000000e+00> : vector<448x448xf32>
    %dot_general3A_1555 = tpu.matmul %add3A_1527, %add3A_1527, %dot_general3A_1554 {dimension_numbers = #tpu.dot_dimension_numbers<[0], [0], [1], [1], [0, 1, 1, 1], [], []>, transpose_lhs_hint = false} : vector<64x448xf32>, vector<64x448xf32>, vector<448x448xf32> -> vector<448x448xf32>
    %div3A_1556 = arith.constant 7.000000e-02 : f32
    %div3A_1557 = vector.broadcast %div3A_1556 : f32 to vector<448x448xf32>
    %div3A_1558 = arith.divf %dot_general3A_1555, %div3A_1557 : vector<448x448xf32>
    %exp3A_1559 = math.exp %div3A_1558 : vector<448x448xf32>
    %lt3A_1560 = vector.broadcast %slice3A_1372 : vector<1x1xi32> to vector<448x448xi32>
    %lt3A_1561 = arith.cmpi slt, %iota3A, %lt3A_1560 : vector<448x448xi32>
    %convert_element_type3A_1562 = arith.extui %lt3A_1561 : vector<448x448xi1> to vector<448x448xi32>
    %convert_element_type3A_1563 = arith.sitofp %convert_element_type3A_1562 : vector<448x448xi32> to vector<448x448xf32>
    %mul3A_1564 = arith.mulf %exp3A_1559, %convert_element_type3A_1563 : vector<448x448xf32>
    %reduce_sum3A_1565 = arith.constant dense<0.000000e+00> : vector<448xf32>
    %reduce_sum3A_1566 = vector.multi_reduction <add>, %mul3A_1564, %reduce_sum3A_1565 [0] : vector<448x448xf32> to vector<448xf32>
    %broadcast_in_dim3A_1567 = vector.shape_cast %reduce_sum3A_1566 : vector<448xf32> to vector<1x448xf32>
    %mul3A_1568 = arith.mulf %exp3A_1559, %convert_element_type3A_18 : vector<448x448xf32>
    %reduce_sum3A_1569 = arith.constant dense<0.000000e+00> : vector<448xf32>
    %reduce_sum3A_1570 = vector.multi_reduction <add>, %mul3A_1568, %reduce_sum3A_1569 [0] : vector<448x448xf32> to vector<448xf32>
    %broadcast_in_dim3A_1571 = vector.shape_cast %reduce_sum3A_1570 : vector<448xf32> to vector<1x448xf32>
    %sub3A_1572 = arith.subf %broadcast_in_dim3A_1567, %broadcast_in_dim3A_1571 : vector<1x448xf32>
    %add3A_1573 = arith.addf %exp3A_1553, %sub3A_1572 : vector<1x448xf32>
    %add3A_1574 = arith.constant 9.99999993E-9 : f32
    %add3A_1575 = vector.broadcast %add3A_1574 : f32 to vector<1x448xf32>
    %add3A_1576 = arith.addf %add3A_1573, %add3A_1575 : vector<1x448xf32>
    %div3A_1577 = arith.divf %exp3A_1553, %add3A_1576 : vector<1x448xf32>
    %log3A_1578 = math.log %div3A_1577 : vector<1x448xf32>
    %neg3A_1579 = arith.constant 0.000000e+00 : f32
    %neg3A_1580 = vector.broadcast %neg3A_1579 : f32 to vector<1x448xf32>
    %neg3A_1581 = arith.subf %neg3A_1580, %log3A_1578 : vector<1x448xf32>
    %lt3A_1582 = vector.broadcast %slice3A_1372 : vector<1x1xi32> to vector<1x448xi32>
    %lt3A_1583 = arith.cmpi slt, %iota3A_19, %lt3A_1582 : vector<1x448xi32>
    %convert_element_type3A_1584 = arith.extui %lt3A_1583 : vector<1x448xi1> to vector<1x448xi32>
    %convert_element_type3A_1585 = arith.sitofp %convert_element_type3A_1584 : vector<1x448xi32> to vector<1x448xf32>
    %mul3A_1586 = arith.mulf %neg3A_1581, %convert_element_type3A_1585 : vector<1x448xf32>
    %reduce_sum3A_1587 = vector.shape_cast %mul3A_1586 : vector<1x448xf32> to vector<1x1x448xf32>
    %reduce_sum3A_1588 = arith.constant dense<0.000000e+00> : vector<1xf32>
    %reduce_sum3A_1589 = vector.multi_reduction <add>, %reduce_sum3A_1587, %reduce_sum3A_1588 [1, 2] : vector<1x1x448xf32> to vector<1xf32>
    %reduce_sum3A_1590 = vector.shape_cast %reduce_sum3A_1589 : vector<1xf32> to vector<1x1x1xf32>
    %reduce_sum3A_1591 = vector.extract %reduce_sum3A_1590[0, 0, 0] : f32 from vector<1x1x1xf32>
    %broadcast_in_dim3A_1592 = vector.broadcast %reduce_sum3A_1591 : f32 to vector<1x1xf32>
    %convert_element_type3A_1593 = arith.sitofp %slice3A_1372 : vector<1x1xi32> to vector<1x1xf32>
    %div3A_1594 = arith.divf %broadcast_in_dim3A_1592, %convert_element_type3A_1593 : vector<1x1xf32>
    %add3A_1595 = arith.addf %add3A_1368, %div3A_1594 : vector<1x1xf32>
    %get3A_1596 = arith.constant 0 : index
    %get3A_1597 = arith.constant 0 : index
    %get3A_1598 = vector.load %arg2[%get3A_1596, %get3A_1597] : memref<8x1xi32, #tpu.memory_space<vmem>>, vector<8x1xi32>
    %slice3A_1599 = vector.extract_strided_slice %get3A_1598 {offsets = [7, 0], sizes = [1, 1], strides = [1, 1]} : vector<8x1xi32> to vector<1x1xi32>
    %get3A_1600 = arith.constant 7 : index
    %get3A_1601 = arith.constant 0 : index
    %get3A_1602 = arith.constant 0 : index
    %get3A_1603 = arith.constant 0 : index
    %get3A_1604 = arith.constant 0 : index
    %get3A_1605 = vector.load %arg1[%get3A_1600, %get3A_1601, %get3A_1602, %get3A_1603, %get3A_1604] : memref<8x4x3x64x112xf32, #tpu.memory_space<vmem>>, vector<1x1x1x64x112xf32>
    %get3A_1606 = vector.shape_cast %get3A_1605 : vector<1x1x1x64x112xf32> to vector<64x112xf32>
    %get3A_1607 = arith.constant 7 : index
    %get3A_1608 = arith.constant 1 : index
    %get3A_1609 = arith.constant 0 : index
    %get3A_1610 = arith.constant 0 : index
    %get3A_1611 = arith.constant 0 : index
    %get3A_1612 = vector.load %arg1[%get3A_1607, %get3A_1608, %get3A_1609, %get3A_1610, %get3A_1611] : memref<8x4x3x64x112xf32, #tpu.memory_space<vmem>>, vector<1x1x1x64x112xf32>
    %get3A_1613 = vector.shape_cast %get3A_1612 : vector<1x1x1x64x112xf32> to vector<64x112xf32>
    %get3A_1614 = arith.constant 7 : index
    %get3A_1615 = arith.constant 2 : index
    %get3A_1616 = arith.constant 0 : index
    %get3A_1617 = arith.constant 0 : index
    %get3A_1618 = arith.constant 0 : index
    %get3A_1619 = vector.load %arg1[%get3A_1614, %get3A_1615, %get3A_1616, %get3A_1617, %get3A_1618] : memref<8x4x3x64x112xf32, #tpu.memory_space<vmem>>, vector<1x1x1x64x112xf32>
    %get3A_1620 = vector.shape_cast %get3A_1619 : vector<1x1x1x64x112xf32> to vector<64x112xf32>
    %get3A_1621 = arith.constant 7 : index
    %get3A_1622 = arith.constant 3 : index
    %get3A_1623 = arith.constant 0 : index
    %get3A_1624 = arith.constant 0 : index
    %get3A_1625 = arith.constant 0 : index
    %get3A_1626 = vector.load %arg1[%get3A_1621, %get3A_1622, %get3A_1623, %get3A_1624, %get3A_1625] : memref<8x4x3x64x112xf32, #tpu.memory_space<vmem>>, vector<1x1x1x64x112xf32>
    %get3A_1627 = vector.shape_cast %get3A_1626 : vector<1x1x1x64x112xf32> to vector<64x112xf32>
    %concatenate3A_1628 = tpu.concatenate %get3A_1606, %get3A_1613, %get3A_1620, %get3A_1627 in 1 : vector<64x112xf32>, vector<64x112xf32>, vector<64x112xf32>, vector<64x112xf32> -> vector<64x448xf32>
    %mul3A_1629 = arith.mulf %concatenate3A_1628, %concatenate3A_1628 : vector<64x448xf32>
    %reduce_sum3A_1630 = arith.constant dense<0.000000e+00> : vector<448xf32>
    %reduce_sum3A_1631 = vector.multi_reduction <add>, %mul3A_1629, %reduce_sum3A_1630 [0] : vector<64x448xf32> to vector<448xf32>
    %broadcast_in_dim3A_1632 = vector.shape_cast %reduce_sum3A_1631 : vector<448xf32> to vector<1x448xf32>
    %sqrt3A_1633 = math.sqrt %broadcast_in_dim3A_1632 : vector<1x448xf32>
    %max3A_1634 = arith.constant 9.99999996E-13 : f32
    %max3A_1635 = vector.broadcast %max3A_1634 : f32 to vector<1x448xf32>
    %max3A_1636 = arith.maximumf %sqrt3A_1633, %max3A_1635 : vector<1x448xf32>
    %div3A_1637 = vector.broadcast %max3A_1636 : vector<1x448xf32> to vector<64x448xf32>
    %div3A_1638 = arith.divf %concatenate3A_1628, %div3A_1637 : vector<64x448xf32>
    %mul3A_1639 = arith.mulf %div3A_1638, %div3A_1638 : vector<64x448xf32>
    %reduce_sum3A_1640 = arith.constant dense<0.000000e+00> : vector<448xf32>
    %reduce_sum3A_1641 = vector.multi_reduction <add>, %mul3A_1639, %reduce_sum3A_1640 [0] : vector<64x448xf32> to vector<448xf32>
    %broadcast_in_dim3A_1642 = vector.shape_cast %reduce_sum3A_1641 : vector<448xf32> to vector<1x448xf32>
    %sqrt3A_1643 = math.sqrt %broadcast_in_dim3A_1642 : vector<1x448xf32>
    %max3A_1644 = arith.constant 9.99999993E-9 : f32
    %max3A_1645 = vector.broadcast %max3A_1644 : f32 to vector<1x448xf32>
    %max3A_1646 = arith.maximumf %sqrt3A_1643, %max3A_1645 : vector<1x448xf32>
    %div3A_1647 = vector.broadcast %max3A_1646 : vector<1x448xf32> to vector<64x448xf32>
    %div3A_1648 = arith.divf %div3A_1638, %div3A_1647 : vector<64x448xf32>
    %get3A_1649 = arith.constant 7 : index
    %get3A_1650 = arith.constant 0 : index
    %get3A_1651 = arith.constant 1 : index
    %get3A_1652 = arith.constant 0 : index
    %get3A_1653 = arith.constant 0 : index
    %get3A_1654 = vector.load %arg1[%get3A_1649, %get3A_1650, %get3A_1651, %get3A_1652, %get3A_1653] : memref<8x4x3x64x112xf32, #tpu.memory_space<vmem>>, vector<1x1x1x64x112xf32>
    %get3A_1655 = vector.shape_cast %get3A_1654 : vector<1x1x1x64x112xf32> to vector<64x112xf32>
    %get3A_1656 = arith.constant 7 : index
    %get3A_1657 = arith.constant 1 : index
    %get3A_1658 = arith.constant 1 : index
    %get3A_1659 = arith.constant 0 : index
    %get3A_1660 = arith.constant 0 : index
    %get3A_1661 = vector.load %arg1[%get3A_1656, %get3A_1657, %get3A_1658, %get3A_1659, %get3A_1660] : memref<8x4x3x64x112xf32, #tpu.memory_space<vmem>>, vector<1x1x1x64x112xf32>
    %get3A_1662 = vector.shape_cast %get3A_1661 : vector<1x1x1x64x112xf32> to vector<64x112xf32>
    %get3A_1663 = arith.constant 7 : index
    %get3A_1664 = arith.constant 2 : index
    %get3A_1665 = arith.constant 1 : index
    %get3A_1666 = arith.constant 0 : index
    %get3A_1667 = arith.constant 0 : index
    %get3A_1668 = vector.load %arg1[%get3A_1663, %get3A_1664, %get3A_1665, %get3A_1666, %get3A_1667] : memref<8x4x3x64x112xf32, #tpu.memory_space<vmem>>, vector<1x1x1x64x112xf32>
    %get3A_1669 = vector.shape_cast %get3A_1668 : vector<1x1x1x64x112xf32> to vector<64x112xf32>
    %get3A_1670 = arith.constant 7 : index
    %get3A_1671 = arith.constant 3 : index
    %get3A_1672 = arith.constant 1 : index
    %get3A_1673 = arith.constant 0 : index
    %get3A_1674 = arith.constant 0 : index
    %get3A_1675 = vector.load %arg1[%get3A_1670, %get3A_1671, %get3A_1672, %get3A_1673, %get3A_1674] : memref<8x4x3x64x112xf32, #tpu.memory_space<vmem>>, vector<1x1x1x64x112xf32>
    %get3A_1676 = vector.shape_cast %get3A_1675 : vector<1x1x1x64x112xf32> to vector<64x112xf32>
    %concatenate3A_1677 = tpu.concatenate %get3A_1655, %get3A_1662, %get3A_1669, %get3A_1676 in 1 : vector<64x112xf32>, vector<64x112xf32>, vector<64x112xf32>, vector<64x112xf32> -> vector<64x448xf32>
    %mul3A_1678 = arith.mulf %concatenate3A_1677, %concatenate3A_1677 : vector<64x448xf32>
    %reduce_sum3A_1679 = arith.constant dense<0.000000e+00> : vector<448xf32>
    %reduce_sum3A_1680 = vector.multi_reduction <add>, %mul3A_1678, %reduce_sum3A_1679 [0] : vector<64x448xf32> to vector<448xf32>
    %broadcast_in_dim3A_1681 = vector.shape_cast %reduce_sum3A_1680 : vector<448xf32> to vector<1x448xf32>
    %sqrt3A_1682 = math.sqrt %broadcast_in_dim3A_1681 : vector<1x448xf32>
    %max3A_1683 = arith.constant 9.99999996E-13 : f32
    %max3A_1684 = vector.broadcast %max3A_1683 : f32 to vector<1x448xf32>
    %max3A_1685 = arith.maximumf %sqrt3A_1682, %max3A_1684 : vector<1x448xf32>
    %div3A_1686 = vector.broadcast %max3A_1685 : vector<1x448xf32> to vector<64x448xf32>
    %div3A_1687 = arith.divf %concatenate3A_1677, %div3A_1686 : vector<64x448xf32>
    %mul3A_1688 = arith.mulf %div3A_1687, %div3A_1687 : vector<64x448xf32>
    %reduce_sum3A_1689 = arith.constant dense<0.000000e+00> : vector<448xf32>
    %reduce_sum3A_1690 = vector.multi_reduction <add>, %mul3A_1688, %reduce_sum3A_1689 [0] : vector<64x448xf32> to vector<448xf32>
    %broadcast_in_dim3A_1691 = vector.shape_cast %reduce_sum3A_1690 : vector<448xf32> to vector<1x448xf32>
    %sqrt3A_1692 = math.sqrt %broadcast_in_dim3A_1691 : vector<1x448xf32>
    %max3A_1693 = arith.constant 9.99999993E-9 : f32
    %max3A_1694 = vector.broadcast %max3A_1693 : f32 to vector<1x448xf32>
    %max3A_1695 = arith.maximumf %sqrt3A_1692, %max3A_1694 : vector<1x448xf32>
    %div3A_1696 = vector.broadcast %max3A_1695 : vector<1x448xf32> to vector<64x448xf32>
    %div3A_1697 = arith.divf %div3A_1687, %div3A_1696 : vector<64x448xf32>
    %get3A_1698 = arith.constant 7 : index
    %get3A_1699 = arith.constant 0 : index
    %get3A_1700 = arith.constant 2 : index
    %get3A_1701 = arith.constant 0 : index
    %get3A_1702 = arith.constant 0 : index
    %get3A_1703 = vector.load %arg1[%get3A_1698, %get3A_1699, %get3A_1700, %get3A_1701, %get3A_1702] : memref<8x4x3x64x112xf32, #tpu.memory_space<vmem>>, vector<1x1x1x64x112xf32>
    %get3A_1704 = vector.shape_cast %get3A_1703 : vector<1x1x1x64x112xf32> to vector<64x112xf32>
    %get3A_1705 = arith.constant 7 : index
    %get3A_1706 = arith.constant 1 : index
    %get3A_1707 = arith.constant 2 : index
    %get3A_1708 = arith.constant 0 : index
    %get3A_1709 = arith.constant 0 : index
    %get3A_1710 = vector.load %arg1[%get3A_1705, %get3A_1706, %get3A_1707, %get3A_1708, %get3A_1709] : memref<8x4x3x64x112xf32, #tpu.memory_space<vmem>>, vector<1x1x1x64x112xf32>
    %get3A_1711 = vector.shape_cast %get3A_1710 : vector<1x1x1x64x112xf32> to vector<64x112xf32>
    %get3A_1712 = arith.constant 7 : index
    %get3A_1713 = arith.constant 2 : index
    %get3A_1714 = arith.constant 2 : index
    %get3A_1715 = arith.constant 0 : index
    %get3A_1716 = arith.constant 0 : index
    %get3A_1717 = vector.load %arg1[%get3A_1712, %get3A_1713, %get3A_1714, %get3A_1715, %get3A_1716] : memref<8x4x3x64x112xf32, #tpu.memory_space<vmem>>, vector<1x1x1x64x112xf32>
    %get3A_1718 = vector.shape_cast %get3A_1717 : vector<1x1x1x64x112xf32> to vector<64x112xf32>
    %get3A_1719 = arith.constant 7 : index
    %get3A_1720 = arith.constant 3 : index
    %get3A_1721 = arith.constant 2 : index
    %get3A_1722 = arith.constant 0 : index
    %get3A_1723 = arith.constant 0 : index
    %get3A_1724 = vector.load %arg1[%get3A_1719, %get3A_1720, %get3A_1721, %get3A_1722, %get3A_1723] : memref<8x4x3x64x112xf32, #tpu.memory_space<vmem>>, vector<1x1x1x64x112xf32>
    %get3A_1725 = vector.shape_cast %get3A_1724 : vector<1x1x1x64x112xf32> to vector<64x112xf32>
    %concatenate3A_1726 = tpu.concatenate %get3A_1704, %get3A_1711, %get3A_1718, %get3A_1725 in 1 : vector<64x112xf32>, vector<64x112xf32>, vector<64x112xf32>, vector<64x112xf32> -> vector<64x448xf32>
    %mul3A_1727 = arith.mulf %concatenate3A_1726, %concatenate3A_1726 : vector<64x448xf32>
    %reduce_sum3A_1728 = arith.constant dense<0.000000e+00> : vector<448xf32>
    %reduce_sum3A_1729 = vector.multi_reduction <add>, %mul3A_1727, %reduce_sum3A_1728 [0] : vector<64x448xf32> to vector<448xf32>
    %broadcast_in_dim3A_1730 = vector.shape_cast %reduce_sum3A_1729 : vector<448xf32> to vector<1x448xf32>
    %sqrt3A_1731 = math.sqrt %broadcast_in_dim3A_1730 : vector<1x448xf32>
    %max3A_1732 = arith.constant 9.99999996E-13 : f32
    %max3A_1733 = vector.broadcast %max3A_1732 : f32 to vector<1x448xf32>
    %max3A_1734 = arith.maximumf %sqrt3A_1731, %max3A_1733 : vector<1x448xf32>
    %div3A_1735 = vector.broadcast %max3A_1734 : vector<1x448xf32> to vector<64x448xf32>
    %div3A_1736 = arith.divf %concatenate3A_1726, %div3A_1735 : vector<64x448xf32>
    %mul3A_1737 = arith.mulf %div3A_1736, %div3A_1736 : vector<64x448xf32>
    %reduce_sum3A_1738 = arith.constant dense<0.000000e+00> : vector<448xf32>
    %reduce_sum3A_1739 = vector.multi_reduction <add>, %mul3A_1737, %reduce_sum3A_1738 [0] : vector<64x448xf32> to vector<448xf32>
    %broadcast_in_dim3A_1740 = vector.shape_cast %reduce_sum3A_1739 : vector<448xf32> to vector<1x448xf32>
    %sqrt3A_1741 = math.sqrt %broadcast_in_dim3A_1740 : vector<1x448xf32>
    %max3A_1742 = arith.constant 9.99999993E-9 : f32
    %max3A_1743 = vector.broadcast %max3A_1742 : f32 to vector<1x448xf32>
    %max3A_1744 = arith.maximumf %sqrt3A_1741, %max3A_1743 : vector<1x448xf32>
    %div3A_1745 = vector.broadcast %max3A_1744 : vector<1x448xf32> to vector<64x448xf32>
    %div3A_1746 = arith.divf %div3A_1736, %div3A_1745 : vector<64x448xf32>
    %mul3A_1747 = vector.broadcast %convert_element_type3A_2 : f32 to vector<64x448xf32>
    %mul3A_1748 = arith.mulf %mul3A_1747, %div3A_1648 : vector<64x448xf32>
    %mul3A_1749 = vector.broadcast %convert_element_type3A_8 : f32 to vector<64x448xf32>
    %mul3A_1750 = arith.mulf %mul3A_1749, %div3A_1697 : vector<64x448xf32>
    %add3A_1751 = arith.addf %mul3A_1748, %mul3A_1750 : vector<64x448xf32>
    %mul3A_1752 = vector.broadcast %convert_element_type3A_14 : f32 to vector<64x448xf32>
    %mul3A_1753 = arith.mulf %mul3A_1752, %div3A_1746 : vector<64x448xf32>
    %add3A_1754 = arith.addf %add3A_1751, %mul3A_1753 : vector<64x448xf32>
    %mul3A_1755 = arith.mulf %add3A_1754, %div3A_1648 : vector<64x448xf32>
    %reduce_sum3A_1756 = arith.constant dense<0.000000e+00> : vector<448xf32>
    %reduce_sum3A_1757 = vector.multi_reduction <add>, %mul3A_1755, %reduce_sum3A_1756 [0] : vector<64x448xf32> to vector<448xf32>
    %broadcast_in_dim3A_1758 = vector.shape_cast %reduce_sum3A_1757 : vector<448xf32> to vector<1x448xf32>
    %add3A_1759 = arith.constant 0.000000e+00 : f32
    %add3A_1760 = vector.broadcast %add3A_1759 : f32 to vector<1x448xf32>
    %add3A_1761 = arith.addf %add3A_1760, %broadcast_in_dim3A_1758 : vector<1x448xf32>
    %mul3A_1762 = arith.mulf %add3A_1754, %div3A_1697 : vector<64x448xf32>
    %reduce_sum3A_1763 = arith.constant dense<0.000000e+00> : vector<448xf32>
    %reduce_sum3A_1764 = vector.multi_reduction <add>, %mul3A_1762, %reduce_sum3A_1763 [0] : vector<64x448xf32> to vector<448xf32>
    %broadcast_in_dim3A_1765 = vector.shape_cast %reduce_sum3A_1764 : vector<448xf32> to vector<1x448xf32>
    %add3A_1766 = arith.addf %add3A_1761, %broadcast_in_dim3A_1765 : vector<1x448xf32>
    %mul3A_1767 = arith.mulf %add3A_1754, %div3A_1746 : vector<64x448xf32>
    %reduce_sum3A_1768 = arith.constant dense<0.000000e+00> : vector<448xf32>
    %reduce_sum3A_1769 = vector.multi_reduction <add>, %mul3A_1767, %reduce_sum3A_1768 [0] : vector<64x448xf32> to vector<448xf32>
    %broadcast_in_dim3A_1770 = vector.shape_cast %reduce_sum3A_1769 : vector<448xf32> to vector<1x448xf32>
    %add3A_1771 = arith.addf %add3A_1766, %broadcast_in_dim3A_1770 : vector<1x448xf32>
    %mul3A_1772 = arith.mulf %add3A_1754, %add3A_1754 : vector<64x448xf32>
    %reduce_sum3A_1773 = arith.constant dense<0.000000e+00> : vector<448xf32>
    %reduce_sum3A_1774 = vector.multi_reduction <add>, %mul3A_1772, %reduce_sum3A_1773 [0] : vector<64x448xf32> to vector<448xf32>
    %broadcast_in_dim3A_1775 = vector.shape_cast %reduce_sum3A_1774 : vector<448xf32> to vector<1x448xf32>
    %sub3A_1776 = arith.subf %add3A_1771, %broadcast_in_dim3A_1775 : vector<1x448xf32>
    %div3A_1777 = arith.constant 7.000000e-02 : f32
    %div3A_1778 = vector.broadcast %div3A_1777 : f32 to vector<1x448xf32>
    %div3A_1779 = arith.divf %sub3A_1776, %div3A_1778 : vector<1x448xf32>
    %exp3A_1780 = math.exp %div3A_1779 : vector<1x448xf32>
    %dot_general3A_1781 = arith.constant dense<0.000000e+00> : vector<448x448xf32>
    %dot_general3A_1782 = tpu.matmul %add3A_1754, %add3A_1754, %dot_general3A_1781 {dimension_numbers = #tpu.dot_dimension_numbers<[0], [0], [1], [1], [0, 1, 1, 1], [], []>, transpose_lhs_hint = false} : vector<64x448xf32>, vector<64x448xf32>, vector<448x448xf32> -> vector<448x448xf32>
    %div3A_1783 = arith.constant 7.000000e-02 : f32
    %div3A_1784 = vector.broadcast %div3A_1783 : f32 to vector<448x448xf32>
    %div3A_1785 = arith.divf %dot_general3A_1782, %div3A_1784 : vector<448x448xf32>
    %exp3A_1786 = math.exp %div3A_1785 : vector<448x448xf32>
    %lt3A_1787 = vector.broadcast %slice3A_1599 : vector<1x1xi32> to vector<448x448xi32>
    %lt3A_1788 = arith.cmpi slt, %iota3A, %lt3A_1787 : vector<448x448xi32>
    %convert_element_type3A_1789 = arith.extui %lt3A_1788 : vector<448x448xi1> to vector<448x448xi32>
    %convert_element_type3A_1790 = arith.sitofp %convert_element_type3A_1789 : vector<448x448xi32> to vector<448x448xf32>
    %mul3A_1791 = arith.mulf %exp3A_1786, %convert_element_type3A_1790 : vector<448x448xf32>
    %reduce_sum3A_1792 = arith.constant dense<0.000000e+00> : vector<448xf32>
    %reduce_sum3A_1793 = vector.multi_reduction <add>, %mul3A_1791, %reduce_sum3A_1792 [0] : vector<448x448xf32> to vector<448xf32>
    %broadcast_in_dim3A_1794 = vector.shape_cast %reduce_sum3A_1793 : vector<448xf32> to vector<1x448xf32>
    %mul3A_1795 = arith.mulf %exp3A_1786, %convert_element_type3A_18 : vector<448x448xf32>
    %reduce_sum3A_1796 = arith.constant dense<0.000000e+00> : vector<448xf32>
    %reduce_sum3A_1797 = vector.multi_reduction <add>, %mul3A_1795, %reduce_sum3A_1796 [0] : vector<448x448xf32> to vector<448xf32>
    %broadcast_in_dim3A_1798 = vector.shape_cast %reduce_sum3A_1797 : vector<448xf32> to vector<1x448xf32>
    %sub3A_1799 = arith.subf %broadcast_in_dim3A_1794, %broadcast_in_dim3A_1798 : vector<1x448xf32>
    %add3A_1800 = arith.addf %exp3A_1780, %sub3A_1799 : vector<1x448xf32>
    %add3A_1801 = arith.constant 9.99999993E-9 : f32
    %add3A_1802 = vector.broadcast %add3A_1801 : f32 to vector<1x448xf32>
    %add3A_1803 = arith.addf %add3A_1800, %add3A_1802 : vector<1x448xf32>
    %div3A_1804 = arith.divf %exp3A_1780, %add3A_1803 : vector<1x448xf32>
    %log3A_1805 = math.log %div3A_1804 : vector<1x448xf32>
    %neg3A_1806 = arith.constant 0.000000e+00 : f32
    %neg3A_1807 = vector.broadcast %neg3A_1806 : f32 to vector<1x448xf32>
    %neg3A_1808 = arith.subf %neg3A_1807, %log3A_1805 : vector<1x448xf32>
    %lt3A_1809 = vector.broadcast %slice3A_1599 : vector<1x1xi32> to vector<1x448xi32>
    %lt3A_1810 = arith.cmpi slt, %iota3A_19, %lt3A_1809 : vector<1x448xi32>
    %convert_element_type3A_1811 = arith.extui %lt3A_1810 : vector<1x448xi1> to vector<1x448xi32>
    %convert_element_type3A_1812 = arith.sitofp %convert_element_type3A_1811 : vector<1x448xi32> to vector<1x448xf32>
    %mul3A_1813 = arith.mulf %neg3A_1808, %convert_element_type3A_1812 : vector<1x448xf32>
    %reduce_sum3A_1814 = vector.shape_cast %mul3A_1813 : vector<1x448xf32> to vector<1x1x448xf32>
    %reduce_sum3A_1815 = arith.constant dense<0.000000e+00> : vector<1xf32>
    %reduce_sum3A_1816 = vector.multi_reduction <add>, %reduce_sum3A_1814, %reduce_sum3A_1815 [1, 2] : vector<1x1x448xf32> to vector<1xf32>
    %reduce_sum3A_1817 = vector.shape_cast %reduce_sum3A_1816 : vector<1xf32> to vector<1x1x1xf32>
    %reduce_sum3A_1818 = vector.extract %reduce_sum3A_1817[0, 0, 0] : f32 from vector<1x1x1xf32>
    %broadcast_in_dim3A_1819 = vector.broadcast %reduce_sum3A_1818 : f32 to vector<1x1xf32>
    %convert_element_type3A_1820 = arith.sitofp %slice3A_1599 : vector<1x1xi32> to vector<1x1xf32>
    %div3A_1821 = arith.divf %broadcast_in_dim3A_1819, %convert_element_type3A_1820 : vector<1x1xf32>
    %add3A_1822 = arith.addf %add3A_1595, %div3A_1821 : vector<1x1xf32>
    %div3A_1823 = arith.constant 8.000000e+00 : f32
    %div3A_1824 = vector.broadcast %div3A_1823 : f32 to vector<1x1xf32>
    %div3A_1825 = arith.divf %add3A_1822, %div3A_1824 : vector<1x1xf32>
    %swap3A = arith.constant 0 : index
    %swap3A_1826 = arith.constant 0 : index
    %swap3A_1827 = vector.load %arg3[%swap3A, %swap3A_1826] : memref<1x1xf32, #tpu.memory_space<vmem>>, vector<1x1xf32>
    tpu.vector_store %arg3[%swap3A, %swap3A_1826], %div3A_1825 {strides = array<i32>} : memref<1x1xf32, #tpu.memory_space<vmem>>, vector<1x1xf32>,
    return
  }
}

</mosaic_0001>

<sc_bundles>
// kernel: kernel.5.cloned.1.call-start
scs
__scs_entry_jumppad:
0x0: {  	(pc) =	sbr.rel $0x88, $3  }
0x1: {  	(tag) =	ssettag $0x0;
	lr =	simm.s32 $0x1  }
0x2: {  	[smem:$0x3F9C] =	sst lr;
	_ =	strace $0xD0000000  }
0x3: {  	_ = 	snop  }
0x4: {  	_ = 	snop  }
0x5: {  	_ = 	snop  }
0x6: {  	_ = 	snop  }
0x7: {  	_ = 	snop  }
__scs_overlays_trampoline_lowered:
0x8: {  	[smem:$0x3FAB] =	sst s0  }
0x9: {  	[smem:$0x3FAC] =	sst s1  }
0xa: {  	[smem:$0x3FAD] =	sst s2  }
0xb: {  	[smem:$0x3FAE] =	sst s3  }
0xc: {  	[smem:$0x3FAF] =	sst s4  }
0xd: {  	[smem:$0x3FB0] =	sst s5  }
0xe: {  	[smem:$0x3FB1] =	sst s6  }
0xf: {  	[smem:$0x3FB2] =	sst s7  }
0x10: {  	[smem:$0x3FB3] =	sst s8  }
0x11: {  	[smem:$0x3FB4] =	sst s9;
	s0 =	simm.s32 @!p0 $0x0  }
0x12: {  	s1 =	sld [smem:$0x3F9A];
	s0 =	simm.s32 @p0 $0x1  }
0x13: {  	[smem:$0x3FB5] =	sst s0;
	s0 =	simm.s32 @!p1 $0x0  }
0x14: {  	s2 =	sld [smem:$0x3F99];
	s0 =	simm.s32 @p1 $0x1  }
0x15: {  	[smem:$0x3FB6] =	sst s0;
	s0 =	simm.s32 @!p2 $0x0  }
0x16: {  	s3 =	sld [smem:$0x3FDB];
	s0 =	simm.s32 @p2 $0x1  }
0x17: {  	s4 =	simm.s32 $0x1BF5;
	[smem:$0x3FB8] =	sst s0  }
0x18: {  	s0 =	sld [smem:$0x3F9B];
	_ =	swait.ge [sflag:s4], $0x0  }
0x19: {  	s7 =	sld [smem:$0x3F9C]  }
0x1a: {  	s8 =	sadd.s32 $0xFFFFE003, lr  }
0x1b: {  	s9 =	sadd.s32 $0xFFFFFEF7, lr;
	s5 =	simm.s32 $0xFFFFFFFF;
	p2 =	slt.u32 s8, $0xFFFFF086  }
0x1c: {  	p1 =	slt.u32 s9, $0xF7A;
	s5 =	simm.s32 @!p2 $0x0  }
0x1d: {  	s5 =	simm.s32 @p1 $0x1;
	p0 =	seq.s32 s7, s2  }
0x1e: {  	s7 =	smul.u32 @!p0 $0xF7A, s2;
	p2 =	seq.s32 @!p0 s5, $0x0  }
0x1f: {  	s9 =	smul.u32 $0xF7A, s1;
	s8 =	simm.s32 @!p0 $0x1BF5;
	p2 =	por !p2, p0  }
0x20: {  	[sflag:s8] =	ssyncset.s32 @!p0 $0xFFFFF086;
	s6 =	sadd.s32 @!p0 s3, s7;
	s7 =	simm.s32 @!p0 $0x108  }
0x21: {  	s3 =	sadd.s32 s3, s9;
	s6 =	sadd.s32 @!p0 $0x88, s6;
	s7 =	simm.s32 @p2 $0x1082  }
0x22: {  	[simem:s7], [sflag:s8] =	dma.local @!p0 [hbm:s6], $0xF7A  }
0x23: {  	s9 =	sor.u32 $0xD0000000, s2;
	s6 =	simm.s32 $0x108;
	_ =	swait.ge @!p0 [sflag:s8], $0x0  }
0x24: {  	s3 =	sadd.s32 $0x88, s3;
	s6 =	simm.s32 @!p1 $0x1082;
	[sflag:s4] =	ssyncset.s32 $0xFFFFF086  }
0x25: {  	[simem:s6], [sflag:s4] =	dma.local [hbm:s3], $0xF7A  }
0x26: {  	[smem:$0x3F9C] =	sst s1;
	(tag) =	ssettag s2;
	_ =	strace s9  }
0x27: {  	s1 =	sld [smem:$0x3FAC]  }
0x28: {  	s2 =	sld [smem:$0x3FAD]  }
0x29: {  	s4 =	sld [smem:$0x3FAF]  }
0x2a: {  	p0 =	seq.s32 s5, $0x0;
	s5 =	sld [smem:$0x3FB0]  }
0x2b: {  	s6 =	sld [smem:$0x3FB1]  }
0x2c: {  	s7 =	sld [smem:$0x3FB2]  }
0x2d: {  	s3 =	simm.s32 $0x108;
	s8 =	sld [smem:$0x3FB3]  }
0x2e: {  	s3 =	simm.s32 @!p0 $0x1082;
	s9 =	sld [smem:$0x3FB4]  }
0x2f: {  	lr =	sadd.s32 s0, s3;
	s0 =	sld [smem:$0x3FAB]  }
0x30: {  	s3 =	sld [smem:$0x3FAE]  }
0x31: {  	[smem:$0x3FB7] =	sst s10  }
0x32: {  	s10 =	sld [smem:$0x3FB5];
	_ =	sdelay $0x3  }
0x33: {  	p0 =	seq.s32 s10, $0x1;
	s10 =	sld [smem:$0x3FB7];
	_ =	sdelay $0x3  }
0x34: {  	[smem:$0x3FB7] =	sst s10  }
0x35: {  	s10 =	sld [smem:$0x3FB6];
	_ =	sdelay $0x3  }
0x36: {  	p1 =	seq.s32 s10, $0x1;
	s10 =	sld [smem:$0x3FB7];
	_ =	sdelay $0x3  }
0x37: {  	[smem:$0x3FB7] =	sst s10  }
0x38: {  	s10 =	sld [smem:$0x3FB8]  }
0x39: {  	_ = 	snop;
	(pc) =	sbr.ind lr, $3  }
0x3a: {  	_ = 	snop  }
0x3b: {  	_ = 	snop  }
0x3c: {  	p2 =	seq.s32 s10, $0x1;
	s10 =	sld [smem:$0x3FB7]  }
0x3d: {  	_ =	shalt  }
0x3e: {  	_ =	shalt  }
0x3f: {  	_ =	shalt  }
0x40: {  	_ =	shalt  }
0x41: {  	_ =	shalt  }
0x42: {  	_ =	shalt  }
0x43: {  	_ =	shalt  }
0x44: {  	_ =	shalt  }
0x45: {  	_ =	shalt  }
0x46: {  	_ =	shalt  }
0x47: {  	_ =	shalt  }
0x48: {  	_ =	shalt  }
0x49: {  	_ =	shalt  }
0x4a: {  	_ =	shalt  }
0x4b: {  	_ =	shalt  }
0x4c: {  	_ =	shalt  }
0x4d: {  	_ =	shalt  }
0x4e: {  	_ =	shalt  }
0x4f: {  	_ =	shalt  }
0x50: {  	_ =	shalt  }
0x51: {  	_ =	shalt  }
0x52: {  	_ =	shalt  }
0x53: {  	_ =	shalt  }
0x54: {  	_ =	shalt  }
0x55: {  	_ =	shalt  }
0x56: {  	_ =	shalt  }
0x57: {  	_ =	shalt  }
0x58: {  	_ =	shalt  }
0x59: {  	_ =	shalt  }
0x5a: {  	_ =	shalt  }
0x5b: {  	_ =	shalt  }
0x5c: {  	_ =	shalt  }
0x5d: {  	_ =	shalt  }
0x5e: {  	_ =	shalt  }
0x5f: {  	_ =	shalt  }
0x60: {  	_ =	shalt  }
0x61: {  	_ =	shalt  }
0x62: {  	_ =	shalt  }
0x63: {  	_ =	shalt  }
0x64: {  	_ =	shalt  }
0x65: {  	_ =	shalt  }
0x66: {  	_ =	shalt  }
0x67: {  	_ =	shalt  }
0x68: {  	_ =	shalt  }
0x69: {  	_ =	shalt  }
0x6a: {  	_ =	shalt  }
0x6b: {  	_ =	shalt  }
0x6c: {  	_ =	shalt  }
0x6d: {  	_ =	shalt  }
0x6e: {  	_ =	shalt  }
0x6f: {  	_ =	shalt  }
0x70: {  	_ =	shalt  }
0x71: {  	_ =	shalt  }
0x72: {  	_ =	shalt  }
0x73: {  	_ =	shalt  }
0x74: {  	_ =	shalt  }
0x75: {  	_ =	shalt  }
0x76: {  	_ =	shalt  }
0x77: {  	_ =	shalt  }
0x78: {  	_ =	shalt  }
0x79: {  	_ =	shalt  }
0x7a: {  	_ =	shalt  }
0x7b: {  	_ =	shalt  }
0x7c: {  	_ =	shalt  }
0x7d: {  	_ =	shalt  }
0x7e: {  	_ =	shalt  }
0x7f: {  	_ =	shalt  }
0x80: {  	_ =	shalt  }
0x81: {  	_ =	shalt  }
0x82: {  	_ =	shalt  }
0x83: {  	_ =	shalt  }
0x84: {  	_ =	shalt  }
0x85: {  	_ =	shalt  }
0x86: {  	_ =	shalt  }
0x87: {  	_ =	shalt  }
.Lfunc_end0:
.L_simem_size_0:
called_computation_lowered:
.L_overlay_start_0:
0x88: {  	s2 =	sld [smem:$0x3FD9]  }
0x89: {  	s3 =	sld [smem:$0x3FFE];
	_ =	sdelay $0x1  }
0x8a: {  	s1 =	srdreg.scid  }
0x8b: {  	s0 =	sand.u32 $0x1, s1  }
0x8c: {  	s17 =	sshll.u32 s0, $0xA;
	s2 =	sadd.s32 s3, s2  }
0x8d: {  	s2 =	sadd.s32 s2, s17  }
0x8e: {  	[smem:$0x3FC3] =	sst s2  }
0x8f: {  	_ = 	snop  }
0x90: {  	s2 =	sld [smem:$0x3FC8];
	(tm) =	ssettm $0x1  }
0x91: {  	s18 =	sld [smem:$0x3FFB];
	_ =	sdelay $0x3  }
0x92: {  	_ =	strace s18  }
0x93: {  	s3 =	sld [smem:$0x3FFC];
	_ =	sdelay $0x3  }
0x94: {  	_ =	strace s3  }
0x95: {  	s3 =	sld [smem:$0x3FFD];
	_ =	sdelay $0x3  }
0x96: {  	_ =	strace s3  }
0x97: {  	_ =	strace $0x8FFFFFFF  }
0x98: {  	s19 =	sld [smem:$0x3FDB];
	_ =	sdelay $0x1  }
0x99: {  	s4 =	simm.s32 $_scs_section_size  }
0x9a: {  	s5 =	simm.s32 $_size__tile_overlayer_lowered;
	s6 =	simm.s32 $_tile_overlayer_lowered  }
0x9b: {  	s22 =	simm.s32 $0x1BFF;
	s21 =	sshll.u32 s6, $0x1;
	s3 =	sadd.s32 s4, s19  }
0x9c: {  	s7 =	simm.s32 $0x0;
	s20 =	sshll.u32 s5, $0x1;
	s5 =	sadd.s32 s21, s3  }
0x9d: {  	[timem:s7], [sflag:s22] =	dma.local [hbm:s5], s20  }
0x9e: {  	_ =	swait.ge [sflag:s22], s20  }
0x9f: {  	s4 =	ssub.s32 $0x0, s20;
	[sflag:s22] =	ssyncset.done $0x0  }
0xa0: {  	[sflag:s22] =	ssyncadd.s32 s4;
	_ =	sdelay $0x1  }
0xa1: {  	s23 =	simm.s32 $0x1B8B  }
0xa2: {  	_ =	swait.ge [sflag:s23], $0x1  }
0xa3: {  	[sflag:s23] =	ssyncset.done $0x0  }
0xa4: {  	s25 =	simm.s32 $0x1B8E;
	s24 =	sld [smem:$0x3FFE];
	[sflag:s23] =	ssyncadd.s32 $0xFFFFFFFF  }
0xa5: {  	s26 =	simm.s32 $execute0_lowered;
	[smem:$0x3FD2] =	sst s25  }
0xa6: {  	s5 =	sshll.u32 s26, $0x1;
	_ =	strace $0x80000046;
	[dreg:$0x1] =	wrdreg $0xFFFFFFFF  }
0xa7: {  	s28 =	simm.s32 $_size_execute0_lowered;
	s3 =	sadd.s32 s3, s5;
	[dreg:$0x0] =	wrdreg $0x0  }
0xa8: {  	s5 =	sshll.u32 s28, $0x1;
	[dreg:$0x2] =	wrdreg s3  }
0xa9: {  	[dreg:$0x3] =	wrdreg s5  }
0xaa: {  	[dreg:$0x4] =	wrdreg $0xC0  }
0xab: {  	_ =	task [dreg:s7], $0x5FFFF  }
0xac: {  	[dreg:$0x1] =	wrdreg $0xFFFFFFFF  }
0xad: {  	[dreg:$0x0] =	wrdreg $0x60  }
0xae: {  	[dreg:$0x2] =	wrdreg s2  }
0xaf: {  	[dreg:$0x3] =	wrdreg s24  }
0xb0: {  	[dreg:$0x4] =	wrdreg $0x9  }
0xb1: {  	_ =	task.clear_ibuf [dreg:s7], $0x5FFFF;
	_ =	strace $0x90000046  }
0xb2: {  	s29 =	simm.s32 $0x9;
	_ =	strace $0x80000048  }
0xb3: {  	_ =	swait.ge [sflag:s29], $0x1  }
0xb4: {  	[sflag:s29] =	ssyncadd.s32 $0xFFFFFFFF  }
0xb5: {  	_ =	strace $0x90000048  }
0xb6: {  	_ =	sfence  }
0xb7: {  	s30 =	sld [smem:$0x0];
	_ =	sdelay $0x2  }
0xb8: {  	s31 =	sshll.u32 s1, $0xD;
	s1 =	sshrl.u32 s1, $0x2  }
0xb9: {  	s3 =	sand.u32 $0x4000, s31;
	s1 =	sadd.s32 s1, s30  }
0xba: {  	s0 =	sor.u32 s3, s0;
	s1 =	sshll.u32 s1, $0x11  }
0xbb: {  	s0 =	sor.u32 s1, s0  }
0xbc: {  	s0 =	sadd.s32 $0x8F2B, s0  }
0xbd: {  	[sflag:s0] =	ssyncadd.remote.s32 $0x1  }
0xbe: {  	_ =	sfence.sel $0xFFFF  }
0xbf: {  	[dreg:$0x0] =	wrdreg $0xFFFFFFFF;
	(pc) =	sbr.abs _section_cstart, $3  }
0xc0: {  	[dreg:$0x1] =	wrdreg $0xFFFFFFFF  }
0xc1: {  	_ =	task.clear_ibuf [dreg:s7], $0x2FFFF;
	_ =	strace $0x9FFFFFFF  }
0xc2: {  	(tm) =	ssettm $0x7FFFFFFF  }
0xc3: {  	_ =	shalt  }
tec
execute0_lowered:
.L_overlay_start_1:
0x0: {  	(tag) =	ssettag $0x1  }
0x1: {  	s2 =	stileid.u32  }
0x2: {  	s0 =	srdreg.scid;
	s6 =	rddreg [dreg:$0x1]  }
0x3: {  	s3 =	simm.s32 $0x0;
	s9 =	simm.s32 $0x540;
	s11 =	simm.s32 $0x5470  }
0x4: {  	s29 =	simm.s32 $0x2FB0;
	s30 =	simm.s32 $0x83B0;
	s31 =	simm.s32 $0x34F0  }
0x5: {  	s10 =	simm.s32 $0x8E30;
	s12 =	simm.s32 $0x3F70;
	s13 =	simm.s32 $0x9370  }
0x6: {  	s14 =	simm.s32 $0x44B0;
	s15 =	simm.s32 $0x98B0;
	s16 =	simm.s32 $0x49F0  }
0x7: {  	s17 =	simm.s32 $0x9DF0;
	s18 =	simm.s32 $0x4F30;
	s19 =	simm.s32 $0xA330  }
0x8: {  	s20 =	simm.s32 $0x1;
	s1 =	sshll.u32 s2, $0x1;
	s5 =	sshrl.u32 s2, $0x1  }
0x9: {  	s0 =	sand.u32 $0x1, s0;
	s1 =	sand.u32 $0x2, s1;
	s4 =	smul.u32 $0x1C0, s5  }
0xa: {  	s21 =	simm.s32 $0x0;
	s8 =	smul.u32 $0x15000, s5;
	s1 =	sor.u32 s0, s1  }
0xb: {  	s2 =	rddreg [dreg:$0x0];
	s0 =	ssub.s32 $0x2, s0;
	s7 =	smul.u32 $0x70, s1  }
0xc: {  	[smem:$0x7FF] =	sst s3;
	s1 =	smul.u32 $0x5400, s1;
	s28 =	sshrl.u32 s0, $0x1  }
0xd: {  	_ =	strace $0x80000047;
	s5 =	sshll.u32 s5, $0x14;
	s0 =	ssub.s32 s0, s28  }
0xe: {  	s4 =	sadd.s32 s4, s7;
	s1 =	sadd.s32 s8, s1;
	s7 =	smax.u32 s0, $0x1  }
0xf: {  	s8 =	simm.s32 $0x2;
	s4 =	sshrl.u32 s4, $0x3;
	s1 =	sshrl.u32 s1, $0x3  }
0x10: {  	s0 =	simm.s32 $0x3A30;
	s4 =	sadd.s32 s4, s6;
	s1 =	sadd.s32 s1, s6  }
0x11: {  	s4 =	sadd.s32 $0x800, s4;
	s6 =	sadd.s32 $0xA00, s1;
	s1 =	simm.s32 $0x88F0  }
.LBB2_1:
0x12: {  	[tilespmem:s3], [sflag:$0x2] =	stream.linear.gather [hbm4b:s4+s3], $0x70, $0x38;
	[tilespmem:$0xA870] =	vst v63  }
0x13: {  	_ =	swait.ge [sflag:s8], $0x70  }
0x14: {  	[sflag:s8] =	ssyncset.done $0x0  }
0x15: {  	[sflag:s8] =	ssyncadd.s32 $0xFFFFFF90  }
0x16: {  	v0 =	vld [tilespmem:$0x0];
	_ =	sdelay $0x1  }
0x17: {  	s22 =	sand.u32 $0x1800000, s3;
	s23 =	sand.u32 $0xFC000, s3  }
0x18: {  	s22 =	sor.u32 s23, s22  }
0x19: {  	s23 =	sor.u32 s5, s22  }
0x1a: {  	s22 =	simm.s32 $0xA0;
	v0 =	vadd.s32 s23, v0  }
0x1b: {  	[tilespmem:s22+$0xFFFFFFD0] =	vst v0  }
0x1c: {  	v0 =	vld [tilespmem:$0x10];
	_ =	sdelay $0x4  }
0x1d: {  	v0 =	vadd.s32 s23, v0  }
0x1e: {  	[tilespmem:s22+$0xFFFFFFE0] =	vst v0  }
0x1f: {  	v0 =	vld [tilespmem:$0x20];
	_ =	sdelay $0x4  }
0x20: {  	v0 =	vadd.s32 s23, v0  }
0x21: {  	[tilespmem:s22+$0xFFFFFFF0] =	vst v0  }
0x22: {  	v0 =	vld [tilespmem:$0x30];
	_ =	sdelay $0x4  }
0x23: {  	v0 =	vadd.s32 s23, v0  }
0x24: {  	[tilespmem:s22+$0x0] =	vst v0  }
0x25: {  	v0 =	vld [tilespmem:$0x40];
	_ =	sdelay $0x4  }
0x26: {  	v0 =	vadd.s32 s23, v0  }
0x27: {  	[tilespmem:s22+$0x10] =	vst v0  }
0x28: {  	v0 =	vld [tilespmem:$0x50];
	_ =	sdelay $0x4  }
0x29: {  	v0 =	vadd.s32 s23, v0  }
0x2a: {  	[tilespmem:s22+$0x20] =	vst v0  }
0x2b: {  	v0 =	vld [tilespmem:$0x60];
	_ =	sdelay $0x4  }
0x2c: {  	v0 =	vadd.s32 s23, v0  }
0x2d: {  	[tilespmem:s22+$0x30] =	vst v0  }
0x2e: {  	s25 =	simm.s32 $0x8000;
	s24 =	simm.s32 $0x0;
	s23 =	simm.s32 $0x4000;
	v0 =	vld [tilespmem:$0x0]  }
.LBB2_2:
0x2f: {  	p0 =	sne.s32 s25, $0x2FC000;
	s24 =	sadd.s32 $0x20000, s24  }
0x30: {  	s28 =	sand.u32 $0xFC000, s23;
	s23 =	smov.u32 s25;
	s26 =	sand.u32 $0x1800000, s24  }
0x31: {  	s26 =	sor.u32 s28, s26  }
0x32: {  	s26 =	sor.u32 s5, s26  }
0x33: {  	s22 =	sadd.s32 $0x70, s22;
	v0 =	vadd.s32 s26, v0  }
0x34: {  	[tilespmem:s22+$0xFFFFFFD0] =	vst v0  }
0x35: {  	v0 =	vld [tilespmem:$0x10];
	_ =	sdelay $0x4  }
0x36: {  	v0 =	vadd.s32 s26, v0  }
0x37: {  	[tilespmem:s22+$0xFFFFFFE0] =	vst v0  }
0x38: {  	v0 =	vld [tilespmem:$0x20];
	_ =	sdelay $0x4  }
0x39: {  	v0 =	vadd.s32 s26, v0  }
0x3a: {  	[tilespmem:s22+$0xFFFFFFF0] =	vst v0  }
0x3b: {  	v0 =	vld [tilespmem:$0x30];
	_ =	sdelay $0x4  }
0x3c: {  	v0 =	vadd.s32 s26, v0  }
0x3d: {  	[tilespmem:s22+$0x0] =	vst v0  }
0x3e: {  	v0 =	vld [tilespmem:$0x40];
	_ =	sdelay $0x4  }
0x3f: {  	v0 =	vadd.s32 s26, v0  }
0x40: {  	[tilespmem:s22+$0x10] =	vst v0  }
0x41: {  	v0 =	vld [tilespmem:$0x50];
	_ =	sdelay $0x4  }
0x42: {  	v0 =	vadd.s32 s26, v0  }
0x43: {  	[tilespmem:s22+$0x20] =	vst v0  }
0x44: {  	v0 =	vld [tilespmem:$0x60];
	_ =	sdelay $0x2  }
.Ltmp0:
0x45: {  	(pc) =	sbr.rel @p0 .LBB2_2-.Ltmp0, $4  }
0x46: {  	_ = 	snop  }
0x47: {  	v0 =	vadd.s32 s26, v0  }
0x48: {  	[tilespmem:s22+$0x30] =	vst v0  }
0x49: {  	s25 =	sadd.s32 $0x4000, s25;
	v0 =	vld [tilespmem:$0x0]  }
0x4a: {  	s24 =	sadd.s32 $0x20000, s24  }
0x4b: {  	s23 =	sand.u32 $0xFC000, s23;
	s24 =	sand.u32 $0x1800000, s24  }
0x4c: {  	s23 =	sor.u32 s23, s24  }
0x4d: {  	s23 =	sor.u32 s5, s23  }
0x4e: {  	s22 =	sadd.s32 $0x70, s22;
	v0 =	vadd.s32 s23, v0  }
0x4f: {  	[tilespmem:s22+$0xFFFFFFD0] =	vst v0  }
0x50: {  	v0 =	vld [tilespmem:$0x10];
	_ =	sdelay $0x4  }
0x51: {  	v0 =	vadd.s32 s23, v0  }
0x52: {  	[tilespmem:s22+$0xFFFFFFE0] =	vst v0  }
0x53: {  	v0 =	vld [tilespmem:$0x20];
	_ =	sdelay $0x4  }
0x54: {  	v0 =	vadd.s32 s23, v0  }
0x55: {  	[tilespmem:s22+$0xFFFFFFF0] =	vst v0  }
0x56: {  	v0 =	vld [tilespmem:$0x30];
	_ =	sdelay $0x4  }
0x57: {  	v0 =	vadd.s32 s23, v0  }
0x58: {  	[tilespmem:s22+$0x0] =	vst v0  }
0x59: {  	v0 =	vld [tilespmem:$0x40];
	_ =	sdelay $0x4  }
0x5a: {  	v0 =	vadd.s32 s23, v0  }
0x5b: {  	[tilespmem:s22+$0x10] =	vst v0  }
0x5c: {  	v0 =	vld [tilespmem:$0x50];
	_ =	sdelay $0x4  }
0x5d: {  	v0 =	vadd.s32 s23, v0  }
0x5e: {  	[tilespmem:s22+$0x20] =	vst v0  }
0x5f: {  	v0 =	vld [tilespmem:$0x60];
	_ =	sdelay $0x4  }
0x60: {  	v0 =	vadd.s32 s23, v0  }
0x61: {  	s23 =	simm.s32 $0x70;
	[tilespmem:s22+$0x30] =	vst v0  }
0x62: {  	[tilespmem:s11], [sflag:$0x1] =	stream.indirect.gather [hbm4b:s2+s9], $0x1, s23, s9, $0xb8;
	[tilespmem:$0xA870] =	vst v63  }
0x63: {  	s25 =	simm.s32 $0x59B0;
	s24 =	simm.s32 $0x5B0  }
0x64: {  	[tilespmem:s25], [sflag:$0x1] =	stream.indirect.gather [hbm4b:s2+s9], $0x1, s24, s9, $0xb8;
	[tilespmem:$0xA870] =	vst v63  }
0x65: {  	s26 =	simm.s32 $0xAF0;
	s28 =	simm.s32 $0x5EF0  }
0x66: {  	[tilespmem:s28], [sflag:$0x1] =	stream.indirect.gather [hbm4b:s2+s9], $0x1, s26, s9, $0xb8;
	[tilespmem:$0xA870] =	vst v63  }
0x67: {  	s24 =	simm.s32 $0x1030;
	s25 =	simm.s32 $0x6430  }
0x68: {  	[tilespmem:s25], [sflag:$0x1] =	stream.indirect.gather [hbm4b:s2+s9], $0x1, s24, s9, $0xb8;
	[tilespmem:$0xA870] =	vst v63  }
0x69: {  	s26 =	simm.s32 $0x1570;
	s28 =	simm.s32 $0x6970  }
0x6a: {  	[tilespmem:s28], [sflag:$0x1] =	stream.indirect.gather [hbm4b:s2+s9], $0x1, s26, s9, $0xb8;
	[tilespmem:$0xA870] =	vst v63  }
0x6b: {  	s24 =	simm.s32 $0x1AB0;
	s25 =	simm.s32 $0x6EB0  }
0x6c: {  	[tilespmem:s25], [sflag:$0x1] =	stream.indirect.gather [hbm4b:s2+s9], $0x1, s24, s9, $0xb8;
	[tilespmem:$0xA870] =	vst v63  }
0x6d: {  	s26 =	simm.s32 $0x1FF0;
	s28 =	simm.s32 $0x73F0  }
0x6e: {  	[tilespmem:s28], [sflag:$0x1] =	stream.indirect.gather [hbm4b:s2+s9], $0x1, s26, s9, $0xb8;
	[tilespmem:$0xA870] =	vst v63  }
0x6f: {  	s24 =	simm.s32 $0x2530;
	s25 =	simm.s32 $0x7930  }
0x70: {  	[tilespmem:s25], [sflag:$0x1] =	stream.indirect.gather [hbm4b:s2+s9], $0x1, s24, s9, $0xb8;
	[tilespmem:$0xA870] =	vst v63  }
0x71: {  	s26 =	simm.s32 $0x2A70;
	s28 =	simm.s32 $0x7E70  }
0x72: {  	[tilespmem:s28], [sflag:$0x1] =	stream.indirect.gather [hbm4b:s2+s9], $0x1, s26, s9, $0xb8;
	[tilespmem:$0xA870] =	vst v63  }
0x73: {  	_ = 	snop  }
0x74: {  	[tilespmem:s30], [sflag:$0x1] =	stream.indirect.gather [hbm4b:s2+s9], $0x1, s29, s9, $0xb8;
	[tilespmem:$0xA870] =	vst v63  }
0x75: {  	_ = 	snop  }
0x76: {  	[tilespmem:s1], [sflag:$0x1] =	stream.indirect.gather [hbm4b:s2+s9], $0x1, s31, s9, $0xb8;
	[tilespmem:$0xA870] =	vst v63  }
0x77: {  	_ = 	snop  }
0x78: {  	[tilespmem:s10], [sflag:$0x1] =	stream.indirect.gather [hbm4b:s2+s9], $0x1, s0, s9, $0xb8;
	[tilespmem:$0xA870] =	vst v63  }
0x79: {  	_ = 	snop  }
0x7a: {  	[tilespmem:s13], [sflag:$0x1] =	stream.indirect.gather [hbm4b:s2+s9], $0x1, s12, s9, $0xb8;
	[tilespmem:$0xA870] =	vst v63  }
0x7b: {  	_ = 	snop  }
0x7c: {  	[tilespmem:s15], [sflag:$0x1] =	stream.indirect.gather [hbm4b:s2+s9], $0x1, s14, s9, $0xb8;
	[tilespmem:$0xA870] =	vst v63  }
0x7d: {  	_ = 	snop  }
0x7e: {  	[tilespmem:s17], [sflag:$0x1] =	stream.indirect.gather [hbm4b:s2+s9], $0x1, s16, s9, $0xb8;
	[tilespmem:$0xA870] =	vst v63  }
0x7f: {  	_ = 	snop  }
0x80: {  	[tilespmem:s19], [sflag:$0x1] =	stream.indirect.gather [hbm4b:s2+s9], $0x1, s18, s9, $0xb8;
	[tilespmem:$0xA870] =	vst v63  }
0x81: {  	_ =	swait.ge [sflag:s20], $0x540  }
0x82: {  	[sflag:s20] =	ssyncset.done $0x0  }
0x83: {  	[sflag:s20] =	ssyncadd.s32 $0xFFFFFAC0  }
0x84: {  	_ =	swait.ge [sflag:s20], $0x540  }
0x85: {  	[sflag:s20] =	ssyncset.done $0x0  }
0x86: {  	[sflag:s20] =	ssyncadd.s32 $0xFFFFFAC0  }
0x87: {  	_ =	swait.ge [sflag:s20], $0x540  }
0x88: {  	[sflag:s20] =	ssyncset.done $0x0  }
0x89: {  	[sflag:s20] =	ssyncadd.s32 $0xFFFFFAC0  }
0x8a: {  	_ =	swait.ge [sflag:s20], $0x540  }
0x8b: {  	[sflag:s20] =	ssyncset.done $0x0  }
0x8c: {  	[sflag:s20] =	ssyncadd.s32 $0xFFFFFAC0  }
0x8d: {  	_ =	swait.ge [sflag:s20], $0x540  }
0x8e: {  	[sflag:s20] =	ssyncset.done $0x0  }
0x8f: {  	[sflag:s20] =	ssyncadd.s32 $0xFFFFFAC0  }
0x90: {  	_ =	swait.ge [sflag:s20], $0x540  }
0x91: {  	[sflag:s20] =	ssyncset.done $0x0  }
0x92: {  	[sflag:s20] =	ssyncadd.s32 $0xFFFFFAC0  }
0x93: {  	_ =	swait.ge [sflag:s20], $0x540  }
0x94: {  	[sflag:s20] =	ssyncset.done $0x0  }
0x95: {  	[sflag:s20] =	ssyncadd.s32 $0xFFFFFAC0  }
0x96: {  	_ =	swait.ge [sflag:s20], $0x540  }
0x97: {  	[sflag:s20] =	ssyncset.done $0x0  }
0x98: {  	[sflag:s20] =	ssyncadd.s32 $0xFFFFFAC0  }
0x99: {  	_ =	swait.ge [sflag:s20], $0x540  }
0x9a: {  	[sflag:s20] =	ssyncset.done $0x0  }
0x9b: {  	[sflag:s20] =	ssyncadd.s32 $0xFFFFFAC0  }
0x9c: {  	_ =	swait.ge [sflag:s20], $0x540  }
0x9d: {  	[sflag:s20] =	ssyncset.done $0x0  }
0x9e: {  	[sflag:s20] =	ssyncadd.s32 $0xFFFFFAC0  }
0x9f: {  	_ =	swait.ge [sflag:s20], $0x540  }
0xa0: {  	[sflag:s20] =	ssyncset.done $0x0  }
0xa1: {  	[sflag:s20] =	ssyncadd.s32 $0xFFFFFAC0  }
0xa2: {  	_ =	swait.ge [sflag:s20], $0x540  }
0xa3: {  	[sflag:s20] =	ssyncset.done $0x0  }
0xa4: {  	[sflag:s20] =	ssyncadd.s32 $0xFFFFFAC0  }
0xa5: {  	_ =	swait.ge [sflag:s20], $0x540  }
0xa6: {  	[sflag:s20] =	ssyncset.done $0x0  }
0xa7: {  	[sflag:s20] =	ssyncadd.s32 $0xFFFFFAC0  }
0xa8: {  	_ =	swait.ge [sflag:s20], $0x540  }
0xa9: {  	[sflag:s20] =	ssyncset.done $0x0  }
0xaa: {  	[sflag:s20] =	ssyncadd.s32 $0xFFFFFAC0  }
0xab: {  	_ =	swait.ge [sflag:s20], $0x540  }
0xac: {  	[sflag:s20] =	ssyncset.done $0x0  }
0xad: {  	[sflag:s20] =	ssyncadd.s32 $0xFFFFFAC0  }
0xae: {  	s21 =	sadd.s32 $0x1, s21;
	_ =	swait.ge [sflag:s20], $0x540  }
0xaf: {  	p0 =	sne.s32 s21, s7;
	[sflag:s20] =	ssyncset.done $0x0  }
.Ltmp1:
0xb0: {  	[sflag:s20] =	ssyncadd.s32 $0xFFFFFAC0;
	(pc) =	sbr.rel @p0 .LBB2_1-.Ltmp1, $4  }
0xb1: {  	[hbm4b:s6+s3] =	stream.linear.scatter [tilespmem:s11], [sflag:$0x2], $0x5400, $0x38;
	[tilespmem:$0xA870] =	vst v63  }
0xb2: {  	_ =	swait.ge [sflag:s8], $0x5400  }
0xb3: {  	[sflag:s8] =	ssyncset.done $0x0  }
0xb4: {  	[sflag:s8] =	ssyncadd.s32 $0xFFFFAC00  }
0xb5: {  	_ =	sfence.sel $0x180000  }
0xb6: {  	[bflag:$0x0] =	sbarrier.arrive $0xFFFF  }
0xb7: {  	_ =	strace $0x90000047  }
0xb8: {  	s0 =	stileid.u32;
	[bflag:$0x2] =	sbarrier.arrive $0xFFFF  }
0xb9: {  	p0 =	sne.s32 s0, $0x0;
	s0 =	rddreg [dreg:$0x2]  }
0xba: {  	s0 =	sadd.s32 @!p0 $0x100000, s0  }
0xbb: {  	[sflag:s0] =	ssyncadd.tile.s32 @!p0 $0x1;
	_ =	shalt  }
.Lfunc_end2:
_tile_overlayer_lowered:
.L_overlay_start_2:
0xbc: {  	(tag) =	ssettag $0x2  }
0xbd: {  	s0 =	rddreg [dreg:$0x0];
	s2 =	stileid.u32  }
0xbe: {  	s1 =	rddreg [dreg:$0x1];
	p0 =	sne.s32 s2, $0x0  }
0xbf: {  	s3 =	rddreg [dreg:$0x2];
	[bflag:$0x3] =	sbarrier.arrive $0xFFFF;
	s2 =	simm.s32 @!p0 $0x1C02  }
0xc0: {  	[timem:s3], [sflag:s2] =	dma.local @!p0 [hbm:s0], s1  }
0xc1: {  	s0 =	simm.s32 @!p0 $0x2  }
0xc2: {  	_ =	swait.ge @!p0 [sflag:s0], s1  }
0xc3: {  	s1 =	ssub.s32 @!p0 $0x0, s1;
	[sflag:s0] =	ssyncset.done @!p0 $0x0  }
0xc4: {  	[sflag:s0] =	ssyncadd.s32 @!p0 s1  }
0xc5: {  	[bflag:$0x3] =	sbarrier.arrive $0xFFFF  }
0xc6: {  	_ =	shalt  }

</sc_bundles>
